<compile_context>
chip_gen: v7x
topology: tpu7x:2x2x1
jax: 0.10.2.dev20260603
libtpu: 0.0.44.dev20260713+nightly
codegen_flags: <defaults>
</compile_context>

<pallas_src>
import functools

import jax
import jax.numpy as jnp
from jax import lax
from jax.experimental import pallas as pl
from jax.experimental.pallas import tpu as pltpu
from jax.experimental.pallas import tpu_sc as plsc

_NC = 2
_NS = 16
_NW = _NC * _NS
_CHUNK = 128
_QUAD = 4

_BERN_COEFFS = ((1.0, -2.0, 1.0), (0.0, 2.0, -2.0), (0.0, 0.0, 1.0))


def _sc_mesh():
    return plsc.VectorSubcoreMesh(core_axis_name="c", subcore_axis_name="s",
                                  num_cores=_NC, num_subcores=_NS)


@functools.lru_cache(maxsize=None)
def _deg_kernel(n_nodes, cpw, acc_rows):
    rpt = acc_rows // _NS
    nq = cpw // _QUAD

    def body(src3, dst3, zrows, out, sbuf, dbuf, ones_v, acc, sem):
        c = lax.axis_index("c")
        s = lax.axis_index("s")
        wid = s * _NC + c
        pltpu.sync_copy(src3.at[wid], sbuf)
        pltpu.sync_copy(dst3.at[wid], dbuf)

        def fill(i, _):
            ones_v[i, :] = jnp.full((16,), 1.0, jnp.float32)
            return 0
        lax.fori_loop(0, _CHUNK, fill, 0)

        def mark(j, _):
            for k in range(_CHUNK // 16):
                sv = sbuf[j, pl.ds(k * 16, 16)]
                dv = dbuf[j, pl.ds(k * 16, 16)]
                sbuf[j, pl.ds(k * 16, 16)] = jnp.where(sv == dv, n_nodes, sv)
            return 0
        lax.fori_loop(0, cpw, mark, 0)

        pltpu.sync_copy(zrows.at[pl.ds(s * rpt, rpt)],
                        acc.at[pl.ds(s * rpt, rpt)])
        plsc.subcore_barrier()

        def qloop(q, _):
            descs = [pltpu.async_copy(ones_v, acc.at[sbuf.at[q * _QUAD + t]],
                                      sem, add=True)
                     for t in range(_QUAD)]
            for d in descs:
                d.wait()
            return 0
        lax.fori_loop(0, nq, qloop, 0)
        plsc.subcore_barrier()
        pltpu.sync_copy(acc.at[pl.ds(s * rpt, rpt)],
                        out.at[c, pl.ds(s * rpt, rpt)])

    return pl.kernel(
        body,
        out_type=jax.ShapeDtypeStruct((_NC, acc_rows, 16), jnp.float32),
        mesh=_sc_mesh(),
        scratch_types=[
            pltpu.VMEM((cpw, _CHUNK), jnp.int32),
            pltpu.VMEM((cpw, _CHUNK), jnp.int32),
            pltpu.VMEM((_CHUNK, 16), jnp.float32),
            pltpu.VMEM_SHARED((acc_rows, 16), jnp.float32),
            pltpu.SemaphoreType.DMA,
        ],
        compiler_params=pltpu.CompilerParams(use_tc_tiling_on_sc=False),
    )


@functools.lru_cache(maxsize=None)
def _prop_kernel(n_nodes, cpw, acc_rows, hid):
    hh = hid // 2
    rpt = acc_rows // _NS
    ypt = n_nodes // _NS
    nq = cpw // _QUAD
    npair = nq // 2

    zrep = 4
    zrows_n = rpt // zrep

    def body(src3, dst3, y_hbm, out, sbuf, dbuf, rows, zbuf, ytab, acc,
             gsem_a, gsem_b, ssem):
        c = lax.axis_index("c")
        s = lax.axis_index("s")
        pltpu.sync_copy(y_hbm.at[c, pl.ds(s * ypt, ypt)],
                        ytab.at[pl.ds(s * ypt, ypt)])
        pltpu.sync_copy(src3.at[s], sbuf)
        pltpu.sync_copy(dst3.at[s], dbuf)

        def mark(j, _):
            for k in range(_CHUNK // 16):
                sv = sbuf[j, pl.ds(k * 16, 16)]
                dv = dbuf[j, pl.ds(k * 16, 16)]
                dbuf[j, pl.ds(k * 16, 16)] = jnp.where(sv == dv, n_nodes, dv)
            return 0
        lax.fori_loop(0, cpw, mark, 0)

        def gather(q, t):
            return pltpu.async_copy(ytab.at[sbuf.at[q * _QUAD + t]],
                                    rows.at[t], gsem_a)

        def gather_hi(q, t):
            return pltpu.async_copy(ytab.at[sbuf.at[q * _QUAD + t]],
                                    rows.at[_QUAD + t], gsem_b)

        def scatter(q, t, hi):
            slot = _QUAD + t if hi else t
            return pltpu.async_copy(rows.at[slot],
                                    acc.at[dbuf.at[q * _QUAD + t]],
                                    ssem, add=True)

        def zfill(i, _):
            for k in range(hh // 16):
                zbuf[i, pl.ds(k * 16, 16)] = jnp.zeros((16,), jnp.float32)
            return 0
        lax.fori_loop(0, zrows_n, zfill, 0)
        for r in range(zrep):
            pltpu.sync_copy(zbuf, acc.at[pl.ds(s * rpt + r * zrows_n,
                                               zrows_n)])
        plsc.subcore_barrier()
        for t in range(_QUAD):
            gather(0, t)

        def pair(p, _):
            qa = 2 * p
            qb = qa + 1
            gdesc_b = [gather_hi(qb, t) for t in range(_QUAD)]
            sdesc_a = []
            for t in range(_QUAD):
                pltpu.make_async_copy(ytab.at[sbuf.at[qa * _QUAD + t]],
                                      rows.at[t], gsem_a).wait()
                sdesc_a.append(scatter(qa, t, hi=False))
            for t in range(_QUAD):
                sdesc_a[t].wait()

            @pl.when(p + 1 < npair)
            def _():
                for t in range(_QUAD):
                    gather(2 * p + 2, t)
            sdesc_b = []
            for t in range(_QUAD):
                gdesc_b[t].wait()
                sdesc_b.append(scatter(qb, t, hi=True))
            for t in range(_QUAD):
                sdesc_b[t].wait()
            return 0
        lax.fori_loop(0, npair, pair, 0)
        plsc.subcore_barrier()
        pltpu.sync_copy(acc.at[pl.ds(s * rpt, rpt)],
                        out.at[c, pl.ds(s * rpt, rpt)])

    return pl.kernel(
        body,
        out_type=jax.ShapeDtypeStruct((_NC, acc_rows, hh), jnp.float32),
        mesh=_sc_mesh(),
        scratch_types=[
            pltpu.VMEM((cpw, _CHUNK), jnp.int32),
            pltpu.VMEM((cpw, _CHUNK), jnp.int32),
            pltpu.VMEM((2 * _QUAD, _CHUNK, hh), jnp.float32),
            pltpu.VMEM((rpt // 4, hh), jnp.float32),
            pltpu.VMEM_SHARED((n_nodes, hh), jnp.float32),
            pltpu.VMEM_SHARED((acc_rows, hh), jnp.float32),
            pltpu.SemaphoreType.DMA,
            pltpu.SemaphoreType.DMA,
            pltpu.SemaphoreType.DMA,
        ],
        compiler_params=pltpu.CompilerParams(use_tc_tiling_on_sc=False),
    )


def _xh_body(x_ref, w1_ref, b1_ref, w2_ref, b2_ref, o_ref):
    h = jnp.dot(x_ref[...], w1_ref[...], preferred_element_type=jnp.float32)
    h = jnp.maximum(h + b1_ref[...], 0.0)
    o_ref[...] = jnp.dot(h, w2_ref[...],
                         preferred_element_type=jnp.float32) + b2_ref[...]


def _scale_body(degp_ref, xh_ref, dis_ref, y3_ref):
    deg = degp_ref[0, :, 0:1] + degp_ref[1, :, 0:1]
    dis = jnp.where(deg > 0, 1.0 / jnp.sqrt(jnp.maximum(deg, 1e-12)), 0.0)
    dis_ref[...] = dis
    y = xh_ref[...] * dis
    hh = y.shape[1] // 2
    y3_ref[0] = y[:, :hh]
    y3_ref[1] = y[:, hh:]


def _combine_body(prev_ref, dis_ref, s_ref, b_ref, y3_ref):
    g = dis_ref[...] * jnp.concatenate([s_ref[0], s_ref[1]], axis=1)
    b = 0.5 * prev_ref[...] - 0.5 * g
    b_ref[...] = b
    y = dis_ref[...] * b
    hh = y.shape[1] // 2
    y3_ref[0] = y[:, :hh]
    y3_ref[1] = y[:, hh:]


def _fusion_body(xh_ref, b1_ref, dis_ref, s_ref,
                 wf_ref, bf_ref, wx_ref, bx_ref,
                 bw_ref, lam_ref, res_ref):
    xh = xh_ref[...]
    b1v = b1_ref[...]
    b2v = 0.5 * b1v - 0.5 * dis_ref[...] * jnp.concatenate(
        [s_ref[0], s_ref[1]], axis=1)
    basis = (xh, b1v, b2v)
    wv = jax.nn.sigmoid(bw_ref[...])
    xp = jnp.tanh(jnp.dot(xh, wx_ref[...],
                          preferred_element_type=jnp.float32) + bx_ref[...])
    hs, ls = [], []
    for f in range(5):
        h = jnp.zeros_like(xh)
        for i in range(3):
            coef = jnp.zeros((1, 1), jnp.float32)
            for k in range(3):
                ck = _BERN_COEFFS[k][i]
                if ck != 0.0:
                    coef = coef + ck * wv[f:f + 1, k:k + 1]
            h = h + coef * basis[i]
        hs.append(h)
        hp = jnp.tanh(jnp.dot(h, wf_ref[...],
                              preferred_element_type=jnp.float32) + bf_ref[...])
        ls.append(jnp.sum(hp * xp, axis=1, keepdims=True))
    logits = jnp.concatenate(ls, axis=1)
    m = jnp.max(logits, axis=1, keepdims=True)
    e = jnp.exp(logits - m)
    score = e / jnp.sum(e, axis=1, keepdims=True)
    sidx = lax.broadcasted_iota(jnp.int32, (1, 5), 1)
    sf = jnp.where(sidx == 0, 1.0, jax.nn.sigmoid(lam_ref[...]))
    res = jnp.zeros_like(xh)
    for f in range(5):
        res = res + sf[:, f:f + 1] * score[:, f:f + 1] * hs[f]
    res_ref[...] = res


def _gram_body(a_ref, b_ref, o_ref):
    prod = lax.dot_general(a_ref[...].astype(jnp.bfloat16),
                           b_ref[...].astype(jnp.bfloat16),
                           (((1,), (1,)), ((), ())),
                           preferred_element_type=jnp.float32)
    o_ref[...] = jnp.tanh(prod)


def _full_spec(shape):
    return pl.BlockSpec(shape, lambda *_: tuple(0 for _ in shape))


def _row_spec(blk, shape):
    nd = len(shape)
    return pl.BlockSpec((blk,) + shape[1:],
                        lambda i: (i,) + tuple(0 for _ in range(nd - 1)))


def kernel(x, edge_index, W1, b1, W2, b2, bern_w, Wf, bf, Wx, bx, lam):
    n, in_ch = x.shape
    hid = W2.shape[1]
    e = edge_index.shape[1]

    epw = ((e + _NW * _CHUNK - 1) // (_NW * _CHUNK)) * _CHUNK
    e_pad = _NW * epw
    cpw = epw // _CHUNK
    src = edge_index[0]
    dst = edge_index[1]
    if e_pad > e:
        zpad = jnp.zeros((e_pad - e,), jnp.int32)
        src = jnp.concatenate([src, zpad])
        dst = jnp.concatenate([dst, zpad])
    src3 = src.reshape(_NW, cpw, _CHUNK)
    dst3 = dst.reshape(_NW, cpw, _CHUNK)
    cpw2 = e_pad // (_NS * _CHUNK)
    src3p = src.reshape(_NS, cpw2, _CHUNK)
    dst3p = dst.reshape(_NS, cpw2, _CHUNK)
    hh = hid // 2

    acc_rows = ((n + 1 + 127) // 128) * 128
    zeros16 = jnp.zeros((acc_rows, 16), jnp.float32)

    degp = _deg_kernel(n, cpw, acc_rows)(src3, dst3, zeros16)

    xh = pl.pallas_call(
        _xh_body,
        out_shape=jax.ShapeDtypeStruct((n, hid), jnp.float32),
        grid=(n // 2000,),
        in_specs=[_row_spec(2000, (n, in_ch)), _full_spec((in_ch, hid)),
                  _full_spec((1, hid)), _full_spec((hid, hid)),
                  _full_spec((1, hid))],
        out_specs=_row_spec(2000, (n, hid)),
    )(x, W1, b1.reshape(1, hid), W2, b2.reshape(1, hid))

    pair_spec = pl.BlockSpec((2, 2000, hh), lambda i: (0, i, 0))
    degp_spec = pl.BlockSpec((2, 2000, 16), lambda i: (0, i, 0))
    dis, y0 = pl.pallas_call(
        _scale_body,
        out_shape=[jax.ShapeDtypeStruct((n, 1), jnp.float32),
                   jax.ShapeDtypeStruct((2, n, hh), jnp.float32)],
        grid=(n // 2000,),
        in_specs=[degp_spec, _row_spec(2000, (n, hid))],
        out_specs=[_row_spec(2000, (n, 1)), pair_spec],
    )(degp, xh)

    s1 = _prop_kernel(n, cpw2, acc_rows, hid)(src3p, dst3p, y0)
    b1_arr, y1 = pl.pallas_call(
        _combine_body,
        out_shape=[jax.ShapeDtypeStruct((n, hid), jnp.float32),
                   jax.ShapeDtypeStruct((2, n, hh), jnp.float32)],
        grid=(n // 2000,),
        in_specs=[_row_spec(2000, (n, hid)), _row_spec(2000, (n, 1)),
                  pair_spec],
        out_specs=[_row_spec(2000, (n, hid)), pair_spec],
    )(xh, dis, s1)

    s2 = _prop_kernel(n, cpw2, acc_rows, hid)(src3p, dst3p, y1)
    res = pl.pallas_call(
        _fusion_body,
        out_shape=jax.ShapeDtypeStruct((n, hid), jnp.float32),
        grid=(n // 2000,),
        in_specs=[_row_spec(2000, (n, hid)), _row_spec(2000, (n, hid)),
                  _row_spec(2000, (n, 1)), pair_spec,
                  _full_spec((hid, hid)),
                  _full_spec((1, hid)), _full_spec((hid, hid)),
                  _full_spec((1, hid)), _full_spec((5, 3)),
                  _full_spec((1, 5))],
        out_specs=_row_spec(2000, (n, hid)),
    )(xh, b1_arr, dis, s2, Wf, bf.reshape(1, hid),
      Wx, bx.reshape(1, hid), bern_w.reshape(5, 3), lam.reshape(1, 5))

    bm = 400
    out = pl.pallas_call(
        _gram_body,
        out_shape=jax.ShapeDtypeStruct((n, n), jnp.float32),
        grid=(n // bm,),
        in_specs=[pl.BlockSpec((bm, hid), lambda i: (i, 0)),
                  pl.BlockSpec((n, hid), lambda i: (0, 0))],
        out_specs=pl.BlockSpec((bm, n), lambda i: (i, 0)),
    )(res, res)
    return out

# --- scband reference (transcript-rebuilt; emitter-appended) ---
"""Pipeline reference for scband-amnet-ms-6373731467478 (READ-ONLY COPY).

The authoritative reference and input builder live on the scoring server;
editing this copy changes nothing except your own understanding.
"""

import jax, jax.numpy as jnp
import numpy as np
import math
from numpy import polynomial

N = 10000
E = 160000
IN_CH = 128
HID = 64
K = 2
FILTER_NUM = 5

def get_bern_coeff(degree):
    def Bernstein(de, i):
        coefficients = [0] * i + [math.comb(de, i)]
        first_term = polynomial.polynomial.Polynomial(coefficients)
        second_term = polynomial.polynomial.Polynomial([1, -1]) ** (de - i)
        return first_term * second_term
    return np.stack([np.asarray(Bernstein(degree, i).coef, dtype=np.float32) for i in range(degree + 1)])

def setup_inputs(seed: int = 0):
    key = jax.random.key(seed)
    ks = jax.random.split(key, 10)
    x = jax.random.normal(ks[0], (N, IN_CH), dtype=jnp.float32)
    edge_index = jax.random.randint(ks[1], (2, E), 0, N, dtype=jnp.int32)
    W1 = jax.random.normal(ks[2], (IN_CH, HID), dtype=jnp.float32) * 0.05
    b1 = jnp.zeros((HID,), dtype=jnp.float32)
    W2 = jax.random.normal(ks[3], (HID, HID), dtype=jnp.float32) * 0.05
    b2 = jnp.zeros((HID,), dtype=jnp.float32)
    bern_w = jax.random.normal(ks[4], (FILTER_NUM, K + 1, 1), dtype=jnp.float32) * 0.1
    Wf = jax.random.normal(ks[5], (HID, HID), dtype=jnp.float32) * 0.05
    bf = jnp.zeros((HID,), dtype=jnp.float32)
    Wx = jax.random.normal(ks[6], (HID, HID), dtype=jnp.float32) * 0.05
    bx = jnp.zeros((HID,), dtype=jnp.float32)
    lam = jax.random.normal(ks[7], (FILTER_NUM,), dtype=jnp.float32)
    return {"x": x, "edge_index": edge_index, "W1": W1, "b1": b1, "W2": W2, "b2": b2, "bern_w": bern_w, "Wf": Wf, "bf": bf, "Wx": Wx, "bx": bx, "lam": lam}

def reference(x, edge_index, W1, b1, W2, b2, bern_w, Wf, bf, Wx, bx, lam):
    n = x.shape[0]
    src = edge_index[0]
    dst = edge_index[1]
    # remove_self_loops (as zero weights) + get_laplacian(normalization='sym') + /lambda_max(=2)
    w = jnp.where(src == dst, 0.0, 1.0).astype(x.dtype)
    deg = jnp.zeros((n,), dtype=x.dtype).at[src].add(w)
    deg_inv_sqrt = jnp.where(deg > 0, 1.0 / jnp.sqrt(jnp.maximum(deg, 1e-12)), 0.0)
    w_norm = deg_inv_sqrt[src] * w * deg_inv_sqrt[dst]
    loop = jnp.arange(n, dtype=src.dtype)
    lap_src = jnp.concatenate([src, loop])
    lap_dst = jnp.concatenate([dst, loop])
    norm = jnp.concatenate([-w_norm, jnp.ones((n,), dtype=x.dtype)]) / 2.0
    # linear_transform_in
    xh = jax.nn.relu(x @ W1 + b1) @ W2 + b2
    coeffs = jnp.asarray(get_bern_coeff(K))  # [K+1, K+1]
    h_list = []
    for f in range(FILTER_NUM):
        Bx = [xh]
        cur = xh
        for _ in range(K):
            cur = jnp.zeros_like(cur).at[lap_dst].add(norm[:, None] * cur[lap_src])
            Bx.append(cur)
        Bxs = jnp.stack(Bx)  # [K+1, N, HID]
        wgt = jax.nn.sigmoid(bern_w[f][:, 0])  # normalization=True -> sigmoid, [K+1]
        v = wgt @ coeffs  # sum_k wgt[k]*coeff[k,i]
        h_list.append(jnp.tensordot(v, Bxs, axes=1))
    h_filters = jnp.stack(h_list, axis=1)  # [N, F, HID]
    h_proj = jnp.tanh(h_filters @ Wf + bf)
    x_proj = jnp.tanh(xh @ Wx + bx)[:, :, None]
    score = jax.nn.softmax(h_proj @ x_proj, axis=1)  # [N, F, 1]
    res = h_filters[:, 0, :] * score[:, 0]
    for i in range(1, FILTER_NUM):
        res = res + jax.nn.sigmoid(lam[i]) * (h_filters[:, i, :] * score[:, i])
    return jnp.tanh(res @ res.T)

if __name__ == "__main__":
    import jax
    _d = setup_inputs()
    print(jax.jit(kernel)(*tuple(_d.values())))

</pallas_src>

<mosaic_0001>
#map = affine_map<(d0, d1) -> (0, 0, 0)>
#map1 = affine_map<(d0, d1) -> (0, 0)>
module attributes {stable_mosaic.version = 14 : i64} {
  func.func @body(%arg0: i32, %arg1: i32, %arg2: memref<32x40x128xi32, #tpu.memory_space<hbm>>, %arg3: memref<32x40x128xi32, #tpu.memory_space<hbm>>, %arg4: memref<10112x16xf32, #tpu.memory_space<hbm>>, %arg5: memref<2x10112x16xf32, #tpu.memory_space<hbm>>, %arg6: memref<40x128xi32, #tpu.memory_space<vmem>>, %arg7: memref<40x128xi32, #tpu.memory_space<vmem>>, %arg8: memref<128x16xf32, #tpu.memory_space<vmem>>, %arg9: memref<10112x16xf32, #tpu.memory_space<vmem_shared>>, %arg10: memref<!tpu.dma_semaphore, #tpu.memory_space<semaphore_mem>>) attributes {dimension_semantics = [#tpu.dimension_semantics<core_parallel>, #tpu.dimension_semantics<subcore_parallel>], iteration_bounds = array<i64: 2, 16>, scalar_prefetch = 0 : i64, scratch_operands = 5 : i64, tpu.core_type = #tpu.core_type<sc_vector_subcore>, window_params = [{transform_indices = #map}, {transform_indices = #map}, {transform_indices = #map1}, {transform_indices = #map}]} {
    %mul3A = arith.constant 2 : i32
    %mul3A_0 = arith.muli %arg1, %mul3A : i32
    %add3A = arith.addi %mul3A_0, %arg0 : i32
    "tpu.region"() ({
      %run_scoped3A = tpu.sem_alloc : memref<!tpu.dma_semaphore, #tpu.memory_space<semaphore_mem>>
      %dma_start3A = arith.constant 0 : i32
      %dma_start3A_30 = arith.constant 0 : i32
      %dma_start3A_31 = tpu.memref_slice %arg2[%add3A, %dma_start3A, %dma_start3A_30] : memref<32x40x128xi32, #tpu.memory_space<hbm>> -> memref<1x40x128xi32, #tpu.memory_space<hbm>>
      %dma_start3A_32 = tpu.memref_squeeze %dma_start3A_31 : memref<1x40x128xi32, #tpu.memory_space<hbm>> -> memref<40x128xi32, #tpu.memory_space<hbm>>
      %dma_start3A_33 = arith.constant 0 : i32
      %dma_start3A_34 = arith.constant 0 : i32
      %dma_start3A_35 = tpu.memref_slice %arg2[%add3A, %dma_start3A_33, %dma_start3A_34] : memref<32x40x128xi32, #tpu.memory_space<hbm>> -> memref<1x40x128xi32, #tpu.memory_space<hbm>>
      %dma_start3A_36 = tpu.memref_squeeze %dma_start3A_35 : memref<1x40x128xi32, #tpu.memory_space<hbm>> -> memref<40x128xi32, #tpu.memory_space<hbm>>
      tpu.enqueue_dma source(%dma_start3A_36 : memref<40x128xi32, #tpu.memory_space<hbm>>) target(%arg6 : memref<40x128xi32, #tpu.memory_space<vmem>>) target_semaphore(%run_scoped3A : memref<!tpu.dma_semaphore, #tpu.memory_space<semaphore_mem>>)
      %dma_wait3A = arith.constant 0 : i32
      %dma_wait3A_37 = arith.constant 0 : i32
      %dma_wait3A_38 = tpu.memref_slice %arg2[%add3A, %dma_wait3A, %dma_wait3A_37] : memref<32x40x128xi32, #tpu.memory_space<hbm>> -> memref<1x40x128xi32, #tpu.memory_space<hbm>>
      %dma_wait3A_39 = tpu.memref_squeeze %dma_wait3A_38 : memref<1x40x128xi32, #tpu.memory_space<hbm>> -> memref<40x128xi32, #tpu.memory_space<hbm>>
      %dma_wait3A_40 = arith.constant 0 : i32
      %dma_wait3A_41 = arith.constant 0 : i32
      %dma_wait3A_42 = tpu.memref_slice %arg2[%add3A, %dma_wait3A_40, %dma_wait3A_41] : memref<32x40x128xi32, #tpu.memory_space<hbm>> -> memref<1x40x128xi32, #tpu.memory_space<hbm>>
      %dma_wait3A_43 = tpu.memref_squeeze %dma_wait3A_42 : memref<1x40x128xi32, #tpu.memory_space<hbm>> -> memref<40x128xi32, #tpu.memory_space<hbm>>
      tpu.wait_dma2 semaphore(%run_scoped3A : memref<!tpu.dma_semaphore, #tpu.memory_space<semaphore_mem>>) src(%dma_wait3A_43 : memref<40x128xi32, #tpu.memory_space<hbm>>) dst(%arg6 : memref<40x128xi32, #tpu.memory_space<vmem>>)
      tpu.yield
    }) : () -> ()
    "tpu.region"() ({
      %run_scoped3A = tpu.sem_alloc : memref<!tpu.dma_semaphore, #tpu.memory_space<semaphore_mem>>
      %dma_start3A = arith.constant 0 : i32
      %dma_start3A_30 = arith.constant 0 : i32
      %dma_start3A_31 = tpu.memref_slice %arg3[%add3A, %dma_start3A, %dma_start3A_30] : memref<32x40x128xi32, #tpu.memory_space<hbm>> -> memref<1x40x128xi32, #tpu.memory_space<hbm>>
      %dma_start3A_32 = tpu.memref_squeeze %dma_start3A_31 : memref<1x40x128xi32, #tpu.memory_space<hbm>> -> memref<40x128xi32, #tpu.memory_space<hbm>>
      %dma_start3A_33 = arith.constant 0 : i32
      %dma_start3A_34 = arith.constant 0 : i32
      %dma_start3A_35 = tpu.memref_slice %arg3[%add3A, %dma_start3A_33, %dma_start3A_34] : memref<32x40x128xi32, #tpu.memory_space<hbm>> -> memref<1x40x128xi32, #tpu.memory_space<hbm>>
      %dma_start3A_36 = tpu.memref_squeeze %dma_start3A_35 : memref<1x40x128xi32, #tpu.memory_space<hbm>> -> memref<40x128xi32, #tpu.memory_space<hbm>>
      tpu.enqueue_dma source(%dma_start3A_36 : memref<40x128xi32, #tpu.memory_space<hbm>>) target(%arg7 : memref<40x128xi32, #tpu.memory_space<vmem>>) target_semaphore(%run_scoped3A : memref<!tpu.dma_semaphore, #tpu.memory_space<semaphore_mem>>)
      %dma_wait3A = arith.constant 0 : i32
      %dma_wait3A_37 = arith.constant 0 : i32
      %dma_wait3A_38 = tpu.memref_slice %arg3[%add3A, %dma_wait3A, %dma_wait3A_37] : memref<32x40x128xi32, #tpu.memory_space<hbm>> -> memref<1x40x128xi32, #tpu.memory_space<hbm>>
      %dma_wait3A_39 = tpu.memref_squeeze %dma_wait3A_38 : memref<1x40x128xi32, #tpu.memory_space<hbm>> -> memref<40x128xi32, #tpu.memory_space<hbm>>
      %dma_wait3A_40 = arith.constant 0 : i32
      %dma_wait3A_41 = arith.constant 0 : i32
      %dma_wait3A_42 = tpu.memref_slice %arg3[%add3A, %dma_wait3A_40, %dma_wait3A_41] : memref<32x40x128xi32, #tpu.memory_space<hbm>> -> memref<1x40x128xi32, #tpu.memory_space<hbm>>
      %dma_wait3A_43 = tpu.memref_squeeze %dma_wait3A_42 : memref<1x40x128xi32, #tpu.memory_space<hbm>> -> memref<40x128xi32, #tpu.memory_space<hbm>>
      tpu.wait_dma2 semaphore(%run_scoped3A : memref<!tpu.dma_semaphore, #tpu.memory_space<semaphore_mem>>) src(%dma_wait3A_43 : memref<40x128xi32, #tpu.memory_space<hbm>>) dst(%arg7 : memref<40x128xi32, #tpu.memory_space<vmem>>)
      tpu.yield
    }) : () -> ()
    %scan3A = arith.constant 0 : i32
    %scan3A_1 = arith.constant 0 : i32
    %scan3A_2 = arith.constant 128 : i32
    %scan3A_3 = arith.addi %scan3A_1, %scan3A_2 : i32
    %scan3A_4 = arith.constant 1 : i32
    %scan3A_5 = scf.for %scan3A_30 = %scan3A_1 to %scan3A_3 step %scan3A_4 iter_args(%scan3A_31 = %scan3A) -> (i32)  : i32 {
      %broadcast_in_dim3A = arith.constant 1.000000e+00 : f32
      %broadcast_in_dim3A_32 = vector.broadcast %broadcast_in_dim3A : f32 to vector<16xf32>
      %swap3A = arith.index_cast %scan3A_30 : i32 to index
      %swap3A_33 = arith.constant 0 : index
      %swap3A_34 = tpu.vector_load %arg8[%swap3A, %swap3A_33] {strides = array<i32>} : memref<128x16xf32, #tpu.memory_space<vmem>>, vector<1x16xf32>,
      %swap3A_35 = vector.shape_cast %swap3A_34 : vector<1x16xf32> to vector<16xf32>
      %swap3A_36 = vector.shape_cast %broadcast_in_dim3A_32 : vector<16xf32> to vector<1x16xf32>
      tpu.vector_store %arg8[%swap3A, %swap3A_33], %swap3A_36 {strides = array<i32>} : memref<128x16xf32, #tpu.memory_space<vmem>>, vector<1x16xf32>,
      %scan3A_37 = arith.constant 0 : i32
      scf.yield %scan3A_37 : i32
    }
    %scan3A_6 = arith.constant 128 : i32
    %scan3A_7 = arith.constant 0 : i32
    %scan3A_8 = arith.constant 0 : i32
    %scan3A_9 = arith.constant 40 : i32
    %scan3A_10 = arith.addi %scan3A_8, %scan3A_9 : i32
    %scan3A_11 = arith.constant 1 : i32
    %scan3A_12 = scf.for %scan3A_30 = %scan3A_8 to %scan3A_10 step %scan3A_11 iter_args(%scan3A_31 = %scan3A_7) -> (i32)  : i32 {
      %get3A = arith.index_cast %scan3A_30 : i32 to index
      %get3A_32 = arith.constant 0 : index
      %get3A_33 = tpu.vector_load %arg6[%get3A, %get3A_32] {strides = array<i32>} : memref<40x128xi32, #tpu.memory_space<vmem>>, vector<1x16xi32>,
      %get3A_34 = vector.shape_cast %get3A_33 : vector<1x16xi32> to vector<16xi32>
      %get3A_35 = arith.index_cast %scan3A_30 : i32 to index
      %get3A_36 = arith.constant 0 : index
      %get3A_37 = tpu.vector_load %arg7[%get3A_35, %get3A_36] {strides = array<i32>} : memref<40x128xi32, #tpu.memory_space<vmem>>, vector<1x16xi32>,
      %get3A_38 = vector.shape_cast %get3A_37 : vector<1x16xi32> to vector<16xi32>
      %eq3A = arith.cmpi eq, %get3A_34, %get3A_38 : vector<16xi32>
      %jit3A = arith.constant 10000 : i32
      %broadcast_in_dim3A = vector.broadcast %jit3A : i32 to vector<16xi32>
      %select_n3A = arith.select %eq3A, %broadcast_in_dim3A, %get3A_34 : vector<16xi1>, vector<16xi32>
      %swap3A = arith.index_cast %scan3A_30 : i32 to index
      %swap3A_39 = arith.constant 0 : index
      %swap3A_40 = tpu.vector_load %arg6[%swap3A, %swap3A_39] {strides = array<i32>} : memref<40x128xi32, #tpu.memory_space<vmem>>, vector<1x16xi32>,
      %swap3A_41 = vector.shape_cast %swap3A_40 : vector<1x16xi32> to vector<16xi32>
      %swap3A_42 = vector.shape_cast %select_n3A : vector<16xi32> to vector<1x16xi32>
      tpu.vector_store %arg6[%swap3A, %swap3A_39], %swap3A_42 {strides = array<i32>} : memref<40x128xi32, #tpu.memory_space<vmem>>, vector<1x16xi32>,
      %get3A_43 = arith.index_cast %scan3A_30 : i32 to index
      %get3A_44 = arith.constant 16 : index
      %get3A_45 = tpu.vector_load %arg6[%get3A_43, %get3A_44] {strides = array<i32>} : memref<40x128xi32, #tpu.memory_space<vmem>>, vector<1x16xi32>,
      %get3A_46 = vector.shape_cast %get3A_45 : vector<1x16xi32> to vector<16xi32>
      %get3A_47 = arith.index_cast %scan3A_30 : i32 to index
      %get3A_48 = arith.constant 16 : index
      %get3A_49 = tpu.vector_load %arg7[%get3A_47, %get3A_48] {strides = array<i32>} : memref<40x128xi32, #tpu.memory_space<vmem>>, vector<1x16xi32>,
      %get3A_50 = vector.shape_cast %get3A_49 : vector<1x16xi32> to vector<16xi32>
      %eq3A_51 = arith.cmpi eq, %get3A_46, %get3A_50 : vector<16xi32>
      %jit3A_52 = arith.constant 10000 : i32
      %broadcast_in_dim3A_53 = vector.broadcast %jit3A_52 : i32 to vector<16xi32>
      %select_n3A_54 = arith.select %eq3A_51, %broadcast_in_dim3A_53, %get3A_46 : vector<16xi1>, vector<16xi32>
      %swap3A_55 = arith.index_cast %scan3A_30 : i32 to index
      %swap3A_56 = arith.constant 16 : index
      %swap3A_57 = tpu.vector_load %arg6[%swap3A_55, %swap3A_56] {strides = array<i32>} : memref<40x128xi32, #tpu.memory_space<vmem>>, vector<1x16xi32>,
      %swap3A_58 = vector.shape_cast %swap3A_57 : vector<1x16xi32> to vector<16xi32>
      %swap3A_59 = vector.shape_cast %select_n3A_54 : vector<16xi32> to vector<1x16xi32>
      tpu.vector_store %arg6[%swap3A_55, %swap3A_56], %swap3A_59 {strides = array<i32>} : memref<40x128xi32, #tpu.memory_space<vmem>>, vector<1x16xi32>,
      %get3A_60 = arith.index_cast %scan3A_30 : i32 to index
      %get3A_61 = arith.constant 32 : index
      %get3A_62 = tpu.vector_load %arg6[%get3A_60, %get3A_61] {strides = array<i32>} : memref<40x128xi32, #tpu.memory_space<vmem>>, vector<1x16xi32>,
      %get3A_63 = vector.shape_cast %get3A_62 : vector<1x16xi32> to vector<16xi32>
      %get3A_64 = arith.index_cast %scan3A_30 : i32 to index
      %get3A_65 = arith.constant 32 : index
      %get3A_66 = tpu.vector_load %arg7[%get3A_64, %get3A_65] {strides = array<i32>} : memref<40x128xi32, #tpu.memory_space<vmem>>, vector<1x16xi32>,
      %get3A_67 = vector.shape_cast %get3A_66 : vector<1x16xi32> to vector<16xi32>
      %eq3A_68 = arith.cmpi eq, %get3A_63, %get3A_67 : vector<16xi32>
      %jit3A_69 = arith.constant 10000 : i32
      %broadcast_in_dim3A_70 = vector.broadcast %jit3A_69 : i32 to vector<16xi32>
      %select_n3A_71 = arith.select %eq3A_68, %broadcast_in_dim3A_70, %get3A_63 : vector<16xi1>, vector<16xi32>
      %swap3A_72 = arith.index_cast %scan3A_30 : i32 to index
      %swap3A_73 = arith.constant 32 : index
      %swap3A_74 = tpu.vector_load %arg6[%swap3A_72, %swap3A_73] {strides = array<i32>} : memref<40x128xi32, #tpu.memory_space<vmem>>, vector<1x16xi32>,
      %swap3A_75 = vector.shape_cast %swap3A_74 : vector<1x16xi32> to vector<16xi32>
      %swap3A_76 = vector.shape_cast %select_n3A_71 : vector<16xi32> to vector<1x16xi32>
      tpu.vector_store %arg6[%swap3A_72, %swap3A_73], %swap3A_76 {strides = array<i32>} : memref<40x128xi32, #tpu.memory_space<vmem>>, vector<1x16xi32>,
      %get3A_77 = arith.index_cast %scan3A_30 : i32 to index
      %get3A_78 = arith.constant 48 : index
      %get3A_79 = tpu.vector_load %arg6[%get3A_77, %get3A_78] {strides = array<i32>} : memref<40x128xi32, #tpu.memory_space<vmem>>, vector<1x16xi32>,
      %get3A_80 = vector.shape_cast %get3A_79 : vector<1x16xi32> to vector<16xi32>
      %get3A_81 = arith.index_cast %scan3A_30 : i32 to index
      %get3A_82 = arith.constant 48 : index
      %get3A_83 = tpu.vector_load %arg7[%get3A_81, %get3A_82] {strides = array<i32>} : memref<40x128xi32, #tpu.memory_space<vmem>>, vector<1x16xi32>,
      %get3A_84 = vector.shape_cast %get3A_83 : vector<1x16xi32> to vector<16xi32>
      %eq3A_85 = arith.cmpi eq, %get3A_80, %get3A_84 : vector<16xi32>
      %jit3A_86 = arith.constant 10000 : i32
      %broadcast_in_dim3A_87 = vector.broadcast %jit3A_86 : i32 to vector<16xi32>
      %select_n3A_88 = arith.select %eq3A_85, %broadcast_in_dim3A_87, %get3A_80 : vector<16xi1>, vector<16xi32>
      %swap3A_89 = arith.index_cast %scan3A_30 : i32 to index
      %swap3A_90 = arith.constant 48 : index
      %swap3A_91 = tpu.vector_load %arg6[%swap3A_89, %swap3A_90] {strides = array<i32>} : memref<40x128xi32, #tpu.memory_space<vmem>>, vector<1x16xi32>,
      %swap3A_92 = vector.shape_cast %swap3A_91 : vector<1x16xi32> to vector<16xi32>
      %swap3A_93 = vector.shape_cast %select_n3A_88 : vector<16xi32> to vector<1x16xi32>
      tpu.vector_store %arg6[%swap3A_89, %swap3A_90], %swap3A_93 {strides = array<i32>} : memref<40x128xi32, #tpu.memory_space<vmem>>, vector<1x16xi32>,
      %get3A_94 = arith.index_cast %scan3A_30 : i32 to index
      %get3A_95 = arith.constant 64 : index
      %get3A_96 = tpu.vector_load %arg6[%get3A_94, %get3A_95] {strides = array<i32>} : memref<40x128xi32, #tpu.memory_space<vmem>>, vector<1x16xi32>,
      %get3A_97 = vector.shape_cast %get3A_96 : vector<1x16xi32> to vector<16xi32>
      %get3A_98 = arith.index_cast %scan3A_30 : i32 to index
      %get3A_99 = arith.constant 64 : index
      %get3A_100 = tpu.vector_load %arg7[%get3A_98, %get3A_99] {strides = array<i32>} : memref<40x128xi32, #tpu.memory_space<vmem>>, vector<1x16xi32>,
      %get3A_101 = vector.shape_cast %get3A_100 : vector<1x16xi32> to vector<16xi32>
      %eq3A_102 = arith.cmpi eq, %get3A_97, %get3A_101 : vector<16xi32>
      %jit3A_103 = arith.constant 10000 : i32
      %broadcast_in_dim3A_104 = vector.broadcast %jit3A_103 : i32 to vector<16xi32>
      %select_n3A_105 = arith.select %eq3A_102, %broadcast_in_dim3A_104, %get3A_97 : vector<16xi1>, vector<16xi32>
      %swap3A_106 = arith.index_cast %scan3A_30 : i32 to index
      %swap3A_107 = arith.constant 64 : index
      %swap3A_108 = tpu.vector_load %arg6[%swap3A_106, %swap3A_107] {strides = array<i32>} : memref<40x128xi32, #tpu.memory_space<vmem>>, vector<1x16xi32>,
      %swap3A_109 = vector.shape_cast %swap3A_108 : vector<1x16xi32> to vector<16xi32>
      %swap3A_110 = vector.shape_cast %select_n3A_105 : vector<16xi32> to vector<1x16xi32>
      tpu.vector_store %arg6[%swap3A_106, %swap3A_107], %swap3A_110 {strides = array<i32>} : memref<40x128xi32, #tpu.memory_space<vmem>>, vector<1x16xi32>,
      %get3A_111 = arith.index_cast %scan3A_30 : i32 to index
      %get3A_112 = arith.constant 80 : index
      %get3A_113 = tpu.vector_load %arg6[%get3A_111, %get3A_112] {strides = array<i32>} : memref<40x128xi32, #tpu.memory_space<vmem>>, vector<1x16xi32>,
      %get3A_114 = vector.shape_cast %get3A_113 : vector<1x16xi32> to vector<16xi32>
      %get3A_115 = arith.index_cast %scan3A_30 : i32 to index
      %get3A_116 = arith.constant 80 : index
      %get3A_117 = tpu.vector_load %arg7[%get3A_115, %get3A_116] {strides = array<i32>} : memref<40x128xi32, #tpu.memory_space<vmem>>, vector<1x16xi32>,
      %get3A_118 = vector.shape_cast %get3A_117 : vector<1x16xi32> to vector<16xi32>
      %eq3A_119 = arith.cmpi eq, %get3A_114, %get3A_118 : vector<16xi32>
      %jit3A_120 = arith.constant 10000 : i32
      %broadcast_in_dim3A_121 = vector.broadcast %jit3A_120 : i32 to vector<16xi32>
      %select_n3A_122 = arith.select %eq3A_119, %broadcast_in_dim3A_121, %get3A_114 : vector<16xi1>, vector<16xi32>
      %swap3A_123 = arith.index_cast %scan3A_30 : i32 to index
      %swap3A_124 = arith.constant 80 : index
      %swap3A_125 = tpu.vector_load %arg6[%swap3A_123, %swap3A_124] {strides = array<i32>} : memref<40x128xi32, #tpu.memory_space<vmem>>, vector<1x16xi32>,
      %swap3A_126 = vector.shape_cast %swap3A_125 : vector<1x16xi32> to vector<16xi32>
      %swap3A_127 = vector.shape_cast %select_n3A_122 : vector<16xi32> to vector<1x16xi32>
      tpu.vector_store %arg6[%swap3A_123, %swap3A_124], %swap3A_127 {strides = array<i32>} : memref<40x128xi32, #tpu.memory_space<vmem>>, vector<1x16xi32>,
      %get3A_128 = arith.index_cast %scan3A_30 : i32 to index
      %get3A_129 = arith.constant 96 : index
      %get3A_130 = tpu.vector_load %arg6[%get3A_128, %get3A_129] {strides = array<i32>} : memref<40x128xi32, #tpu.memory_space<vmem>>, vector<1x16xi32>,
      %get3A_131 = vector.shape_cast %get3A_130 : vector<1x16xi32> to vector<16xi32>
      %get3A_132 = arith.index_cast %scan3A_30 : i32 to index
      %get3A_133 = arith.constant 96 : index
      %get3A_134 = tpu.vector_load %arg7[%get3A_132, %get3A_133] {strides = array<i32>} : memref<40x128xi32, #tpu.memory_space<vmem>>, vector<1x16xi32>,
      %get3A_135 = vector.shape_cast %get3A_134 : vector<1x16xi32> to vector<16xi32>
      %eq3A_136 = arith.cmpi eq, %get3A_131, %get3A_135 : vector<16xi32>
      %jit3A_137 = arith.constant 10000 : i32
      %broadcast_in_dim3A_138 = vector.broadcast %jit3A_137 : i32 to vector<16xi32>
      %select_n3A_139 = arith.select %eq3A_136, %broadcast_in_dim3A_138, %get3A_131 : vector<16xi1>, vector<16xi32>
      %swap3A_140 = arith.index_cast %scan3A_30 : i32 to index
      %swap3A_141 = arith.constant 96 : index
      %swap3A_142 = tpu.vector_load %arg6[%swap3A_140, %swap3A_141] {strides = array<i32>} : memref<40x128xi32, #tpu.memory_space<vmem>>, vector<1x16xi32>,
      %swap3A_143 = vector.shape_cast %swap3A_142 : vector<1x16xi32> to vector<16xi32>
      %swap3A_144 = vector.shape_cast %select_n3A_139 : vector<16xi32> to vector<1x16xi32>
      tpu.vector_store %arg6[%swap3A_140, %swap3A_141], %swap3A_144 {strides = array<i32>} : memref<40x128xi32, #tpu.memory_space<vmem>>, vector<1x16xi32>,
      %get3A_145 = arith.index_cast %scan3A_30 : i32 to index
      %get3A_146 = arith.constant 112 : index
      %get3A_147 = tpu.vector_load %arg6[%get3A_145, %get3A_146] {strides = array<i32>} : memref<40x128xi32, #tpu.memory_space<vmem>>, vector<1x16xi32>,
      %get3A_148 = vector.shape_cast %get3A_147 : vector<1x16xi32> to vector<16xi32>
      %get3A_149 = arith.index_cast %scan3A_30 : i32 to index
      %get3A_150 = arith.constant 112 : index
      %get3A_151 = tpu.vector_load %arg7[%get3A_149, %get3A_150] {strides = array<i32>} : memref<40x128xi32, #tpu.memory_space<vmem>>, vector<1x16xi32>,
      %get3A_152 = vector.shape_cast %get3A_151 : vector<1x16xi32> to vector<16xi32>
      %eq3A_153 = arith.cmpi eq, %get3A_148, %get3A_152 : vector<16xi32>
      %jit3A_154 = arith.constant 10000 : i32
      %broadcast_in_dim3A_155 = vector.broadcast %jit3A_154 : i32 to vector<16xi32>
      %select_n3A_156 = arith.select %eq3A_153, %broadcast_in_dim3A_155, %get3A_148 : vector<16xi1>, vector<16xi32>
      %swap3A_157 = arith.index_cast %scan3A_30 : i32 to index
      %swap3A_158 = arith.constant 112 : index
      %swap3A_159 = tpu.vector_load %arg6[%swap3A_157, %swap3A_158] {strides = array<i32>} : memref<40x128xi32, #tpu.memory_space<vmem>>, vector<1x16xi32>,
      %swap3A_160 = vector.shape_cast %swap3A_159 : vector<1x16xi32> to vector<16xi32>
      %swap3A_161 = vector.shape_cast %select_n3A_156 : vector<16xi32> to vector<1x16xi32>
      tpu.vector_store %arg6[%swap3A_157, %swap3A_158], %swap3A_161 {strides = array<i32>} : memref<40x128xi32, #tpu.memory_space<vmem>>, vector<1x16xi32>,
      %scan3A_162 = arith.constant 0 : i32
      scf.yield %scan3A_162 : i32
    }
    %scan3A_13 = arith.constant 40 : i32
    %mul3A_14 = arith.constant 632 : i32
    %mul3A_15 = arith.muli %arg1, %mul3A_14 : i32
    %mul3A_16 = arith.constant 632 : i32
    %mul3A_17 = arith.muli %arg1, %mul3A_16 : i32
    "tpu.region"() ({
      %run_scoped3A = tpu.sem_alloc : memref<!tpu.dma_semaphore, #tpu.memory_space<semaphore_mem>>
      %dma_start3A = arith.constant 0 : i32
      %dma_start3A_30 = tpu.memref_slice %arg9[%mul3A_17, %dma_start3A] : memref<10112x16xf32, #tpu.memory_space<vmem_shared>> -> memref<632x16xf32, #tpu.memory_space<vmem_shared>>
      %dma_start3A_31 = arith.constant 0 : i32
      %dma_start3A_32 = tpu.memref_slice %arg4[%mul3A_15, %dma_start3A_31] : memref<10112x16xf32, #tpu.memory_space<hbm>> -> memref<632x16xf32, #tpu.memory_space<hbm>>
      tpu.enqueue_dma source(%dma_start3A_32 : memref<632x16xf32, #tpu.memory_space<hbm>>) target(%dma_start3A_30 : memref<632x16xf32, #tpu.memory_space<vmem_shared>>) target_semaphore(%run_scoped3A : memref<!tpu.dma_semaphore, #tpu.memory_space<semaphore_mem>>)
      %dma_wait3A = arith.constant 0 : i32
      %dma_wait3A_33 = tpu.memref_slice %arg9[%mul3A_17, %dma_wait3A] : memref<10112x16xf32, #tpu.memory_space<vmem_shared>> -> memref<632x16xf32, #tpu.memory_space<vmem_shared>>
      %dma_wait3A_34 = arith.constant 0 : i32
      %dma_wait3A_35 = tpu.memref_slice %arg4[%mul3A_15, %dma_wait3A_34] : memref<10112x16xf32, #tpu.memory_space<hbm>> -> memref<632x16xf32, #tpu.memory_space<hbm>>
      tpu.wait_dma2 semaphore(%run_scoped3A : memref<!tpu.dma_semaphore, #tpu.memory_space<semaphore_mem>>) src(%dma_wait3A_35 : memref<632x16xf32, #tpu.memory_space<hbm>>) dst(%dma_wait3A_33 : memref<632x16xf32, #tpu.memory_space<vmem_shared>>)
      tpu.yield
    }) : () -> ()
    %barrier3A = arith.constant 0 : index
    tpu.barrier barrier_id(%barrier3A)
    %scan3A_18 = arith.constant 0 : i32
    %scan3A_19 = arith.constant 0 : i32
    %scan3A_20 = arith.constant 10 : i32
    %scan3A_21 = arith.addi %scan3A_19, %scan3A_20 : i32
    %scan3A_22 = arith.constant 1 : i32
    %scan3A_23 = scf.for %scan3A_30 = %scan3A_19 to %scan3A_21 step %scan3A_22 iter_args(%scan3A_31 = %scan3A_18) -> (i32)  : i32 {
      %mul3A_32 = arith.constant 4 : i32
      %mul3A_33 = arith.muli %scan3A_30, %mul3A_32 : i32
      %add3A_34 = arith.constant 0 : i32
      %add3A_35 = arith.addi %mul3A_33, %add3A_34 : i32
      %dma_start3A = arith.constant 0 : i32
      %dma_start3A_36 = tpu.memref_slice %arg6[%add3A_35, %dma_start3A] : memref<40x128xi32, #tpu.memory_space<vmem>> -> memref<1x128xi32, #tpu.memory_space<vmem>>
      %dma_start3A_37 = tpu.memref_squeeze %dma_start3A_36 : memref<1x128xi32, #tpu.memory_space<vmem>> -> memref<128xi32, #tpu.memory_space<vmem>>
      %dma_start3A_38 = arith.constant 0 : i32
      %dma_start3A_39 = arith.constant 0 : i32
      %dma_start3A_40 = tpu.memref_slice %arg9[%dma_start3A_38, %dma_start3A_39] : memref<10112x16xf32, #tpu.memory_space<vmem_shared>> -> memref<10112x16xf32, #tpu.memory_space<vmem_shared>>
      tpu.enqueue_indirect_dma source(%arg8 : memref<128x16xf32, #tpu.memory_space<vmem>>) target(%dma_start3A_40 : memref<10112x16xf32, #tpu.memory_space<vmem_shared>>) offsets(%dma_start3A_37 : memref<128xi32, #tpu.memory_space<vmem>>) semaphore(%arg10 : memref<!tpu.dma_semaphore, #tpu.memory_space<semaphore_mem>>) {add = true}
      %mul3A_41 = arith.constant 4 : i32
      %mul3A_42 = arith.muli %scan3A_30, %mul3A_41 : i32
      %add3A_43 = arith.constant 1 : i32
      %add3A_44 = arith.addi %mul3A_42, %add3A_43 : i32
      %dma_start3A_45 = arith.constant 0 : i32
      %dma_start3A_46 = tpu.memref_slice %arg6[%add3A_44, %dma_start3A_45] : memref<40x128xi32, #tpu.memory_space<vmem>> -> memref<1x128xi32, #tpu.memory_space<vmem>>
      %dma_start3A_47 = tpu.memref_squeeze %dma_start3A_46 : memref<1x128xi32, #tpu.memory_space<vmem>> -> memref<128xi32, #tpu.memory_space<vmem>>
      %dma_start3A_48 = arith.constant 0 : i32
      %dma_start3A_49 = arith.constant 0 : i32
      %dma_start3A_50 = tpu.memref_slice %arg9[%dma_start3A_48, %dma_start3A_49] : memref<10112x16xf32, #tpu.memory_space<vmem_shared>> -> memref<10112x16xf32, #tpu.memory_space<vmem_shared>>
      tpu.enqueue_indirect_dma source(%arg8 : memref<128x16xf32, #tpu.memory_space<vmem>>) target(%dma_start3A_50 : memref<10112x16xf32, #tpu.memory_space<vmem_shared>>) offsets(%dma_start3A_47 : memref<128xi32, #tpu.memory_space<vmem>>) semaphore(%arg10 : memref<!tpu.dma_semaphore, #tpu.memory_space<semaphore_mem>>) {add = true}
      %mul3A_51 = arith.constant 4 : i32
      %mul3A_52 = arith.muli %scan3A_30, %mul3A_51 : i32
      %add3A_53 = arith.constant 2 : i32
      %add3A_54 = arith.addi %mul3A_52, %add3A_53 : i32
      %dma_start3A_55 = arith.constant 0 : i32
      %dma_start3A_56 = tpu.memref_slice %arg6[%add3A_54, %dma_start3A_55] : memref<40x128xi32, #tpu.memory_space<vmem>> -> memref<1x128xi32, #tpu.memory_space<vmem>>
      %dma_start3A_57 = tpu.memref_squeeze %dma_start3A_56 : memref<1x128xi32, #tpu.memory_space<vmem>> -> memref<128xi32, #tpu.memory_space<vmem>>
      %dma_start3A_58 = arith.constant 0 : i32
      %dma_start3A_59 = arith.constant 0 : i32
      %dma_start3A_60 = tpu.memref_slice %arg9[%dma_start3A_58, %dma_start3A_59] : memref<10112x16xf32, #tpu.memory_space<vmem_shared>> -> memref<10112x16xf32, #tpu.memory_space<vmem_shared>>
      tpu.enqueue_indirect_dma source(%arg8 : memref<128x16xf32, #tpu.memory_space<vmem>>) target(%dma_start3A_60 : memref<10112x16xf32, #tpu.memory_space<vmem_shared>>) offsets(%dma_start3A_57 : memref<128xi32, #tpu.memory_space<vmem>>) semaphore(%arg10 : memref<!tpu.dma_semaphore, #tpu.memory_space<semaphore_mem>>) {add = true}
      %mul3A_61 = arith.constant 4 : i32
      %mul3A_62 = arith.muli %scan3A_30, %mul3A_61 : i32
      %add3A_63 = arith.constant 3 : i32
      %add3A_64 = arith.addi %mul3A_62, %add3A_63 : i32
      %dma_start3A_65 = arith.constant 0 : i32
      %dma_start3A_66 = tpu.memref_slice %arg6[%add3A_64, %dma_start3A_65] : memref<40x128xi32, #tpu.memory_space<vmem>> -> memref<1x128xi32, #tpu.memory_space<vmem>>
      %dma_start3A_67 = tpu.memref_squeeze %dma_start3A_66 : memref<1x128xi32, #tpu.memory_space<vmem>> -> memref<128xi32, #tpu.memory_space<vmem>>
      %dma_start3A_68 = arith.constant 0 : i32
      %dma_start3A_69 = arith.constant 0 : i32
      %dma_start3A_70 = tpu.memref_slice %arg9[%dma_start3A_68, %dma_start3A_69] : memref<10112x16xf32, #tpu.memory_space<vmem_shared>> -> memref<10112x16xf32, #tpu.memory_space<vmem_shared>>
      tpu.enqueue_indirect_dma source(%arg8 : memref<128x16xf32, #tpu.memory_space<vmem>>) target(%dma_start3A_70 : memref<10112x16xf32, #tpu.memory_space<vmem_shared>>) offsets(%dma_start3A_67 : memref<128xi32, #tpu.memory_space<vmem>>) semaphore(%arg10 : memref<!tpu.dma_semaphore, #tpu.memory_space<semaphore_mem>>) {add = true}
      %dma_wait3A = arith.constant 0 : i32
      %dma_wait3A_71 = tpu.memref_slice %arg6[%add3A_35, %dma_wait3A] : memref<40x128xi32, #tpu.memory_space<vmem>> -> memref<1x128xi32, #tpu.memory_space<vmem>>
      %dma_wait3A_72 = tpu.memref_squeeze %dma_wait3A_71 : memref<1x128xi32, #tpu.memory_space<vmem>> -> memref<128xi32, #tpu.memory_space<vmem>>
      %dma_wait3A_73 = arith.constant 0 : i32
      %dma_wait3A_74 = arith.constant 0 : i32
      %dma_wait3A_75 = tpu.memref_slice %arg9[%dma_wait3A_73, %dma_wait3A_74] : memref<10112x16xf32, #tpu.memory_space<vmem_shared>> -> memref<10112x16xf32, #tpu.memory_space<vmem_shared>>
      tpu.wait_indirect_dma semaphore(%arg10 : memref<!tpu.dma_semaphore, #tpu.memory_space<semaphore_mem>>) src(%arg8 : memref<128x16xf32, #tpu.memory_space<vmem>>) dst(%dma_wait3A_75 : memref<10112x16xf32, #tpu.memory_space<vmem_shared>>)
      %dma_wait3A_76 = arith.constant 0 : i32
      %dma_wait3A_77 = tpu.memref_slice %arg6[%add3A_44, %dma_wait3A_76] : memref<40x128xi32, #tpu.memory_space<vmem>> -> memref<1x128xi32, #tpu.memory_space<vmem>>
      %dma_wait3A_78 = tpu.memref_squeeze %dma_wait3A_77 : memref<1x128xi32, #tpu.memory_space<vmem>> -> memref<128xi32, #tpu.memory_space<vmem>>
      %dma_wait3A_79 = arith.constant 0 : i32
      %dma_wait3A_80 = arith.constant 0 : i32
      %dma_wait3A_81 = tpu.memref_slice %arg9[%dma_wait3A_79, %dma_wait3A_80] : memref<10112x16xf32, #tpu.memory_space<vmem_shared>> -> memref<10112x16xf32, #tpu.memory_space<vmem_shared>>
      tpu.wait_indirect_dma semaphore(%arg10 : memref<!tpu.dma_semaphore, #tpu.memory_space<semaphore_mem>>) src(%arg8 : memref<128x16xf32, #tpu.memory_space<vmem>>) dst(%dma_wait3A_81 : memref<10112x16xf32, #tpu.memory_space<vmem_shared>>)
      %dma_wait3A_82 = arith.constant 0 : i32
      %dma_wait3A_83 = tpu.memref_slice %arg6[%add3A_54, %dma_wait3A_82] : memref<40x128xi32, #tpu.memory_space<vmem>> -> memref<1x128xi32, #tpu.memory_space<vmem>>
      %dma_wait3A_84 = tpu.memref_squeeze %dma_wait3A_83 : memref<1x128xi32, #tpu.memory_space<vmem>> -> memref<128xi32, #tpu.memory_space<vmem>>
      %dma_wait3A_85 = arith.constant 0 : i32
      %dma_wait3A_86 = arith.constant 0 : i32
      %dma_wait3A_87 = tpu.memref_slice %arg9[%dma_wait3A_85, %dma_wait3A_86] : memref<10112x16xf32, #tpu.memory_space<vmem_shared>> -> memref<10112x16xf32, #tpu.memory_space<vmem_shared>>
      tpu.wait_indirect_dma semaphore(%arg10 : memref<!tpu.dma_semaphore, #tpu.memory_space<semaphore_mem>>) src(%arg8 : memref<128x16xf32, #tpu.memory_space<vmem>>) dst(%dma_wait3A_87 : memref<10112x16xf32, #tpu.memory_space<vmem_shared>>)
      %dma_wait3A_88 = arith.constant 0 : i32
      %dma_wait3A_89 = tpu.memref_slice %arg6[%add3A_64, %dma_wait3A_88] : memref<40x128xi32, #tpu.memory_space<vmem>> -> memref<1x128xi32, #tpu.memory_space<vmem>>
      %dma_wait3A_90 = tpu.memref_squeeze %dma_wait3A_89 : memref<1x128xi32, #tpu.memory_space<vmem>> -> memref<128xi32, #tpu.memory_space<vmem>>
      %dma_wait3A_91 = arith.constant 0 : i32
      %dma_wait3A_92 = arith.constant 0 : i32
      %dma_wait3A_93 = tpu.memref_slice %arg9[%dma_wait3A_91, %dma_wait3A_92] : memref<10112x16xf32, #tpu.memory_space<vmem_shared>> -> memref<10112x16xf32, #tpu.memory_space<vmem_shared>>
      tpu.wait_indirect_dma semaphore(%arg10 : memref<!tpu.dma_semaphore, #tpu.memory_space<semaphore_mem>>) src(%arg8 : memref<128x16xf32, #tpu.memory_space<vmem>>) dst(%dma_wait3A_93 : memref<10112x16xf32, #tpu.memory_space<vmem_shared>>)
      %scan3A_94 = arith.constant 0 : i32
      scf.yield %scan3A_94 : i32
    }
    %scan3A_24 = arith.constant 10 : i32
    %barrier3A_25 = arith.constant 0 : index
    tpu.barrier barrier_id(%barrier3A_25)
    %mul3A_26 = arith.constant 632 : i32
    %mul3A_27 = arith.muli %arg1, %mul3A_26 : i32
    %mul3A_28 = arith.constant 632 : i32
    %mul3A_29 = arith.muli %arg1, %mul3A_28 : i32
    "tpu.region"() ({
      %run_scoped3A = tpu.sem_alloc : memref<!tpu.dma_semaphore, #tpu.memory_space<semaphore_mem>>
      %dma_start3A = arith.constant 0 : i32
      %dma_start3A_30 = tpu.memref_slice %arg5[%arg0, %mul3A_29, %dma_start3A] : memref<2x10112x16xf32, #tpu.memory_space<hbm>> -> memref<1x632x16xf32, #tpu.memory_space<hbm>>
      %dma_start3A_31 = tpu.memref_squeeze %dma_start3A_30 : memref<1x632x16xf32, #tpu.memory_space<hbm>> -> memref<632x16xf32, #tpu.memory_space<hbm>>
      %dma_start3A_32 = arith.constant 0 : i32
      %dma_start3A_33 = tpu.memref_slice %arg9[%mul3A_27, %dma_start3A_32] : memref<10112x16xf32, #tpu.memory_space<vmem_shared>> -> memref<632x16xf32, #tpu.memory_space<vmem_shared>>
      tpu.enqueue_dma source(%dma_start3A_33 : memref<632x16xf32, #tpu.memory_space<vmem_shared>>) target(%dma_start3A_31 : memref<632x16xf32, #tpu.memory_space<hbm>>) target_semaphore(%run_scoped3A : memref<!tpu.dma_semaphore, #tpu.memory_space<semaphore_mem>>)
      %dma_wait3A = arith.constant 0 : i32
      %dma_wait3A_34 = tpu.memref_slice %arg5[%arg0, %mul3A_29, %dma_wait3A] : memref<2x10112x16xf32, #tpu.memory_space<hbm>> -> memref<1x632x16xf32, #tpu.memory_space<hbm>>
      %dma_wait3A_35 = tpu.memref_squeeze %dma_wait3A_34 : memref<1x632x16xf32, #tpu.memory_space<hbm>> -> memref<632x16xf32, #tpu.memory_space<hbm>>
      %dma_wait3A_36 = arith.constant 0 : i32
      %dma_wait3A_37 = tpu.memref_slice %arg9[%mul3A_27, %dma_wait3A_36] : memref<10112x16xf32, #tpu.memory_space<vmem_shared>> -> memref<632x16xf32, #tpu.memory_space<vmem_shared>>
      tpu.wait_dma2 semaphore(%run_scoped3A : memref<!tpu.dma_semaphore, #tpu.memory_space<semaphore_mem>>) src(%dma_wait3A_37 : memref<632x16xf32, #tpu.memory_space<vmem_shared>>) dst(%dma_wait3A_35 : memref<632x16xf32, #tpu.memory_space<hbm>>)
      tpu.yield
    }) : () -> ()
    return
  }
}

#map = affine_map<(d0, d1) -> (0, 0, 0)>
module attributes {stable_mosaic.version = 14 : i64} {
  func.func @body(%arg0: i32, %arg1: i32, %arg2: memref<16x80x128xi32, #tpu.memory_space<hbm>>, %arg3: memref<16x80x128xi32, #tpu.memory_space<hbm>>, %arg4: memref<2x10000x32xf32, #tpu.memory_space<hbm>>, %arg5: memref<2x10112x32xf32, #tpu.memory_space<hbm>>, %arg6: memref<80x128xi32, #tpu.memory_space<vmem>>, %arg7: memref<80x128xi32, #tpu.memory_space<vmem>>, %arg8: memref<8x128x32xf32, #tpu.memory_space<vmem>>, %arg9: memref<158x32xf32, #tpu.memory_space<vmem>>, %arg10: memref<10000x32xf32, #tpu.memory_space<vmem_shared>>, %arg11: memref<10112x32xf32, #tpu.memory_space<vmem_shared>>, %arg12: memref<!tpu.dma_semaphore, #tpu.memory_space<semaphore_mem>>, %arg13: memref<!tpu.dma_semaphore, #tpu.memory_space<semaphore_mem>>, %arg14: memref<!tpu.dma_semaphore, #tpu.memory_space<semaphore_mem>>) attributes {dimension_semantics = [#tpu.dimension_semantics<core_parallel>, #tpu.dimension_semantics<subcore_parallel>], iteration_bounds = array<i64: 2, 16>, scalar_prefetch = 0 : i64, scratch_operands = 9 : i64, tpu.core_type = #tpu.core_type<sc_vector_subcore>, window_params = [{transform_indices = #map}, {transform_indices = #map}, {transform_indices = #map}, {transform_indices = #map}]} {
    %mul3A = arith.constant 625 : i32
    %mul3A_0 = arith.muli %arg1, %mul3A : i32
    %mul3A_1 = arith.constant 625 : i32
    %mul3A_2 = arith.muli %arg1, %mul3A_1 : i32
    "tpu.region"() ({
      %run_scoped3A = tpu.sem_alloc : memref<!tpu.dma_semaphore, #tpu.memory_space<semaphore_mem>>
      %dma_start3A_90 = arith.constant 0 : i32
      %dma_start3A_91 = tpu.memref_slice %arg10[%mul3A_2, %dma_start3A_90] : memref<10000x32xf32, #tpu.memory_space<vmem_shared>> -> memref<625x32xf32, #tpu.memory_space<vmem_shared>>
      %dma_start3A_92 = arith.constant 0 : i32
      %dma_start3A_93 = tpu.memref_slice %arg4[%arg0, %mul3A_0, %dma_start3A_92] : memref<2x10000x32xf32, #tpu.memory_space<hbm>> -> memref<1x625x32xf32, #tpu.memory_space<hbm>>
      %dma_start3A_94 = tpu.memref_squeeze %dma_start3A_93 : memref<1x625x32xf32, #tpu.memory_space<hbm>> -> memref<625x32xf32, #tpu.memory_space<hbm>>
      tpu.enqueue_dma source(%dma_start3A_94 : memref<625x32xf32, #tpu.memory_space<hbm>>) target(%dma_start3A_91 : memref<625x32xf32, #tpu.memory_space<vmem_shared>>) target_semaphore(%run_scoped3A : memref<!tpu.dma_semaphore, #tpu.memory_space<semaphore_mem>>)
      %dma_wait3A = arith.constant 0 : i32
      %dma_wait3A_95 = tpu.memref_slice %arg10[%mul3A_2, %dma_wait3A] : memref<10000x32xf32, #tpu.memory_space<vmem_shared>> -> memref<625x32xf32, #tpu.memory_space<vmem_shared>>
      %dma_wait3A_96 = arith.constant 0 : i32
      %dma_wait3A_97 = tpu.memref_slice %arg4[%arg0, %mul3A_0, %dma_wait3A_96] : memref<2x10000x32xf32, #tpu.memory_space<hbm>> -> memref<1x625x32xf32, #tpu.memory_space<hbm>>
      %dma_wait3A_98 = tpu.memref_squeeze %dma_wait3A_97 : memref<1x625x32xf32, #tpu.memory_space<hbm>> -> memref<625x32xf32, #tpu.memory_space<hbm>>
      tpu.wait_dma2 semaphore(%run_scoped3A : memref<!tpu.dma_semaphore, #tpu.memory_space<semaphore_mem>>) src(%dma_wait3A_98 : memref<625x32xf32, #tpu.memory_space<hbm>>) dst(%dma_wait3A_95 : memref<625x32xf32, #tpu.memory_space<vmem_shared>>)
      tpu.yield
    }) : () -> ()
    "tpu.region"() ({
      %run_scoped3A = tpu.sem_alloc : memref<!tpu.dma_semaphore, #tpu.memory_space<semaphore_mem>>
      %dma_start3A_90 = arith.constant 0 : i32
      %dma_start3A_91 = arith.constant 0 : i32
      %dma_start3A_92 = tpu.memref_slice %arg2[%arg1, %dma_start3A_90, %dma_start3A_91] : memref<16x80x128xi32, #tpu.memory_space<hbm>> -> memref<1x80x128xi32, #tpu.memory_space<hbm>>
      %dma_start3A_93 = tpu.memref_squeeze %dma_start3A_92 : memref<1x80x128xi32, #tpu.memory_space<hbm>> -> memref<80x128xi32, #tpu.memory_space<hbm>>
      %dma_start3A_94 = arith.constant 0 : i32
      %dma_start3A_95 = arith.constant 0 : i32
      %dma_start3A_96 = tpu.memref_slice %arg2[%arg1, %dma_start3A_94, %dma_start3A_95] : memref<16x80x128xi32, #tpu.memory_space<hbm>> -> memref<1x80x128xi32, #tpu.memory_space<hbm>>
      %dma_start3A_97 = tpu.memref_squeeze %dma_start3A_96 : memref<1x80x128xi32, #tpu.memory_space<hbm>> -> memref<80x128xi32, #tpu.memory_space<hbm>>
      tpu.enqueue_dma source(%dma_start3A_97 : memref<80x128xi32, #tpu.memory_space<hbm>>) target(%arg6 : memref<80x128xi32, #tpu.memory_space<vmem>>) target_semaphore(%run_scoped3A : memref<!tpu.dma_semaphore, #tpu.memory_space<semaphore_mem>>)
      %dma_wait3A = arith.constant 0 : i32
      %dma_wait3A_98 = arith.constant 0 : i32
      %dma_wait3A_99 = tpu.memref_slice %arg2[%arg1, %dma_wait3A, %dma_wait3A_98] : memref<16x80x128xi32, #tpu.memory_space<hbm>> -> memref<1x80x128xi32, #tpu.memory_space<hbm>>
      %dma_wait3A_100 = tpu.memref_squeeze %dma_wait3A_99 : memref<1x80x128xi32, #tpu.memory_space<hbm>> -> memref<80x128xi32, #tpu.memory_space<hbm>>
      %dma_wait3A_101 = arith.constant 0 : i32
      %dma_wait3A_102 = arith.constant 0 : i32
      %dma_wait3A_103 = tpu.memref_slice %arg2[%arg1, %dma_wait3A_101, %dma_wait3A_102] : memref<16x80x128xi32, #tpu.memory_space<hbm>> -> memref<1x80x128xi32, #tpu.memory_space<hbm>>
      %dma_wait3A_104 = tpu.memref_squeeze %dma_wait3A_103 : memref<1x80x128xi32, #tpu.memory_space<hbm>> -> memref<80x128xi32, #tpu.memory_space<hbm>>
      tpu.wait_dma2 semaphore(%run_scoped3A : memref<!tpu.dma_semaphore, #tpu.memory_space<semaphore_mem>>) src(%dma_wait3A_104 : memref<80x128xi32, #tpu.memory_space<hbm>>) dst(%arg6 : memref<80x128xi32, #tpu.memory_space<vmem>>)
      tpu.yield
    }) : () -> ()
    "tpu.region"() ({
      %run_scoped3A = tpu.sem_alloc : memref<!tpu.dma_semaphore, #tpu.memory_space<semaphore_mem>>
      %dma_start3A_90 = arith.constant 0 : i32
      %dma_start3A_91 = arith.constant 0 : i32
      %dma_start3A_92 = tpu.memref_slice %arg3[%arg1, %dma_start3A_90, %dma_start3A_91] : memref<16x80x128xi32, #tpu.memory_space<hbm>> -> memref<1x80x128xi32, #tpu.memory_space<hbm>>
      %dma_start3A_93 = tpu.memref_squeeze %dma_start3A_92 : memref<1x80x128xi32, #tpu.memory_space<hbm>> -> memref<80x128xi32, #tpu.memory_space<hbm>>
      %dma_start3A_94 = arith.constant 0 : i32
      %dma_start3A_95 = arith.constant 0 : i32
      %dma_start3A_96 = tpu.memref_slice %arg3[%arg1, %dma_start3A_94, %dma_start3A_95] : memref<16x80x128xi32, #tpu.memory_space<hbm>> -> memref<1x80x128xi32, #tpu.memory_space<hbm>>
      %dma_start3A_97 = tpu.memref_squeeze %dma_start3A_96 : memref<1x80x128xi32, #tpu.memory_space<hbm>> -> memref<80x128xi32, #tpu.memory_space<hbm>>
      tpu.enqueue_dma source(%dma_start3A_97 : memref<80x128xi32, #tpu.memory_space<hbm>>) target(%arg7 : memref<80x128xi32, #tpu.memory_space<vmem>>) target_semaphore(%run_scoped3A : memref<!tpu.dma_semaphore, #tpu.memory_space<semaphore_mem>>)
      %dma_wait3A = arith.constant 0 : i32
      %dma_wait3A_98 = arith.constant 0 : i32
      %dma_wait3A_99 = tpu.memref_slice %arg3[%arg1, %dma_wait3A, %dma_wait3A_98] : memref<16x80x128xi32, #tpu.memory_space<hbm>> -> memref<1x80x128xi32, #tpu.memory_space<hbm>>
      %dma_wait3A_100 = tpu.memref_squeeze %dma_wait3A_99 : memref<1x80x128xi32, #tpu.memory_space<hbm>> -> memref<80x128xi32, #tpu.memory_space<hbm>>
      %dma_wait3A_101 = arith.constant 0 : i32
      %dma_wait3A_102 = arith.constant 0 : i32
      %dma_wait3A_103 = tpu.memref_slice %arg3[%arg1, %dma_wait3A_101, %dma_wait3A_102] : memref<16x80x128xi32, #tpu.memory_space<hbm>> -> memref<1x80x128xi32, #tpu.memory_space<hbm>>
      %dma_wait3A_104 = tpu.memref_squeeze %dma_wait3A_103 : memref<1x80x128xi32, #tpu.memory_space<hbm>> -> memref<80x128xi32, #tpu.memory_space<hbm>>
      tpu.wait_dma2 semaphore(%run_scoped3A : memref<!tpu.dma_semaphore, #tpu.memory_space<semaphore_mem>>) src(%dma_wait3A_104 : memref<80x128xi32, #tpu.memory_space<hbm>>) dst(%arg7 : memref<80x128xi32, #tpu.memory_space<vmem>>)
      tpu.yield
    }) : () -> ()
    %scan3A = arith.constant 0 : i32
    %scan3A_3 = arith.constant 0 : i32
    %scan3A_4 = arith.constant 80 : i32
    %scan3A_5 = arith.addi %scan3A_3, %scan3A_4 : i32
    %scan3A_6 = arith.constant 1 : i32
    %scan3A_7 = scf.for %scan3A_90 = %scan3A_3 to %scan3A_5 step %scan3A_6 iter_args(%scan3A_91 = %scan3A) -> (i32)  : i32 {
      %get3A = arith.index_cast %scan3A_90 : i32 to index
      %get3A_92 = arith.constant 0 : index
      %get3A_93 = tpu.vector_load %arg6[%get3A, %get3A_92] {strides = array<i32>} : memref<80x128xi32, #tpu.memory_space<vmem>>, vector<1x16xi32>,
      %get3A_94 = vector.shape_cast %get3A_93 : vector<1x16xi32> to vector<16xi32>
      %get3A_95 = arith.index_cast %scan3A_90 : i32 to index
      %get3A_96 = arith.constant 0 : index
      %get3A_97 = tpu.vector_load %arg7[%get3A_95, %get3A_96] {strides = array<i32>} : memref<80x128xi32, #tpu.memory_space<vmem>>, vector<1x16xi32>,
      %get3A_98 = vector.shape_cast %get3A_97 : vector<1x16xi32> to vector<16xi32>
      %eq3A = arith.cmpi eq, %get3A_94, %get3A_98 : vector<16xi32>
      %jit3A = arith.constant 10000 : i32
      %broadcast_in_dim3A = vector.broadcast %jit3A : i32 to vector<16xi32>
      %select_n3A = arith.select %eq3A, %broadcast_in_dim3A, %get3A_98 : vector<16xi1>, vector<16xi32>
      %swap3A = arith.index_cast %scan3A_90 : i32 to index
      %swap3A_99 = arith.constant 0 : index
      %swap3A_100 = tpu.vector_load %arg7[%swap3A, %swap3A_99] {strides = array<i32>} : memref<80x128xi32, #tpu.memory_space<vmem>>, vector<1x16xi32>,
      %swap3A_101 = vector.shape_cast %swap3A_100 : vector<1x16xi32> to vector<16xi32>
      %swap3A_102 = vector.shape_cast %select_n3A : vector<16xi32> to vector<1x16xi32>
      tpu.vector_store %arg7[%swap3A, %swap3A_99], %swap3A_102 {strides = array<i32>} : memref<80x128xi32, #tpu.memory_space<vmem>>, vector<1x16xi32>,
      %get3A_103 = arith.index_cast %scan3A_90 : i32 to index
      %get3A_104 = arith.constant 16 : index
      %get3A_105 = tpu.vector_load %arg6[%get3A_103, %get3A_104] {strides = array<i32>} : memref<80x128xi32, #tpu.memory_space<vmem>>, vector<1x16xi32>,
      %get3A_106 = vector.shape_cast %get3A_105 : vector<1x16xi32> to vector<16xi32>
      %get3A_107 = arith.index_cast %scan3A_90 : i32 to index
      %get3A_108 = arith.constant 16 : index
      %get3A_109 = tpu.vector_load %arg7[%get3A_107, %get3A_108] {strides = array<i32>} : memref<80x128xi32, #tpu.memory_space<vmem>>, vector<1x16xi32>,
      %get3A_110 = vector.shape_cast %get3A_109 : vector<1x16xi32> to vector<16xi32>
      %eq3A_111 = arith.cmpi eq, %get3A_106, %get3A_110 : vector<16xi32>
      %jit3A_112 = arith.constant 10000 : i32
      %broadcast_in_dim3A_113 = vector.broadcast %jit3A_112 : i32 to vector<16xi32>
      %select_n3A_114 = arith.select %eq3A_111, %broadcast_in_dim3A_113, %get3A_110 : vector<16xi1>, vector<16xi32>
      %swap3A_115 = arith.index_cast %scan3A_90 : i32 to index
      %swap3A_116 = arith.constant 16 : index
      %swap3A_117 = tpu.vector_load %arg7[%swap3A_115, %swap3A_116] {strides = array<i32>} : memref<80x128xi32, #tpu.memory_space<vmem>>, vector<1x16xi32>,
      %swap3A_118 = vector.shape_cast %swap3A_117 : vector<1x16xi32> to vector<16xi32>
      %swap3A_119 = vector.shape_cast %select_n3A_114 : vector<16xi32> to vector<1x16xi32>
      tpu.vector_store %arg7[%swap3A_115, %swap3A_116], %swap3A_119 {strides = array<i32>} : memref<80x128xi32, #tpu.memory_space<vmem>>, vector<1x16xi32>,
      %get3A_120 = arith.index_cast %scan3A_90 : i32 to index
      %get3A_121 = arith.constant 32 : index
      %get3A_122 = tpu.vector_load %arg6[%get3A_120, %get3A_121] {strides = array<i32>} : memref<80x128xi32, #tpu.memory_space<vmem>>, vector<1x16xi32>,
      %get3A_123 = vector.shape_cast %get3A_122 : vector<1x16xi32> to vector<16xi32>
      %get3A_124 = arith.index_cast %scan3A_90 : i32 to index
      %get3A_125 = arith.constant 32 : index
      %get3A_126 = tpu.vector_load %arg7[%get3A_124, %get3A_125] {strides = array<i32>} : memref<80x128xi32, #tpu.memory_space<vmem>>, vector<1x16xi32>,
      %get3A_127 = vector.shape_cast %get3A_126 : vector<1x16xi32> to vector<16xi32>
      %eq3A_128 = arith.cmpi eq, %get3A_123, %get3A_127 : vector<16xi32>
      %jit3A_129 = arith.constant 10000 : i32
      %broadcast_in_dim3A_130 = vector.broadcast %jit3A_129 : i32 to vector<16xi32>
      %select_n3A_131 = arith.select %eq3A_128, %broadcast_in_dim3A_130, %get3A_127 : vector<16xi1>, vector<16xi32>
      %swap3A_132 = arith.index_cast %scan3A_90 : i32 to index
      %swap3A_133 = arith.constant 32 : index
      %swap3A_134 = tpu.vector_load %arg7[%swap3A_132, %swap3A_133] {strides = array<i32>} : memref<80x128xi32, #tpu.memory_space<vmem>>, vector<1x16xi32>,
      %swap3A_135 = vector.shape_cast %swap3A_134 : vector<1x16xi32> to vector<16xi32>
      %swap3A_136 = vector.shape_cast %select_n3A_131 : vector<16xi32> to vector<1x16xi32>
      tpu.vector_store %arg7[%swap3A_132, %swap3A_133], %swap3A_136 {strides = array<i32>} : memref<80x128xi32, #tpu.memory_space<vmem>>, vector<1x16xi32>,
      %get3A_137 = arith.index_cast %scan3A_90 : i32 to index
      %get3A_138 = arith.constant 48 : index
      %get3A_139 = tpu.vector_load %arg6[%get3A_137, %get3A_138] {strides = array<i32>} : memref<80x128xi32, #tpu.memory_space<vmem>>, vector<1x16xi32>,
      %get3A_140 = vector.shape_cast %get3A_139 : vector<1x16xi32> to vector<16xi32>
      %get3A_141 = arith.index_cast %scan3A_90 : i32 to index
      %get3A_142 = arith.constant 48 : index
      %get3A_143 = tpu.vector_load %arg7[%get3A_141, %get3A_142] {strides = array<i32>} : memref<80x128xi32, #tpu.memory_space<vmem>>, vector<1x16xi32>,
      %get3A_144 = vector.shape_cast %get3A_143 : vector<1x16xi32> to vector<16xi32>
      %eq3A_145 = arith.cmpi eq, %get3A_140, %get3A_144 : vector<16xi32>
      %jit3A_146 = arith.constant 10000 : i32
      %broadcast_in_dim3A_147 = vector.broadcast %jit3A_146 : i32 to vector<16xi32>
      %select_n3A_148 = arith.select %eq3A_145, %broadcast_in_dim3A_147, %get3A_144 : vector<16xi1>, vector<16xi32>
      %swap3A_149 = arith.index_cast %scan3A_90 : i32 to index
      %swap3A_150 = arith.constant 48 : index
      %swap3A_151 = tpu.vector_load %arg7[%swap3A_149, %swap3A_150] {strides = array<i32>} : memref<80x128xi32, #tpu.memory_space<vmem>>, vector<1x16xi32>,
      %swap3A_152 = vector.shape_cast %swap3A_151 : vector<1x16xi32> to vector<16xi32>
      %swap3A_153 = vector.shape_cast %select_n3A_148 : vector<16xi32> to vector<1x16xi32>
      tpu.vector_store %arg7[%swap3A_149, %swap3A_150], %swap3A_153 {strides = array<i32>} : memref<80x128xi32, #tpu.memory_space<vmem>>, vector<1x16xi32>,
      %get3A_154 = arith.index_cast %scan3A_90 : i32 to index
      %get3A_155 = arith.constant 64 : index
      %get3A_156 = tpu.vector_load %arg6[%get3A_154, %get3A_155] {strides = array<i32>} : memref<80x128xi32, #tpu.memory_space<vmem>>, vector<1x16xi32>,
      %get3A_157 = vector.shape_cast %get3A_156 : vector<1x16xi32> to vector<16xi32>
      %get3A_158 = arith.index_cast %scan3A_90 : i32 to index
      %get3A_159 = arith.constant 64 : index
      %get3A_160 = tpu.vector_load %arg7[%get3A_158, %get3A_159] {strides = array<i32>} : memref<80x128xi32, #tpu.memory_space<vmem>>, vector<1x16xi32>,
      %get3A_161 = vector.shape_cast %get3A_160 : vector<1x16xi32> to vector<16xi32>
      %eq3A_162 = arith.cmpi eq, %get3A_157, %get3A_161 : vector<16xi32>
      %jit3A_163 = arith.constant 10000 : i32
      %broadcast_in_dim3A_164 = vector.broadcast %jit3A_163 : i32 to vector<16xi32>
      %select_n3A_165 = arith.select %eq3A_162, %broadcast_in_dim3A_164, %get3A_161 : vector<16xi1>, vector<16xi32>
      %swap3A_166 = arith.index_cast %scan3A_90 : i32 to index
      %swap3A_167 = arith.constant 64 : index
      %swap3A_168 = tpu.vector_load %arg7[%swap3A_166, %swap3A_167] {strides = array<i32>} : memref<80x128xi32, #tpu.memory_space<vmem>>, vector<1x16xi32>,
      %swap3A_169 = vector.shape_cast %swap3A_168 : vector<1x16xi32> to vector<16xi32>
      %swap3A_170 = vector.shape_cast %select_n3A_165 : vector<16xi32> to vector<1x16xi32>
      tpu.vector_store %arg7[%swap3A_166, %swap3A_167], %swap3A_170 {strides = array<i32>} : memref<80x128xi32, #tpu.memory_space<vmem>>, vector<1x16xi32>,
      %get3A_171 = arith.index_cast %scan3A_90 : i32 to index
      %get3A_172 = arith.constant 80 : index
      %get3A_173 = tpu.vector_load %arg6[%get3A_171, %get3A_172] {strides = array<i32>} : memref<80x128xi32, #tpu.memory_space<vmem>>, vector<1x16xi32>,
      %get3A_174 = vector.shape_cast %get3A_173 : vector<1x16xi32> to vector<16xi32>
      %get3A_175 = arith.index_cast %scan3A_90 : i32 to index
      %get3A_176 = arith.constant 80 : index
      %get3A_177 = tpu.vector_load %arg7[%get3A_175, %get3A_176] {strides = array<i32>} : memref<80x128xi32, #tpu.memory_space<vmem>>, vector<1x16xi32>,
      %get3A_178 = vector.shape_cast %get3A_177 : vector<1x16xi32> to vector<16xi32>
      %eq3A_179 = arith.cmpi eq, %get3A_174, %get3A_178 : vector<16xi32>
      %jit3A_180 = arith.constant 10000 : i32
      %broadcast_in_dim3A_181 = vector.broadcast %jit3A_180 : i32 to vector<16xi32>
      %select_n3A_182 = arith.select %eq3A_179, %broadcast_in_dim3A_181, %get3A_178 : vector<16xi1>, vector<16xi32>
      %swap3A_183 = arith.index_cast %scan3A_90 : i32 to index
      %swap3A_184 = arith.constant 80 : index
      %swap3A_185 = tpu.vector_load %arg7[%swap3A_183, %swap3A_184] {strides = array<i32>} : memref<80x128xi32, #tpu.memory_space<vmem>>, vector<1x16xi32>,
      %swap3A_186 = vector.shape_cast %swap3A_185 : vector<1x16xi32> to vector<16xi32>
      %swap3A_187 = vector.shape_cast %select_n3A_182 : vector<16xi32> to vector<1x16xi32>
      tpu.vector_store %arg7[%swap3A_183, %swap3A_184], %swap3A_187 {strides = array<i32>} : memref<80x128xi32, #tpu.memory_space<vmem>>, vector<1x16xi32>,
      %get3A_188 = arith.index_cast %scan3A_90 : i32 to index
      %get3A_189 = arith.constant 96 : index
      %get3A_190 = tpu.vector_load %arg6[%get3A_188, %get3A_189] {strides = array<i32>} : memref<80x128xi32, #tpu.memory_space<vmem>>, vector<1x16xi32>,
      %get3A_191 = vector.shape_cast %get3A_190 : vector<1x16xi32> to vector<16xi32>
      %get3A_192 = arith.index_cast %scan3A_90 : i32 to index
      %get3A_193 = arith.constant 96 : index
      %get3A_194 = tpu.vector_load %arg7[%get3A_192, %get3A_193] {strides = array<i32>} : memref<80x128xi32, #tpu.memory_space<vmem>>, vector<1x16xi32>,
      %get3A_195 = vector.shape_cast %get3A_194 : vector<1x16xi32> to vector<16xi32>
      %eq3A_196 = arith.cmpi eq, %get3A_191, %get3A_195 : vector<16xi32>
      %jit3A_197 = arith.constant 10000 : i32
      %broadcast_in_dim3A_198 = vector.broadcast %jit3A_197 : i32 to vector<16xi32>
      %select_n3A_199 = arith.select %eq3A_196, %broadcast_in_dim3A_198, %get3A_195 : vector<16xi1>, vector<16xi32>
      %swap3A_200 = arith.index_cast %scan3A_90 : i32 to index
      %swap3A_201 = arith.constant 96 : index
      %swap3A_202 = tpu.vector_load %arg7[%swap3A_200, %swap3A_201] {strides = array<i32>} : memref<80x128xi32, #tpu.memory_space<vmem>>, vector<1x16xi32>,
      %swap3A_203 = vector.shape_cast %swap3A_202 : vector<1x16xi32> to vector<16xi32>
      %swap3A_204 = vector.shape_cast %select_n3A_199 : vector<16xi32> to vector<1x16xi32>
      tpu.vector_store %arg7[%swap3A_200, %swap3A_201], %swap3A_204 {strides = array<i32>} : memref<80x128xi32, #tpu.memory_space<vmem>>, vector<1x16xi32>,
      %get3A_205 = arith.index_cast %scan3A_90 : i32 to index
      %get3A_206 = arith.constant 112 : index
      %get3A_207 = tpu.vector_load %arg6[%get3A_205, %get3A_206] {strides = array<i32>} : memref<80x128xi32, #tpu.memory_space<vmem>>, vector<1x16xi32>,
      %get3A_208 = vector.shape_cast %get3A_207 : vector<1x16xi32> to vector<16xi32>
      %get3A_209 = arith.index_cast %scan3A_90 : i32 to index
      %get3A_210 = arith.constant 112 : index
      %get3A_211 = tpu.vector_load %arg7[%get3A_209, %get3A_210] {strides = array<i32>} : memref<80x128xi32, #tpu.memory_space<vmem>>, vector<1x16xi32>,
      %get3A_212 = vector.shape_cast %get3A_211 : vector<1x16xi32> to vector<16xi32>
      %eq3A_213 = arith.cmpi eq, %get3A_208, %get3A_212 : vector<16xi32>
      %jit3A_214 = arith.constant 10000 : i32
      %broadcast_in_dim3A_215 = vector.broadcast %jit3A_214 : i32 to vector<16xi32>
      %select_n3A_216 = arith.select %eq3A_213, %broadcast_in_dim3A_215, %get3A_212 : vector<16xi1>, vector<16xi32>
      %swap3A_217 = arith.index_cast %scan3A_90 : i32 to index
      %swap3A_218 = arith.constant 112 : index
      %swap3A_219 = tpu.vector_load %arg7[%swap3A_217, %swap3A_218] {strides = array<i32>} : memref<80x128xi32, #tpu.memory_space<vmem>>, vector<1x16xi32>,
      %swap3A_220 = vector.shape_cast %swap3A_219 : vector<1x16xi32> to vector<16xi32>
      %swap3A_221 = vector.shape_cast %select_n3A_216 : vector<16xi32> to vector<1x16xi32>
      tpu.vector_store %arg7[%swap3A_217, %swap3A_218], %swap3A_221 {strides = array<i32>} : memref<80x128xi32, #tpu.memory_space<vmem>>, vector<1x16xi32>,
      %scan3A_222 = arith.constant 0 : i32
      scf.yield %scan3A_222 : i32
    }
    %scan3A_8 = arith.constant 80 : i32
    %scan3A_9 = arith.constant 0 : i32
    %scan3A_10 = arith.constant 0 : i32
    %scan3A_11 = arith.constant 158 : i32
    %scan3A_12 = arith.addi %scan3A_10, %scan3A_11 : i32
    %scan3A_13 = arith.constant 1 : i32
    %scan3A_14 = scf.for %scan3A_90 = %scan3A_10 to %scan3A_12 step %scan3A_13 iter_args(%scan3A_91 = %scan3A_9) -> (i32)  : i32 {
      %broadcast_in_dim3A = arith.constant 0.000000e+00 : f32
      %broadcast_in_dim3A_92 = vector.broadcast %broadcast_in_dim3A : f32 to vector<16xf32>
      %swap3A = arith.index_cast %scan3A_90 : i32 to index
      %swap3A_93 = arith.constant 0 : index
      %swap3A_94 = tpu.vector_load %arg9[%swap3A, %swap3A_93] {strides = array<i32>} : memref<158x32xf32, #tpu.memory_space<vmem>>, vector<1x16xf32>,
      %swap3A_95 = vector.shape_cast %swap3A_94 : vector<1x16xf32> to vector<16xf32>
      %swap3A_96 = vector.shape_cast %broadcast_in_dim3A_92 : vector<16xf32> to vector<1x16xf32>
      tpu.vector_store %arg9[%swap3A, %swap3A_93], %swap3A_96 {strides = array<i32>} : memref<158x32xf32, #tpu.memory_space<vmem>>, vector<1x16xf32>,
      %broadcast_in_dim3A_97 = arith.constant 0.000000e+00 : f32
      %broadcast_in_dim3A_98 = vector.broadcast %broadcast_in_dim3A_97 : f32 to vector<16xf32>
      %swap3A_99 = arith.index_cast %scan3A_90 : i32 to index
      %swap3A_100 = arith.constant 16 : index
      %swap3A_101 = tpu.vector_load %arg9[%swap3A_99, %swap3A_100] {strides = array<i32>} : memref<158x32xf32, #tpu.memory_space<vmem>>, vector<1x16xf32>,
      %swap3A_102 = vector.shape_cast %swap3A_101 : vector<1x16xf32> to vector<16xf32>
      %swap3A_103 = vector.shape_cast %broadcast_in_dim3A_98 : vector<16xf32> to vector<1x16xf32>
      tpu.vector_store %arg9[%swap3A_99, %swap3A_100], %swap3A_103 {strides = array<i32>} : memref<158x32xf32, #tpu.memory_space<vmem>>, vector<1x16xf32>,
      %scan3A_104 = arith.constant 0 : i32
      scf.yield %scan3A_104 : i32
    }
    %scan3A_15 = arith.constant 158 : i32
    %mul3A_16 = arith.constant 632 : i32
    %mul3A_17 = arith.muli %arg1, %mul3A_16 : i32
    %add3A = arith.constant 0 : i32
    %add3A_18 = arith.addi %mul3A_17, %add3A : i32
    "tpu.region"() ({
      %run_scoped3A = tpu.sem_alloc : memref<!tpu.dma_semaphore, #tpu.memory_space<semaphore_mem>>
      %dma_start3A_90 = arith.constant 0 : i32
      %dma_start3A_91 = tpu.memref_slice %arg11[%add3A_18, %dma_start3A_90] : memref<10112x32xf32, #tpu.memory_space<vmem_shared>> -> memref<158x32xf32, #tpu.memory_space<vmem_shared>>
      %dma_start3A_92 = arith.constant 0 : i32
      %dma_start3A_93 = tpu.memref_slice %arg11[%add3A_18, %dma_start3A_92] : memref<10112x32xf32, #tpu.memory_space<vmem_shared>> -> memref<158x32xf32, #tpu.memory_space<vmem_shared>>
      tpu.enqueue_dma source(%arg9 : memref<158x32xf32, #tpu.memory_space<vmem>>) target(%dma_start3A_93 : memref<158x32xf32, #tpu.memory_space<vmem_shared>>) target_semaphore(%run_scoped3A : memref<!tpu.dma_semaphore, #tpu.memory_space<semaphore_mem>>)
      %dma_wait3A = arith.constant 0 : i32
      %dma_wait3A_94 = tpu.memref_slice %arg11[%add3A_18, %dma_wait3A] : memref<10112x32xf32, #tpu.memory_space<vmem_shared>> -> memref<158x32xf32, #tpu.memory_space<vmem_shared>>
      %dma_wait3A_95 = arith.constant 0 : i32
      %dma_wait3A_96 = tpu.memref_slice %arg11[%add3A_18, %dma_wait3A_95] : memref<10112x32xf32, #tpu.memory_space<vmem_shared>> -> memref<158x32xf32, #tpu.memory_space<vmem_shared>>
      tpu.wait_dma2 semaphore(%run_scoped3A : memref<!tpu.dma_semaphore, #tpu.memory_space<semaphore_mem>>) src(%arg9 : memref<158x32xf32, #tpu.memory_space<vmem>>) dst(%dma_wait3A_96 : memref<158x32xf32, #tpu.memory_space<vmem_shared>>)
      tpu.yield
    }) : () -> ()
    %mul3A_19 = arith.constant 632 : i32
    %mul3A_20 = arith.muli %arg1, %mul3A_19 : i32
    %add3A_21 = arith.constant 158 : i32
    %add3A_22 = arith.addi %mul3A_20, %add3A_21 : i32
    "tpu.region"() ({
      %run_scoped3A = tpu.sem_alloc : memref<!tpu.dma_semaphore, #tpu.memory_space<semaphore_mem>>
      %dma_start3A_90 = arith.constant 0 : i32
      %dma_start3A_91 = tpu.memref_slice %arg11[%add3A_22, %dma_start3A_90] : memref<10112x32xf32, #tpu.memory_space<vmem_shared>> -> memref<158x32xf32, #tpu.memory_space<vmem_shared>>
      %dma_start3A_92 = arith.constant 0 : i32
      %dma_start3A_93 = tpu.memref_slice %arg11[%add3A_22, %dma_start3A_92] : memref<10112x32xf32, #tpu.memory_space<vmem_shared>> -> memref<158x32xf32, #tpu.memory_space<vmem_shared>>
      tpu.enqueue_dma source(%arg9 : memref<158x32xf32, #tpu.memory_space<vmem>>) target(%dma_start3A_93 : memref<158x32xf32, #tpu.memory_space<vmem_shared>>) target_semaphore(%run_scoped3A : memref<!tpu.dma_semaphore, #tpu.memory_space<semaphore_mem>>)
      %dma_wait3A = arith.constant 0 : i32
      %dma_wait3A_94 = tpu.memref_slice %arg11[%add3A_22, %dma_wait3A] : memref<10112x32xf32, #tpu.memory_space<vmem_shared>> -> memref<158x32xf32, #tpu.memory_space<vmem_shared>>
      %dma_wait3A_95 = arith.constant 0 : i32
      %dma_wait3A_96 = tpu.memref_slice %arg11[%add3A_22, %dma_wait3A_95] : memref<10112x32xf32, #tpu.memory_space<vmem_shared>> -> memref<158x32xf32, #tpu.memory_space<vmem_shared>>
      tpu.wait_dma2 semaphore(%run_scoped3A : memref<!tpu.dma_semaphore, #tpu.memory_space<semaphore_mem>>) src(%arg9 : memref<158x32xf32, #tpu.memory_space<vmem>>) dst(%dma_wait3A_96 : memref<158x32xf32, #tpu.memory_space<vmem_shared>>)
      tpu.yield
    }) : () -> ()
    %mul3A_23 = arith.constant 632 : i32
    %mul3A_24 = arith.muli %arg1, %mul3A_23 : i32
    %add3A_25 = arith.constant 316 : i32
    %add3A_26 = arith.addi %mul3A_24, %add3A_25 : i32
    "tpu.region"() ({
      %run_scoped3A = tpu.sem_alloc : memref<!tpu.dma_semaphore, #tpu.memory_space<semaphore_mem>>
      %dma_start3A_90 = arith.constant 0 : i32
      %dma_start3A_91 = tpu.memref_slice %arg11[%add3A_26, %dma_start3A_90] : memref<10112x32xf32, #tpu.memory_space<vmem_shared>> -> memref<158x32xf32, #tpu.memory_space<vmem_shared>>
      %dma_start3A_92 = arith.constant 0 : i32
      %dma_start3A_93 = tpu.memref_slice %arg11[%add3A_26, %dma_start3A_92] : memref<10112x32xf32, #tpu.memory_space<vmem_shared>> -> memref<158x32xf32, #tpu.memory_space<vmem_shared>>
      tpu.enqueue_dma source(%arg9 : memref<158x32xf32, #tpu.memory_space<vmem>>) target(%dma_start3A_93 : memref<158x32xf32, #tpu.memory_space<vmem_shared>>) target_semaphore(%run_scoped3A : memref<!tpu.dma_semaphore, #tpu.memory_space<semaphore_mem>>)
      %dma_wait3A = arith.constant 0 : i32
      %dma_wait3A_94 = tpu.memref_slice %arg11[%add3A_26, %dma_wait3A] : memref<10112x32xf32, #tpu.memory_space<vmem_shared>> -> memref<158x32xf32, #tpu.memory_space<vmem_shared>>
      %dma_wait3A_95 = arith.constant 0 : i32
      %dma_wait3A_96 = tpu.memref_slice %arg11[%add3A_26, %dma_wait3A_95] : memref<10112x32xf32, #tpu.memory_space<vmem_shared>> -> memref<158x32xf32, #tpu.memory_space<vmem_shared>>
      tpu.wait_dma2 semaphore(%run_scoped3A : memref<!tpu.dma_semaphore, #tpu.memory_space<semaphore_mem>>) src(%arg9 : memref<158x32xf32, #tpu.memory_space<vmem>>) dst(%dma_wait3A_96 : memref<158x32xf32, #tpu.memory_space<vmem_shared>>)
      tpu.yield
    }) : () -> ()
    %mul3A_27 = arith.constant 632 : i32
    %mul3A_28 = arith.muli %arg1, %mul3A_27 : i32
    %add3A_29 = arith.constant 474 : i32
    %add3A_30 = arith.addi %mul3A_28, %add3A_29 : i32
    "tpu.region"() ({
      %run_scoped3A = tpu.sem_alloc : memref<!tpu.dma_semaphore, #tpu.memory_space<semaphore_mem>>
      %dma_start3A_90 = arith.constant 0 : i32
      %dma_start3A_91 = tpu.memref_slice %arg11[%add3A_30, %dma_start3A_90] : memref<10112x32xf32, #tpu.memory_space<vmem_shared>> -> memref<158x32xf32, #tpu.memory_space<vmem_shared>>
      %dma_start3A_92 = arith.constant 0 : i32
      %dma_start3A_93 = tpu.memref_slice %arg11[%add3A_30, %dma_start3A_92] : memref<10112x32xf32, #tpu.memory_space<vmem_shared>> -> memref<158x32xf32, #tpu.memory_space<vmem_shared>>
      tpu.enqueue_dma source(%arg9 : memref<158x32xf32, #tpu.memory_space<vmem>>) target(%dma_start3A_93 : memref<158x32xf32, #tpu.memory_space<vmem_shared>>) target_semaphore(%run_scoped3A : memref<!tpu.dma_semaphore, #tpu.memory_space<semaphore_mem>>)
      %dma_wait3A = arith.constant 0 : i32
      %dma_wait3A_94 = tpu.memref_slice %arg11[%add3A_30, %dma_wait3A] : memref<10112x32xf32, #tpu.memory_space<vmem_shared>> -> memref<158x32xf32, #tpu.memory_space<vmem_shared>>
      %dma_wait3A_95 = arith.constant 0 : i32
      %dma_wait3A_96 = tpu.memref_slice %arg11[%add3A_30, %dma_wait3A_95] : memref<10112x32xf32, #tpu.memory_space<vmem_shared>> -> memref<158x32xf32, #tpu.memory_space<vmem_shared>>
      tpu.wait_dma2 semaphore(%run_scoped3A : memref<!tpu.dma_semaphore, #tpu.memory_space<semaphore_mem>>) src(%arg9 : memref<158x32xf32, #tpu.memory_space<vmem>>) dst(%dma_wait3A_96 : memref<158x32xf32, #tpu.memory_space<vmem_shared>>)
      tpu.yield
    }) : () -> ()
    %barrier3A = arith.constant 0 : index
    tpu.barrier barrier_id(%barrier3A)
    %dma_start3A = arith.constant 0 : i32
    %dma_start3A_31 = arith.constant 0 : i32
    %dma_start3A_32 = arith.constant 0 : i32
    %dma_start3A_33 = arith.constant 0 : i32
    %dma_start3A_34 = tpu.memref_slice %arg8[%dma_start3A_31, %dma_start3A_32, %dma_start3A_33] : memref<8x128x32xf32, #tpu.memory_space<vmem>> -> memref<1x128x32xf32, #tpu.memory_space<vmem>>
    %dma_start3A_35 = tpu.memref_squeeze %dma_start3A_34 : memref<1x128x32xf32, #tpu.memory_space<vmem>> -> memref<128x32xf32, #tpu.memory_space<vmem>>
    %dma_start3A_36 = arith.constant 0 : i32
    %dma_start3A_37 = tpu.memref_slice %arg6[%dma_start3A, %dma_start3A_36] : memref<80x128xi32, #tpu.memory_space<vmem>> -> memref<1x128xi32, #tpu.memory_space<vmem>>
    %dma_start3A_38 = tpu.memref_squeeze %dma_start3A_37 : memref<1x128xi32, #tpu.memory_space<vmem>> -> memref<128xi32, #tpu.memory_space<vmem>>
    %dma_start3A_39 = arith.constant 0 : i32
    %dma_start3A_40 = arith.constant 0 : i32
    %dma_start3A_41 = tpu.memref_slice %arg10[%dma_start3A_39, %dma_start3A_40] : memref<10000x32xf32, #tpu.memory_space<vmem_shared>> -> memref<10000x32xf32, #tpu.memory_space<vmem_shared>>
    tpu.enqueue_indirect_dma source(%dma_start3A_41 : memref<10000x32xf32, #tpu.memory_space<vmem_shared>>) target(%dma_start3A_35 : memref<128x32xf32, #tpu.memory_space<vmem>>) offsets(%dma_start3A_38 : memref<128xi32, #tpu.memory_space<vmem>>) semaphore(%arg12 : memref<!tpu.dma_semaphore, #tpu.memory_space<semaphore_mem>>)
    %dma_start3A_42 = arith.constant 1 : i32
    %dma_start3A_43 = arith.constant 1 : i32
    %dma_start3A_44 = arith.constant 0 : i32
    %dma_start3A_45 = arith.constant 0 : i32
    %dma_start3A_46 = tpu.memref_slice %arg8[%dma_start3A_43, %dma_start3A_44, %dma_start3A_45] : memref<8x128x32xf32, #tpu.memory_space<vmem>> -> memref<1x128x32xf32, #tpu.memory_space<vmem>>
    %dma_start3A_47 = tpu.memref_squeeze %dma_start3A_46 : memref<1x128x32xf32, #tpu.memory_space<vmem>> -> memref<128x32xf32, #tpu.memory_space<vmem>>
    %dma_start3A_48 = arith.constant 0 : i32
    %dma_start3A_49 = tpu.memref_slice %arg6[%dma_start3A_42, %dma_start3A_48] : memref<80x128xi32, #tpu.memory_space<vmem>> -> memref<1x128xi32, #tpu.memory_space<vmem>>
    %dma_start3A_50 = tpu.memref_squeeze %dma_start3A_49 : memref<1x128xi32, #tpu.memory_space<vmem>> -> memref<128xi32, #tpu.memory_space<vmem>>
    %dma_start3A_51 = arith.constant 0 : i32
    %dma_start3A_52 = arith.constant 0 : i32
    %dma_start3A_53 = tpu.memref_slice %arg10[%dma_start3A_51, %dma_start3A_52] : memref<10000x32xf32, #tpu.memory_space<vmem_shared>> -> memref<10000x32xf32, #tpu.memory_space<vmem_shared>>
    tpu.enqueue_indirect_dma source(%dma_start3A_53 : memref<10000x32xf32, #tpu.memory_space<vmem_shared>>) target(%dma_start3A_47 : memref<128x32xf32, #tpu.memory_space<vmem>>) offsets(%dma_start3A_50 : memref<128xi32, #tpu.memory_space<vmem>>) semaphore(%arg12 : memref<!tpu.dma_semaphore, #tpu.memory_space<semaphore_mem>>)
    %dma_start3A_54 = arith.constant 2 : i32
    %dma_start3A_55 = arith.constant 2 : i32
    %dma_start3A_56 = arith.constant 0 : i32
    %dma_start3A_57 = arith.constant 0 : i32
    %dma_start3A_58 = tpu.memref_slice %arg8[%dma_start3A_55, %dma_start3A_56, %dma_start3A_57] : memref<8x128x32xf32, #tpu.memory_space<vmem>> -> memref<1x128x32xf32, #tpu.memory_space<vmem>>
    %dma_start3A_59 = tpu.memref_squeeze %dma_start3A_58 : memref<1x128x32xf32, #tpu.memory_space<vmem>> -> memref<128x32xf32, #tpu.memory_space<vmem>>
    %dma_start3A_60 = arith.constant 0 : i32
    %dma_start3A_61 = tpu.memref_slice %arg6[%dma_start3A_54, %dma_start3A_60] : memref<80x128xi32, #tpu.memory_space<vmem>> -> memref<1x128xi32, #tpu.memory_space<vmem>>
    %dma_start3A_62 = tpu.memref_squeeze %dma_start3A_61 : memref<1x128xi32, #tpu.memory_space<vmem>> -> memref<128xi32, #tpu.memory_space<vmem>>
    %dma_start3A_63 = arith.constant 0 : i32
    %dma_start3A_64 = arith.constant 0 : i32
    %dma_start3A_65 = tpu.memref_slice %arg10[%dma_start3A_63, %dma_start3A_64] : memref<10000x32xf32, #tpu.memory_space<vmem_shared>> -> memref<10000x32xf32, #tpu.memory_space<vmem_shared>>
    tpu.enqueue_indirect_dma source(%dma_start3A_65 : memref<10000x32xf32, #tpu.memory_space<vmem_shared>>) target(%dma_start3A_59 : memref<128x32xf32, #tpu.memory_space<vmem>>) offsets(%dma_start3A_62 : memref<128xi32, #tpu.memory_space<vmem>>) semaphore(%arg12 : memref<!tpu.dma_semaphore, #tpu.memory_space<semaphore_mem>>)
    %dma_start3A_66 = arith.constant 3 : i32
    %dma_start3A_67 = arith.constant 3 : i32
    %dma_start3A_68 = arith.constant 0 : i32
    %dma_start3A_69 = arith.constant 0 : i32
    %dma_start3A_70 = tpu.memref_slice %arg8[%dma_start3A_67, %dma_start3A_68, %dma_start3A_69] : memref<8x128x32xf32, #tpu.memory_space<vmem>> -> memref<1x128x32xf32, #tpu.memory_space<vmem>>
    %dma_start3A_71 = tpu.memref_squeeze %dma_start3A_70 : memref<1x128x32xf32, #tpu.memory_space<vmem>> -> memref<128x32xf32, #tpu.memory_space<vmem>>
    %dma_start3A_72 = arith.constant 0 : i32
    %dma_start3A_73 = tpu.memref_slice %arg6[%dma_start3A_66, %dma_start3A_72] : memref<80x128xi32, #tpu.memory_space<vmem>> -> memref<1x128xi32, #tpu.memory_space<vmem>>
    %dma_start3A_74 = tpu.memref_squeeze %dma_start3A_73 : memref<1x128xi32, #tpu.memory_space<vmem>> -> memref<128xi32, #tpu.memory_space<vmem>>
    %dma_start3A_75 = arith.constant 0 : i32
    %dma_start3A_76 = arith.constant 0 : i32
    %dma_start3A_77 = tpu.memref_slice %arg10[%dma_start3A_75, %dma_start3A_76] : memref<10000x32xf32, #tpu.memory_space<vmem_shared>> -> memref<10000x32xf32, #tpu.memory_space<vmem_shared>>
    tpu.enqueue_indirect_dma source(%dma_start3A_77 : memref<10000x32xf32, #tpu.memory_space<vmem_shared>>) target(%dma_start3A_71 : memref<128x32xf32, #tpu.memory_space<vmem>>) offsets(%dma_start3A_74 : memref<128xi32, #tpu.memory_space<vmem>>) semaphore(%arg12 : memref<!tpu.dma_semaphore, #tpu.memory_space<semaphore_mem>>)
    %scan3A_78 = arith.constant 0 : i32
    %scan3A_79 = arith.constant 0 : i32
    %scan3A_80 = arith.constant 10 : i32
    %scan3A_81 = arith.addi %scan3A_79, %scan3A_80 : i32
    %scan3A_82 = arith.constant 1 : i32
    %scan3A_83 = scf.for %scan3A_90 = %scan3A_79 to %scan3A_81 step %scan3A_82 iter_args(%scan3A_91 = %scan3A_78) -> (i32)  : i32 {
      %mul3A_92 = arith.constant 2 : i32
      %mul3A_93 = arith.muli %mul3A_92, %scan3A_90 : i32
      %add3A_94 = arith.constant 1 : i32
      %add3A_95 = arith.addi %mul3A_93, %add3A_94 : i32
      %mul3A_96 = arith.constant 4 : i32
      %mul3A_97 = arith.muli %add3A_95, %mul3A_96 : i32
      %add3A_98 = arith.constant 0 : i32
      %add3A_99 = arith.addi %mul3A_97, %add3A_98 : i32
      %dma_start3A_100 = arith.constant 4 : i32
      %dma_start3A_101 = arith.constant 0 : i32
      %dma_start3A_102 = arith.constant 0 : i32
      %dma_start3A_103 = tpu.memref_slice %arg8[%dma_start3A_100, %dma_start3A_101, %dma_start3A_102] : memref<8x128x32xf32, #tpu.memory_space<vmem>> -> memref<1x128x32xf32, #tpu.memory_space<vmem>>
      %dma_start3A_104 = tpu.memref_squeeze %dma_start3A_103 : memref<1x128x32xf32, #tpu.memory_space<vmem>> -> memref<128x32xf32, #tpu.memory_space<vmem>>
      %dma_start3A_105 = arith.constant 0 : i32
      %dma_start3A_106 = tpu.memref_slice %arg6[%add3A_99, %dma_start3A_105] : memref<80x128xi32, #tpu.memory_space<vmem>> -> memref<1x128xi32, #tpu.memory_space<vmem>>
      %dma_start3A_107 = tpu.memref_squeeze %dma_start3A_106 : memref<1x128xi32, #tpu.memory_space<vmem>> -> memref<128xi32, #tpu.memory_space<vmem>>
      %dma_start3A_108 = arith.constant 0 : i32
      %dma_start3A_109 = arith.constant 0 : i32
      %dma_start3A_110 = tpu.memref_slice %arg10[%dma_start3A_108, %dma_start3A_109] : memref<10000x32xf32, #tpu.memory_space<vmem_shared>> -> memref<10000x32xf32, #tpu.memory_space<vmem_shared>>
      tpu.enqueue_indirect_dma source(%dma_start3A_110 : memref<10000x32xf32, #tpu.memory_space<vmem_shared>>) target(%dma_start3A_104 : memref<128x32xf32, #tpu.memory_space<vmem>>) offsets(%dma_start3A_107 : memref<128xi32, #tpu.memory_space<vmem>>) semaphore(%arg13 : memref<!tpu.dma_semaphore, #tpu.memory_space<semaphore_mem>>)
      %mul3A_111 = arith.constant 4 : i32
      %mul3A_112 = arith.muli %add3A_95, %mul3A_111 : i32
      %add3A_113 = arith.constant 1 : i32
      %add3A_114 = arith.addi %mul3A_112, %add3A_113 : i32
      %dma_start3A_115 = arith.constant 5 : i32
      %dma_start3A_116 = arith.constant 0 : i32
      %dma_start3A_117 = arith.constant 0 : i32
      %dma_start3A_118 = tpu.memref_slice %arg8[%dma_start3A_115, %dma_start3A_116, %dma_start3A_117] : memref<8x128x32xf32, #tpu.memory_space<vmem>> -> memref<1x128x32xf32, #tpu.memory_space<vmem>>
      %dma_start3A_119 = tpu.memref_squeeze %dma_start3A_118 : memref<1x128x32xf32, #tpu.memory_space<vmem>> -> memref<128x32xf32, #tpu.memory_space<vmem>>
      %dma_start3A_120 = arith.constant 0 : i32
      %dma_start3A_121 = tpu.memref_slice %arg6[%add3A_114, %dma_start3A_120] : memref<80x128xi32, #tpu.memory_space<vmem>> -> memref<1x128xi32, #tpu.memory_space<vmem>>
      %dma_start3A_122 = tpu.memref_squeeze %dma_start3A_121 : memref<1x128xi32, #tpu.memory_space<vmem>> -> memref<128xi32, #tpu.memory_space<vmem>>
      %dma_start3A_123 = arith.constant 0 : i32
      %dma_start3A_124 = arith.constant 0 : i32
      %dma_start3A_125 = tpu.memref_slice %arg10[%dma_start3A_123, %dma_start3A_124] : memref<10000x32xf32, #tpu.memory_space<vmem_shared>> -> memref<10000x32xf32, #tpu.memory_space<vmem_shared>>
      tpu.enqueue_indirect_dma source(%dma_start3A_125 : memref<10000x32xf32, #tpu.memory_space<vmem_shared>>) target(%dma_start3A_119 : memref<128x32xf32, #tpu.memory_space<vmem>>) offsets(%dma_start3A_122 : memref<128xi32, #tpu.memory_space<vmem>>) semaphore(%arg13 : memref<!tpu.dma_semaphore, #tpu.memory_space<semaphore_mem>>)
      %mul3A_126 = arith.constant 4 : i32
      %mul3A_127 = arith.muli %add3A_95, %mul3A_126 : i32
      %add3A_128 = arith.constant 2 : i32
      %add3A_129 = arith.addi %mul3A_127, %add3A_128 : i32
      %dma_start3A_130 = arith.constant 6 : i32
      %dma_start3A_131 = arith.constant 0 : i32
      %dma_start3A_132 = arith.constant 0 : i32
      %dma_start3A_133 = tpu.memref_slice %arg8[%dma_start3A_130, %dma_start3A_131, %dma_start3A_132] : memref<8x128x32xf32, #tpu.memory_space<vmem>> -> memref<1x128x32xf32, #tpu.memory_space<vmem>>
      %dma_start3A_134 = tpu.memref_squeeze %dma_start3A_133 : memref<1x128x32xf32, #tpu.memory_space<vmem>> -> memref<128x32xf32, #tpu.memory_space<vmem>>
      %dma_start3A_135 = arith.constant 0 : i32
      %dma_start3A_136 = tpu.memref_slice %arg6[%add3A_129, %dma_start3A_135] : memref<80x128xi32, #tpu.memory_space<vmem>> -> memref<1x128xi32, #tpu.memory_space<vmem>>
      %dma_start3A_137 = tpu.memref_squeeze %dma_start3A_136 : memref<1x128xi32, #tpu.memory_space<vmem>> -> memref<128xi32, #tpu.memory_space<vmem>>
      %dma_start3A_138 = arith.constant 0 : i32
      %dma_start3A_139 = arith.constant 0 : i32
      %dma_start3A_140 = tpu.memref_slice %arg10[%dma_start3A_138, %dma_start3A_139] : memref<10000x32xf32, #tpu.memory_space<vmem_shared>> -> memref<10000x32xf32, #tpu.memory_space<vmem_shared>>
      tpu.enqueue_indirect_dma source(%dma_start3A_140 : memref<10000x32xf32, #tpu.memory_space<vmem_shared>>) target(%dma_start3A_134 : memref<128x32xf32, #tpu.memory_space<vmem>>) offsets(%dma_start3A_137 : memref<128xi32, #tpu.memory_space<vmem>>) semaphore(%arg13 : memref<!tpu.dma_semaphore, #tpu.memory_space<semaphore_mem>>)
      %mul3A_141 = arith.constant 4 : i32
      %mul3A_142 = arith.muli %add3A_95, %mul3A_141 : i32
      %add3A_143 = arith.constant 3 : i32
      %add3A_144 = arith.addi %mul3A_142, %add3A_143 : i32
      %dma_start3A_145 = arith.constant 7 : i32
      %dma_start3A_146 = arith.constant 0 : i32
      %dma_start3A_147 = arith.constant 0 : i32
      %dma_start3A_148 = tpu.memref_slice %arg8[%dma_start3A_145, %dma_start3A_146, %dma_start3A_147] : memref<8x128x32xf32, #tpu.memory_space<vmem>> -> memref<1x128x32xf32, #tpu.memory_space<vmem>>
      %dma_start3A_149 = tpu.memref_squeeze %dma_start3A_148 : memref<1x128x32xf32, #tpu.memory_space<vmem>> -> memref<128x32xf32, #tpu.memory_space<vmem>>
      %dma_start3A_150 = arith.constant 0 : i32
      %dma_start3A_151 = tpu.memref_slice %arg6[%add3A_144, %dma_start3A_150] : memref<80x128xi32, #tpu.memory_space<vmem>> -> memref<1x128xi32, #tpu.memory_space<vmem>>
      %dma_start3A_152 = tpu.memref_squeeze %dma_start3A_151 : memref<1x128xi32, #tpu.memory_space<vmem>> -> memref<128xi32, #tpu.memory_space<vmem>>
      %dma_start3A_153 = arith.constant 0 : i32
      %dma_start3A_154 = arith.constant 0 : i32
      %dma_start3A_155 = tpu.memref_slice %arg10[%dma_start3A_153, %dma_start3A_154] : memref<10000x32xf32, #tpu.memory_space<vmem_shared>> -> memref<10000x32xf32, #tpu.memory_space<vmem_shared>>
      tpu.enqueue_indirect_dma source(%dma_start3A_155 : memref<10000x32xf32, #tpu.memory_space<vmem_shared>>) target(%dma_start3A_149 : memref<128x32xf32, #tpu.memory_space<vmem>>) offsets(%dma_start3A_152 : memref<128xi32, #tpu.memory_space<vmem>>) semaphore(%arg13 : memref<!tpu.dma_semaphore, #tpu.memory_space<semaphore_mem>>)
      %mul3A_156 = arith.constant 4 : i32
      %mul3A_157 = arith.muli %mul3A_93, %mul3A_156 : i32
      %add3A_158 = arith.constant 0 : i32
      %add3A_159 = arith.addi %mul3A_157, %add3A_158 : i32
      %dma_wait3A = arith.constant 0 : i32
      %dma_wait3A_160 = arith.constant 0 : i32
      %dma_wait3A_161 = arith.constant 0 : i32
      %dma_wait3A_162 = tpu.memref_slice %arg8[%dma_wait3A, %dma_wait3A_160, %dma_wait3A_161] : memref<8x128x32xf32, #tpu.memory_space<vmem>> -> memref<1x128x32xf32, #tpu.memory_space<vmem>>
      %dma_wait3A_163 = tpu.memref_squeeze %dma_wait3A_162 : memref<1x128x32xf32, #tpu.memory_space<vmem>> -> memref<128x32xf32, #tpu.memory_space<vmem>>
      %dma_wait3A_164 = arith.constant 0 : i32
      %dma_wait3A_165 = tpu.memref_slice %arg6[%add3A_159, %dma_wait3A_164] : memref<80x128xi32, #tpu.memory_space<vmem>> -> memref<1x128xi32, #tpu.memory_space<vmem>>
      %dma_wait3A_166 = tpu.memref_squeeze %dma_wait3A_165 : memref<1x128xi32, #tpu.memory_space<vmem>> -> memref<128xi32, #tpu.memory_space<vmem>>
      %dma_wait3A_167 = arith.constant 0 : i32
      %dma_wait3A_168 = arith.constant 0 : i32
      %dma_wait3A_169 = tpu.memref_slice %arg10[%dma_wait3A_167, %dma_wait3A_168] : memref<10000x32xf32, #tpu.memory_space<vmem_shared>> -> memref<10000x32xf32, #tpu.memory_space<vmem_shared>>
      tpu.wait_indirect_dma semaphore(%arg12 : memref<!tpu.dma_semaphore, #tpu.memory_space<semaphore_mem>>) src(%dma_wait3A_169 : memref<10000x32xf32, #tpu.memory_space<vmem_shared>>) dst(%dma_wait3A_163 : memref<128x32xf32, #tpu.memory_space<vmem>>)
      %mul3A_170 = arith.constant 4 : i32
      %mul3A_171 = arith.muli %mul3A_93, %mul3A_170 : i32
      %add3A_172 = arith.constant 0 : i32
      %add3A_173 = arith.addi %mul3A_171, %add3A_172 : i32
      %dma_start3A_174 = arith.constant 0 : i32
      %dma_start3A_175 = arith.constant 0 : i32
      %dma_start3A_176 = arith.constant 0 : i32
      %dma_start3A_177 = tpu.memref_slice %arg8[%dma_start3A_174, %dma_start3A_175, %dma_start3A_176] : memref<8x128x32xf32, #tpu.memory_space<vmem>> -> memref<1x128x32xf32, #tpu.memory_space<vmem>>
      %dma_start3A_178 = tpu.memref_squeeze %dma_start3A_177 : memref<1x128x32xf32, #tpu.memory_space<vmem>> -> memref<128x32xf32, #tpu.memory_space<vmem>>
      %dma_start3A_179 = arith.constant 0 : i32
      %dma_start3A_180 = tpu.memref_slice %arg7[%add3A_173, %dma_start3A_179] : memref<80x128xi32, #tpu.memory_space<vmem>> -> memref<1x128xi32, #tpu.memory_space<vmem>>
      %dma_start3A_181 = tpu.memref_squeeze %dma_start3A_180 : memref<1x128xi32, #tpu.memory_space<vmem>> -> memref<128xi32, #tpu.memory_space<vmem>>
      %dma_start3A_182 = arith.constant 0 : i32
      %dma_start3A_183 = arith.constant 0 : i32
      %dma_start3A_184 = tpu.memref_slice %arg11[%dma_start3A_182, %dma_start3A_183] : memref<10112x32xf32, #tpu.memory_space<vmem_shared>> -> memref<10112x32xf32, #tpu.memory_space<vmem_shared>>
      tpu.enqueue_indirect_dma source(%dma_start3A_178 : memref<128x32xf32, #tpu.memory_space<vmem>>) target(%dma_start3A_184 : memref<10112x32xf32, #tpu.memory_space<vmem_shared>>) offsets(%dma_start3A_181 : memref<128xi32, #tpu.memory_space<vmem>>) semaphore(%arg14 : memref<!tpu.dma_semaphore, #tpu.memory_space<semaphore_mem>>) {add = true}
      %mul3A_185 = arith.constant 4 : i32
      %mul3A_186 = arith.muli %mul3A_93, %mul3A_185 : i32
      %add3A_187 = arith.constant 1 : i32
      %add3A_188 = arith.addi %mul3A_186, %add3A_187 : i32
      %dma_wait3A_189 = arith.constant 1 : i32
      %dma_wait3A_190 = arith.constant 0 : i32
      %dma_wait3A_191 = arith.constant 0 : i32
      %dma_wait3A_192 = tpu.memref_slice %arg8[%dma_wait3A_189, %dma_wait3A_190, %dma_wait3A_191] : memref<8x128x32xf32, #tpu.memory_space<vmem>> -> memref<1x128x32xf32, #tpu.memory_space<vmem>>
      %dma_wait3A_193 = tpu.memref_squeeze %dma_wait3A_192 : memref<1x128x32xf32, #tpu.memory_space<vmem>> -> memref<128x32xf32, #tpu.memory_space<vmem>>
      %dma_wait3A_194 = arith.constant 0 : i32
      %dma_wait3A_195 = tpu.memref_slice %arg6[%add3A_188, %dma_wait3A_194] : memref<80x128xi32, #tpu.memory_space<vmem>> -> memref<1x128xi32, #tpu.memory_space<vmem>>
      %dma_wait3A_196 = tpu.memref_squeeze %dma_wait3A_195 : memref<1x128xi32, #tpu.memory_space<vmem>> -> memref<128xi32, #tpu.memory_space<vmem>>
      %dma_wait3A_197 = arith.constant 0 : i32
      %dma_wait3A_198 = arith.constant 0 : i32
      %dma_wait3A_199 = tpu.memref_slice %arg10[%dma_wait3A_197, %dma_wait3A_198] : memref<10000x32xf32, #tpu.memory_space<vmem_shared>> -> memref<10000x32xf32, #tpu.memory_space<vmem_shared>>
      tpu.wait_indirect_dma semaphore(%arg12 : memref<!tpu.dma_semaphore, #tpu.memory_space<semaphore_mem>>) src(%dma_wait3A_199 : memref<10000x32xf32, #tpu.memory_space<vmem_shared>>) dst(%dma_wait3A_193 : memref<128x32xf32, #tpu.memory_space<vmem>>)
      %mul3A_200 = arith.constant 4 : i32
      %mul3A_201 = arith.muli %mul3A_93, %mul3A_200 : i32
      %add3A_202 = arith.constant 1 : i32
      %add3A_203 = arith.addi %mul3A_201, %add3A_202 : i32
      %dma_start3A_204 = arith.constant 1 : i32
      %dma_start3A_205 = arith.constant 0 : i32
      %dma_start3A_206 = arith.constant 0 : i32
      %dma_start3A_207 = tpu.memref_slice %arg8[%dma_start3A_204, %dma_start3A_205, %dma_start3A_206] : memref<8x128x32xf32, #tpu.memory_space<vmem>> -> memref<1x128x32xf32, #tpu.memory_space<vmem>>
      %dma_start3A_208 = tpu.memref_squeeze %dma_start3A_207 : memref<1x128x32xf32, #tpu.memory_space<vmem>> -> memref<128x32xf32, #tpu.memory_space<vmem>>
      %dma_start3A_209 = arith.constant 0 : i32
      %dma_start3A_210 = tpu.memref_slice %arg7[%add3A_203, %dma_start3A_209] : memref<80x128xi32, #tpu.memory_space<vmem>> -> memref<1x128xi32, #tpu.memory_space<vmem>>
      %dma_start3A_211 = tpu.memref_squeeze %dma_start3A_210 : memref<1x128xi32, #tpu.memory_space<vmem>> -> memref<128xi32, #tpu.memory_space<vmem>>
      %dma_start3A_212 = arith.constant 0 : i32
      %dma_start3A_213 = arith.constant 0 : i32
      %dma_start3A_214 = tpu.memref_slice %arg11[%dma_start3A_212, %dma_start3A_213] : memref<10112x32xf32, #tpu.memory_space<vmem_shared>> -> memref<10112x32xf32, #tpu.memory_space<vmem_shared>>
      tpu.enqueue_indirect_dma source(%dma_start3A_208 : memref<128x32xf32, #tpu.memory_space<vmem>>) target(%dma_start3A_214 : memref<10112x32xf32, #tpu.memory_space<vmem_shared>>) offsets(%dma_start3A_211 : memref<128xi32, #tpu.memory_space<vmem>>) semaphore(%arg14 : memref<!tpu.dma_semaphore, #tpu.memory_space<semaphore_mem>>) {add = true}
      %mul3A_215 = arith.constant 4 : i32
      %mul3A_216 = arith.muli %mul3A_93, %mul3A_215 : i32
      %add3A_217 = arith.constant 2 : i32
      %add3A_218 = arith.addi %mul3A_216, %add3A_217 : i32
      %dma_wait3A_219 = arith.constant 2 : i32
      %dma_wait3A_220 = arith.constant 0 : i32
      %dma_wait3A_221 = arith.constant 0 : i32
      %dma_wait3A_222 = tpu.memref_slice %arg8[%dma_wait3A_219, %dma_wait3A_220, %dma_wait3A_221] : memref<8x128x32xf32, #tpu.memory_space<vmem>> -> memref<1x128x32xf32, #tpu.memory_space<vmem>>
      %dma_wait3A_223 = tpu.memref_squeeze %dma_wait3A_222 : memref<1x128x32xf32, #tpu.memory_space<vmem>> -> memref<128x32xf32, #tpu.memory_space<vmem>>
      %dma_wait3A_224 = arith.constant 0 : i32
      %dma_wait3A_225 = tpu.memref_slice %arg6[%add3A_218, %dma_wait3A_224] : memref<80x128xi32, #tpu.memory_space<vmem>> -> memref<1x128xi32, #tpu.memory_space<vmem>>
      %dma_wait3A_226 = tpu.memref_squeeze %dma_wait3A_225 : memref<1x128xi32, #tpu.memory_space<vmem>> -> memref<128xi32, #tpu.memory_space<vmem>>
      %dma_wait3A_227 = arith.constant 0 : i32
      %dma_wait3A_228 = arith.constant 0 : i32
      %dma_wait3A_229 = tpu.memref_slice %arg10[%dma_wait3A_227, %dma_wait3A_228] : memref<10000x32xf32, #tpu.memory_space<vmem_shared>> -> memref<10000x32xf32, #tpu.memory_space<vmem_shared>>
      tpu.wait_indirect_dma semaphore(%arg12 : memref<!tpu.dma_semaphore, #tpu.memory_space<semaphore_mem>>) src(%dma_wait3A_229 : memref<10000x32xf32, #tpu.memory_space<vmem_shared>>) dst(%dma_wait3A_223 : memref<128x32xf32, #tpu.memory_space<vmem>>)
      %mul3A_230 = arith.constant 4 : i32
      %mul3A_231 = arith.muli %mul3A_93, %mul3A_230 : i32
      %add3A_232 = arith.constant 2 : i32
      %add3A_233 = arith.addi %mul3A_231, %add3A_232 : i32
      %dma_start3A_234 = arith.constant 2 : i32
      %dma_start3A_235 = arith.constant 0 : i32
      %dma_start3A_236 = arith.constant 0 : i32
      %dma_start3A_237 = tpu.memref_slice %arg8[%dma_start3A_234, %dma_start3A_235, %dma_start3A_236] : memref<8x128x32xf32, #tpu.memory_space<vmem>> -> memref<1x128x32xf32, #tpu.memory_space<vmem>>
      %dma_start3A_238 = tpu.memref_squeeze %dma_start3A_237 : memref<1x128x32xf32, #tpu.memory_space<vmem>> -> memref<128x32xf32, #tpu.memory_space<vmem>>
      %dma_start3A_239 = arith.constant 0 : i32
      %dma_start3A_240 = tpu.memref_slice %arg7[%add3A_233, %dma_start3A_239] : memref<80x128xi32, #tpu.memory_space<vmem>> -> memref<1x128xi32, #tpu.memory_space<vmem>>
      %dma_start3A_241 = tpu.memref_squeeze %dma_start3A_240 : memref<1x128xi32, #tpu.memory_space<vmem>> -> memref<128xi32, #tpu.memory_space<vmem>>
      %dma_start3A_242 = arith.constant 0 : i32
      %dma_start3A_243 = arith.constant 0 : i32
      %dma_start3A_244 = tpu.memref_slice %arg11[%dma_start3A_242, %dma_start3A_243] : memref<10112x32xf32, #tpu.memory_space<vmem_shared>> -> memref<10112x32xf32, #tpu.memory_space<vmem_shared>>
      tpu.enqueue_indirect_dma source(%dma_start3A_238 : memref<128x32xf32, #tpu.memory_space<vmem>>) target(%dma_start3A_244 : memref<10112x32xf32, #tpu.memory_space<vmem_shared>>) offsets(%dma_start3A_241 : memref<128xi32, #tpu.memory_space<vmem>>) semaphore(%arg14 : memref<!tpu.dma_semaphore, #tpu.memory_space<semaphore_mem>>) {add = true}
      %mul3A_245 = arith.constant 4 : i32
      %mul3A_246 = arith.muli %mul3A_93, %mul3A_245 : i32
      %add3A_247 = arith.constant 3 : i32
      %add3A_248 = arith.addi %mul3A_246, %add3A_247 : i32
      %dma_wait3A_249 = arith.constant 3 : i32
      %dma_wait3A_250 = arith.constant 0 : i32
      %dma_wait3A_251 = arith.constant 0 : i32
      %dma_wait3A_252 = tpu.memref_slice %arg8[%dma_wait3A_249, %dma_wait3A_250, %dma_wait3A_251] : memref<8x128x32xf32, #tpu.memory_space<vmem>> -> memref<1x128x32xf32, #tpu.memory_space<vmem>>
      %dma_wait3A_253 = tpu.memref_squeeze %dma_wait3A_252 : memref<1x128x32xf32, #tpu.memory_space<vmem>> -> memref<128x32xf32, #tpu.memory_space<vmem>>
      %dma_wait3A_254 = arith.constant 0 : i32
      %dma_wait3A_255 = tpu.memref_slice %arg6[%add3A_248, %dma_wait3A_254] : memref<80x128xi32, #tpu.memory_space<vmem>> -> memref<1x128xi32, #tpu.memory_space<vmem>>
      %dma_wait3A_256 = tpu.memref_squeeze %dma_wait3A_255 : memref<1x128xi32, #tpu.memory_space<vmem>> -> memref<128xi32, #tpu.memory_space<vmem>>
      %dma_wait3A_257 = arith.constant 0 : i32
      %dma_wait3A_258 = arith.constant 0 : i32
      %dma_wait3A_259 = tpu.memref_slice %arg10[%dma_wait3A_257, %dma_wait3A_258] : memref<10000x32xf32, #tpu.memory_space<vmem_shared>> -> memref<10000x32xf32, #tpu.memory_space<vmem_shared>>
      tpu.wait_indirect_dma semaphore(%arg12 : memref<!tpu.dma_semaphore, #tpu.memory_space<semaphore_mem>>) src(%dma_wait3A_259 : memref<10000x32xf32, #tpu.memory_space<vmem_shared>>) dst(%dma_wait3A_253 : memref<128x32xf32, #tpu.memory_space<vmem>>)
      %mul3A_260 = arith.constant 4 : i32
      %mul3A_261 = arith.muli %mul3A_93, %mul3A_260 : i32
      %add3A_262 = arith.constant 3 : i32
      %add3A_263 = arith.addi %mul3A_261, %add3A_262 : i32
      %dma_start3A_264 = arith.constant 3 : i32
      %dma_start3A_265 = arith.constant 0 : i32
      %dma_start3A_266 = arith.constant 0 : i32
      %dma_start3A_267 = tpu.memref_slice %arg8[%dma_start3A_264, %dma_start3A_265, %dma_start3A_266] : memref<8x128x32xf32, #tpu.memory_space<vmem>> -> memref<1x128x32xf32, #tpu.memory_space<vmem>>
      %dma_start3A_268 = tpu.memref_squeeze %dma_start3A_267 : memref<1x128x32xf32, #tpu.memory_space<vmem>> -> memref<128x32xf32, #tpu.memory_space<vmem>>
      %dma_start3A_269 = arith.constant 0 : i32
      %dma_start3A_270 = tpu.memref_slice %arg7[%add3A_263, %dma_start3A_269] : memref<80x128xi32, #tpu.memory_space<vmem>> -> memref<1x128xi32, #tpu.memory_space<vmem>>
      %dma_start3A_271 = tpu.memref_squeeze %dma_start3A_270 : memref<1x128xi32, #tpu.memory_space<vmem>> -> memref<128xi32, #tpu.memory_space<vmem>>
      %dma_start3A_272 = arith.constant 0 : i32
      %dma_start3A_273 = arith.constant 0 : i32
      %dma_start3A_274 = tpu.memref_slice %arg11[%dma_start3A_272, %dma_start3A_273] : memref<10112x32xf32, #tpu.memory_space<vmem_shared>> -> memref<10112x32xf32, #tpu.memory_space<vmem_shared>>
      tpu.enqueue_indirect_dma source(%dma_start3A_268 : memref<128x32xf32, #tpu.memory_space<vmem>>) target(%dma_start3A_274 : memref<10112x32xf32, #tpu.memory_space<vmem_shared>>) offsets(%dma_start3A_271 : memref<128xi32, #tpu.memory_space<vmem>>) semaphore(%arg14 : memref<!tpu.dma_semaphore, #tpu.memory_space<semaphore_mem>>) {add = true}
      %dma_wait3A_275 = arith.constant 0 : i32
      %dma_wait3A_276 = arith.constant 0 : i32
      %dma_wait3A_277 = arith.constant 0 : i32
      %dma_wait3A_278 = tpu.memref_slice %arg8[%dma_wait3A_275, %dma_wait3A_276, %dma_wait3A_277] : memref<8x128x32xf32, #tpu.memory_space<vmem>> -> memref<1x128x32xf32, #tpu.memory_space<vmem>>
      %dma_wait3A_279 = tpu.memref_squeeze %dma_wait3A_278 : memref<1x128x32xf32, #tpu.memory_space<vmem>> -> memref<128x32xf32, #tpu.memory_space<vmem>>
      %dma_wait3A_280 = arith.constant 0 : i32
      %dma_wait3A_281 = tpu.memref_slice %arg7[%add3A_173, %dma_wait3A_280] : memref<80x128xi32, #tpu.memory_space<vmem>> -> memref<1x128xi32, #tpu.memory_space<vmem>>
      %dma_wait3A_282 = tpu.memref_squeeze %dma_wait3A_281 : memref<1x128xi32, #tpu.memory_space<vmem>> -> memref<128xi32, #tpu.memory_space<vmem>>
      %dma_wait3A_283 = arith.constant 0 : i32
      %dma_wait3A_284 = arith.constant 0 : i32
      %dma_wait3A_285 = tpu.memref_slice %arg11[%dma_wait3A_283, %dma_wait3A_284] : memref<10112x32xf32, #tpu.memory_space<vmem_shared>> -> memref<10112x32xf32, #tpu.memory_space<vmem_shared>>
      tpu.wait_indirect_dma semaphore(%arg14 : memref<!tpu.dma_semaphore, #tpu.memory_space<semaphore_mem>>) src(%dma_wait3A_279 : memref<128x32xf32, #tpu.memory_space<vmem>>) dst(%dma_wait3A_285 : memref<10112x32xf32, #tpu.memory_space<vmem_shared>>)
      %dma_wait3A_286 = arith.constant 1 : i32
      %dma_wait3A_287 = arith.constant 0 : i32
      %dma_wait3A_288 = arith.constant 0 : i32
      %dma_wait3A_289 = tpu.memref_slice %arg8[%dma_wait3A_286, %dma_wait3A_287, %dma_wait3A_288] : memref<8x128x32xf32, #tpu.memory_space<vmem>> -> memref<1x128x32xf32, #tpu.memory_space<vmem>>
      %dma_wait3A_290 = tpu.memref_squeeze %dma_wait3A_289 : memref<1x128x32xf32, #tpu.memory_space<vmem>> -> memref<128x32xf32, #tpu.memory_space<vmem>>
      %dma_wait3A_291 = arith.constant 0 : i32
      %dma_wait3A_292 = tpu.memref_slice %arg7[%add3A_203, %dma_wait3A_291] : memref<80x128xi32, #tpu.memory_space<vmem>> -> memref<1x128xi32, #tpu.memory_space<vmem>>
      %dma_wait3A_293 = tpu.memref_squeeze %dma_wait3A_292 : memref<1x128xi32, #tpu.memory_space<vmem>> -> memref<128xi32, #tpu.memory_space<vmem>>
      %dma_wait3A_294 = arith.constant 0 : i32
      %dma_wait3A_295 = arith.constant 0 : i32
      %dma_wait3A_296 = tpu.memref_slice %arg11[%dma_wait3A_294, %dma_wait3A_295] : memref<10112x32xf32, #tpu.memory_space<vmem_shared>> -> memref<10112x32xf32, #tpu.memory_space<vmem_shared>>
      tpu.wait_indirect_dma semaphore(%arg14 : memref<!tpu.dma_semaphore, #tpu.memory_space<semaphore_mem>>) src(%dma_wait3A_290 : memref<128x32xf32, #tpu.memory_space<vmem>>) dst(%dma_wait3A_296 : memref<10112x32xf32, #tpu.memory_space<vmem_shared>>)
      %dma_wait3A_297 = arith.constant 2 : i32
      %dma_wait3A_298 = arith.constant 0 : i32
      %dma_wait3A_299 = arith.constant 0 : i32
      %dma_wait3A_300 = tpu.memref_slice %arg8[%dma_wait3A_297, %dma_wait3A_298, %dma_wait3A_299] : memref<8x128x32xf32, #tpu.memory_space<vmem>> -> memref<1x128x32xf32, #tpu.memory_space<vmem>>
      %dma_wait3A_301 = tpu.memref_squeeze %dma_wait3A_300 : memref<1x128x32xf32, #tpu.memory_space<vmem>> -> memref<128x32xf32, #tpu.memory_space<vmem>>
      %dma_wait3A_302 = arith.constant 0 : i32
      %dma_wait3A_303 = tpu.memref_slice %arg7[%add3A_233, %dma_wait3A_302] : memref<80x128xi32, #tpu.memory_space<vmem>> -> memref<1x128xi32, #tpu.memory_space<vmem>>
      %dma_wait3A_304 = tpu.memref_squeeze %dma_wait3A_303 : memref<1x128xi32, #tpu.memory_space<vmem>> -> memref<128xi32, #tpu.memory_space<vmem>>
      %dma_wait3A_305 = arith.constant 0 : i32
      %dma_wait3A_306 = arith.constant 0 : i32
      %dma_wait3A_307 = tpu.memref_slice %arg11[%dma_wait3A_305, %dma_wait3A_306] : memref<10112x32xf32, #tpu.memory_space<vmem_shared>> -> memref<10112x32xf32, #tpu.memory_space<vmem_shared>>
      tpu.wait_indirect_dma semaphore(%arg14 : memref<!tpu.dma_semaphore, #tpu.memory_space<semaphore_mem>>) src(%dma_wait3A_301 : memref<128x32xf32, #tpu.memory_space<vmem>>) dst(%dma_wait3A_307 : memref<10112x32xf32, #tpu.memory_space<vmem_shared>>)
      %dma_wait3A_308 = arith.constant 3 : i32
      %dma_wait3A_309 = arith.constant 0 : i32
      %dma_wait3A_310 = arith.constant 0 : i32
      %dma_wait3A_311 = tpu.memref_slice %arg8[%dma_wait3A_308, %dma_wait3A_309, %dma_wait3A_310] : memref<8x128x32xf32, #tpu.memory_space<vmem>> -> memref<1x128x32xf32, #tpu.memory_space<vmem>>
      %dma_wait3A_312 = tpu.memref_squeeze %dma_wait3A_311 : memref<1x128x32xf32, #tpu.memory_space<vmem>> -> memref<128x32xf32, #tpu.memory_space<vmem>>
      %dma_wait3A_313 = arith.constant 0 : i32
      %dma_wait3A_314 = tpu.memref_slice %arg7[%add3A_263, %dma_wait3A_313] : memref<80x128xi32, #tpu.memory_space<vmem>> -> memref<1x128xi32, #tpu.memory_space<vmem>>
      %dma_wait3A_315 = tpu.memref_squeeze %dma_wait3A_314 : memref<1x128xi32, #tpu.memory_space<vmem>> -> memref<128xi32, #tpu.memory_space<vmem>>
      %dma_wait3A_316 = arith.constant 0 : i32
      %dma_wait3A_317 = arith.constant 0 : i32
      %dma_wait3A_318 = tpu.memref_slice %arg11[%dma_wait3A_316, %dma_wait3A_317] : memref<10112x32xf32, #tpu.memory_space<vmem_shared>> -> memref<10112x32xf32, #tpu.memory_space<vmem_shared>>
      tpu.wait_indirect_dma semaphore(%arg14 : memref<!tpu.dma_semaphore, #tpu.memory_space<semaphore_mem>>) src(%dma_wait3A_312 : memref<128x32xf32, #tpu.memory_space<vmem>>) dst(%dma_wait3A_318 : memref<10112x32xf32, #tpu.memory_space<vmem_shared>>)
      %add3A_319 = arith.constant 1 : i32
      %add3A_320 = arith.addi %scan3A_90, %add3A_319 : i32
      %lt3A = arith.constant 10 : i32
      %lt3A_321 = arith.cmpi slt, %add3A_320, %lt3A : i32
      %convert_element_type3A = arith.extui %lt3A_321 : i1 to i32
      %cond3A = arith.constant 0 : i32
      %cond3A_322 = arith.cmpi ne, %convert_element_type3A, %cond3A : i32
      scf.if %cond3A_322 {
        %mul3A_472 = arith.constant 2 : i32
        %mul3A_473 = arith.muli %mul3A_472, %scan3A_90 : i32
        %add3A_474 = arith.constant 2 : i32
        %add3A_475 = arith.addi %mul3A_473, %add3A_474 : i32
        %mul3A_476 = arith.constant 4 : i32
        %mul3A_477 = arith.muli %add3A_475, %mul3A_476 : i32
        %add3A_478 = arith.constant 0 : i32
        %add3A_479 = arith.addi %mul3A_477, %add3A_478 : i32
        %dma_start3A_480 = arith.constant 0 : i32
        %dma_start3A_481 = arith.constant 0 : i32
        %dma_start3A_482 = arith.constant 0 : i32
        %dma_start3A_483 = tpu.memref_slice %arg8[%dma_start3A_480, %dma_start3A_481, %dma_start3A_482] : memref<8x128x32xf32, #tpu.memory_space<vmem>> -> memref<1x128x32xf32, #tpu.memory_space<vmem>>
        %dma_start3A_484 = tpu.memref_squeeze %dma_start3A_483 : memref<1x128x32xf32, #tpu.memory_space<vmem>> -> memref<128x32xf32, #tpu.memory_space<vmem>>
        %dma_start3A_485 = arith.constant 0 : i32
        %dma_start3A_486 = tpu.memref_slice %arg6[%add3A_479, %dma_start3A_485] : memref<80x128xi32, #tpu.memory_space<vmem>> -> memref<1x128xi32, #tpu.memory_space<vmem>>
        %dma_start3A_487 = tpu.memref_squeeze %dma_start3A_486 : memref<1x128xi32, #tpu.memory_space<vmem>> -> memref<128xi32, #tpu.memory_space<vmem>>
        %dma_start3A_488 = arith.constant 0 : i32
        %dma_start3A_489 = arith.constant 0 : i32
        %dma_start3A_490 = tpu.memref_slice %arg10[%dma_start3A_488, %dma_start3A_489] : memref<10000x32xf32, #tpu.memory_space<vmem_shared>> -> memref<10000x32xf32, #tpu.memory_space<vmem_shared>>
        tpu.enqueue_indirect_dma source(%dma_start3A_490 : memref<10000x32xf32, #tpu.memory_space<vmem_shared>>) target(%dma_start3A_484 : memref<128x32xf32, #tpu.memory_space<vmem>>) offsets(%dma_start3A_487 : memref<128xi32, #tpu.memory_space<vmem>>) semaphore(%arg12 : memref<!tpu.dma_semaphore, #tpu.memory_space<semaphore_mem>>)
        %mul3A_491 = arith.constant 2 : i32
        %mul3A_492 = arith.muli %mul3A_491, %scan3A_90 : i32
        %add3A_493 = arith.constant 2 : i32
        %add3A_494 = arith.addi %mul3A_492, %add3A_493 : i32
        %mul3A_495 = arith.constant 4 : i32
        %mul3A_496 = arith.muli %add3A_494, %mul3A_495 : i32
        %add3A_497 = arith.constant 1 : i32
        %add3A_498 = arith.addi %mul3A_496, %add3A_497 : i32
        %dma_start3A_499 = arith.constant 1 : i32
        %dma_start3A_500 = arith.constant 0 : i32
        %dma_start3A_501 = arith.constant 0 : i32
        %dma_start3A_502 = tpu.memref_slice %arg8[%dma_start3A_499, %dma_start3A_500, %dma_start3A_501] : memref<8x128x32xf32, #tpu.memory_space<vmem>> -> memref<1x128x32xf32, #tpu.memory_space<vmem>>
        %dma_start3A_503 = tpu.memref_squeeze %dma_start3A_502 : memref<1x128x32xf32, #tpu.memory_space<vmem>> -> memref<128x32xf32, #tpu.memory_space<vmem>>
        %dma_start3A_504 = arith.constant 0 : i32
        %dma_start3A_505 = tpu.memref_slice %arg6[%add3A_498, %dma_start3A_504] : memref<80x128xi32, #tpu.memory_space<vmem>> -> memref<1x128xi32, #tpu.memory_space<vmem>>
        %dma_start3A_506 = tpu.memref_squeeze %dma_start3A_505 : memref<1x128xi32, #tpu.memory_space<vmem>> -> memref<128xi32, #tpu.memory_space<vmem>>
        %dma_start3A_507 = arith.constant 0 : i32
        %dma_start3A_508 = arith.constant 0 : i32
        %dma_start3A_509 = tpu.memref_slice %arg10[%dma_start3A_507, %dma_start3A_508] : memref<10000x32xf32, #tpu.memory_space<vmem_shared>> -> memref<10000x32xf32, #tpu.memory_space<vmem_shared>>
        tpu.enqueue_indirect_dma source(%dma_start3A_509 : memref<10000x32xf32, #tpu.memory_space<vmem_shared>>) target(%dma_start3A_503 : memref<128x32xf32, #tpu.memory_space<vmem>>) offsets(%dma_start3A_506 : memref<128xi32, #tpu.memory_space<vmem>>) semaphore(%arg12 : memref<!tpu.dma_semaphore, #tpu.memory_space<semaphore_mem>>)
        %mul3A_510 = arith.constant 2 : i32
        %mul3A_511 = arith.muli %mul3A_510, %scan3A_90 : i32
        %add3A_512 = arith.constant 2 : i32
        %add3A_513 = arith.addi %mul3A_511, %add3A_512 : i32
        %mul3A_514 = arith.constant 4 : i32
        %mul3A_515 = arith.muli %add3A_513, %mul3A_514 : i32
        %add3A_516 = arith.constant 2 : i32
        %add3A_517 = arith.addi %mul3A_515, %add3A_516 : i32
        %dma_start3A_518 = arith.constant 2 : i32
        %dma_start3A_519 = arith.constant 0 : i32
        %dma_start3A_520 = arith.constant 0 : i32
        %dma_start3A_521 = tpu.memref_slice %arg8[%dma_start3A_518, %dma_start3A_519, %dma_start3A_520] : memref<8x128x32xf32, #tpu.memory_space<vmem>> -> memref<1x128x32xf32, #tpu.memory_space<vmem>>
        %dma_start3A_522 = tpu.memref_squeeze %dma_start3A_521 : memref<1x128x32xf32, #tpu.memory_space<vmem>> -> memref<128x32xf32, #tpu.memory_space<vmem>>
        %dma_start3A_523 = arith.constant 0 : i32
        %dma_start3A_524 = tpu.memref_slice %arg6[%add3A_517, %dma_start3A_523] : memref<80x128xi32, #tpu.memory_space<vmem>> -> memref<1x128xi32, #tpu.memory_space<vmem>>
        %dma_start3A_525 = tpu.memref_squeeze %dma_start3A_524 : memref<1x128xi32, #tpu.memory_space<vmem>> -> memref<128xi32, #tpu.memory_space<vmem>>
        %dma_start3A_526 = arith.constant 0 : i32
        %dma_start3A_527 = arith.constant 0 : i32
        %dma_start3A_528 = tpu.memref_slice %arg10[%dma_start3A_526, %dma_start3A_527] : memref<10000x32xf32, #tpu.memory_space<vmem_shared>> -> memref<10000x32xf32, #tpu.memory_space<vmem_shared>>
        tpu.enqueue_indirect_dma source(%dma_start3A_528 : memref<10000x32xf32, #tpu.memory_space<vmem_shared>>) target(%dma_start3A_522 : memref<128x32xf32, #tpu.memory_space<vmem>>) offsets(%dma_start3A_525 : memref<128xi32, #tpu.memory_space<vmem>>) semaphore(%arg12 : memref<!tpu.dma_semaphore, #tpu.memory_space<semaphore_mem>>)
        %mul3A_529 = arith.constant 2 : i32
        %mul3A_530 = arith.muli %mul3A_529, %scan3A_90 : i32
        %add3A_531 = arith.constant 2 : i32
        %add3A_532 = arith.addi %mul3A_530, %add3A_531 : i32
        %mul3A_533 = arith.constant 4 : i32
        %mul3A_534 = arith.muli %add3A_532, %mul3A_533 : i32
        %add3A_535 = arith.constant 3 : i32
        %add3A_536 = arith.addi %mul3A_534, %add3A_535 : i32
        %dma_start3A_537 = arith.constant 3 : i32
        %dma_start3A_538 = arith.constant 0 : i32
        %dma_start3A_539 = arith.constant 0 : i32
        %dma_start3A_540 = tpu.memref_slice %arg8[%dma_start3A_537, %dma_start3A_538, %dma_start3A_539] : memref<8x128x32xf32, #tpu.memory_space<vmem>> -> memref<1x128x32xf32, #tpu.memory_space<vmem>>
        %dma_start3A_541 = tpu.memref_squeeze %dma_start3A_540 : memref<1x128x32xf32, #tpu.memory_space<vmem>> -> memref<128x32xf32, #tpu.memory_space<vmem>>
        %dma_start3A_542 = arith.constant 0 : i32
        %dma_start3A_543 = tpu.memref_slice %arg6[%add3A_536, %dma_start3A_542] : memref<80x128xi32, #tpu.memory_space<vmem>> -> memref<1x128xi32, #tpu.memory_space<vmem>>
        %dma_start3A_544 = tpu.memref_squeeze %dma_start3A_543 : memref<1x128xi32, #tpu.memory_space<vmem>> -> memref<128xi32, #tpu.memory_space<vmem>>
        %dma_start3A_545 = arith.constant 0 : i32
        %dma_start3A_546 = arith.constant 0 : i32
        %dma_start3A_547 = tpu.memref_slice %arg10[%dma_start3A_545, %dma_start3A_546] : memref<10000x32xf32, #tpu.memory_space<vmem_shared>> -> memref<10000x32xf32, #tpu.memory_space<vmem_shared>>
        tpu.enqueue_indirect_dma source(%dma_start3A_547 : memref<10000x32xf32, #tpu.memory_space<vmem_shared>>) target(%dma_start3A_541 : memref<128x32xf32, #tpu.memory_space<vmem>>) offsets(%dma_start3A_544 : memref<128xi32, #tpu.memory_space<vmem>>) semaphore(%arg12 : memref<!tpu.dma_semaphore, #tpu.memory_space<semaphore_mem>>)
      } else {
      }
      %dma_wait3A_323 = arith.constant 4 : i32
      %dma_wait3A_324 = arith.constant 0 : i32
      %dma_wait3A_325 = arith.constant 0 : i32
      %dma_wait3A_326 = tpu.memref_slice %arg8[%dma_wait3A_323, %dma_wait3A_324, %dma_wait3A_325] : memref<8x128x32xf32, #tpu.memory_space<vmem>> -> memref<1x128x32xf32, #tpu.memory_space<vmem>>
      %dma_wait3A_327 = tpu.memref_squeeze %dma_wait3A_326 : memref<1x128x32xf32, #tpu.memory_space<vmem>> -> memref<128x32xf32, #tpu.memory_space<vmem>>
      %dma_wait3A_328 = arith.constant 0 : i32
      %dma_wait3A_329 = tpu.memref_slice %arg6[%add3A_99, %dma_wait3A_328] : memref<80x128xi32, #tpu.memory_space<vmem>> -> memref<1x128xi32, #tpu.memory_space<vmem>>
      %dma_wait3A_330 = tpu.memref_squeeze %dma_wait3A_329 : memref<1x128xi32, #tpu.memory_space<vmem>> -> memref<128xi32, #tpu.memory_space<vmem>>
      %dma_wait3A_331 = arith.constant 0 : i32
      %dma_wait3A_332 = arith.constant 0 : i32
      %dma_wait3A_333 = tpu.memref_slice %arg10[%dma_wait3A_331, %dma_wait3A_332] : memref<10000x32xf32, #tpu.memory_space<vmem_shared>> -> memref<10000x32xf32, #tpu.memory_space<vmem_shared>>
      tpu.wait_indirect_dma semaphore(%arg13 : memref<!tpu.dma_semaphore, #tpu.memory_space<semaphore_mem>>) src(%dma_wait3A_333 : memref<10000x32xf32, #tpu.memory_space<vmem_shared>>) dst(%dma_wait3A_327 : memref<128x32xf32, #tpu.memory_space<vmem>>)
      %mul3A_334 = arith.constant 4 : i32
      %mul3A_335 = arith.muli %add3A_95, %mul3A_334 : i32
      %add3A_336 = arith.constant 0 : i32
      %add3A_337 = arith.addi %mul3A_335, %add3A_336 : i32
      %dma_start3A_338 = arith.constant 4 : i32
      %dma_start3A_339 = arith.constant 0 : i32
      %dma_start3A_340 = arith.constant 0 : i32
      %dma_start3A_341 = tpu.memref_slice %arg8[%dma_start3A_338, %dma_start3A_339, %dma_start3A_340] : memref<8x128x32xf32, #tpu.memory_space<vmem>> -> memref<1x128x32xf32, #tpu.memory_space<vmem>>
      %dma_start3A_342 = tpu.memref_squeeze %dma_start3A_341 : memref<1x128x32xf32, #tpu.memory_space<vmem>> -> memref<128x32xf32, #tpu.memory_space<vmem>>
      %dma_start3A_343 = arith.constant 0 : i32
      %dma_start3A_344 = tpu.memref_slice %arg7[%add3A_337, %dma_start3A_343] : memref<80x128xi32, #tpu.memory_space<vmem>> -> memref<1x128xi32, #tpu.memory_space<vmem>>
      %dma_start3A_345 = tpu.memref_squeeze %dma_start3A_344 : memref<1x128xi32, #tpu.memory_space<vmem>> -> memref<128xi32, #tpu.memory_space<vmem>>
      %dma_start3A_346 = arith.constant 0 : i32
      %dma_start3A_347 = arith.constant 0 : i32
      %dma_start3A_348 = tpu.memref_slice %arg11[%dma_start3A_346, %dma_start3A_347] : memref<10112x32xf32, #tpu.memory_space<vmem_shared>> -> memref<10112x32xf32, #tpu.memory_space<vmem_shared>>
      tpu.enqueue_indirect_dma source(%dma_start3A_342 : memref<128x32xf32, #tpu.memory_space<vmem>>) target(%dma_start3A_348 : memref<10112x32xf32, #tpu.memory_space<vmem_shared>>) offsets(%dma_start3A_345 : memref<128xi32, #tpu.memory_space<vmem>>) semaphore(%arg14 : memref<!tpu.dma_semaphore, #tpu.memory_space<semaphore_mem>>) {add = true}
      %dma_wait3A_349 = arith.constant 5 : i32
      %dma_wait3A_350 = arith.constant 0 : i32
      %dma_wait3A_351 = arith.constant 0 : i32
      %dma_wait3A_352 = tpu.memref_slice %arg8[%dma_wait3A_349, %dma_wait3A_350, %dma_wait3A_351] : memref<8x128x32xf32, #tpu.memory_space<vmem>> -> memref<1x128x32xf32, #tpu.memory_space<vmem>>
      %dma_wait3A_353 = tpu.memref_squeeze %dma_wait3A_352 : memref<1x128x32xf32, #tpu.memory_space<vmem>> -> memref<128x32xf32, #tpu.memory_space<vmem>>
      %dma_wait3A_354 = arith.constant 0 : i32
      %dma_wait3A_355 = tpu.memref_slice %arg6[%add3A_114, %dma_wait3A_354] : memref<80x128xi32, #tpu.memory_space<vmem>> -> memref<1x128xi32, #tpu.memory_space<vmem>>
      %dma_wait3A_356 = tpu.memref_squeeze %dma_wait3A_355 : memref<1x128xi32, #tpu.memory_space<vmem>> -> memref<128xi32, #tpu.memory_space<vmem>>
      %dma_wait3A_357 = arith.constant 0 : i32
      %dma_wait3A_358 = arith.constant 0 : i32
      %dma_wait3A_359 = tpu.memref_slice %arg10[%dma_wait3A_357, %dma_wait3A_358] : memref<10000x32xf32, #tpu.memory_space<vmem_shared>> -> memref<10000x32xf32, #tpu.memory_space<vmem_shared>>
      tpu.wait_indirect_dma semaphore(%arg13 : memref<!tpu.dma_semaphore, #tpu.memory_space<semaphore_mem>>) src(%dma_wait3A_359 : memref<10000x32xf32, #tpu.memory_space<vmem_shared>>) dst(%dma_wait3A_353 : memref<128x32xf32, #tpu.memory_space<vmem>>)
      %mul3A_360 = arith.constant 4 : i32
      %mul3A_361 = arith.muli %add3A_95, %mul3A_360 : i32
      %add3A_362 = arith.constant 1 : i32
      %add3A_363 = arith.addi %mul3A_361, %add3A_362 : i32
      %dma_start3A_364 = arith.constant 5 : i32
      %dma_start3A_365 = arith.constant 0 : i32
      %dma_start3A_366 = arith.constant 0 : i32
      %dma_start3A_367 = tpu.memref_slice %arg8[%dma_start3A_364, %dma_start3A_365, %dma_start3A_366] : memref<8x128x32xf32, #tpu.memory_space<vmem>> -> memref<1x128x32xf32, #tpu.memory_space<vmem>>
      %dma_start3A_368 = tpu.memref_squeeze %dma_start3A_367 : memref<1x128x32xf32, #tpu.memory_space<vmem>> -> memref<128x32xf32, #tpu.memory_space<vmem>>
      %dma_start3A_369 = arith.constant 0 : i32
      %dma_start3A_370 = tpu.memref_slice %arg7[%add3A_363, %dma_start3A_369] : memref<80x128xi32, #tpu.memory_space<vmem>> -> memref<1x128xi32, #tpu.memory_space<vmem>>
      %dma_start3A_371 = tpu.memref_squeeze %dma_start3A_370 : memref<1x128xi32, #tpu.memory_space<vmem>> -> memref<128xi32, #tpu.memory_space<vmem>>
      %dma_start3A_372 = arith.constant 0 : i32
      %dma_start3A_373 = arith.constant 0 : i32
      %dma_start3A_374 = tpu.memref_slice %arg11[%dma_start3A_372, %dma_start3A_373] : memref<10112x32xf32, #tpu.memory_space<vmem_shared>> -> memref<10112x32xf32, #tpu.memory_space<vmem_shared>>
      tpu.enqueue_indirect_dma source(%dma_start3A_368 : memref<128x32xf32, #tpu.memory_space<vmem>>) target(%dma_start3A_374 : memref<10112x32xf32, #tpu.memory_space<vmem_shared>>) offsets(%dma_start3A_371 : memref<128xi32, #tpu.memory_space<vmem>>) semaphore(%arg14 : memref<!tpu.dma_semaphore, #tpu.memory_space<semaphore_mem>>) {add = true}
      %dma_wait3A_375 = arith.constant 6 : i32
      %dma_wait3A_376 = arith.constant 0 : i32
      %dma_wait3A_377 = arith.constant 0 : i32
      %dma_wait3A_378 = tpu.memref_slice %arg8[%dma_wait3A_375, %dma_wait3A_376, %dma_wait3A_377] : memref<8x128x32xf32, #tpu.memory_space<vmem>> -> memref<1x128x32xf32, #tpu.memory_space<vmem>>
      %dma_wait3A_379 = tpu.memref_squeeze %dma_wait3A_378 : memref<1x128x32xf32, #tpu.memory_space<vmem>> -> memref<128x32xf32, #tpu.memory_space<vmem>>
      %dma_wait3A_380 = arith.constant 0 : i32
      %dma_wait3A_381 = tpu.memref_slice %arg6[%add3A_129, %dma_wait3A_380] : memref<80x128xi32, #tpu.memory_space<vmem>> -> memref<1x128xi32, #tpu.memory_space<vmem>>
      %dma_wait3A_382 = tpu.memref_squeeze %dma_wait3A_381 : memref<1x128xi32, #tpu.memory_space<vmem>> -> memref<128xi32, #tpu.memory_space<vmem>>
      %dma_wait3A_383 = arith.constant 0 : i32
      %dma_wait3A_384 = arith.constant 0 : i32
      %dma_wait3A_385 = tpu.memref_slice %arg10[%dma_wait3A_383, %dma_wait3A_384] : memref<10000x32xf32, #tpu.memory_space<vmem_shared>> -> memref<10000x32xf32, #tpu.memory_space<vmem_shared>>
      tpu.wait_indirect_dma semaphore(%arg13 : memref<!tpu.dma_semaphore, #tpu.memory_space<semaphore_mem>>) src(%dma_wait3A_385 : memref<10000x32xf32, #tpu.memory_space<vmem_shared>>) dst(%dma_wait3A_379 : memref<128x32xf32, #tpu.memory_space<vmem>>)
      %mul3A_386 = arith.constant 4 : i32
      %mul3A_387 = arith.muli %add3A_95, %mul3A_386 : i32
      %add3A_388 = arith.constant 2 : i32
      %add3A_389 = arith.addi %mul3A_387, %add3A_388 : i32
      %dma_start3A_390 = arith.constant 6 : i32
      %dma_start3A_391 = arith.constant 0 : i32
      %dma_start3A_392 = arith.constant 0 : i32
      %dma_start3A_393 = tpu.memref_slice %arg8[%dma_start3A_390, %dma_start3A_391, %dma_start3A_392] : memref<8x128x32xf32, #tpu.memory_space<vmem>> -> memref<1x128x32xf32, #tpu.memory_space<vmem>>
      %dma_start3A_394 = tpu.memref_squeeze %dma_start3A_393 : memref<1x128x32xf32, #tpu.memory_space<vmem>> -> memref<128x32xf32, #tpu.memory_space<vmem>>
      %dma_start3A_395 = arith.constant 0 : i32
      %dma_start3A_396 = tpu.memref_slice %arg7[%add3A_389, %dma_start3A_395] : memref<80x128xi32, #tpu.memory_space<vmem>> -> memref<1x128xi32, #tpu.memory_space<vmem>>
      %dma_start3A_397 = tpu.memref_squeeze %dma_start3A_396 : memref<1x128xi32, #tpu.memory_space<vmem>> -> memref<128xi32, #tpu.memory_space<vmem>>
      %dma_start3A_398 = arith.constant 0 : i32
      %dma_start3A_399 = arith.constant 0 : i32
      %dma_start3A_400 = tpu.memref_slice %arg11[%dma_start3A_398, %dma_start3A_399] : memref<10112x32xf32, #tpu.memory_space<vmem_shared>> -> memref<10112x32xf32, #tpu.memory_space<vmem_shared>>
      tpu.enqueue_indirect_dma source(%dma_start3A_394 : memref<128x32xf32, #tpu.memory_space<vmem>>) target(%dma_start3A_400 : memref<10112x32xf32, #tpu.memory_space<vmem_shared>>) offsets(%dma_start3A_397 : memref<128xi32, #tpu.memory_space<vmem>>) semaphore(%arg14 : memref<!tpu.dma_semaphore, #tpu.memory_space<semaphore_mem>>) {add = true}
      %dma_wait3A_401 = arith.constant 7 : i32
      %dma_wait3A_402 = arith.constant 0 : i32
      %dma_wait3A_403 = arith.constant 0 : i32
      %dma_wait3A_404 = tpu.memref_slice %arg8[%dma_wait3A_401, %dma_wait3A_402, %dma_wait3A_403] : memref<8x128x32xf32, #tpu.memory_space<vmem>> -> memref<1x128x32xf32, #tpu.memory_space<vmem>>
      %dma_wait3A_405 = tpu.memref_squeeze %dma_wait3A_404 : memref<1x128x32xf32, #tpu.memory_space<vmem>> -> memref<128x32xf32, #tpu.memory_space<vmem>>
      %dma_wait3A_406 = arith.constant 0 : i32
      %dma_wait3A_407 = tpu.memref_slice %arg6[%add3A_144, %dma_wait3A_406] : memref<80x128xi32, #tpu.memory_space<vmem>> -> memref<1x128xi32, #tpu.memory_space<vmem>>
      %dma_wait3A_408 = tpu.memref_squeeze %dma_wait3A_407 : memref<1x128xi32, #tpu.memory_space<vmem>> -> memref<128xi32, #tpu.memory_space<vmem>>
      %dma_wait3A_409 = arith.constant 0 : i32
      %dma_wait3A_410 = arith.constant 0 : i32
      %dma_wait3A_411 = tpu.memref_slice %arg10[%dma_wait3A_409, %dma_wait3A_410] : memref<10000x32xf32, #tpu.memory_space<vmem_shared>> -> memref<10000x32xf32, #tpu.memory_space<vmem_shared>>
      tpu.wait_indirect_dma semaphore(%arg13 : memref<!tpu.dma_semaphore, #tpu.memory_space<semaphore_mem>>) src(%dma_wait3A_411 : memref<10000x32xf32, #tpu.memory_space<vmem_shared>>) dst(%dma_wait3A_405 : memref<128x32xf32, #tpu.memory_space<vmem>>)
      %mul3A_412 = arith.constant 4 : i32
      %mul3A_413 = arith.muli %add3A_95, %mul3A_412 : i32
      %add3A_414 = arith.constant 3 : i32
      %add3A_415 = arith.addi %mul3A_413, %add3A_414 : i32
      %dma_start3A_416 = arith.constant 7 : i32
      %dma_start3A_417 = arith.constant 0 : i32
      %dma_start3A_418 = arith.constant 0 : i32
      %dma_start3A_419 = tpu.memref_slice %arg8[%dma_start3A_416, %dma_start3A_417, %dma_start3A_418] : memref<8x128x32xf32, #tpu.memory_space<vmem>> -> memref<1x128x32xf32, #tpu.memory_space<vmem>>
      %dma_start3A_420 = tpu.memref_squeeze %dma_start3A_419 : memref<1x128x32xf32, #tpu.memory_space<vmem>> -> memref<128x32xf32, #tpu.memory_space<vmem>>
      %dma_start3A_421 = arith.constant 0 : i32
      %dma_start3A_422 = tpu.memref_slice %arg7[%add3A_415, %dma_start3A_421] : memref<80x128xi32, #tpu.memory_space<vmem>> -> memref<1x128xi32, #tpu.memory_space<vmem>>
      %dma_start3A_423 = tpu.memref_squeeze %dma_start3A_422 : memref<1x128xi32, #tpu.memory_space<vmem>> -> memref<128xi32, #tpu.memory_space<vmem>>
      %dma_start3A_424 = arith.constant 0 : i32
      %dma_start3A_425 = arith.constant 0 : i32
      %dma_start3A_426 = tpu.memref_slice %arg11[%dma_start3A_424, %dma_start3A_425] : memref<10112x32xf32, #tpu.memory_space<vmem_shared>> -> memref<10112x32xf32, #tpu.memory_space<vmem_shared>>
      tpu.enqueue_indirect_dma source(%dma_start3A_420 : memref<128x32xf32, #tpu.memory_space<vmem>>) target(%dma_start3A_426 : memref<10112x32xf32, #tpu.memory_space<vmem_shared>>) offsets(%dma_start3A_423 : memref<128xi32, #tpu.memory_space<vmem>>) semaphore(%arg14 : memref<!tpu.dma_semaphore, #tpu.memory_space<semaphore_mem>>) {add = true}
      %dma_wait3A_427 = arith.constant 4 : i32
      %dma_wait3A_428 = arith.constant 0 : i32
      %dma_wait3A_429 = arith.constant 0 : i32
      %dma_wait3A_430 = tpu.memref_slice %arg8[%dma_wait3A_427, %dma_wait3A_428, %dma_wait3A_429] : memref<8x128x32xf32, #tpu.memory_space<vmem>> -> memref<1x128x32xf32, #tpu.memory_space<vmem>>
      %dma_wait3A_431 = tpu.memref_squeeze %dma_wait3A_430 : memref<1x128x32xf32, #tpu.memory_space<vmem>> -> memref<128x32xf32, #tpu.memory_space<vmem>>
      %dma_wait3A_432 = arith.constant 0 : i32
      %dma_wait3A_433 = tpu.memref_slice %arg7[%add3A_337, %dma_wait3A_432] : memref<80x128xi32, #tpu.memory_space<vmem>> -> memref<1x128xi32, #tpu.memory_space<vmem>>
      %dma_wait3A_434 = tpu.memref_squeeze %dma_wait3A_433 : memref<1x128xi32, #tpu.memory_space<vmem>> -> memref<128xi32, #tpu.memory_space<vmem>>
      %dma_wait3A_435 = arith.constant 0 : i32
      %dma_wait3A_436 = arith.constant 0 : i32
      %dma_wait3A_437 = tpu.memref_slice %arg11[%dma_wait3A_435, %dma_wait3A_436] : memref<10112x32xf32, #tpu.memory_space<vmem_shared>> -> memref<10112x32xf32, #tpu.memory_space<vmem_shared>>
      tpu.wait_indirect_dma semaphore(%arg14 : memref<!tpu.dma_semaphore, #tpu.memory_space<semaphore_mem>>) src(%dma_wait3A_431 : memref<128x32xf32, #tpu.memory_space<vmem>>) dst(%dma_wait3A_437 : memref<10112x32xf32, #tpu.memory_space<vmem_shared>>)
      %dma_wait3A_438 = arith.constant 5 : i32
      %dma_wait3A_439 = arith.constant 0 : i32
      %dma_wait3A_440 = arith.constant 0 : i32
      %dma_wait3A_441 = tpu.memref_slice %arg8[%dma_wait3A_438, %dma_wait3A_439, %dma_wait3A_440] : memref<8x128x32xf32, #tpu.memory_space<vmem>> -> memref<1x128x32xf32, #tpu.memory_space<vmem>>
      %dma_wait3A_442 = tpu.memref_squeeze %dma_wait3A_441 : memref<1x128x32xf32, #tpu.memory_space<vmem>> -> memref<128x32xf32, #tpu.memory_space<vmem>>
      %dma_wait3A_443 = arith.constant 0 : i32
      %dma_wait3A_444 = tpu.memref_slice %arg7[%add3A_363, %dma_wait3A_443] : memref<80x128xi32, #tpu.memory_space<vmem>> -> memref<1x128xi32, #tpu.memory_space<vmem>>
      %dma_wait3A_445 = tpu.memref_squeeze %dma_wait3A_444 : memref<1x128xi32, #tpu.memory_space<vmem>> -> memref<128xi32, #tpu.memory_space<vmem>>
      %dma_wait3A_446 = arith.constant 0 : i32
      %dma_wait3A_447 = arith.constant 0 : i32
      %dma_wait3A_448 = tpu.memref_slice %arg11[%dma_wait3A_446, %dma_wait3A_447] : memref<10112x32xf32, #tpu.memory_space<vmem_shared>> -> memref<10112x32xf32, #tpu.memory_space<vmem_shared>>
      tpu.wait_indirect_dma semaphore(%arg14 : memref<!tpu.dma_semaphore, #tpu.memory_space<semaphore_mem>>) src(%dma_wait3A_442 : memref<128x32xf32, #tpu.memory_space<vmem>>) dst(%dma_wait3A_448 : memref<10112x32xf32, #tpu.memory_space<vmem_shared>>)
      %dma_wait3A_449 = arith.constant 6 : i32
      %dma_wait3A_450 = arith.constant 0 : i32
      %dma_wait3A_451 = arith.constant 0 : i32
      %dma_wait3A_452 = tpu.memref_slice %arg8[%dma_wait3A_449, %dma_wait3A_450, %dma_wait3A_451] : memref<8x128x32xf32, #tpu.memory_space<vmem>> -> memref<1x128x32xf32, #tpu.memory_space<vmem>>
      %dma_wait3A_453 = tpu.memref_squeeze %dma_wait3A_452 : memref<1x128x32xf32, #tpu.memory_space<vmem>> -> memref<128x32xf32, #tpu.memory_space<vmem>>
      %dma_wait3A_454 = arith.constant 0 : i32
      %dma_wait3A_455 = tpu.memref_slice %arg7[%add3A_389, %dma_wait3A_454] : memref<80x128xi32, #tpu.memory_space<vmem>> -> memref<1x128xi32, #tpu.memory_space<vmem>>
      %dma_wait3A_456 = tpu.memref_squeeze %dma_wait3A_455 : memref<1x128xi32, #tpu.memory_space<vmem>> -> memref<128xi32, #tpu.memory_space<vmem>>
      %dma_wait3A_457 = arith.constant 0 : i32
      %dma_wait3A_458 = arith.constant 0 : i32
      %dma_wait3A_459 = tpu.memref_slice %arg11[%dma_wait3A_457, %dma_wait3A_458] : memref<10112x32xf32, #tpu.memory_space<vmem_shared>> -> memref<10112x32xf32, #tpu.memory_space<vmem_shared>>
      tpu.wait_indirect_dma semaphore(%arg14 : memref<!tpu.dma_semaphore, #tpu.memory_space<semaphore_mem>>) src(%dma_wait3A_453 : memref<128x32xf32, #tpu.memory_space<vmem>>) dst(%dma_wait3A_459 : memref<10112x32xf32, #tpu.memory_space<vmem_shared>>)
      %dma_wait3A_460 = arith.constant 7 : i32
      %dma_wait3A_461 = arith.constant 0 : i32
      %dma_wait3A_462 = arith.constant 0 : i32
      %dma_wait3A_463 = tpu.memref_slice %arg8[%dma_wait3A_460, %dma_wait3A_461, %dma_wait3A_462] : memref<8x128x32xf32, #tpu.memory_space<vmem>> -> memref<1x128x32xf32, #tpu.memory_space<vmem>>
      %dma_wait3A_464 = tpu.memref_squeeze %dma_wait3A_463 : memref<1x128x32xf32, #tpu.memory_space<vmem>> -> memref<128x32xf32, #tpu.memory_space<vmem>>
      %dma_wait3A_465 = arith.constant 0 : i32
      %dma_wait3A_466 = tpu.memref_slice %arg7[%add3A_415, %dma_wait3A_465] : memref<80x128xi32, #tpu.memory_space<vmem>> -> memref<1x128xi32, #tpu.memory_space<vmem>>
      %dma_wait3A_467 = tpu.memref_squeeze %dma_wait3A_466 : memref<1x128xi32, #tpu.memory_space<vmem>> -> memref<128xi32, #tpu.memory_space<vmem>>
      %dma_wait3A_468 = arith.constant 0 : i32
      %dma_wait3A_469 = arith.constant 0 : i32
      %dma_wait3A_470 = tpu.memref_slice %arg11[%dma_wait3A_468, %dma_wait3A_469] : memref<10112x32xf32, #tpu.memory_space<vmem_shared>> -> memref<10112x32xf32, #tpu.memory_space<vmem_shared>>
      tpu.wait_indirect_dma semaphore(%arg14 : memref<!tpu.dma_semaphore, #tpu.memory_space<semaphore_mem>>) src(%dma_wait3A_464 : memref<128x32xf32, #tpu.memory_space<vmem>>) dst(%dma_wait3A_470 : memref<10112x32xf32, #tpu.memory_space<vmem_shared>>)
      %scan3A_471 = arith.constant 0 : i32
      scf.yield %scan3A_471 : i32
    }
    %scan3A_84 = arith.constant 10 : i32
    %barrier3A_85 = arith.constant 0 : index
    tpu.barrier barrier_id(%barrier3A_85)
    %mul3A_86 = arith.constant 632 : i32
    %mul3A_87 = arith.muli %arg1, %mul3A_86 : i32
    %mul3A_88 = arith.constant 632 : i32
    %mul3A_89 = arith.muli %arg1, %mul3A_88 : i32
    "tpu.region"() ({
      %run_scoped3A = tpu.sem_alloc : memref<!tpu.dma_semaphore, #tpu.memory_space<semaphore_mem>>
      %dma_start3A_90 = arith.constant 0 : i32
      %dma_start3A_91 = tpu.memref_slice %arg5[%arg0, %mul3A_89, %dma_start3A_90] : memref<2x10112x32xf32, #tpu.memory_space<hbm>> -> memref<1x632x32xf32, #tpu.memory_space<hbm>>
      %dma_start3A_92 = tpu.memref_squeeze %dma_start3A_91 : memref<1x632x32xf32, #tpu.memory_space<hbm>> -> memref<632x32xf32, #tpu.memory_space<hbm>>
      %dma_start3A_93 = arith.constant 0 : i32
      %dma_start3A_94 = tpu.memref_slice %arg11[%mul3A_87, %dma_start3A_93] : memref<10112x32xf32, #tpu.memory_space<vmem_shared>> -> memref<632x32xf32, #tpu.memory_space<vmem_shared>>
      tpu.enqueue_dma source(%dma_start3A_94 : memref<632x32xf32, #tpu.memory_space<vmem_shared>>) target(%dma_start3A_92 : memref<632x32xf32, #tpu.memory_space<hbm>>) target_semaphore(%run_scoped3A : memref<!tpu.dma_semaphore, #tpu.memory_space<semaphore_mem>>)
      %dma_wait3A = arith.constant 0 : i32
      %dma_wait3A_95 = tpu.memref_slice %arg5[%arg0, %mul3A_89, %dma_wait3A] : memref<2x10112x32xf32, #tpu.memory_space<hbm>> -> memref<1x632x32xf32, #tpu.memory_space<hbm>>
      %dma_wait3A_96 = tpu.memref_squeeze %dma_wait3A_95 : memref<1x632x32xf32, #tpu.memory_space<hbm>> -> memref<632x32xf32, #tpu.memory_space<hbm>>
      %dma_wait3A_97 = arith.constant 0 : i32
      %dma_wait3A_98 = tpu.memref_slice %arg11[%mul3A_87, %dma_wait3A_97] : memref<10112x32xf32, #tpu.memory_space<vmem_shared>> -> memref<632x32xf32, #tpu.memory_space<vmem_shared>>
      tpu.wait_dma2 semaphore(%run_scoped3A : memref<!tpu.dma_semaphore, #tpu.memory_space<semaphore_mem>>) src(%dma_wait3A_98 : memref<632x32xf32, #tpu.memory_space<vmem_shared>>) dst(%dma_wait3A_96 : memref<632x32xf32, #tpu.memory_space<hbm>>)
      tpu.yield
    }) : () -> ()
    return
  }
}

#map = affine_map<(d0, d1) -> (0, 0, 0)>
module attributes {stable_mosaic.version = 14 : i64} {
  func.func @body(%arg0: i32, %arg1: i32, %arg2: memref<16x80x128xi32, #tpu.memory_space<hbm>>, %arg3: memref<16x80x128xi32, #tpu.memory_space<hbm>>, %arg4: memref<2x10000x32xf32, #tpu.memory_space<hbm>>, %arg5: memref<2x10112x32xf32, #tpu.memory_space<hbm>>, %arg6: memref<80x128xi32, #tpu.memory_space<vmem>>, %arg7: memref<80x128xi32, #tpu.memory_space<vmem>>, %arg8: memref<8x128x32xf32, #tpu.memory_space<vmem>>, %arg9: memref<158x32xf32, #tpu.memory_space<vmem>>, %arg10: memref<10000x32xf32, #tpu.memory_space<vmem_shared>>, %arg11: memref<10112x32xf32, #tpu.memory_space<vmem_shared>>, %arg12: memref<!tpu.dma_semaphore, #tpu.memory_space<semaphore_mem>>, %arg13: memref<!tpu.dma_semaphore, #tpu.memory_space<semaphore_mem>>, %arg14: memref<!tpu.dma_semaphore, #tpu.memory_space<semaphore_mem>>) attributes {dimension_semantics = [#tpu.dimension_semantics<core_parallel>, #tpu.dimension_semantics<subcore_parallel>], iteration_bounds = array<i64: 2, 16>, scalar_prefetch = 0 : i64, scratch_operands = 9 : i64, tpu.core_type = #tpu.core_type<sc_vector_subcore>, window_params = [{transform_indices = #map}, {transform_indices = #map}, {transform_indices = #map}, {transform_indices = #map}]} {
    %mul3A = arith.constant 625 : i32
    %mul3A_0 = arith.muli %arg1, %mul3A : i32
    %mul3A_1 = arith.constant 625 : i32
    %mul3A_2 = arith.muli %arg1, %mul3A_1 : i32
    "tpu.region"() ({
      %run_scoped3A = tpu.sem_alloc : memref<!tpu.dma_semaphore, #tpu.memory_space<semaphore_mem>>
      %dma_start3A_90 = arith.constant 0 : i32
      %dma_start3A_91 = tpu.memref_slice %arg10[%mul3A_2, %dma_start3A_90] : memref<10000x32xf32, #tpu.memory_space<vmem_shared>> -> memref<625x32xf32, #tpu.memory_space<vmem_shared>>
      %dma_start3A_92 = arith.constant 0 : i32
      %dma_start3A_93 = tpu.memref_slice %arg4[%arg0, %mul3A_0, %dma_start3A_92] : memref<2x10000x32xf32, #tpu.memory_space<hbm>> -> memref<1x625x32xf32, #tpu.memory_space<hbm>>
      %dma_start3A_94 = tpu.memref_squeeze %dma_start3A_93 : memref<1x625x32xf32, #tpu.memory_space<hbm>> -> memref<625x32xf32, #tpu.memory_space<hbm>>
      tpu.enqueue_dma source(%dma_start3A_94 : memref<625x32xf32, #tpu.memory_space<hbm>>) target(%dma_start3A_91 : memref<625x32xf32, #tpu.memory_space<vmem_shared>>) target_semaphore(%run_scoped3A : memref<!tpu.dma_semaphore, #tpu.memory_space<semaphore_mem>>)
      %dma_wait3A = arith.constant 0 : i32
      %dma_wait3A_95 = tpu.memref_slice %arg10[%mul3A_2, %dma_wait3A] : memref<10000x32xf32, #tpu.memory_space<vmem_shared>> -> memref<625x32xf32, #tpu.memory_space<vmem_shared>>
      %dma_wait3A_96 = arith.constant 0 : i32
      %dma_wait3A_97 = tpu.memref_slice %arg4[%arg0, %mul3A_0, %dma_wait3A_96] : memref<2x10000x32xf32, #tpu.memory_space<hbm>> -> memref<1x625x32xf32, #tpu.memory_space<hbm>>
      %dma_wait3A_98 = tpu.memref_squeeze %dma_wait3A_97 : memref<1x625x32xf32, #tpu.memory_space<hbm>> -> memref<625x32xf32, #tpu.memory_space<hbm>>
      tpu.wait_dma2 semaphore(%run_scoped3A : memref<!tpu.dma_semaphore, #tpu.memory_space<semaphore_mem>>) src(%dma_wait3A_98 : memref<625x32xf32, #tpu.memory_space<hbm>>) dst(%dma_wait3A_95 : memref<625x32xf32, #tpu.memory_space<vmem_shared>>)
      tpu.yield
    }) : () -> ()
    "tpu.region"() ({
      %run_scoped3A = tpu.sem_alloc : memref<!tpu.dma_semaphore, #tpu.memory_space<semaphore_mem>>
      %dma_start3A_90 = arith.constant 0 : i32
      %dma_start3A_91 = arith.constant 0 : i32
      %dma_start3A_92 = tpu.memref_slice %arg2[%arg1, %dma_start3A_90, %dma_start3A_91] : memref<16x80x128xi32, #tpu.memory_space<hbm>> -> memref<1x80x128xi32, #tpu.memory_space<hbm>>
      %dma_start3A_93 = tpu.memref_squeeze %dma_start3A_92 : memref<1x80x128xi32, #tpu.memory_space<hbm>> -> memref<80x128xi32, #tpu.memory_space<hbm>>
      %dma_start3A_94 = arith.constant 0 : i32
      %dma_start3A_95 = arith.constant 0 : i32
      %dma_start3A_96 = tpu.memref_slice %arg2[%arg1, %dma_start3A_94, %dma_start3A_95] : memref<16x80x128xi32, #tpu.memory_space<hbm>> -> memref<1x80x128xi32, #tpu.memory_space<hbm>>
      %dma_start3A_97 = tpu.memref_squeeze %dma_start3A_96 : memref<1x80x128xi32, #tpu.memory_space<hbm>> -> memref<80x128xi32, #tpu.memory_space<hbm>>
      tpu.enqueue_dma source(%dma_start3A_97 : memref<80x128xi32, #tpu.memory_space<hbm>>) target(%arg6 : memref<80x128xi32, #tpu.memory_space<vmem>>) target_semaphore(%run_scoped3A : memref<!tpu.dma_semaphore, #tpu.memory_space<semaphore_mem>>)
      %dma_wait3A = arith.constant 0 : i32
      %dma_wait3A_98 = arith.constant 0 : i32
      %dma_wait3A_99 = tpu.memref_slice %arg2[%arg1, %dma_wait3A, %dma_wait3A_98] : memref<16x80x128xi32, #tpu.memory_space<hbm>> -> memref<1x80x128xi32, #tpu.memory_space<hbm>>
      %dma_wait3A_100 = tpu.memref_squeeze %dma_wait3A_99 : memref<1x80x128xi32, #tpu.memory_space<hbm>> -> memref<80x128xi32, #tpu.memory_space<hbm>>
      %dma_wait3A_101 = arith.constant 0 : i32
      %dma_wait3A_102 = arith.constant 0 : i32
      %dma_wait3A_103 = tpu.memref_slice %arg2[%arg1, %dma_wait3A_101, %dma_wait3A_102] : memref<16x80x128xi32, #tpu.memory_space<hbm>> -> memref<1x80x128xi32, #tpu.memory_space<hbm>>
      %dma_wait3A_104 = tpu.memref_squeeze %dma_wait3A_103 : memref<1x80x128xi32, #tpu.memory_space<hbm>> -> memref<80x128xi32, #tpu.memory_space<hbm>>
      tpu.wait_dma2 semaphore(%run_scoped3A : memref<!tpu.dma_semaphore, #tpu.memory_space<semaphore_mem>>) src(%dma_wait3A_104 : memref<80x128xi32, #tpu.memory_space<hbm>>) dst(%arg6 : memref<80x128xi32, #tpu.memory_space<vmem>>)
      tpu.yield
    }) : () -> ()
    "tpu.region"() ({
      %run_scoped3A = tpu.sem_alloc : memref<!tpu.dma_semaphore, #tpu.memory_space<semaphore_mem>>
      %dma_start3A_90 = arith.constant 0 : i32
      %dma_start3A_91 = arith.constant 0 : i32
      %dma_start3A_92 = tpu.memref_slice %arg3[%arg1, %dma_start3A_90, %dma_start3A_91] : memref<16x80x128xi32, #tpu.memory_space<hbm>> -> memref<1x80x128xi32, #tpu.memory_space<hbm>>
      %dma_start3A_93 = tpu.memref_squeeze %dma_start3A_92 : memref<1x80x128xi32, #tpu.memory_space<hbm>> -> memref<80x128xi32, #tpu.memory_space<hbm>>
      %dma_start3A_94 = arith.constant 0 : i32
      %dma_start3A_95 = arith.constant 0 : i32
      %dma_start3A_96 = tpu.memref_slice %arg3[%arg1, %dma_start3A_94, %dma_start3A_95] : memref<16x80x128xi32, #tpu.memory_space<hbm>> -> memref<1x80x128xi32, #tpu.memory_space<hbm>>
      %dma_start3A_97 = tpu.memref_squeeze %dma_start3A_96 : memref<1x80x128xi32, #tpu.memory_space<hbm>> -> memref<80x128xi32, #tpu.memory_space<hbm>>
      tpu.enqueue_dma source(%dma_start3A_97 : memref<80x128xi32, #tpu.memory_space<hbm>>) target(%arg7 : memref<80x128xi32, #tpu.memory_space<vmem>>) target_semaphore(%run_scoped3A : memref<!tpu.dma_semaphore, #tpu.memory_space<semaphore_mem>>)
      %dma_wait3A = arith.constant 0 : i32
      %dma_wait3A_98 = arith.constant 0 : i32
      %dma_wait3A_99 = tpu.memref_slice %arg3[%arg1, %dma_wait3A, %dma_wait3A_98] : memref<16x80x128xi32, #tpu.memory_space<hbm>> -> memref<1x80x128xi32, #tpu.memory_space<hbm>>
      %dma_wait3A_100 = tpu.memref_squeeze %dma_wait3A_99 : memref<1x80x128xi32, #tpu.memory_space<hbm>> -> memref<80x128xi32, #tpu.memory_space<hbm>>
      %dma_wait3A_101 = arith.constant 0 : i32
      %dma_wait3A_102 = arith.constant 0 : i32
      %dma_wait3A_103 = tpu.memref_slice %arg3[%arg1, %dma_wait3A_101, %dma_wait3A_102] : memref<16x80x128xi32, #tpu.memory_space<hbm>> -> memref<1x80x128xi32, #tpu.memory_space<hbm>>
      %dma_wait3A_104 = tpu.memref_squeeze %dma_wait3A_103 : memref<1x80x128xi32, #tpu.memory_space<hbm>> -> memref<80x128xi32, #tpu.memory_space<hbm>>
      tpu.wait_dma2 semaphore(%run_scoped3A : memref<!tpu.dma_semaphore, #tpu.memory_space<semaphore_mem>>) src(%dma_wait3A_104 : memref<80x128xi32, #tpu.memory_space<hbm>>) dst(%arg7 : memref<80x128xi32, #tpu.memory_space<vmem>>)
      tpu.yield
    }) : () -> ()
    %scan3A = arith.constant 0 : i32
    %scan3A_3 = arith.constant 0 : i32
    %scan3A_4 = arith.constant 80 : i32
    %scan3A_5 = arith.addi %scan3A_3, %scan3A_4 : i32
    %scan3A_6 = arith.constant 1 : i32
    %scan3A_7 = scf.for %scan3A_90 = %scan3A_3 to %scan3A_5 step %scan3A_6 iter_args(%scan3A_91 = %scan3A) -> (i32)  : i32 {
      %get3A = arith.index_cast %scan3A_90 : i32 to index
      %get3A_92 = arith.constant 0 : index
      %get3A_93 = tpu.vector_load %arg6[%get3A, %get3A_92] {strides = array<i32>} : memref<80x128xi32, #tpu.memory_space<vmem>>, vector<1x16xi32>,
      %get3A_94 = vector.shape_cast %get3A_93 : vector<1x16xi32> to vector<16xi32>
      %get3A_95 = arith.index_cast %scan3A_90 : i32 to index
      %get3A_96 = arith.constant 0 : index
      %get3A_97 = tpu.vector_load %arg7[%get3A_95, %get3A_96] {strides = array<i32>} : memref<80x128xi32, #tpu.memory_space<vmem>>, vector<1x16xi32>,
      %get3A_98 = vector.shape_cast %get3A_97 : vector<1x16xi32> to vector<16xi32>
      %eq3A = arith.cmpi eq, %get3A_94, %get3A_98 : vector<16xi32>
      %jit3A = arith.constant 10000 : i32
      %broadcast_in_dim3A = vector.broadcast %jit3A : i32 to vector<16xi32>
      %select_n3A = arith.select %eq3A, %broadcast_in_dim3A, %get3A_98 : vector<16xi1>, vector<16xi32>
      %swap3A = arith.index_cast %scan3A_90 : i32 to index
      %swap3A_99 = arith.constant 0 : index
      %swap3A_100 = tpu.vector_load %arg7[%swap3A, %swap3A_99] {strides = array<i32>} : memref<80x128xi32, #tpu.memory_space<vmem>>, vector<1x16xi32>,
      %swap3A_101 = vector.shape_cast %swap3A_100 : vector<1x16xi32> to vector<16xi32>
      %swap3A_102 = vector.shape_cast %select_n3A : vector<16xi32> to vector<1x16xi32>
      tpu.vector_store %arg7[%swap3A, %swap3A_99], %swap3A_102 {strides = array<i32>} : memref<80x128xi32, #tpu.memory_space<vmem>>, vector<1x16xi32>,
      %get3A_103 = arith.index_cast %scan3A_90 : i32 to index
      %get3A_104 = arith.constant 16 : index
      %get3A_105 = tpu.vector_load %arg6[%get3A_103, %get3A_104] {strides = array<i32>} : memref<80x128xi32, #tpu.memory_space<vmem>>, vector<1x16xi32>,
      %get3A_106 = vector.shape_cast %get3A_105 : vector<1x16xi32> to vector<16xi32>
      %get3A_107 = arith.index_cast %scan3A_90 : i32 to index
      %get3A_108 = arith.constant 16 : index
      %get3A_109 = tpu.vector_load %arg7[%get3A_107, %get3A_108] {strides = array<i32>} : memref<80x128xi32, #tpu.memory_space<vmem>>, vector<1x16xi32>,
      %get3A_110 = vector.shape_cast %get3A_109 : vector<1x16xi32> to vector<16xi32>
      %eq3A_111 = arith.cmpi eq, %get3A_106, %get3A_110 : vector<16xi32>
      %jit3A_112 = arith.constant 10000 : i32
      %broadcast_in_dim3A_113 = vector.broadcast %jit3A_112 : i32 to vector<16xi32>
      %select_n3A_114 = arith.select %eq3A_111, %broadcast_in_dim3A_113, %get3A_110 : vector<16xi1>, vector<16xi32>
      %swap3A_115 = arith.index_cast %scan3A_90 : i32 to index
      %swap3A_116 = arith.constant 16 : index
      %swap3A_117 = tpu.vector_load %arg7[%swap3A_115, %swap3A_116] {strides = array<i32>} : memref<80x128xi32, #tpu.memory_space<vmem>>, vector<1x16xi32>,
      %swap3A_118 = vector.shape_cast %swap3A_117 : vector<1x16xi32> to vector<16xi32>
      %swap3A_119 = vector.shape_cast %select_n3A_114 : vector<16xi32> to vector<1x16xi32>
      tpu.vector_store %arg7[%swap3A_115, %swap3A_116], %swap3A_119 {strides = array<i32>} : memref<80x128xi32, #tpu.memory_space<vmem>>, vector<1x16xi32>,
      %get3A_120 = arith.index_cast %scan3A_90 : i32 to index
      %get3A_121 = arith.constant 32 : index
      %get3A_122 = tpu.vector_load %arg6[%get3A_120, %get3A_121] {strides = array<i32>} : memref<80x128xi32, #tpu.memory_space<vmem>>, vector<1x16xi32>,
      %get3A_123 = vector.shape_cast %get3A_122 : vector<1x16xi32> to vector<16xi32>
      %get3A_124 = arith.index_cast %scan3A_90 : i32 to index
      %get3A_125 = arith.constant 32 : index
      %get3A_126 = tpu.vector_load %arg7[%get3A_124, %get3A_125] {strides = array<i32>} : memref<80x128xi32, #tpu.memory_space<vmem>>, vector<1x16xi32>,
      %get3A_127 = vector.shape_cast %get3A_126 : vector<1x16xi32> to vector<16xi32>
      %eq3A_128 = arith.cmpi eq, %get3A_123, %get3A_127 : vector<16xi32>
      %jit3A_129 = arith.constant 10000 : i32
      %broadcast_in_dim3A_130 = vector.broadcast %jit3A_129 : i32 to vector<16xi32>
      %select_n3A_131 = arith.select %eq3A_128, %broadcast_in_dim3A_130, %get3A_127 : vector<16xi1>, vector<16xi32>
      %swap3A_132 = arith.index_cast %scan3A_90 : i32 to index
      %swap3A_133 = arith.constant 32 : index
      %swap3A_134 = tpu.vector_load %arg7[%swap3A_132, %swap3A_133] {strides = array<i32>} : memref<80x128xi32, #tpu.memory_space<vmem>>, vector<1x16xi32>,
      %swap3A_135 = vector.shape_cast %swap3A_134 : vector<1x16xi32> to vector<16xi32>
      %swap3A_136 = vector.shape_cast %select_n3A_131 : vector<16xi32> to vector<1x16xi32>
      tpu.vector_store %arg7[%swap3A_132, %swap3A_133], %swap3A_136 {strides = array<i32>} : memref<80x128xi32, #tpu.memory_space<vmem>>, vector<1x16xi32>,
      %get3A_137 = arith.index_cast %scan3A_90 : i32 to index
      %get3A_138 = arith.constant 48 : index
      %get3A_139 = tpu.vector_load %arg6[%get3A_137, %get3A_138] {strides = array<i32>} : memref<80x128xi32, #tpu.memory_space<vmem>>, vector<1x16xi32>,
      %get3A_140 = vector.shape_cast %get3A_139 : vector<1x16xi32> to vector<16xi32>
      %get3A_141 = arith.index_cast %scan3A_90 : i32 to index
      %get3A_142 = arith.constant 48 : index
      %get3A_143 = tpu.vector_load %arg7[%get3A_141, %get3A_142] {strides = array<i32>} : memref<80x128xi32, #tpu.memory_space<vmem>>, vector<1x16xi32>,
      %get3A_144 = vector.shape_cast %get3A_143 : vector<1x16xi32> to vector<16xi32>
      %eq3A_145 = arith.cmpi eq, %get3A_140, %get3A_144 : vector<16xi32>
      %jit3A_146 = arith.constant 10000 : i32
      %broadcast_in_dim3A_147 = vector.broadcast %jit3A_146 : i32 to vector<16xi32>
      %select_n3A_148 = arith.select %eq3A_145, %broadcast_in_dim3A_147, %get3A_144 : vector<16xi1>, vector<16xi32>
      %swap3A_149 = arith.index_cast %scan3A_90 : i32 to index
      %swap3A_150 = arith.constant 48 : index
      %swap3A_151 = tpu.vector_load %arg7[%swap3A_149, %swap3A_150] {strides = array<i32>} : memref<80x128xi32, #tpu.memory_space<vmem>>, vector<1x16xi32>,
      %swap3A_152 = vector.shape_cast %swap3A_151 : vector<1x16xi32> to vector<16xi32>
      %swap3A_153 = vector.shape_cast %select_n3A_148 : vector<16xi32> to vector<1x16xi32>
      tpu.vector_store %arg7[%swap3A_149, %swap3A_150], %swap3A_153 {strides = array<i32>} : memref<80x128xi32, #tpu.memory_space<vmem>>, vector<1x16xi32>,
      %get3A_154 = arith.index_cast %scan3A_90 : i32 to index
      %get3A_155 = arith.constant 64 : index
      %get3A_156 = tpu.vector_load %arg6[%get3A_154, %get3A_155] {strides = array<i32>} : memref<80x128xi32, #tpu.memory_space<vmem>>, vector<1x16xi32>,
      %get3A_157 = vector.shape_cast %get3A_156 : vector<1x16xi32> to vector<16xi32>
      %get3A_158 = arith.index_cast %scan3A_90 : i32 to index
      %get3A_159 = arith.constant 64 : index
      %get3A_160 = tpu.vector_load %arg7[%get3A_158, %get3A_159] {strides = array<i32>} : memref<80x128xi32, #tpu.memory_space<vmem>>, vector<1x16xi32>,
      %get3A_161 = vector.shape_cast %get3A_160 : vector<1x16xi32> to vector<16xi32>
      %eq3A_162 = arith.cmpi eq, %get3A_157, %get3A_161 : vector<16xi32>
      %jit3A_163 = arith.constant 10000 : i32
      %broadcast_in_dim3A_164 = vector.broadcast %jit3A_163 : i32 to vector<16xi32>
      %select_n3A_165 = arith.select %eq3A_162, %broadcast_in_dim3A_164, %get3A_161 : vector<16xi1>, vector<16xi32>
      %swap3A_166 = arith.index_cast %scan3A_90 : i32 to index
      %swap3A_167 = arith.constant 64 : index
      %swap3A_168 = tpu.vector_load %arg7[%swap3A_166, %swap3A_167] {strides = array<i32>} : memref<80x128xi32, #tpu.memory_space<vmem>>, vector<1x16xi32>,
      %swap3A_169 = vector.shape_cast %swap3A_168 : vector<1x16xi32> to vector<16xi32>
      %swap3A_170 = vector.shape_cast %select_n3A_165 : vector<16xi32> to vector<1x16xi32>
      tpu.vector_store %arg7[%swap3A_166, %swap3A_167], %swap3A_170 {strides = array<i32>} : memref<80x128xi32, #tpu.memory_space<vmem>>, vector<1x16xi32>,
      %get3A_171 = arith.index_cast %scan3A_90 : i32 to index
      %get3A_172 = arith.constant 80 : index
      %get3A_173 = tpu.vector_load %arg6[%get3A_171, %get3A_172] {strides = array<i32>} : memref<80x128xi32, #tpu.memory_space<vmem>>, vector<1x16xi32>,
      %get3A_174 = vector.shape_cast %get3A_173 : vector<1x16xi32> to vector<16xi32>
      %get3A_175 = arith.index_cast %scan3A_90 : i32 to index
      %get3A_176 = arith.constant 80 : index
      %get3A_177 = tpu.vector_load %arg7[%get3A_175, %get3A_176] {strides = array<i32>} : memref<80x128xi32, #tpu.memory_space<vmem>>, vector<1x16xi32>,
      %get3A_178 = vector.shape_cast %get3A_177 : vector<1x16xi32> to vector<16xi32>
      %eq3A_179 = arith.cmpi eq, %get3A_174, %get3A_178 : vector<16xi32>
      %jit3A_180 = arith.constant 10000 : i32
      %broadcast_in_dim3A_181 = vector.broadcast %jit3A_180 : i32 to vector<16xi32>
      %select_n3A_182 = arith.select %eq3A_179, %broadcast_in_dim3A_181, %get3A_178 : vector<16xi1>, vector<16xi32>
      %swap3A_183 = arith.index_cast %scan3A_90 : i32 to index
      %swap3A_184 = arith.constant 80 : index
      %swap3A_185 = tpu.vector_load %arg7[%swap3A_183, %swap3A_184] {strides = array<i32>} : memref<80x128xi32, #tpu.memory_space<vmem>>, vector<1x16xi32>,
      %swap3A_186 = vector.shape_cast %swap3A_185 : vector<1x16xi32> to vector<16xi32>
      %swap3A_187 = vector.shape_cast %select_n3A_182 : vector<16xi32> to vector<1x16xi32>
      tpu.vector_store %arg7[%swap3A_183, %swap3A_184], %swap3A_187 {strides = array<i32>} : memref<80x128xi32, #tpu.memory_space<vmem>>, vector<1x16xi32>,
      %get3A_188 = arith.index_cast %scan3A_90 : i32 to index
      %get3A_189 = arith.constant 96 : index
      %get3A_190 = tpu.vector_load %arg6[%get3A_188, %get3A_189] {strides = array<i32>} : memref<80x128xi32, #tpu.memory_space<vmem>>, vector<1x16xi32>,
      %get3A_191 = vector.shape_cast %get3A_190 : vector<1x16xi32> to vector<16xi32>
      %get3A_192 = arith.index_cast %scan3A_90 : i32 to index
      %get3A_193 = arith.constant 96 : index
      %get3A_194 = tpu.vector_load %arg7[%get3A_192, %get3A_193] {strides = array<i32>} : memref<80x128xi32, #tpu.memory_space<vmem>>, vector<1x16xi32>,
      %get3A_195 = vector.shape_cast %get3A_194 : vector<1x16xi32> to vector<16xi32>
      %eq3A_196 = arith.cmpi eq, %get3A_191, %get3A_195 : vector<16xi32>
      %jit3A_197 = arith.constant 10000 : i32
      %broadcast_in_dim3A_198 = vector.broadcast %jit3A_197 : i32 to vector<16xi32>
      %select_n3A_199 = arith.select %eq3A_196, %broadcast_in_dim3A_198, %get3A_195 : vector<16xi1>, vector<16xi32>
      %swap3A_200 = arith.index_cast %scan3A_90 : i32 to index
      %swap3A_201 = arith.constant 96 : index
      %swap3A_202 = tpu.vector_load %arg7[%swap3A_200, %swap3A_201] {strides = array<i32>} : memref<80x128xi32, #tpu.memory_space<vmem>>, vector<1x16xi32>,
      %swap3A_203 = vector.shape_cast %swap3A_202 : vector<1x16xi32> to vector<16xi32>
      %swap3A_204 = vector.shape_cast %select_n3A_199 : vector<16xi32> to vector<1x16xi32>
      tpu.vector_store %arg7[%swap3A_200, %swap3A_201], %swap3A_204 {strides = array<i32>} : memref<80x128xi32, #tpu.memory_space<vmem>>, vector<1x16xi32>,
      %get3A_205 = arith.index_cast %scan3A_90 : i32 to index
      %get3A_206 = arith.constant 112 : index
      %get3A_207 = tpu.vector_load %arg6[%get3A_205, %get3A_206] {strides = array<i32>} : memref<80x128xi32, #tpu.memory_space<vmem>>, vector<1x16xi32>,
      %get3A_208 = vector.shape_cast %get3A_207 : vector<1x16xi32> to vector<16xi32>
      %get3A_209 = arith.index_cast %scan3A_90 : i32 to index
      %get3A_210 = arith.constant 112 : index
      %get3A_211 = tpu.vector_load %arg7[%get3A_209, %get3A_210] {strides = array<i32>} : memref<80x128xi32, #tpu.memory_space<vmem>>, vector<1x16xi32>,
      %get3A_212 = vector.shape_cast %get3A_211 : vector<1x16xi32> to vector<16xi32>
      %eq3A_213 = arith.cmpi eq, %get3A_208, %get3A_212 : vector<16xi32>
      %jit3A_214 = arith.constant 10000 : i32
      %broadcast_in_dim3A_215 = vector.broadcast %jit3A_214 : i32 to vector<16xi32>
      %select_n3A_216 = arith.select %eq3A_213, %broadcast_in_dim3A_215, %get3A_212 : vector<16xi1>, vector<16xi32>
      %swap3A_217 = arith.index_cast %scan3A_90 : i32 to index
      %swap3A_218 = arith.constant 112 : index
      %swap3A_219 = tpu.vector_load %arg7[%swap3A_217, %swap3A_218] {strides = array<i32>} : memref<80x128xi32, #tpu.memory_space<vmem>>, vector<1x16xi32>,
      %swap3A_220 = vector.shape_cast %swap3A_219 : vector<1x16xi32> to vector<16xi32>
      %swap3A_221 = vector.shape_cast %select_n3A_216 : vector<16xi32> to vector<1x16xi32>
      tpu.vector_store %arg7[%swap3A_217, %swap3A_218], %swap3A_221 {strides = array<i32>} : memref<80x128xi32, #tpu.memory_space<vmem>>, vector<1x16xi32>,
      %scan3A_222 = arith.constant 0 : i32
      scf.yield %scan3A_222 : i32
    }
    %scan3A_8 = arith.constant 80 : i32
    %scan3A_9 = arith.constant 0 : i32
    %scan3A_10 = arith.constant 0 : i32
    %scan3A_11 = arith.constant 158 : i32
    %scan3A_12 = arith.addi %scan3A_10, %scan3A_11 : i32
    %scan3A_13 = arith.constant 1 : i32
    %scan3A_14 = scf.for %scan3A_90 = %scan3A_10 to %scan3A_12 step %scan3A_13 iter_args(%scan3A_91 = %scan3A_9) -> (i32)  : i32 {
      %broadcast_in_dim3A = arith.constant 0.000000e+00 : f32
      %broadcast_in_dim3A_92 = vector.broadcast %broadcast_in_dim3A : f32 to vector<16xf32>
      %swap3A = arith.index_cast %scan3A_90 : i32 to index
      %swap3A_93 = arith.constant 0 : index
      %swap3A_94 = tpu.vector_load %arg9[%swap3A, %swap3A_93] {strides = array<i32>} : memref<158x32xf32, #tpu.memory_space<vmem>>, vector<1x16xf32>,
      %swap3A_95 = vector.shape_cast %swap3A_94 : vector<1x16xf32> to vector<16xf32>
      %swap3A_96 = vector.shape_cast %broadcast_in_dim3A_92 : vector<16xf32> to vector<1x16xf32>
      tpu.vector_store %arg9[%swap3A, %swap3A_93], %swap3A_96 {strides = array<i32>} : memref<158x32xf32, #tpu.memory_space<vmem>>, vector<1x16xf32>,
      %broadcast_in_dim3A_97 = arith.constant 0.000000e+00 : f32
      %broadcast_in_dim3A_98 = vector.broadcast %broadcast_in_dim3A_97 : f32 to vector<16xf32>
      %swap3A_99 = arith.index_cast %scan3A_90 : i32 to index
      %swap3A_100 = arith.constant 16 : index
      %swap3A_101 = tpu.vector_load %arg9[%swap3A_99, %swap3A_100] {strides = array<i32>} : memref<158x32xf32, #tpu.memory_space<vmem>>, vector<1x16xf32>,
      %swap3A_102 = vector.shape_cast %swap3A_101 : vector<1x16xf32> to vector<16xf32>
      %swap3A_103 = vector.shape_cast %broadcast_in_dim3A_98 : vector<16xf32> to vector<1x16xf32>
      tpu.vector_store %arg9[%swap3A_99, %swap3A_100], %swap3A_103 {strides = array<i32>} : memref<158x32xf32, #tpu.memory_space<vmem>>, vector<1x16xf32>,
      %scan3A_104 = arith.constant 0 : i32
      scf.yield %scan3A_104 : i32
    }
    %scan3A_15 = arith.constant 158 : i32
    %mul3A_16 = arith.constant 632 : i32
    %mul3A_17 = arith.muli %arg1, %mul3A_16 : i32
    %add3A = arith.constant 0 : i32
    %add3A_18 = arith.addi %mul3A_17, %add3A : i32
    "tpu.region"() ({
      %run_scoped3A = tpu.sem_alloc : memref<!tpu.dma_semaphore, #tpu.memory_space<semaphore_mem>>
      %dma_start3A_90 = arith.constant 0 : i32
      %dma_start3A_91 = tpu.memref_slice %arg11[%add3A_18, %dma_start3A_90] : memref<10112x32xf32, #tpu.memory_space<vmem_shared>> -> memref<158x32xf32, #tpu.memory_space<vmem_shared>>
      %dma_start3A_92 = arith.constant 0 : i32
      %dma_start3A_93 = tpu.memref_slice %arg11[%add3A_18, %dma_start3A_92] : memref<10112x32xf32, #tpu.memory_space<vmem_shared>> -> memref<158x32xf32, #tpu.memory_space<vmem_shared>>
      tpu.enqueue_dma source(%arg9 : memref<158x32xf32, #tpu.memory_space<vmem>>) target(%dma_start3A_93 : memref<158x32xf32, #tpu.memory_space<vmem_shared>>) target_semaphore(%run_scoped3A : memref<!tpu.dma_semaphore, #tpu.memory_space<semaphore_mem>>)
      %dma_wait3A = arith.constant 0 : i32
      %dma_wait3A_94 = tpu.memref_slice %arg11[%add3A_18, %dma_wait3A] : memref<10112x32xf32, #tpu.memory_space<vmem_shared>> -> memref<158x32xf32, #tpu.memory_space<vmem_shared>>
      %dma_wait3A_95 = arith.constant 0 : i32
      %dma_wait3A_96 = tpu.memref_slice %arg11[%add3A_18, %dma_wait3A_95] : memref<10112x32xf32, #tpu.memory_space<vmem_shared>> -> memref<158x32xf32, #tpu.memory_space<vmem_shared>>
      tpu.wait_dma2 semaphore(%run_scoped3A : memref<!tpu.dma_semaphore, #tpu.memory_space<semaphore_mem>>) src(%arg9 : memref<158x32xf32, #tpu.memory_space<vmem>>) dst(%dma_wait3A_96 : memref<158x32xf32, #tpu.memory_space<vmem_shared>>)
      tpu.yield
    }) : () -> ()
    %mul3A_19 = arith.constant 632 : i32
    %mul3A_20 = arith.muli %arg1, %mul3A_19 : i32
    %add3A_21 = arith.constant 158 : i32
    %add3A_22 = arith.addi %mul3A_20, %add3A_21 : i32
    "tpu.region"() ({
      %run_scoped3A = tpu.sem_alloc : memref<!tpu.dma_semaphore, #tpu.memory_space<semaphore_mem>>
      %dma_start3A_90 = arith.constant 0 : i32
      %dma_start3A_91 = tpu.memref_slice %arg11[%add3A_22, %dma_start3A_90] : memref<10112x32xf32, #tpu.memory_space<vmem_shared>> -> memref<158x32xf32, #tpu.memory_space<vmem_shared>>
      %dma_start3A_92 = arith.constant 0 : i32
      %dma_start3A_93 = tpu.memref_slice %arg11[%add3A_22, %dma_start3A_92] : memref<10112x32xf32, #tpu.memory_space<vmem_shared>> -> memref<158x32xf32, #tpu.memory_space<vmem_shared>>
      tpu.enqueue_dma source(%arg9 : memref<158x32xf32, #tpu.memory_space<vmem>>) target(%dma_start3A_93 : memref<158x32xf32, #tpu.memory_space<vmem_shared>>) target_semaphore(%run_scoped3A : memref<!tpu.dma_semaphore, #tpu.memory_space<semaphore_mem>>)
      %dma_wait3A = arith.constant 0 : i32
      %dma_wait3A_94 = tpu.memref_slice %arg11[%add3A_22, %dma_wait3A] : memref<10112x32xf32, #tpu.memory_space<vmem_shared>> -> memref<158x32xf32, #tpu.memory_space<vmem_shared>>
      %dma_wait3A_95 = arith.constant 0 : i32
      %dma_wait3A_96 = tpu.memref_slice %arg11[%add3A_22, %dma_wait3A_95] : memref<10112x32xf32, #tpu.memory_space<vmem_shared>> -> memref<158x32xf32, #tpu.memory_space<vmem_shared>>
      tpu.wait_dma2 semaphore(%run_scoped3A : memref<!tpu.dma_semaphore, #tpu.memory_space<semaphore_mem>>) src(%arg9 : memref<158x32xf32, #tpu.memory_space<vmem>>) dst(%dma_wait3A_96 : memref<158x32xf32, #tpu.memory_space<vmem_shared>>)
      tpu.yield
    }) : () -> ()
    %mul3A_23 = arith.constant 632 : i32
    %mul3A_24 = arith.muli %arg1, %mul3A_23 : i32
    %add3A_25 = arith.constant 316 : i32
    %add3A_26 = arith.addi %mul3A_24, %add3A_25 : i32
    "tpu.region"() ({
      %run_scoped3A = tpu.sem_alloc : memref<!tpu.dma_semaphore, #tpu.memory_space<semaphore_mem>>
      %dma_start3A_90 = arith.constant 0 : i32
      %dma_start3A_91 = tpu.memref_slice %arg11[%add3A_26, %dma_start3A_90] : memref<10112x32xf32, #tpu.memory_space<vmem_shared>> -> memref<158x32xf32, #tpu.memory_space<vmem_shared>>
      %dma_start3A_92 = arith.constant 0 : i32
      %dma_start3A_93 = tpu.memref_slice %arg11[%add3A_26, %dma_start3A_92] : memref<10112x32xf32, #tpu.memory_space<vmem_shared>> -> memref<158x32xf32, #tpu.memory_space<vmem_shared>>
      tpu.enqueue_dma source(%arg9 : memref<158x32xf32, #tpu.memory_space<vmem>>) target(%dma_start3A_93 : memref<158x32xf32, #tpu.memory_space<vmem_shared>>) target_semaphore(%run_scoped3A : memref<!tpu.dma_semaphore, #tpu.memory_space<semaphore_mem>>)
      %dma_wait3A = arith.constant 0 : i32
      %dma_wait3A_94 = tpu.memref_slice %arg11[%add3A_26, %dma_wait3A] : memref<10112x32xf32, #tpu.memory_space<vmem_shared>> -> memref<158x32xf32, #tpu.memory_space<vmem_shared>>
      %dma_wait3A_95 = arith.constant 0 : i32
      %dma_wait3A_96 = tpu.memref_slice %arg11[%add3A_26, %dma_wait3A_95] : memref<10112x32xf32, #tpu.memory_space<vmem_shared>> -> memref<158x32xf32, #tpu.memory_space<vmem_shared>>
      tpu.wait_dma2 semaphore(%run_scoped3A : memref<!tpu.dma_semaphore, #tpu.memory_space<semaphore_mem>>) src(%arg9 : memref<158x32xf32, #tpu.memory_space<vmem>>) dst(%dma_wait3A_96 : memref<158x32xf32, #tpu.memory_space<vmem_shared>>)
      tpu.yield
    }) : () -> ()
    %mul3A_27 = arith.constant 632 : i32
    %mul3A_28 = arith.muli %arg1, %mul3A_27 : i32
    %add3A_29 = arith.constant 474 : i32
    %add3A_30 = arith.addi %mul3A_28, %add3A_29 : i32
    "tpu.region"() ({
      %run_scoped3A = tpu.sem_alloc : memref<!tpu.dma_semaphore, #tpu.memory_space<semaphore_mem>>
      %dma_start3A_90 = arith.constant 0 : i32
      %dma_start3A_91 = tpu.memref_slice %arg11[%add3A_30, %dma_start3A_90] : memref<10112x32xf32, #tpu.memory_space<vmem_shared>> -> memref<158x32xf32, #tpu.memory_space<vmem_shared>>
      %dma_start3A_92 = arith.constant 0 : i32
      %dma_start3A_93 = tpu.memref_slice %arg11[%add3A_30, %dma_start3A_92] : memref<10112x32xf32, #tpu.memory_space<vmem_shared>> -> memref<158x32xf32, #tpu.memory_space<vmem_shared>>
      tpu.enqueue_dma source(%arg9 : memref<158x32xf32, #tpu.memory_space<vmem>>) target(%dma_start3A_93 : memref<158x32xf32, #tpu.memory_space<vmem_shared>>) target_semaphore(%run_scoped3A : memref<!tpu.dma_semaphore, #tpu.memory_space<semaphore_mem>>)
      %dma_wait3A = arith.constant 0 : i32
      %dma_wait3A_94 = tpu.memref_slice %arg11[%add3A_30, %dma_wait3A] : memref<10112x32xf32, #tpu.memory_space<vmem_shared>> -> memref<158x32xf32, #tpu.memory_space<vmem_shared>>
      %dma_wait3A_95 = arith.constant 0 : i32
      %dma_wait3A_96 = tpu.memref_slice %arg11[%add3A_30, %dma_wait3A_95] : memref<10112x32xf32, #tpu.memory_space<vmem_shared>> -> memref<158x32xf32, #tpu.memory_space<vmem_shared>>
      tpu.wait_dma2 semaphore(%run_scoped3A : memref<!tpu.dma_semaphore, #tpu.memory_space<semaphore_mem>>) src(%arg9 : memref<158x32xf32, #tpu.memory_space<vmem>>) dst(%dma_wait3A_96 : memref<158x32xf32, #tpu.memory_space<vmem_shared>>)
      tpu.yield
    }) : () -> ()
    %barrier3A = arith.constant 0 : index
    tpu.barrier barrier_id(%barrier3A)
    %dma_start3A = arith.constant 0 : i32
    %dma_start3A_31 = arith.constant 0 : i32
    %dma_start3A_32 = arith.constant 0 : i32
    %dma_start3A_33 = arith.constant 0 : i32
    %dma_start3A_34 = tpu.memref_slice %arg8[%dma_start3A_31, %dma_start3A_32, %dma_start3A_33] : memref<8x128x32xf32, #tpu.memory_space<vmem>> -> memref<1x128x32xf32, #tpu.memory_space<vmem>>
    %dma_start3A_35 = tpu.memref_squeeze %dma_start3A_34 : memref<1x128x32xf32, #tpu.memory_space<vmem>> -> memref<128x32xf32, #tpu.memory_space<vmem>>
    %dma_start3A_36 = arith.constant 0 : i32
    %dma_start3A_37 = tpu.memref_slice %arg6[%dma_start3A, %dma_start3A_36] : memref<80x128xi32, #tpu.memory_space<vmem>> -> memref<1x128xi32, #tpu.memory_space<vmem>>
    %dma_start3A_38 = tpu.memref_squeeze %dma_start3A_37 : memref<1x128xi32, #tpu.memory_space<vmem>> -> memref<128xi32, #tpu.memory_space<vmem>>
    %dma_start3A_39 = arith.constant 0 : i32
    %dma_start3A_40 = arith.constant 0 : i32
    %dma_start3A_41 = tpu.memref_slice %arg10[%dma_start3A_39, %dma_start3A_40] : memref<10000x32xf32, #tpu.memory_space<vmem_shared>> -> memref<10000x32xf32, #tpu.memory_space<vmem_shared>>
    tpu.enqueue_indirect_dma source(%dma_start3A_41 : memref<10000x32xf32, #tpu.memory_space<vmem_shared>>) target(%dma_start3A_35 : memref<128x32xf32, #tpu.memory_space<vmem>>) offsets(%dma_start3A_38 : memref<128xi32, #tpu.memory_space<vmem>>) semaphore(%arg12 : memref<!tpu.dma_semaphore, #tpu.memory_space<semaphore_mem>>)
    %dma_start3A_42 = arith.constant 1 : i32
    %dma_start3A_43 = arith.constant 1 : i32
    %dma_start3A_44 = arith.constant 0 : i32
    %dma_start3A_45 = arith.constant 0 : i32
    %dma_start3A_46 = tpu.memref_slice %arg8[%dma_start3A_43, %dma_start3A_44, %dma_start3A_45] : memref<8x128x32xf32, #tpu.memory_space<vmem>> -> memref<1x128x32xf32, #tpu.memory_space<vmem>>
    %dma_start3A_47 = tpu.memref_squeeze %dma_start3A_46 : memref<1x128x32xf32, #tpu.memory_space<vmem>> -> memref<128x32xf32, #tpu.memory_space<vmem>>
    %dma_start3A_48 = arith.constant 0 : i32
    %dma_start3A_49 = tpu.memref_slice %arg6[%dma_start3A_42, %dma_start3A_48] : memref<80x128xi32, #tpu.memory_space<vmem>> -> memref<1x128xi32, #tpu.memory_space<vmem>>
    %dma_start3A_50 = tpu.memref_squeeze %dma_start3A_49 : memref<1x128xi32, #tpu.memory_space<vmem>> -> memref<128xi32, #tpu.memory_space<vmem>>
    %dma_start3A_51 = arith.constant 0 : i32
    %dma_start3A_52 = arith.constant 0 : i32
    %dma_start3A_53 = tpu.memref_slice %arg10[%dma_start3A_51, %dma_start3A_52] : memref<10000x32xf32, #tpu.memory_space<vmem_shared>> -> memref<10000x32xf32, #tpu.memory_space<vmem_shared>>
    tpu.enqueue_indirect_dma source(%dma_start3A_53 : memref<10000x32xf32, #tpu.memory_space<vmem_shared>>) target(%dma_start3A_47 : memref<128x32xf32, #tpu.memory_space<vmem>>) offsets(%dma_start3A_50 : memref<128xi32, #tpu.memory_space<vmem>>) semaphore(%arg12 : memref<!tpu.dma_semaphore, #tpu.memory_space<semaphore_mem>>)
    %dma_start3A_54 = arith.constant 2 : i32
    %dma_start3A_55 = arith.constant 2 : i32
    %dma_start3A_56 = arith.constant 0 : i32
    %dma_start3A_57 = arith.constant 0 : i32
    %dma_start3A_58 = tpu.memref_slice %arg8[%dma_start3A_55, %dma_start3A_56, %dma_start3A_57] : memref<8x128x32xf32, #tpu.memory_space<vmem>> -> memref<1x128x32xf32, #tpu.memory_space<vmem>>
    %dma_start3A_59 = tpu.memref_squeeze %dma_start3A_58 : memref<1x128x32xf32, #tpu.memory_space<vmem>> -> memref<128x32xf32, #tpu.memory_space<vmem>>
    %dma_start3A_60 = arith.constant 0 : i32
    %dma_start3A_61 = tpu.memref_slice %arg6[%dma_start3A_54, %dma_start3A_60] : memref<80x128xi32, #tpu.memory_space<vmem>> -> memref<1x128xi32, #tpu.memory_space<vmem>>
    %dma_start3A_62 = tpu.memref_squeeze %dma_start3A_61 : memref<1x128xi32, #tpu.memory_space<vmem>> -> memref<128xi32, #tpu.memory_space<vmem>>
    %dma_start3A_63 = arith.constant 0 : i32
    %dma_start3A_64 = arith.constant 0 : i32
    %dma_start3A_65 = tpu.memref_slice %arg10[%dma_start3A_63, %dma_start3A_64] : memref<10000x32xf32, #tpu.memory_space<vmem_shared>> -> memref<10000x32xf32, #tpu.memory_space<vmem_shared>>
    tpu.enqueue_indirect_dma source(%dma_start3A_65 : memref<10000x32xf32, #tpu.memory_space<vmem_shared>>) target(%dma_start3A_59 : memref<128x32xf32, #tpu.memory_space<vmem>>) offsets(%dma_start3A_62 : memref<128xi32, #tpu.memory_space<vmem>>) semaphore(%arg12 : memref<!tpu.dma_semaphore, #tpu.memory_space<semaphore_mem>>)
    %dma_start3A_66 = arith.constant 3 : i32
    %dma_start3A_67 = arith.constant 3 : i32
    %dma_start3A_68 = arith.constant 0 : i32
    %dma_start3A_69 = arith.constant 0 : i32
    %dma_start3A_70 = tpu.memref_slice %arg8[%dma_start3A_67, %dma_start3A_68, %dma_start3A_69] : memref<8x128x32xf32, #tpu.memory_space<vmem>> -> memref<1x128x32xf32, #tpu.memory_space<vmem>>
    %dma_start3A_71 = tpu.memref_squeeze %dma_start3A_70 : memref<1x128x32xf32, #tpu.memory_space<vmem>> -> memref<128x32xf32, #tpu.memory_space<vmem>>
    %dma_start3A_72 = arith.constant 0 : i32
    %dma_start3A_73 = tpu.memref_slice %arg6[%dma_start3A_66, %dma_start3A_72] : memref<80x128xi32, #tpu.memory_space<vmem>> -> memref<1x128xi32, #tpu.memory_space<vmem>>
    %dma_start3A_74 = tpu.memref_squeeze %dma_start3A_73 : memref<1x128xi32, #tpu.memory_space<vmem>> -> memref<128xi32, #tpu.memory_space<vmem>>
    %dma_start3A_75 = arith.constant 0 : i32
    %dma_start3A_76 = arith.constant 0 : i32
    %dma_start3A_77 = tpu.memref_slice %arg10[%dma_start3A_75, %dma_start3A_76] : memref<10000x32xf32, #tpu.memory_space<vmem_shared>> -> memref<10000x32xf32, #tpu.memory_space<vmem_shared>>
    tpu.enqueue_indirect_dma source(%dma_start3A_77 : memref<10000x32xf32, #tpu.memory_space<vmem_shared>>) target(%dma_start3A_71 : memref<128x32xf32, #tpu.memory_space<vmem>>) offsets(%dma_start3A_74 : memref<128xi32, #tpu.memory_space<vmem>>) semaphore(%arg12 : memref<!tpu.dma_semaphore, #tpu.memory_space<semaphore_mem>>)
    %scan3A_78 = arith.constant 0 : i32
    %scan3A_79 = arith.constant 0 : i32
    %scan3A_80 = arith.constant 10 : i32
    %scan3A_81 = arith.addi %scan3A_79, %scan3A_80 : i32
    %scan3A_82 = arith.constant 1 : i32
    %scan3A_83 = scf.for %scan3A_90 = %scan3A_79 to %scan3A_81 step %scan3A_82 iter_args(%scan3A_91 = %scan3A_78) -> (i32)  : i32 {
      %mul3A_92 = arith.constant 2 : i32
      %mul3A_93 = arith.muli %mul3A_92, %scan3A_90 : i32
      %add3A_94 = arith.constant 1 : i32
      %add3A_95 = arith.addi %mul3A_93, %add3A_94 : i32
      %mul3A_96 = arith.constant 4 : i32
      %mul3A_97 = arith.muli %add3A_95, %mul3A_96 : i32
      %add3A_98 = arith.constant 0 : i32
      %add3A_99 = arith.addi %mul3A_97, %add3A_98 : i32
      %dma_start3A_100 = arith.constant 4 : i32
      %dma_start3A_101 = arith.constant 0 : i32
      %dma_start3A_102 = arith.constant 0 : i32
      %dma_start3A_103 = tpu.memref_slice %arg8[%dma_start3A_100, %dma_start3A_101, %dma_start3A_102] : memref<8x128x32xf32, #tpu.memory_space<vmem>> -> memref<1x128x32xf32, #tpu.memory_space<vmem>>
      %dma_start3A_104 = tpu.memref_squeeze %dma_start3A_103 : memref<1x128x32xf32, #tpu.memory_space<vmem>> -> memref<128x32xf32, #tpu.memory_space<vmem>>
      %dma_start3A_105 = arith.constant 0 : i32
      %dma_start3A_106 = tpu.memref_slice %arg6[%add3A_99, %dma_start3A_105] : memref<80x128xi32, #tpu.memory_space<vmem>> -> memref<1x128xi32, #tpu.memory_space<vmem>>
      %dma_start3A_107 = tpu.memref_squeeze %dma_start3A_106 : memref<1x128xi32, #tpu.memory_space<vmem>> -> memref<128xi32, #tpu.memory_space<vmem>>
      %dma_start3A_108 = arith.constant 0 : i32
      %dma_start3A_109 = arith.constant 0 : i32
      %dma_start3A_110 = tpu.memref_slice %arg10[%dma_start3A_108, %dma_start3A_109] : memref<10000x32xf32, #tpu.memory_space<vmem_shared>> -> memref<10000x32xf32, #tpu.memory_space<vmem_shared>>
      tpu.enqueue_indirect_dma source(%dma_start3A_110 : memref<10000x32xf32, #tpu.memory_space<vmem_shared>>) target(%dma_start3A_104 : memref<128x32xf32, #tpu.memory_space<vmem>>) offsets(%dma_start3A_107 : memref<128xi32, #tpu.memory_space<vmem>>) semaphore(%arg13 : memref<!tpu.dma_semaphore, #tpu.memory_space<semaphore_mem>>)
      %mul3A_111 = arith.constant 4 : i32
      %mul3A_112 = arith.muli %add3A_95, %mul3A_111 : i32
      %add3A_113 = arith.constant 1 : i32
      %add3A_114 = arith.addi %mul3A_112, %add3A_113 : i32
      %dma_start3A_115 = arith.constant 5 : i32
      %dma_start3A_116 = arith.constant 0 : i32
      %dma_start3A_117 = arith.constant 0 : i32
      %dma_start3A_118 = tpu.memref_slice %arg8[%dma_start3A_115, %dma_start3A_116, %dma_start3A_117] : memref<8x128x32xf32, #tpu.memory_space<vmem>> -> memref<1x128x32xf32, #tpu.memory_space<vmem>>
      %dma_start3A_119 = tpu.memref_squeeze %dma_start3A_118 : memref<1x128x32xf32, #tpu.memory_space<vmem>> -> memref<128x32xf32, #tpu.memory_space<vmem>>
      %dma_start3A_120 = arith.constant 0 : i32
      %dma_start3A_121 = tpu.memref_slice %arg6[%add3A_114, %dma_start3A_120] : memref<80x128xi32, #tpu.memory_space<vmem>> -> memref<1x128xi32, #tpu.memory_space<vmem>>
      %dma_start3A_122 = tpu.memref_squeeze %dma_start3A_121 : memref<1x128xi32, #tpu.memory_space<vmem>> -> memref<128xi32, #tpu.memory_space<vmem>>
      %dma_start3A_123 = arith.constant 0 : i32
      %dma_start3A_124 = arith.constant 0 : i32
      %dma_start3A_125 = tpu.memref_slice %arg10[%dma_start3A_123, %dma_start3A_124] : memref<10000x32xf32, #tpu.memory_space<vmem_shared>> -> memref<10000x32xf32, #tpu.memory_space<vmem_shared>>
      tpu.enqueue_indirect_dma source(%dma_start3A_125 : memref<10000x32xf32, #tpu.memory_space<vmem_shared>>) target(%dma_start3A_119 : memref<128x32xf32, #tpu.memory_space<vmem>>) offsets(%dma_start3A_122 : memref<128xi32, #tpu.memory_space<vmem>>) semaphore(%arg13 : memref<!tpu.dma_semaphore, #tpu.memory_space<semaphore_mem>>)
      %mul3A_126 = arith.constant 4 : i32
      %mul3A_127 = arith.muli %add3A_95, %mul3A_126 : i32
      %add3A_128 = arith.constant 2 : i32
      %add3A_129 = arith.addi %mul3A_127, %add3A_128 : i32
      %dma_start3A_130 = arith.constant 6 : i32
      %dma_start3A_131 = arith.constant 0 : i32
      %dma_start3A_132 = arith.constant 0 : i32
      %dma_start3A_133 = tpu.memref_slice %arg8[%dma_start3A_130, %dma_start3A_131, %dma_start3A_132] : memref<8x128x32xf32, #tpu.memory_space<vmem>> -> memref<1x128x32xf32, #tpu.memory_space<vmem>>
      %dma_start3A_134 = tpu.memref_squeeze %dma_start3A_133 : memref<1x128x32xf32, #tpu.memory_space<vmem>> -> memref<128x32xf32, #tpu.memory_space<vmem>>
      %dma_start3A_135 = arith.constant 0 : i32
      %dma_start3A_136 = tpu.memref_slice %arg6[%add3A_129, %dma_start3A_135] : memref<80x128xi32, #tpu.memory_space<vmem>> -> memref<1x128xi32, #tpu.memory_space<vmem>>
      %dma_start3A_137 = tpu.memref_squeeze %dma_start3A_136 : memref<1x128xi32, #tpu.memory_space<vmem>> -> memref<128xi32, #tpu.memory_space<vmem>>
      %dma_start3A_138 = arith.constant 0 : i32
      %dma_start3A_139 = arith.constant 0 : i32
      %dma_start3A_140 = tpu.memref_slice %arg10[%dma_start3A_138, %dma_start3A_139] : memref<10000x32xf32, #tpu.memory_space<vmem_shared>> -> memref<10000x32xf32, #tpu.memory_space<vmem_shared>>
      tpu.enqueue_indirect_dma source(%dma_start3A_140 : memref<10000x32xf32, #tpu.memory_space<vmem_shared>>) target(%dma_start3A_134 : memref<128x32xf32, #tpu.memory_space<vmem>>) offsets(%dma_start3A_137 : memref<128xi32, #tpu.memory_space<vmem>>) semaphore(%arg13 : memref<!tpu.dma_semaphore, #tpu.memory_space<semaphore_mem>>)
      %mul3A_141 = arith.constant 4 : i32
      %mul3A_142 = arith.muli %add3A_95, %mul3A_141 : i32
      %add3A_143 = arith.constant 3 : i32
      %add3A_144 = arith.addi %mul3A_142, %add3A_143 : i32
      %dma_start3A_145 = arith.constant 7 : i32
      %dma_start3A_146 = arith.constant 0 : i32
      %dma_start3A_147 = arith.constant 0 : i32
      %dma_start3A_148 = tpu.memref_slice %arg8[%dma_start3A_145, %dma_start3A_146, %dma_start3A_147] : memref<8x128x32xf32, #tpu.memory_space<vmem>> -> memref<1x128x32xf32, #tpu.memory_space<vmem>>
      %dma_start3A_149 = tpu.memref_squeeze %dma_start3A_148 : memref<1x128x32xf32, #tpu.memory_space<vmem>> -> memref<128x32xf32, #tpu.memory_space<vmem>>
      %dma_start3A_150 = arith.constant 0 : i32
      %dma_start3A_151 = tpu.memref_slice %arg6[%add3A_144, %dma_start3A_150] : memref<80x128xi32, #tpu.memory_space<vmem>> -> memref<1x128xi32, #tpu.memory_space<vmem>>
      %dma_start3A_152 = tpu.memref_squeeze %dma_start3A_151 : memref<1x128xi32, #tpu.memory_space<vmem>> -> memref<128xi32, #tpu.memory_space<vmem>>
      %dma_start3A_153 = arith.constant 0 : i32
      %dma_start3A_154 = arith.constant 0 : i32
      %dma_start3A_155 = tpu.memref_slice %arg10[%dma_start3A_153, %dma_start3A_154] : memref<10000x32xf32, #tpu.memory_space<vmem_shared>> -> memref<10000x32xf32, #tpu.memory_space<vmem_shared>>
      tpu.enqueue_indirect_dma source(%dma_start3A_155 : memref<10000x32xf32, #tpu.memory_space<vmem_shared>>) target(%dma_start3A_149 : memref<128x32xf32, #tpu.memory_space<vmem>>) offsets(%dma_start3A_152 : memref<128xi32, #tpu.memory_space<vmem>>) semaphore(%arg13 : memref<!tpu.dma_semaphore, #tpu.memory_space<semaphore_mem>>)
      %mul3A_156 = arith.constant 4 : i32
      %mul3A_157 = arith.muli %mul3A_93, %mul3A_156 : i32
      %add3A_158 = arith.constant 0 : i32
      %add3A_159 = arith.addi %mul3A_157, %add3A_158 : i32
      %dma_wait3A = arith.constant 0 : i32
      %dma_wait3A_160 = arith.constant 0 : i32
      %dma_wait3A_161 = arith.constant 0 : i32
      %dma_wait3A_162 = tpu.memref_slice %arg8[%dma_wait3A, %dma_wait3A_160, %dma_wait3A_161] : memref<8x128x32xf32, #tpu.memory_space<vmem>> -> memref<1x128x32xf32, #tpu.memory_space<vmem>>
      %dma_wait3A_163 = tpu.memref_squeeze %dma_wait3A_162 : memref<1x128x32xf32, #tpu.memory_space<vmem>> -> memref<128x32xf32, #tpu.memory_space<vmem>>
      %dma_wait3A_164 = arith.constant 0 : i32
      %dma_wait3A_165 = tpu.memref_slice %arg6[%add3A_159, %dma_wait3A_164] : memref<80x128xi32, #tpu.memory_space<vmem>> -> memref<1x128xi32, #tpu.memory_space<vmem>>
      %dma_wait3A_166 = tpu.memref_squeeze %dma_wait3A_165 : memref<1x128xi32, #tpu.memory_space<vmem>> -> memref<128xi32, #tpu.memory_space<vmem>>
      %dma_wait3A_167 = arith.constant 0 : i32
      %dma_wait3A_168 = arith.constant 0 : i32
      %dma_wait3A_169 = tpu.memref_slice %arg10[%dma_wait3A_167, %dma_wait3A_168] : memref<10000x32xf32, #tpu.memory_space<vmem_shared>> -> memref<10000x32xf32, #tpu.memory_space<vmem_shared>>
      tpu.wait_indirect_dma semaphore(%arg12 : memref<!tpu.dma_semaphore, #tpu.memory_space<semaphore_mem>>) src(%dma_wait3A_169 : memref<10000x32xf32, #tpu.memory_space<vmem_shared>>) dst(%dma_wait3A_163 : memref<128x32xf32, #tpu.memory_space<vmem>>)
      %mul3A_170 = arith.constant 4 : i32
      %mul3A_171 = arith.muli %mul3A_93, %mul3A_170 : i32
      %add3A_172 = arith.constant 0 : i32
      %add3A_173 = arith.addi %mul3A_171, %add3A_172 : i32
      %dma_start3A_174 = arith.constant 0 : i32
      %dma_start3A_175 = arith.constant 0 : i32
      %dma_start3A_176 = arith.constant 0 : i32
      %dma_start3A_177 = tpu.memref_slice %arg8[%dma_start3A_174, %dma_start3A_175, %dma_start3A_176] : memref<8x128x32xf32, #tpu.memory_space<vmem>> -> memref<1x128x32xf32, #tpu.memory_space<vmem>>
      %dma_start3A_178 = tpu.memref_squeeze %dma_start3A_177 : memref<1x128x32xf32, #tpu.memory_space<vmem>> -> memref<128x32xf32, #tpu.memory_space<vmem>>
      %dma_start3A_179 = arith.constant 0 : i32
      %dma_start3A_180 = tpu.memref_slice %arg7[%add3A_173, %dma_start3A_179] : memref<80x128xi32, #tpu.memory_space<vmem>> -> memref<1x128xi32, #tpu.memory_space<vmem>>
      %dma_start3A_181 = tpu.memref_squeeze %dma_start3A_180 : memref<1x128xi32, #tpu.memory_space<vmem>> -> memref<128xi32, #tpu.memory_space<vmem>>
      %dma_start3A_182 = arith.constant 0 : i32
      %dma_start3A_183 = arith.constant 0 : i32
      %dma_start3A_184 = tpu.memref_slice %arg11[%dma_start3A_182, %dma_start3A_183] : memref<10112x32xf32, #tpu.memory_space<vmem_shared>> -> memref<10112x32xf32, #tpu.memory_space<vmem_shared>>
      tpu.enqueue_indirect_dma source(%dma_start3A_178 : memref<128x32xf32, #tpu.memory_space<vmem>>) target(%dma_start3A_184 : memref<10112x32xf32, #tpu.memory_space<vmem_shared>>) offsets(%dma_start3A_181 : memref<128xi32, #tpu.memory_space<vmem>>) semaphore(%arg14 : memref<!tpu.dma_semaphore, #tpu.memory_space<semaphore_mem>>) {add = true}
      %mul3A_185 = arith.constant 4 : i32
      %mul3A_186 = arith.muli %mul3A_93, %mul3A_185 : i32
      %add3A_187 = arith.constant 1 : i32
      %add3A_188 = arith.addi %mul3A_186, %add3A_187 : i32
      %dma_wait3A_189 = arith.constant 1 : i32
      %dma_wait3A_190 = arith.constant 0 : i32
      %dma_wait3A_191 = arith.constant 0 : i32
      %dma_wait3A_192 = tpu.memref_slice %arg8[%dma_wait3A_189, %dma_wait3A_190, %dma_wait3A_191] : memref<8x128x32xf32, #tpu.memory_space<vmem>> -> memref<1x128x32xf32, #tpu.memory_space<vmem>>
      %dma_wait3A_193 = tpu.memref_squeeze %dma_wait3A_192 : memref<1x128x32xf32, #tpu.memory_space<vmem>> -> memref<128x32xf32, #tpu.memory_space<vmem>>
      %dma_wait3A_194 = arith.constant 0 : i32
      %dma_wait3A_195 = tpu.memref_slice %arg6[%add3A_188, %dma_wait3A_194] : memref<80x128xi32, #tpu.memory_space<vmem>> -> memref<1x128xi32, #tpu.memory_space<vmem>>
      %dma_wait3A_196 = tpu.memref_squeeze %dma_wait3A_195 : memref<1x128xi32, #tpu.memory_space<vmem>> -> memref<128xi32, #tpu.memory_space<vmem>>
      %dma_wait3A_197 = arith.constant 0 : i32
      %dma_wait3A_198 = arith.constant 0 : i32
      %dma_wait3A_199 = tpu.memref_slice %arg10[%dma_wait3A_197, %dma_wait3A_198] : memref<10000x32xf32, #tpu.memory_space<vmem_shared>> -> memref<10000x32xf32, #tpu.memory_space<vmem_shared>>
      tpu.wait_indirect_dma semaphore(%arg12 : memref<!tpu.dma_semaphore, #tpu.memory_space<semaphore_mem>>) src(%dma_wait3A_199 : memref<10000x32xf32, #tpu.memory_space<vmem_shared>>) dst(%dma_wait3A_193 : memref<128x32xf32, #tpu.memory_space<vmem>>)
      %mul3A_200 = arith.constant 4 : i32
      %mul3A_201 = arith.muli %mul3A_93, %mul3A_200 : i32
      %add3A_202 = arith.constant 1 : i32
      %add3A_203 = arith.addi %mul3A_201, %add3A_202 : i32
      %dma_start3A_204 = arith.constant 1 : i32
      %dma_start3A_205 = arith.constant 0 : i32
      %dma_start3A_206 = arith.constant 0 : i32
      %dma_start3A_207 = tpu.memref_slice %arg8[%dma_start3A_204, %dma_start3A_205, %dma_start3A_206] : memref<8x128x32xf32, #tpu.memory_space<vmem>> -> memref<1x128x32xf32, #tpu.memory_space<vmem>>
      %dma_start3A_208 = tpu.memref_squeeze %dma_start3A_207 : memref<1x128x32xf32, #tpu.memory_space<vmem>> -> memref<128x32xf32, #tpu.memory_space<vmem>>
      %dma_start3A_209 = arith.constant 0 : i32
      %dma_start3A_210 = tpu.memref_slice %arg7[%add3A_203, %dma_start3A_209] : memref<80x128xi32, #tpu.memory_space<vmem>> -> memref<1x128xi32, #tpu.memory_space<vmem>>
      %dma_start3A_211 = tpu.memref_squeeze %dma_start3A_210 : memref<1x128xi32, #tpu.memory_space<vmem>> -> memref<128xi32, #tpu.memory_space<vmem>>
      %dma_start3A_212 = arith.constant 0 : i32
      %dma_start3A_213 = arith.constant 0 : i32
      %dma_start3A_214 = tpu.memref_slice %arg11[%dma_start3A_212, %dma_start3A_213] : memref<10112x32xf32, #tpu.memory_space<vmem_shared>> -> memref<10112x32xf32, #tpu.memory_space<vmem_shared>>
      tpu.enqueue_indirect_dma source(%dma_start3A_208 : memref<128x32xf32, #tpu.memory_space<vmem>>) target(%dma_start3A_214 : memref<10112x32xf32, #tpu.memory_space<vmem_shared>>) offsets(%dma_start3A_211 : memref<128xi32, #tpu.memory_space<vmem>>) semaphore(%arg14 : memref<!tpu.dma_semaphore, #tpu.memory_space<semaphore_mem>>) {add = true}
      %mul3A_215 = arith.constant 4 : i32
      %mul3A_216 = arith.muli %mul3A_93, %mul3A_215 : i32
      %add3A_217 = arith.constant 2 : i32
      %add3A_218 = arith.addi %mul3A_216, %add3A_217 : i32
      %dma_wait3A_219 = arith.constant 2 : i32
      %dma_wait3A_220 = arith.constant 0 : i32
      %dma_wait3A_221 = arith.constant 0 : i32
      %dma_wait3A_222 = tpu.memref_slice %arg8[%dma_wait3A_219, %dma_wait3A_220, %dma_wait3A_221] : memref<8x128x32xf32, #tpu.memory_space<vmem>> -> memref<1x128x32xf32, #tpu.memory_space<vmem>>
      %dma_wait3A_223 = tpu.memref_squeeze %dma_wait3A_222 : memref<1x128x32xf32, #tpu.memory_space<vmem>> -> memref<128x32xf32, #tpu.memory_space<vmem>>
      %dma_wait3A_224 = arith.constant 0 : i32
      %dma_wait3A_225 = tpu.memref_slice %arg6[%add3A_218, %dma_wait3A_224] : memref<80x128xi32, #tpu.memory_space<vmem>> -> memref<1x128xi32, #tpu.memory_space<vmem>>
      %dma_wait3A_226 = tpu.memref_squeeze %dma_wait3A_225 : memref<1x128xi32, #tpu.memory_space<vmem>> -> memref<128xi32, #tpu.memory_space<vmem>>
      %dma_wait3A_227 = arith.constant 0 : i32
      %dma_wait3A_228 = arith.constant 0 : i32
      %dma_wait3A_229 = tpu.memref_slice %arg10[%dma_wait3A_227, %dma_wait3A_228] : memref<10000x32xf32, #tpu.memory_space<vmem_shared>> -> memref<10000x32xf32, #tpu.memory_space<vmem_shared>>
      tpu.wait_indirect_dma semaphore(%arg12 : memref<!tpu.dma_semaphore, #tpu.memory_space<semaphore_mem>>) src(%dma_wait3A_229 : memref<10000x32xf32, #tpu.memory_space<vmem_shared>>) dst(%dma_wait3A_223 : memref<128x32xf32, #tpu.memory_space<vmem>>)
      %mul3A_230 = arith.constant 4 : i32
      %mul3A_231 = arith.muli %mul3A_93, %mul3A_230 : i32
      %add3A_232 = arith.constant 2 : i32
      %add3A_233 = arith.addi %mul3A_231, %add3A_232 : i32
      %dma_start3A_234 = arith.constant 2 : i32
      %dma_start3A_235 = arith.constant 0 : i32
      %dma_start3A_236 = arith.constant 0 : i32
      %dma_start3A_237 = tpu.memref_slice %arg8[%dma_start3A_234, %dma_start3A_235, %dma_start3A_236] : memref<8x128x32xf32, #tpu.memory_space<vmem>> -> memref<1x128x32xf32, #tpu.memory_space<vmem>>
      %dma_start3A_238 = tpu.memref_squeeze %dma_start3A_237 : memref<1x128x32xf32, #tpu.memory_space<vmem>> -> memref<128x32xf32, #tpu.memory_space<vmem>>
      %dma_start3A_239 = arith.constant 0 : i32
      %dma_start3A_240 = tpu.memref_slice %arg7[%add3A_233, %dma_start3A_239] : memref<80x128xi32, #tpu.memory_space<vmem>> -> memref<1x128xi32, #tpu.memory_space<vmem>>
      %dma_start3A_241 = tpu.memref_squeeze %dma_start3A_240 : memref<1x128xi32, #tpu.memory_space<vmem>> -> memref<128xi32, #tpu.memory_space<vmem>>
      %dma_start3A_242 = arith.constant 0 : i32
      %dma_start3A_243 = arith.constant 0 : i32
      %dma_start3A_244 = tpu.memref_slice %arg11[%dma_start3A_242, %dma_start3A_243] : memref<10112x32xf32, #tpu.memory_space<vmem_shared>> -> memref<10112x32xf32, #tpu.memory_space<vmem_shared>>
      tpu.enqueue_indirect_dma source(%dma_start3A_238 : memref<128x32xf32, #tpu.memory_space<vmem>>) target(%dma_start3A_244 : memref<10112x32xf32, #tpu.memory_space<vmem_shared>>) offsets(%dma_start3A_241 : memref<128xi32, #tpu.memory_space<vmem>>) semaphore(%arg14 : memref<!tpu.dma_semaphore, #tpu.memory_space<semaphore_mem>>) {add = true}
      %mul3A_245 = arith.constant 4 : i32
      %mul3A_246 = arith.muli %mul3A_93, %mul3A_245 : i32
      %add3A_247 = arith.constant 3 : i32
      %add3A_248 = arith.addi %mul3A_246, %add3A_247 : i32
      %dma_wait3A_249 = arith.constant 3 : i32
      %dma_wait3A_250 = arith.constant 0 : i32
      %dma_wait3A_251 = arith.constant 0 : i32
      %dma_wait3A_252 = tpu.memref_slice %arg8[%dma_wait3A_249, %dma_wait3A_250, %dma_wait3A_251] : memref<8x128x32xf32, #tpu.memory_space<vmem>> -> memref<1x128x32xf32, #tpu.memory_space<vmem>>
      %dma_wait3A_253 = tpu.memref_squeeze %dma_wait3A_252 : memref<1x128x32xf32, #tpu.memory_space<vmem>> -> memref<128x32xf32, #tpu.memory_space<vmem>>
      %dma_wait3A_254 = arith.constant 0 : i32
      %dma_wait3A_255 = tpu.memref_slice %arg6[%add3A_248, %dma_wait3A_254] : memref<80x128xi32, #tpu.memory_space<vmem>> -> memref<1x128xi32, #tpu.memory_space<vmem>>
      %dma_wait3A_256 = tpu.memref_squeeze %dma_wait3A_255 : memref<1x128xi32, #tpu.memory_space<vmem>> -> memref<128xi32, #tpu.memory_space<vmem>>
      %dma_wait3A_257 = arith.constant 0 : i32
      %dma_wait3A_258 = arith.constant 0 : i32
      %dma_wait3A_259 = tpu.memref_slice %arg10[%dma_wait3A_257, %dma_wait3A_258] : memref<10000x32xf32, #tpu.memory_space<vmem_shared>> -> memref<10000x32xf32, #tpu.memory_space<vmem_shared>>
      tpu.wait_indirect_dma semaphore(%arg12 : memref<!tpu.dma_semaphore, #tpu.memory_space<semaphore_mem>>) src(%dma_wait3A_259 : memref<10000x32xf32, #tpu.memory_space<vmem_shared>>) dst(%dma_wait3A_253 : memref<128x32xf32, #tpu.memory_space<vmem>>)
      %mul3A_260 = arith.constant 4 : i32
      %mul3A_261 = arith.muli %mul3A_93, %mul3A_260 : i32
      %add3A_262 = arith.constant 3 : i32
      %add3A_263 = arith.addi %mul3A_261, %add3A_262 : i32
      %dma_start3A_264 = arith.constant 3 : i32
      %dma_start3A_265 = arith.constant 0 : i32
      %dma_start3A_266 = arith.constant 0 : i32
      %dma_start3A_267 = tpu.memref_slice %arg8[%dma_start3A_264, %dma_start3A_265, %dma_start3A_266] : memref<8x128x32xf32, #tpu.memory_space<vmem>> -> memref<1x128x32xf32, #tpu.memory_space<vmem>>
      %dma_start3A_268 = tpu.memref_squeeze %dma_start3A_267 : memref<1x128x32xf32, #tpu.memory_space<vmem>> -> memref<128x32xf32, #tpu.memory_space<vmem>>
      %dma_start3A_269 = arith.constant 0 : i32
      %dma_start3A_270 = tpu.memref_slice %arg7[%add3A_263, %dma_start3A_269] : memref<80x128xi32, #tpu.memory_space<vmem>> -> memref<1x128xi32, #tpu.memory_space<vmem>>
      %dma_start3A_271 = tpu.memref_squeeze %dma_start3A_270 : memref<1x128xi32, #tpu.memory_space<vmem>> -> memref<128xi32, #tpu.memory_space<vmem>>
      %dma_start3A_272 = arith.constant 0 : i32
      %dma_start3A_273 = arith.constant 0 : i32
      %dma_start3A_274 = tpu.memref_slice %arg11[%dma_start3A_272, %dma_start3A_273] : memref<10112x32xf32, #tpu.memory_space<vmem_shared>> -> memref<10112x32xf32, #tpu.memory_space<vmem_shared>>
      tpu.enqueue_indirect_dma source(%dma_start3A_268 : memref<128x32xf32, #tpu.memory_space<vmem>>) target(%dma_start3A_274 : memref<10112x32xf32, #tpu.memory_space<vmem_shared>>) offsets(%dma_start3A_271 : memref<128xi32, #tpu.memory_space<vmem>>) semaphore(%arg14 : memref<!tpu.dma_semaphore, #tpu.memory_space<semaphore_mem>>) {add = true}
      %dma_wait3A_275 = arith.constant 0 : i32
      %dma_wait3A_276 = arith.constant 0 : i32
      %dma_wait3A_277 = arith.constant 0 : i32
      %dma_wait3A_278 = tpu.memref_slice %arg8[%dma_wait3A_275, %dma_wait3A_276, %dma_wait3A_277] : memref<8x128x32xf32, #tpu.memory_space<vmem>> -> memref<1x128x32xf32, #tpu.memory_space<vmem>>
      %dma_wait3A_279 = tpu.memref_squeeze %dma_wait3A_278 : memref<1x128x32xf32, #tpu.memory_space<vmem>> -> memref<128x32xf32, #tpu.memory_space<vmem>>
      %dma_wait3A_280 = arith.constant 0 : i32
      %dma_wait3A_281 = tpu.memref_slice %arg7[%add3A_173, %dma_wait3A_280] : memref<80x128xi32, #tpu.memory_space<vmem>> -> memref<1x128xi32, #tpu.memory_space<vmem>>
      %dma_wait3A_282 = tpu.memref_squeeze %dma_wait3A_281 : memref<1x128xi32, #tpu.memory_space<vmem>> -> memref<128xi32, #tpu.memory_space<vmem>>
      %dma_wait3A_283 = arith.constant 0 : i32
      %dma_wait3A_284 = arith.constant 0 : i32
      %dma_wait3A_285 = tpu.memref_slice %arg11[%dma_wait3A_283, %dma_wait3A_284] : memref<10112x32xf32, #tpu.memory_space<vmem_shared>> -> memref<10112x32xf32, #tpu.memory_space<vmem_shared>>
      tpu.wait_indirect_dma semaphore(%arg14 : memref<!tpu.dma_semaphore, #tpu.memory_space<semaphore_mem>>) src(%dma_wait3A_279 : memref<128x32xf32, #tpu.memory_space<vmem>>) dst(%dma_wait3A_285 : memref<10112x32xf32, #tpu.memory_space<vmem_shared>>)
      %dma_wait3A_286 = arith.constant 1 : i32
      %dma_wait3A_287 = arith.constant 0 : i32
      %dma_wait3A_288 = arith.constant 0 : i32
      %dma_wait3A_289 = tpu.memref_slice %arg8[%dma_wait3A_286, %dma_wait3A_287, %dma_wait3A_288] : memref<8x128x32xf32, #tpu.memory_space<vmem>> -> memref<1x128x32xf32, #tpu.memory_space<vmem>>
      %dma_wait3A_290 = tpu.memref_squeeze %dma_wait3A_289 : memref<1x128x32xf32, #tpu.memory_space<vmem>> -> memref<128x32xf32, #tpu.memory_space<vmem>>
      %dma_wait3A_291 = arith.constant 0 : i32
      %dma_wait3A_292 = tpu.memref_slice %arg7[%add3A_203, %dma_wait3A_291] : memref<80x128xi32, #tpu.memory_space<vmem>> -> memref<1x128xi32, #tpu.memory_space<vmem>>
      %dma_wait3A_293 = tpu.memref_squeeze %dma_wait3A_292 : memref<1x128xi32, #tpu.memory_space<vmem>> -> memref<128xi32, #tpu.memory_space<vmem>>
      %dma_wait3A_294 = arith.constant 0 : i32
      %dma_wait3A_295 = arith.constant 0 : i32
      %dma_wait3A_296 = tpu.memref_slice %arg11[%dma_wait3A_294, %dma_wait3A_295] : memref<10112x32xf32, #tpu.memory_space<vmem_shared>> -> memref<10112x32xf32, #tpu.memory_space<vmem_shared>>
      tpu.wait_indirect_dma semaphore(%arg14 : memref<!tpu.dma_semaphore, #tpu.memory_space<semaphore_mem>>) src(%dma_wait3A_290 : memref<128x32xf32, #tpu.memory_space<vmem>>) dst(%dma_wait3A_296 : memref<10112x32xf32, #tpu.memory_space<vmem_shared>>)
      %dma_wait3A_297 = arith.constant 2 : i32
      %dma_wait3A_298 = arith.constant 0 : i32
      %dma_wait3A_299 = arith.constant 0 : i32
      %dma_wait3A_300 = tpu.memref_slice %arg8[%dma_wait3A_297, %dma_wait3A_298, %dma_wait3A_299] : memref<8x128x32xf32, #tpu.memory_space<vmem>> -> memref<1x128x32xf32, #tpu.memory_space<vmem>>
      %dma_wait3A_301 = tpu.memref_squeeze %dma_wait3A_300 : memref<1x128x32xf32, #tpu.memory_space<vmem>> -> memref<128x32xf32, #tpu.memory_space<vmem>>
      %dma_wait3A_302 = arith.constant 0 : i32
      %dma_wait3A_303 = tpu.memref_slice %arg7[%add3A_233, %dma_wait3A_302] : memref<80x128xi32, #tpu.memory_space<vmem>> -> memref<1x128xi32, #tpu.memory_space<vmem>>
      %dma_wait3A_304 = tpu.memref_squeeze %dma_wait3A_303 : memref<1x128xi32, #tpu.memory_space<vmem>> -> memref<128xi32, #tpu.memory_space<vmem>>
      %dma_wait3A_305 = arith.constant 0 : i32
      %dma_wait3A_306 = arith.constant 0 : i32
      %dma_wait3A_307 = tpu.memref_slice %arg11[%dma_wait3A_305, %dma_wait3A_306] : memref<10112x32xf32, #tpu.memory_space<vmem_shared>> -> memref<10112x32xf32, #tpu.memory_space<vmem_shared>>
      tpu.wait_indirect_dma semaphore(%arg14 : memref<!tpu.dma_semaphore, #tpu.memory_space<semaphore_mem>>) src(%dma_wait3A_301 : memref<128x32xf32, #tpu.memory_space<vmem>>) dst(%dma_wait3A_307 : memref<10112x32xf32, #tpu.memory_space<vmem_shared>>)
      %dma_wait3A_308 = arith.constant 3 : i32
      %dma_wait3A_309 = arith.constant 0 : i32
      %dma_wait3A_310 = arith.constant 0 : i32
      %dma_wait3A_311 = tpu.memref_slice %arg8[%dma_wait3A_308, %dma_wait3A_309, %dma_wait3A_310] : memref<8x128x32xf32, #tpu.memory_space<vmem>> -> memref<1x128x32xf32, #tpu.memory_space<vmem>>
      %dma_wait3A_312 = tpu.memref_squeeze %dma_wait3A_311 : memref<1x128x32xf32, #tpu.memory_space<vmem>> -> memref<128x32xf32, #tpu.memory_space<vmem>>
      %dma_wait3A_313 = arith.constant 0 : i32
      %dma_wait3A_314 = tpu.memref_slice %arg7[%add3A_263, %dma_wait3A_313] : memref<80x128xi32, #tpu.memory_space<vmem>> -> memref<1x128xi32, #tpu.memory_space<vmem>>
      %dma_wait3A_315 = tpu.memref_squeeze %dma_wait3A_314 : memref<1x128xi32, #tpu.memory_space<vmem>> -> memref<128xi32, #tpu.memory_space<vmem>>
      %dma_wait3A_316 = arith.constant 0 : i32
      %dma_wait3A_317 = arith.constant 0 : i32
      %dma_wait3A_318 = tpu.memref_slice %arg11[%dma_wait3A_316, %dma_wait3A_317] : memref<10112x32xf32, #tpu.memory_space<vmem_shared>> -> memref<10112x32xf32, #tpu.memory_space<vmem_shared>>
      tpu.wait_indirect_dma semaphore(%arg14 : memref<!tpu.dma_semaphore, #tpu.memory_space<semaphore_mem>>) src(%dma_wait3A_312 : memref<128x32xf32, #tpu.memory_space<vmem>>) dst(%dma_wait3A_318 : memref<10112x32xf32, #tpu.memory_space<vmem_shared>>)
      %add3A_319 = arith.constant 1 : i32
      %add3A_320 = arith.addi %scan3A_90, %add3A_319 : i32
      %lt3A = arith.constant 10 : i32
      %lt3A_321 = arith.cmpi slt, %add3A_320, %lt3A : i32
      %convert_element_type3A = arith.extui %lt3A_321 : i1 to i32
      %cond3A = arith.constant 0 : i32
      %cond3A_322 = arith.cmpi ne, %convert_element_type3A, %cond3A : i32
      scf.if %cond3A_322 {
        %mul3A_472 = arith.constant 2 : i32
        %mul3A_473 = arith.muli %mul3A_472, %scan3A_90 : i32
        %add3A_474 = arith.constant 2 : i32
        %add3A_475 = arith.addi %mul3A_473, %add3A_474 : i32
        %mul3A_476 = arith.constant 4 : i32
        %mul3A_477 = arith.muli %add3A_475, %mul3A_476 : i32
        %add3A_478 = arith.constant 0 : i32
        %add3A_479 = arith.addi %mul3A_477, %add3A_478 : i32
        %dma_start3A_480 = arith.constant 0 : i32
        %dma_start3A_481 = arith.constant 0 : i32
        %dma_start3A_482 = arith.constant 0 : i32
        %dma_start3A_483 = tpu.memref_slice %arg8[%dma_start3A_480, %dma_start3A_481, %dma_start3A_482] : memref<8x128x32xf32, #tpu.memory_space<vmem>> -> memref<1x128x32xf32, #tpu.memory_space<vmem>>
        %dma_start3A_484 = tpu.memref_squeeze %dma_start3A_483 : memref<1x128x32xf32, #tpu.memory_space<vmem>> -> memref<128x32xf32, #tpu.memory_space<vmem>>
        %dma_start3A_485 = arith.constant 0 : i32
        %dma_start3A_486 = tpu.memref_slice %arg6[%add3A_479, %dma_start3A_485] : memref<80x128xi32, #tpu.memory_space<vmem>> -> memref<1x128xi32, #tpu.memory_space<vmem>>
        %dma_start3A_487 = tpu.memref_squeeze %dma_start3A_486 : memref<1x128xi32, #tpu.memory_space<vmem>> -> memref<128xi32, #tpu.memory_space<vmem>>
        %dma_start3A_488 = arith.constant 0 : i32
        %dma_start3A_489 = arith.constant 0 : i32
        %dma_start3A_490 = tpu.memref_slice %arg10[%dma_start3A_488, %dma_start3A_489] : memref<10000x32xf32, #tpu.memory_space<vmem_shared>> -> memref<10000x32xf32, #tpu.memory_space<vmem_shared>>
        tpu.enqueue_indirect_dma source(%dma_start3A_490 : memref<10000x32xf32, #tpu.memory_space<vmem_shared>>) target(%dma_start3A_484 : memref<128x32xf32, #tpu.memory_space<vmem>>) offsets(%dma_start3A_487 : memref<128xi32, #tpu.memory_space<vmem>>) semaphore(%arg12 : memref<!tpu.dma_semaphore, #tpu.memory_space<semaphore_mem>>)
        %mul3A_491 = arith.constant 2 : i32
        %mul3A_492 = arith.muli %mul3A_491, %scan3A_90 : i32
        %add3A_493 = arith.constant 2 : i32
        %add3A_494 = arith.addi %mul3A_492, %add3A_493 : i32
        %mul3A_495 = arith.constant 4 : i32
        %mul3A_496 = arith.muli %add3A_494, %mul3A_495 : i32
        %add3A_497 = arith.constant 1 : i32
        %add3A_498 = arith.addi %mul3A_496, %add3A_497 : i32
        %dma_start3A_499 = arith.constant 1 : i32
        %dma_start3A_500 = arith.constant 0 : i32
        %dma_start3A_501 = arith.constant 0 : i32
        %dma_start3A_502 = tpu.memref_slice %arg8[%dma_start3A_499, %dma_start3A_500, %dma_start3A_501] : memref<8x128x32xf32, #tpu.memory_space<vmem>> -> memref<1x128x32xf32, #tpu.memory_space<vmem>>
        %dma_start3A_503 = tpu.memref_squeeze %dma_start3A_502 : memref<1x128x32xf32, #tpu.memory_space<vmem>> -> memref<128x32xf32, #tpu.memory_space<vmem>>
        %dma_start3A_504 = arith.constant 0 : i32
        %dma_start3A_505 = tpu.memref_slice %arg6[%add3A_498, %dma_start3A_504] : memref<80x128xi32, #tpu.memory_space<vmem>> -> memref<1x128xi32, #tpu.memory_space<vmem>>
        %dma_start3A_506 = tpu.memref_squeeze %dma_start3A_505 : memref<1x128xi32, #tpu.memory_space<vmem>> -> memref<128xi32, #tpu.memory_space<vmem>>
        %dma_start3A_507 = arith.constant 0 : i32
        %dma_start3A_508 = arith.constant 0 : i32
        %dma_start3A_509 = tpu.memref_slice %arg10[%dma_start3A_507, %dma_start3A_508] : memref<10000x32xf32, #tpu.memory_space<vmem_shared>> -> memref<10000x32xf32, #tpu.memory_space<vmem_shared>>
        tpu.enqueue_indirect_dma source(%dma_start3A_509 : memref<10000x32xf32, #tpu.memory_space<vmem_shared>>) target(%dma_start3A_503 : memref<128x32xf32, #tpu.memory_space<vmem>>) offsets(%dma_start3A_506 : memref<128xi32, #tpu.memory_space<vmem>>) semaphore(%arg12 : memref<!tpu.dma_semaphore, #tpu.memory_space<semaphore_mem>>)
        %mul3A_510 = arith.constant 2 : i32
        %mul3A_511 = arith.muli %mul3A_510, %scan3A_90 : i32
        %add3A_512 = arith.constant 2 : i32
        %add3A_513 = arith.addi %mul3A_511, %add3A_512 : i32
        %mul3A_514 = arith.constant 4 : i32
        %mul3A_515 = arith.muli %add3A_513, %mul3A_514 : i32
        %add3A_516 = arith.constant 2 : i32
        %add3A_517 = arith.addi %mul3A_515, %add3A_516 : i32
        %dma_start3A_518 = arith.constant 2 : i32
        %dma_start3A_519 = arith.constant 0 : i32
        %dma_start3A_520 = arith.constant 0 : i32
        %dma_start3A_521 = tpu.memref_slice %arg8[%dma_start3A_518, %dma_start3A_519, %dma_start3A_520] : memref<8x128x32xf32, #tpu.memory_space<vmem>> -> memref<1x128x32xf32, #tpu.memory_space<vmem>>
        %dma_start3A_522 = tpu.memref_squeeze %dma_start3A_521 : memref<1x128x32xf32, #tpu.memory_space<vmem>> -> memref<128x32xf32, #tpu.memory_space<vmem>>
        %dma_start3A_523 = arith.constant 0 : i32
        %dma_start3A_524 = tpu.memref_slice %arg6[%add3A_517, %dma_start3A_523] : memref<80x128xi32, #tpu.memory_space<vmem>> -> memref<1x128xi32, #tpu.memory_space<vmem>>
        %dma_start3A_525 = tpu.memref_squeeze %dma_start3A_524 : memref<1x128xi32, #tpu.memory_space<vmem>> -> memref<128xi32, #tpu.memory_space<vmem>>
        %dma_start3A_526 = arith.constant 0 : i32
        %dma_start3A_527 = arith.constant 0 : i32
        %dma_start3A_528 = tpu.memref_slice %arg10[%dma_start3A_526, %dma_start3A_527] : memref<10000x32xf32, #tpu.memory_space<vmem_shared>> -> memref<10000x32xf32, #tpu.memory_space<vmem_shared>>
        tpu.enqueue_indirect_dma source(%dma_start3A_528 : memref<10000x32xf32, #tpu.memory_space<vmem_shared>>) target(%dma_start3A_522 : memref<128x32xf32, #tpu.memory_space<vmem>>) offsets(%dma_start3A_525 : memref<128xi32, #tpu.memory_space<vmem>>) semaphore(%arg12 : memref<!tpu.dma_semaphore, #tpu.memory_space<semaphore_mem>>)
        %mul3A_529 = arith.constant 2 : i32
        %mul3A_530 = arith.muli %mul3A_529, %scan3A_90 : i32
        %add3A_531 = arith.constant 2 : i32
        %add3A_532 = arith.addi %mul3A_530, %add3A_531 : i32
        %mul3A_533 = arith.constant 4 : i32
        %mul3A_534 = arith.muli %add3A_532, %mul3A_533 : i32
        %add3A_535 = arith.constant 3 : i32
        %add3A_536 = arith.addi %mul3A_534, %add3A_535 : i32
        %dma_start3A_537 = arith.constant 3 : i32
        %dma_start3A_538 = arith.constant 0 : i32
        %dma_start3A_539 = arith.constant 0 : i32
        %dma_start3A_540 = tpu.memref_slice %arg8[%dma_start3A_537, %dma_start3A_538, %dma_start3A_539] : memref<8x128x32xf32, #tpu.memory_space<vmem>> -> memref<1x128x32xf32, #tpu.memory_space<vmem>>
        %dma_start3A_541 = tpu.memref_squeeze %dma_start3A_540 : memref<1x128x32xf32, #tpu.memory_space<vmem>> -> memref<128x32xf32, #tpu.memory_space<vmem>>
        %dma_start3A_542 = arith.constant 0 : i32
        %dma_start3A_543 = tpu.memref_slice %arg6[%add3A_536, %dma_start3A_542] : memref<80x128xi32, #tpu.memory_space<vmem>> -> memref<1x128xi32, #tpu.memory_space<vmem>>
        %dma_start3A_544 = tpu.memref_squeeze %dma_start3A_543 : memref<1x128xi32, #tpu.memory_space<vmem>> -> memref<128xi32, #tpu.memory_space<vmem>>
        %dma_start3A_545 = arith.constant 0 : i32
        %dma_start3A_546 = arith.constant 0 : i32
        %dma_start3A_547 = tpu.memref_slice %arg10[%dma_start3A_545, %dma_start3A_546] : memref<10000x32xf32, #tpu.memory_space<vmem_shared>> -> memref<10000x32xf32, #tpu.memory_space<vmem_shared>>
        tpu.enqueue_indirect_dma source(%dma_start3A_547 : memref<10000x32xf32, #tpu.memory_space<vmem_shared>>) target(%dma_start3A_541 : memref<128x32xf32, #tpu.memory_space<vmem>>) offsets(%dma_start3A_544 : memref<128xi32, #tpu.memory_space<vmem>>) semaphore(%arg12 : memref<!tpu.dma_semaphore, #tpu.memory_space<semaphore_mem>>)
      } else {
      }
      %dma_wait3A_323 = arith.constant 4 : i32
      %dma_wait3A_324 = arith.constant 0 : i32
      %dma_wait3A_325 = arith.constant 0 : i32
      %dma_wait3A_326 = tpu.memref_slice %arg8[%dma_wait3A_323, %dma_wait3A_324, %dma_wait3A_325] : memref<8x128x32xf32, #tpu.memory_space<vmem>> -> memref<1x128x32xf32, #tpu.memory_space<vmem>>
      %dma_wait3A_327 = tpu.memref_squeeze %dma_wait3A_326 : memref<1x128x32xf32, #tpu.memory_space<vmem>> -> memref<128x32xf32, #tpu.memory_space<vmem>>
      %dma_wait3A_328 = arith.constant 0 : i32
      %dma_wait3A_329 = tpu.memref_slice %arg6[%add3A_99, %dma_wait3A_328] : memref<80x128xi32, #tpu.memory_space<vmem>> -> memref<1x128xi32, #tpu.memory_space<vmem>>
      %dma_wait3A_330 = tpu.memref_squeeze %dma_wait3A_329 : memref<1x128xi32, #tpu.memory_space<vmem>> -> memref<128xi32, #tpu.memory_space<vmem>>
      %dma_wait3A_331 = arith.constant 0 : i32
      %dma_wait3A_332 = arith.constant 0 : i32
      %dma_wait3A_333 = tpu.memref_slice %arg10[%dma_wait3A_331, %dma_wait3A_332] : memref<10000x32xf32, #tpu.memory_space<vmem_shared>> -> memref<10000x32xf32, #tpu.memory_space<vmem_shared>>
      tpu.wait_indirect_dma semaphore(%arg13 : memref<!tpu.dma_semaphore, #tpu.memory_space<semaphore_mem>>) src(%dma_wait3A_333 : memref<10000x32xf32, #tpu.memory_space<vmem_shared>>) dst(%dma_wait3A_327 : memref<128x32xf32, #tpu.memory_space<vmem>>)
      %mul3A_334 = arith.constant 4 : i32
      %mul3A_335 = arith.muli %add3A_95, %mul3A_334 : i32
      %add3A_336 = arith.constant 0 : i32
      %add3A_337 = arith.addi %mul3A_335, %add3A_336 : i32
      %dma_start3A_338 = arith.constant 4 : i32
      %dma_start3A_339 = arith.constant 0 : i32
      %dma_start3A_340 = arith.constant 0 : i32
      %dma_start3A_341 = tpu.memref_slice %arg8[%dma_start3A_338, %dma_start3A_339, %dma_start3A_340] : memref<8x128x32xf32, #tpu.memory_space<vmem>> -> memref<1x128x32xf32, #tpu.memory_space<vmem>>
      %dma_start3A_342 = tpu.memref_squeeze %dma_start3A_341 : memref<1x128x32xf32, #tpu.memory_space<vmem>> -> memref<128x32xf32, #tpu.memory_space<vmem>>
      %dma_start3A_343 = arith.constant 0 : i32
      %dma_start3A_344 = tpu.memref_slice %arg7[%add3A_337, %dma_start3A_343] : memref<80x128xi32, #tpu.memory_space<vmem>> -> memref<1x128xi32, #tpu.memory_space<vmem>>
      %dma_start3A_345 = tpu.memref_squeeze %dma_start3A_344 : memref<1x128xi32, #tpu.memory_space<vmem>> -> memref<128xi32, #tpu.memory_space<vmem>>
      %dma_start3A_346 = arith.constant 0 : i32
      %dma_start3A_347 = arith.constant 0 : i32
      %dma_start3A_348 = tpu.memref_slice %arg11[%dma_start3A_346, %dma_start3A_347] : memref<10112x32xf32, #tpu.memory_space<vmem_shared>> -> memref<10112x32xf32, #tpu.memory_space<vmem_shared>>
      tpu.enqueue_indirect_dma source(%dma_start3A_342 : memref<128x32xf32, #tpu.memory_space<vmem>>) target(%dma_start3A_348 : memref<10112x32xf32, #tpu.memory_space<vmem_shared>>) offsets(%dma_start3A_345 : memref<128xi32, #tpu.memory_space<vmem>>) semaphore(%arg14 : memref<!tpu.dma_semaphore, #tpu.memory_space<semaphore_mem>>) {add = true}
      %dma_wait3A_349 = arith.constant 5 : i32
      %dma_wait3A_350 = arith.constant 0 : i32
      %dma_wait3A_351 = arith.constant 0 : i32
      %dma_wait3A_352 = tpu.memref_slice %arg8[%dma_wait3A_349, %dma_wait3A_350, %dma_wait3A_351] : memref<8x128x32xf32, #tpu.memory_space<vmem>> -> memref<1x128x32xf32, #tpu.memory_space<vmem>>
      %dma_wait3A_353 = tpu.memref_squeeze %dma_wait3A_352 : memref<1x128x32xf32, #tpu.memory_space<vmem>> -> memref<128x32xf32, #tpu.memory_space<vmem>>
      %dma_wait3A_354 = arith.constant 0 : i32
      %dma_wait3A_355 = tpu.memref_slice %arg6[%add3A_114, %dma_wait3A_354] : memref<80x128xi32, #tpu.memory_space<vmem>> -> memref<1x128xi32, #tpu.memory_space<vmem>>
      %dma_wait3A_356 = tpu.memref_squeeze %dma_wait3A_355 : memref<1x128xi32, #tpu.memory_space<vmem>> -> memref<128xi32, #tpu.memory_space<vmem>>
      %dma_wait3A_357 = arith.constant 0 : i32
      %dma_wait3A_358 = arith.constant 0 : i32
      %dma_wait3A_359 = tpu.memref_slice %arg10[%dma_wait3A_357, %dma_wait3A_358] : memref<10000x32xf32, #tpu.memory_space<vmem_shared>> -> memref<10000x32xf32, #tpu.memory_space<vmem_shared>>
      tpu.wait_indirect_dma semaphore(%arg13 : memref<!tpu.dma_semaphore, #tpu.memory_space<semaphore_mem>>) src(%dma_wait3A_359 : memref<10000x32xf32, #tpu.memory_space<vmem_shared>>) dst(%dma_wait3A_353 : memref<128x32xf32, #tpu.memory_space<vmem>>)
      %mul3A_360 = arith.constant 4 : i32
      %mul3A_361 = arith.muli %add3A_95, %mul3A_360 : i32
      %add3A_362 = arith.constant 1 : i32
      %add3A_363 = arith.addi %mul3A_361, %add3A_362 : i32
      %dma_start3A_364 = arith.constant 5 : i32
      %dma_start3A_365 = arith.constant 0 : i32
      %dma_start3A_366 = arith.constant 0 : i32
      %dma_start3A_367 = tpu.memref_slice %arg8[%dma_start3A_364, %dma_start3A_365, %dma_start3A_366] : memref<8x128x32xf32, #tpu.memory_space<vmem>> -> memref<1x128x32xf32, #tpu.memory_space<vmem>>
      %dma_start3A_368 = tpu.memref_squeeze %dma_start3A_367 : memref<1x128x32xf32, #tpu.memory_space<vmem>> -> memref<128x32xf32, #tpu.memory_space<vmem>>
      %dma_start3A_369 = arith.constant 0 : i32
      %dma_start3A_370 = tpu.memref_slice %arg7[%add3A_363, %dma_start3A_369] : memref<80x128xi32, #tpu.memory_space<vmem>> -> memref<1x128xi32, #tpu.memory_space<vmem>>
      %dma_start3A_371 = tpu.memref_squeeze %dma_start3A_370 : memref<1x128xi32, #tpu.memory_space<vmem>> -> memref<128xi32, #tpu.memory_space<vmem>>
      %dma_start3A_372 = arith.constant 0 : i32
      %dma_start3A_373 = arith.constant 0 : i32
      %dma_start3A_374 = tpu.memref_slice %arg11[%dma_start3A_372, %dma_start3A_373] : memref<10112x32xf32, #tpu.memory_space<vmem_shared>> -> memref<10112x32xf32, #tpu.memory_space<vmem_shared>>
      tpu.enqueue_indirect_dma source(%dma_start3A_368 : memref<128x32xf32, #tpu.memory_space<vmem>>) target(%dma_start3A_374 : memref<10112x32xf32, #tpu.memory_space<vmem_shared>>) offsets(%dma_start3A_371 : memref<128xi32, #tpu.memory_space<vmem>>) semaphore(%arg14 : memref<!tpu.dma_semaphore, #tpu.memory_space<semaphore_mem>>) {add = true}
      %dma_wait3A_375 = arith.constant 6 : i32
      %dma_wait3A_376 = arith.constant 0 : i32
      %dma_wait3A_377 = arith.constant 0 : i32
      %dma_wait3A_378 = tpu.memref_slice %arg8[%dma_wait3A_375, %dma_wait3A_376, %dma_wait3A_377] : memref<8x128x32xf32, #tpu.memory_space<vmem>> -> memref<1x128x32xf32, #tpu.memory_space<vmem>>
      %dma_wait3A_379 = tpu.memref_squeeze %dma_wait3A_378 : memref<1x128x32xf32, #tpu.memory_space<vmem>> -> memref<128x32xf32, #tpu.memory_space<vmem>>
      %dma_wait3A_380 = arith.constant 0 : i32
      %dma_wait3A_381 = tpu.memref_slice %arg6[%add3A_129, %dma_wait3A_380] : memref<80x128xi32, #tpu.memory_space<vmem>> -> memref<1x128xi32, #tpu.memory_space<vmem>>
      %dma_wait3A_382 = tpu.memref_squeeze %dma_wait3A_381 : memref<1x128xi32, #tpu.memory_space<vmem>> -> memref<128xi32, #tpu.memory_space<vmem>>
      %dma_wait3A_383 = arith.constant 0 : i32
      %dma_wait3A_384 = arith.constant 0 : i32
      %dma_wait3A_385 = tpu.memref_slice %arg10[%dma_wait3A_383, %dma_wait3A_384] : memref<10000x32xf32, #tpu.memory_space<vmem_shared>> -> memref<10000x32xf32, #tpu.memory_space<vmem_shared>>
      tpu.wait_indirect_dma semaphore(%arg13 : memref<!tpu.dma_semaphore, #tpu.memory_space<semaphore_mem>>) src(%dma_wait3A_385 : memref<10000x32xf32, #tpu.memory_space<vmem_shared>>) dst(%dma_wait3A_379 : memref<128x32xf32, #tpu.memory_space<vmem>>)
      %mul3A_386 = arith.constant 4 : i32
      %mul3A_387 = arith.muli %add3A_95, %mul3A_386 : i32
      %add3A_388 = arith.constant 2 : i32
      %add3A_389 = arith.addi %mul3A_387, %add3A_388 : i32
      %dma_start3A_390 = arith.constant 6 : i32
      %dma_start3A_391 = arith.constant 0 : i32
      %dma_start3A_392 = arith.constant 0 : i32
      %dma_start3A_393 = tpu.memref_slice %arg8[%dma_start3A_390, %dma_start3A_391, %dma_start3A_392] : memref<8x128x32xf32, #tpu.memory_space<vmem>> -> memref<1x128x32xf32, #tpu.memory_space<vmem>>
      %dma_start3A_394 = tpu.memref_squeeze %dma_start3A_393 : memref<1x128x32xf32, #tpu.memory_space<vmem>> -> memref<128x32xf32, #tpu.memory_space<vmem>>
      %dma_start3A_395 = arith.constant 0 : i32
      %dma_start3A_396 = tpu.memref_slice %arg7[%add3A_389, %dma_start3A_395] : memref<80x128xi32, #tpu.memory_space<vmem>> -> memref<1x128xi32, #tpu.memory_space<vmem>>
      %dma_start3A_397 = tpu.memref_squeeze %dma_start3A_396 : memref<1x128xi32, #tpu.memory_space<vmem>> -> memref<128xi32, #tpu.memory_space<vmem>>
      %dma_start3A_398 = arith.constant 0 : i32
      %dma_start3A_399 = arith.constant 0 : i32
      %dma_start3A_400 = tpu.memref_slice %arg11[%dma_start3A_398, %dma_start3A_399] : memref<10112x32xf32, #tpu.memory_space<vmem_shared>> -> memref<10112x32xf32, #tpu.memory_space<vmem_shared>>
      tpu.enqueue_indirect_dma source(%dma_start3A_394 : memref<128x32xf32, #tpu.memory_space<vmem>>) target(%dma_start3A_400 : memref<10112x32xf32, #tpu.memory_space<vmem_shared>>) offsets(%dma_start3A_397 : memref<128xi32, #tpu.memory_space<vmem>>) semaphore(%arg14 : memref<!tpu.dma_semaphore, #tpu.memory_space<semaphore_mem>>) {add = true}
      %dma_wait3A_401 = arith.constant 7 : i32
      %dma_wait3A_402 = arith.constant 0 : i32
      %dma_wait3A_403 = arith.constant 0 : i32
      %dma_wait3A_404 = tpu.memref_slice %arg8[%dma_wait3A_401, %dma_wait3A_402, %dma_wait3A_403] : memref<8x128x32xf32, #tpu.memory_space<vmem>> -> memref<1x128x32xf32, #tpu.memory_space<vmem>>
      %dma_wait3A_405 = tpu.memref_squeeze %dma_wait3A_404 : memref<1x128x32xf32, #tpu.memory_space<vmem>> -> memref<128x32xf32, #tpu.memory_space<vmem>>
      %dma_wait3A_406 = arith.constant 0 : i32
      %dma_wait3A_407 = tpu.memref_slice %arg6[%add3A_144, %dma_wait3A_406] : memref<80x128xi32, #tpu.memory_space<vmem>> -> memref<1x128xi32, #tpu.memory_space<vmem>>
      %dma_wait3A_408 = tpu.memref_squeeze %dma_wait3A_407 : memref<1x128xi32, #tpu.memory_space<vmem>> -> memref<128xi32, #tpu.memory_space<vmem>>
      %dma_wait3A_409 = arith.constant 0 : i32
      %dma_wait3A_410 = arith.constant 0 : i32
      %dma_wait3A_411 = tpu.memref_slice %arg10[%dma_wait3A_409, %dma_wait3A_410] : memref<10000x32xf32, #tpu.memory_space<vmem_shared>> -> memref<10000x32xf32, #tpu.memory_space<vmem_shared>>
      tpu.wait_indirect_dma semaphore(%arg13 : memref<!tpu.dma_semaphore, #tpu.memory_space<semaphore_mem>>) src(%dma_wait3A_411 : memref<10000x32xf32, #tpu.memory_space<vmem_shared>>) dst(%dma_wait3A_405 : memref<128x32xf32, #tpu.memory_space<vmem>>)
      %mul3A_412 = arith.constant 4 : i32
      %mul3A_413 = arith.muli %add3A_95, %mul3A_412 : i32
      %add3A_414 = arith.constant 3 : i32
      %add3A_415 = arith.addi %mul3A_413, %add3A_414 : i32
      %dma_start3A_416 = arith.constant 7 : i32
      %dma_start3A_417 = arith.constant 0 : i32
      %dma_start3A_418 = arith.constant 0 : i32
      %dma_start3A_419 = tpu.memref_slice %arg8[%dma_start3A_416, %dma_start3A_417, %dma_start3A_418] : memref<8x128x32xf32, #tpu.memory_space<vmem>> -> memref<1x128x32xf32, #tpu.memory_space<vmem>>
      %dma_start3A_420 = tpu.memref_squeeze %dma_start3A_419 : memref<1x128x32xf32, #tpu.memory_space<vmem>> -> memref<128x32xf32, #tpu.memory_space<vmem>>
      %dma_start3A_421 = arith.constant 0 : i32
      %dma_start3A_422 = tpu.memref_slice %arg7[%add3A_415, %dma_start3A_421] : memref<80x128xi32, #tpu.memory_space<vmem>> -> memref<1x128xi32, #tpu.memory_space<vmem>>
      %dma_start3A_423 = tpu.memref_squeeze %dma_start3A_422 : memref<1x128xi32, #tpu.memory_space<vmem>> -> memref<128xi32, #tpu.memory_space<vmem>>
      %dma_start3A_424 = arith.constant 0 : i32
      %dma_start3A_425 = arith.constant 0 : i32
      %dma_start3A_426 = tpu.memref_slice %arg11[%dma_start3A_424, %dma_start3A_425] : memref<10112x32xf32, #tpu.memory_space<vmem_shared>> -> memref<10112x32xf32, #tpu.memory_space<vmem_shared>>
      tpu.enqueue_indirect_dma source(%dma_start3A_420 : memref<128x32xf32, #tpu.memory_space<vmem>>) target(%dma_start3A_426 : memref<10112x32xf32, #tpu.memory_space<vmem_shared>>) offsets(%dma_start3A_423 : memref<128xi32, #tpu.memory_space<vmem>>) semaphore(%arg14 : memref<!tpu.dma_semaphore, #tpu.memory_space<semaphore_mem>>) {add = true}
      %dma_wait3A_427 = arith.constant 4 : i32
      %dma_wait3A_428 = arith.constant 0 : i32
      %dma_wait3A_429 = arith.constant 0 : i32
      %dma_wait3A_430 = tpu.memref_slice %arg8[%dma_wait3A_427, %dma_wait3A_428, %dma_wait3A_429] : memref<8x128x32xf32, #tpu.memory_space<vmem>> -> memref<1x128x32xf32, #tpu.memory_space<vmem>>
      %dma_wait3A_431 = tpu.memref_squeeze %dma_wait3A_430 : memref<1x128x32xf32, #tpu.memory_space<vmem>> -> memref<128x32xf32, #tpu.memory_space<vmem>>
      %dma_wait3A_432 = arith.constant 0 : i32
      %dma_wait3A_433 = tpu.memref_slice %arg7[%add3A_337, %dma_wait3A_432] : memref<80x128xi32, #tpu.memory_space<vmem>> -> memref<1x128xi32, #tpu.memory_space<vmem>>
      %dma_wait3A_434 = tpu.memref_squeeze %dma_wait3A_433 : memref<1x128xi32, #tpu.memory_space<vmem>> -> memref<128xi32, #tpu.memory_space<vmem>>
      %dma_wait3A_435 = arith.constant 0 : i32
      %dma_wait3A_436 = arith.constant 0 : i32
      %dma_wait3A_437 = tpu.memref_slice %arg11[%dma_wait3A_435, %dma_wait3A_436] : memref<10112x32xf32, #tpu.memory_space<vmem_shared>> -> memref<10112x32xf32, #tpu.memory_space<vmem_shared>>
      tpu.wait_indirect_dma semaphore(%arg14 : memref<!tpu.dma_semaphore, #tpu.memory_space<semaphore_mem>>) src(%dma_wait3A_431 : memref<128x32xf32, #tpu.memory_space<vmem>>) dst(%dma_wait3A_437 : memref<10112x32xf32, #tpu.memory_space<vmem_shared>>)
      %dma_wait3A_438 = arith.constant 5 : i32
      %dma_wait3A_439 = arith.constant 0 : i32
      %dma_wait3A_440 = arith.constant 0 : i32
      %dma_wait3A_441 = tpu.memref_slice %arg8[%dma_wait3A_438, %dma_wait3A_439, %dma_wait3A_440] : memref<8x128x32xf32, #tpu.memory_space<vmem>> -> memref<1x128x32xf32, #tpu.memory_space<vmem>>
      %dma_wait3A_442 = tpu.memref_squeeze %dma_wait3A_441 : memref<1x128x32xf32, #tpu.memory_space<vmem>> -> memref<128x32xf32, #tpu.memory_space<vmem>>
      %dma_wait3A_443 = arith.constant 0 : i32
      %dma_wait3A_444 = tpu.memref_slice %arg7[%add3A_363, %dma_wait3A_443] : memref<80x128xi32, #tpu.memory_space<vmem>> -> memref<1x128xi32, #tpu.memory_space<vmem>>
      %dma_wait3A_445 = tpu.memref_squeeze %dma_wait3A_444 : memref<1x128xi32, #tpu.memory_space<vmem>> -> memref<128xi32, #tpu.memory_space<vmem>>
      %dma_wait3A_446 = arith.constant 0 : i32
      %dma_wait3A_447 = arith.constant 0 : i32
      %dma_wait3A_448 = tpu.memref_slice %arg11[%dma_wait3A_446, %dma_wait3A_447] : memref<10112x32xf32, #tpu.memory_space<vmem_shared>> -> memref<10112x32xf32, #tpu.memory_space<vmem_shared>>
      tpu.wait_indirect_dma semaphore(%arg14 : memref<!tpu.dma_semaphore, #tpu.memory_space<semaphore_mem>>) src(%dma_wait3A_442 : memref<128x32xf32, #tpu.memory_space<vmem>>) dst(%dma_wait3A_448 : memref<10112x32xf32, #tpu.memory_space<vmem_shared>>)
      %dma_wait3A_449 = arith.constant 6 : i32
      %dma_wait3A_450 = arith.constant 0 : i32
      %dma_wait3A_451 = arith.constant 0 : i32
      %dma_wait3A_452 = tpu.memref_slice %arg8[%dma_wait3A_449, %dma_wait3A_450, %dma_wait3A_451] : memref<8x128x32xf32, #tpu.memory_space<vmem>> -> memref<1x128x32xf32, #tpu.memory_space<vmem>>
      %dma_wait3A_453 = tpu.memref_squeeze %dma_wait3A_452 : memref<1x128x32xf32, #tpu.memory_space<vmem>> -> memref<128x32xf32, #tpu.memory_space<vmem>>
      %dma_wait3A_454 = arith.constant 0 : i32
      %dma_wait3A_455 = tpu.memref_slice %arg7[%add3A_389, %dma_wait3A_454] : memref<80x128xi32, #tpu.memory_space<vmem>> -> memref<1x128xi32, #tpu.memory_space<vmem>>
      %dma_wait3A_456 = tpu.memref_squeeze %dma_wait3A_455 : memref<1x128xi32, #tpu.memory_space<vmem>> -> memref<128xi32, #tpu.memory_space<vmem>>
      %dma_wait3A_457 = arith.constant 0 : i32
      %dma_wait3A_458 = arith.constant 0 : i32
      %dma_wait3A_459 = tpu.memref_slice %arg11[%dma_wait3A_457, %dma_wait3A_458] : memref<10112x32xf32, #tpu.memory_space<vmem_shared>> -> memref<10112x32xf32, #tpu.memory_space<vmem_shared>>
      tpu.wait_indirect_dma semaphore(%arg14 : memref<!tpu.dma_semaphore, #tpu.memory_space<semaphore_mem>>) src(%dma_wait3A_453 : memref<128x32xf32, #tpu.memory_space<vmem>>) dst(%dma_wait3A_459 : memref<10112x32xf32, #tpu.memory_space<vmem_shared>>)
      %dma_wait3A_460 = arith.constant 7 : i32
      %dma_wait3A_461 = arith.constant 0 : i32
      %dma_wait3A_462 = arith.constant 0 : i32
      %dma_wait3A_463 = tpu.memref_slice %arg8[%dma_wait3A_460, %dma_wait3A_461, %dma_wait3A_462] : memref<8x128x32xf32, #tpu.memory_space<vmem>> -> memref<1x128x32xf32, #tpu.memory_space<vmem>>
      %dma_wait3A_464 = tpu.memref_squeeze %dma_wait3A_463 : memref<1x128x32xf32, #tpu.memory_space<vmem>> -> memref<128x32xf32, #tpu.memory_space<vmem>>
      %dma_wait3A_465 = arith.constant 0 : i32
      %dma_wait3A_466 = tpu.memref_slice %arg7[%add3A_415, %dma_wait3A_465] : memref<80x128xi32, #tpu.memory_space<vmem>> -> memref<1x128xi32, #tpu.memory_space<vmem>>
      %dma_wait3A_467 = tpu.memref_squeeze %dma_wait3A_466 : memref<1x128xi32, #tpu.memory_space<vmem>> -> memref<128xi32, #tpu.memory_space<vmem>>
      %dma_wait3A_468 = arith.constant 0 : i32
      %dma_wait3A_469 = arith.constant 0 : i32
      %dma_wait3A_470 = tpu.memref_slice %arg11[%dma_wait3A_468, %dma_wait3A_469] : memref<10112x32xf32, #tpu.memory_space<vmem_shared>> -> memref<10112x32xf32, #tpu.memory_space<vmem_shared>>
      tpu.wait_indirect_dma semaphore(%arg14 : memref<!tpu.dma_semaphore, #tpu.memory_space<semaphore_mem>>) src(%dma_wait3A_464 : memref<128x32xf32, #tpu.memory_space<vmem>>) dst(%dma_wait3A_470 : memref<10112x32xf32, #tpu.memory_space<vmem_shared>>)
      %scan3A_471 = arith.constant 0 : i32
      scf.yield %scan3A_471 : i32
    }
    %scan3A_84 = arith.constant 10 : i32
    %barrier3A_85 = arith.constant 0 : index
    tpu.barrier barrier_id(%barrier3A_85)
    %mul3A_86 = arith.constant 632 : i32
    %mul3A_87 = arith.muli %arg1, %mul3A_86 : i32
    %mul3A_88 = arith.constant 632 : i32
    %mul3A_89 = arith.muli %arg1, %mul3A_88 : i32
    "tpu.region"() ({
      %run_scoped3A = tpu.sem_alloc : memref<!tpu.dma_semaphore, #tpu.memory_space<semaphore_mem>>
      %dma_start3A_90 = arith.constant 0 : i32
      %dma_start3A_91 = tpu.memref_slice %arg5[%arg0, %mul3A_89, %dma_start3A_90] : memref<2x10112x32xf32, #tpu.memory_space<hbm>> -> memref<1x632x32xf32, #tpu.memory_space<hbm>>
      %dma_start3A_92 = tpu.memref_squeeze %dma_start3A_91 : memref<1x632x32xf32, #tpu.memory_space<hbm>> -> memref<632x32xf32, #tpu.memory_space<hbm>>
      %dma_start3A_93 = arith.constant 0 : i32
      %dma_start3A_94 = tpu.memref_slice %arg11[%mul3A_87, %dma_start3A_93] : memref<10112x32xf32, #tpu.memory_space<vmem_shared>> -> memref<632x32xf32, #tpu.memory_space<vmem_shared>>
      tpu.enqueue_dma source(%dma_start3A_94 : memref<632x32xf32, #tpu.memory_space<vmem_shared>>) target(%dma_start3A_92 : memref<632x32xf32, #tpu.memory_space<hbm>>) target_semaphore(%run_scoped3A : memref<!tpu.dma_semaphore, #tpu.memory_space<semaphore_mem>>)
      %dma_wait3A = arith.constant 0 : i32
      %dma_wait3A_95 = tpu.memref_slice %arg5[%arg0, %mul3A_89, %dma_wait3A] : memref<2x10112x32xf32, #tpu.memory_space<hbm>> -> memref<1x632x32xf32, #tpu.memory_space<hbm>>
      %dma_wait3A_96 = tpu.memref_squeeze %dma_wait3A_95 : memref<1x632x32xf32, #tpu.memory_space<hbm>> -> memref<632x32xf32, #tpu.memory_space<hbm>>
      %dma_wait3A_97 = arith.constant 0 : i32
      %dma_wait3A_98 = tpu.memref_slice %arg11[%mul3A_87, %dma_wait3A_97] : memref<10112x32xf32, #tpu.memory_space<vmem_shared>> -> memref<632x32xf32, #tpu.memory_space<vmem_shared>>
      tpu.wait_dma2 semaphore(%run_scoped3A : memref<!tpu.dma_semaphore, #tpu.memory_space<semaphore_mem>>) src(%dma_wait3A_98 : memref<632x32xf32, #tpu.memory_space<vmem_shared>>) dst(%dma_wait3A_96 : memref<632x32xf32, #tpu.memory_space<hbm>>)
      tpu.yield
    }) : () -> ()
    return
  }
}

module attributes {stable_mosaic.version = 14 : i64} {
  func.func @_xh_body(%arg0: i32, %arg1: memref<2000x128xf32, #tpu.memory_space<vmem>>, %arg2: memref<128x64xf32, #tpu.memory_space<vmem>>, %arg3: memref<1x64xf32, #tpu.memory_space<vmem>>, %arg4: memref<64x64xf32, #tpu.memory_space<vmem>>, %arg5: memref<1x64xf32, #tpu.memory_space<vmem>>, %arg6: memref<2000x64xf32, #tpu.memory_space<vmem>>) attributes {dimension_semantics = [#tpu.dimension_semantics<arbitrary>], iteration_bounds = array<i64: 5>, scalar_prefetch = 0 : i64, scratch_operands = 0 : i64, tpu.core_type = #tpu.core_type<tc>, window_params = [{transform_indices = @transform_0, window_bounds = array<i64: 2000, 128>}, {pipeline_mode = #tpu.pipeline_mode<synchronous>, transform_indices = @transform_1, window_bounds = array<i64: 128, 64>}, {pipeline_mode = #tpu.pipeline_mode<synchronous>, transform_indices = @transform_2, window_bounds = array<i64: 1, 64>}, {pipeline_mode = #tpu.pipeline_mode<synchronous>, transform_indices = @transform_3, window_bounds = array<i64: 64, 64>}, {pipeline_mode = #tpu.pipeline_mode<synchronous>, transform_indices = @transform_4, window_bounds = array<i64: 1, 64>}, {transform_indices = @transform_5, window_bounds = array<i64: 2000, 64>}]} {
    %get3A = arith.constant 0 : index
    %get3A_0 = arith.constant 0 : index
    %get3A_1 = vector.load %arg1[%get3A, %get3A_0] : memref<2000x128xf32, #tpu.memory_space<vmem>>, vector<2000x128xf32>
    %get3A_2 = arith.constant 0 : index
    %get3A_3 = arith.constant 0 : index
    %get3A_4 = vector.load %arg2[%get3A_2, %get3A_3] : memref<128x64xf32, #tpu.memory_space<vmem>>, vector<128x64xf32>
    %dot_general3A = arith.constant dense<0.000000e+00> : vector<2000x64xf32>
    %dot_general3A_5 = tpu.matmul %get3A_1, %get3A_4, %dot_general3A {dimension_numbers = #tpu.dot_dimension_numbers<[1], [0], [0], [1], [0, 0, 1, 1], [], []>, transpose_lhs_hint = false} : vector<2000x128xf32>, vector<128x64xf32>, vector<2000x64xf32> -> vector<2000x64xf32>
    %get3A_6 = arith.constant 0 : index
    %get3A_7 = arith.constant 0 : index
    %get3A_8 = vector.load %arg3[%get3A_6, %get3A_7] : memref<1x64xf32, #tpu.memory_space<vmem>>, vector<1x64xf32>
    %add3A = vector.broadcast %get3A_8 : vector<1x64xf32> to vector<2000x64xf32>
    %add3A_9 = arith.addf %dot_general3A_5, %add3A : vector<2000x64xf32>
    %max3A = arith.constant 0.000000e+00 : f32
    %max3A_10 = vector.broadcast %max3A : f32 to vector<2000x64xf32>
    %max3A_11 = arith.maximumf %add3A_9, %max3A_10 : vector<2000x64xf32>
    %get3A_12 = arith.constant 0 : index
    %get3A_13 = arith.constant 0 : index
    %get3A_14 = vector.load %arg4[%get3A_12, %get3A_13] : memref<64x64xf32, #tpu.memory_space<vmem>>, vector<64x64xf32>
    %dot_general3A_15 = arith.constant dense<0.000000e+00> : vector<2000x64xf32>
    %dot_general3A_16 = tpu.matmul %max3A_11, %get3A_14, %dot_general3A_15 {dimension_numbers = #tpu.dot_dimension_numbers<[1], [0], [0], [1], [0, 0, 1, 1], [], []>, transpose_lhs_hint = false} : vector<2000x64xf32>, vector<64x64xf32>, vector<2000x64xf32> -> vector<2000x64xf32>
    %get3A_17 = arith.constant 0 : index
    %get3A_18 = arith.constant 0 : index
    %get3A_19 = vector.load %arg5[%get3A_17, %get3A_18] : memref<1x64xf32, #tpu.memory_space<vmem>>, vector<1x64xf32>
    %add3A_20 = vector.broadcast %get3A_19 : vector<1x64xf32> to vector<2000x64xf32>
    %add3A_21 = arith.addf %dot_general3A_16, %add3A_20 : vector<2000x64xf32>
    %swap3A = arith.constant 0 : index
    %swap3A_22 = arith.constant 0 : index
    %swap3A_23 = vector.load %arg6[%swap3A, %swap3A_22] : memref<2000x64xf32, #tpu.memory_space<vmem>>, vector<2000x64xf32>
    tpu.vector_store %arg6[%swap3A, %swap3A_22], %add3A_21 {strides = array<i32>} : memref<2000x64xf32, #tpu.memory_space<vmem>>, vector<2000x64xf32>,
    return
  }
  func.func @transform_0(%arg0: i32) -> (i32, i32) {
    %c0_i32 = arith.constant 0 : i32
    %c0_i32_0 = arith.constant 0 : i32
    return %arg0, %c0_i32 : i32, i32
  }
  func.func @transform_1(%arg0: i32) -> (i32, i32) {
    %c0_i32 = arith.constant 0 : i32
    %c0_i32_0 = arith.constant 0 : i32
    %c0_i32_1 = arith.constant 0 : i32
    return %c0_i32, %c0_i32_0 : i32, i32
  }
  func.func @transform_2(%arg0: i32) -> (i32, i32) {
    %c0_i32 = arith.constant 0 : i32
    %c0_i32_0 = arith.constant 0 : i32
    %c0_i32_1 = arith.constant 0 : i32
    return %c0_i32, %c0_i32_0 : i32, i32
  }
  func.func @transform_3(%arg0: i32) -> (i32, i32) {
    %c0_i32 = arith.constant 0 : i32
    %c0_i32_0 = arith.constant 0 : i32
    %c0_i32_1 = arith.constant 0 : i32
    return %c0_i32, %c0_i32_0 : i32, i32
  }
  func.func @transform_4(%arg0: i32) -> (i32, i32) {
    %c0_i32 = arith.constant 0 : i32
    %c0_i32_0 = arith.constant 0 : i32
    %c0_i32_1 = arith.constant 0 : i32
    return %c0_i32, %c0_i32_0 : i32, i32
  }
  func.func @transform_5(%arg0: i32) -> (i32, i32) {
    %c0_i32 = arith.constant 0 : i32
    %c0_i32_0 = arith.constant 0 : i32
    return %arg0, %c0_i32 : i32, i32
  }
}

module attributes {stable_mosaic.version = 14 : i64} {
  func.func @_scale_body(%arg0: i32, %arg1: memref<2x2000x16xf32, #tpu.memory_space<vmem>>, %arg2: memref<2000x64xf32, #tpu.memory_space<vmem>>, %arg3: memref<2000x1xf32, #tpu.memory_space<vmem>>, %arg4: memref<2x2000x32xf32, #tpu.memory_space<vmem>>) attributes {dimension_semantics = [#tpu.dimension_semantics<arbitrary>], iteration_bounds = array<i64: 5>, scalar_prefetch = 0 : i64, scratch_operands = 0 : i64, tpu.core_type = #tpu.core_type<tc>, window_params = [{transform_indices = @transform_0, window_bounds = array<i64: 2, 2000, 16>}, {transform_indices = @transform_1, window_bounds = array<i64: 2000, 64>}, {transform_indices = @transform_2, window_bounds = array<i64: 2000, 1>}, {transform_indices = @transform_3, window_bounds = array<i64: 2, 2000, 32>}]} {
    %get3A = arith.constant 0 : index
    %get3A_0 = arith.constant 0 : index
    %get3A_1 = arith.constant 0 : index
    %get3A_2 = vector.load %arg1[%get3A, %get3A_0, %get3A_1] : memref<2x2000x16xf32, #tpu.memory_space<vmem>>, vector<1x2000x1xf32>
    %get3A_3 = vector.shape_cast %get3A_2 : vector<1x2000x1xf32> to vector<2000x1xf32>
    %get3A_4 = arith.constant 1 : index
    %get3A_5 = arith.constant 0 : index
    %get3A_6 = arith.constant 0 : index
    %get3A_7 = vector.load %arg1[%get3A_4, %get3A_5, %get3A_6] : memref<2x2000x16xf32, #tpu.memory_space<vmem>>, vector<1x2000x1xf32>
    %get3A_8 = vector.shape_cast %get3A_7 : vector<1x2000x1xf32> to vector<2000x1xf32>
    %add3A = arith.addf %get3A_3, %get3A_8 : vector<2000x1xf32>
    %gt3A = arith.constant 0.000000e+00 : f32
    %gt3A_9 = vector.broadcast %gt3A : f32 to vector<2000x1xf32>
    %gt3A_10 = arith.cmpf ogt, %add3A, %gt3A_9 : vector<2000x1xf32>
    %max3A = arith.constant 9.99999996E-13 : f32
    %max3A_11 = vector.broadcast %max3A : f32 to vector<2000x1xf32>
    %max3A_12 = arith.maximumf %add3A, %max3A_11 : vector<2000x1xf32>
    %sqrt3A = math.sqrt %max3A_12 : vector<2000x1xf32>
    %div3A = arith.constant 1.000000e+00 : f32
    %div3A_13 = vector.broadcast %div3A : f32 to vector<2000x1xf32>
    %div3A_14 = arith.divf %div3A_13, %sqrt3A : vector<2000x1xf32>
    %jit3A = arith.constant 0.000000e+00 : f32
    %broadcast_in_dim3A = vector.broadcast %jit3A : f32 to vector<2000x1xf32>
    %select_n3A = arith.select %gt3A_10, %div3A_14, %broadcast_in_dim3A : vector<2000x1xi1>, vector<2000x1xf32>
    %swap3A = arith.constant 0 : index
    %swap3A_15 = arith.constant 0 : index
    %swap3A_16 = vector.load %arg3[%swap3A, %swap3A_15] : memref<2000x1xf32, #tpu.memory_space<vmem>>, vector<2000x1xf32>
    tpu.vector_store %arg3[%swap3A, %swap3A_15], %select_n3A {strides = array<i32>} : memref<2000x1xf32, #tpu.memory_space<vmem>>, vector<2000x1xf32>,
    %get3A_17 = arith.constant 0 : index
    %get3A_18 = arith.constant 0 : index
    %get3A_19 = vector.load %arg2[%get3A_17, %get3A_18] : memref<2000x64xf32, #tpu.memory_space<vmem>>, vector<2000x64xf32>
    %mul3A = vector.broadcast %select_n3A : vector<2000x1xf32> to vector<2000x64xf32>
    %mul3A_20 = arith.mulf %get3A_19, %mul3A : vector<2000x64xf32>
    %slice3A = vector.extract_strided_slice %mul3A_20 {offsets = [0, 0], sizes = [2000, 32], strides = [1, 1]} : vector<2000x64xf32> to vector<2000x32xf32>
    %swap3A_21 = arith.constant 0 : index
    %swap3A_22 = arith.constant 0 : index
    %swap3A_23 = arith.constant 0 : index
    %swap3A_24 = vector.load %arg4[%swap3A_21, %swap3A_22, %swap3A_23] : memref<2x2000x32xf32, #tpu.memory_space<vmem>>, vector<1x2000x32xf32>
    %swap3A_25 = vector.shape_cast %swap3A_24 : vector<1x2000x32xf32> to vector<2000x32xf32>
    %swap3A_26 = vector.shape_cast %slice3A : vector<2000x32xf32> to vector<1x2000x32xf32>
    tpu.vector_store %arg4[%swap3A_21, %swap3A_22, %swap3A_23], %swap3A_26 {strides = array<i32>} : memref<2x2000x32xf32, #tpu.memory_space<vmem>>, vector<1x2000x32xf32>,
    %slice3A_27 = vector.extract_strided_slice %mul3A_20 {offsets = [0, 32], sizes = [2000, 32], strides = [1, 1]} : vector<2000x64xf32> to vector<2000x32xf32>
    %swap3A_28 = arith.constant 1 : index
    %swap3A_29 = arith.constant 0 : index
    %swap3A_30 = arith.constant 0 : index
    %swap3A_31 = vector.load %arg4[%swap3A_28, %swap3A_29, %swap3A_30] : memref<2x2000x32xf32, #tpu.memory_space<vmem>>, vector<1x2000x32xf32>
    %swap3A_32 = vector.shape_cast %swap3A_31 : vector<1x2000x32xf32> to vector<2000x32xf32>
    %swap3A_33 = vector.shape_cast %slice3A_27 : vector<2000x32xf32> to vector<1x2000x32xf32>
    tpu.vector_store %arg4[%swap3A_28, %swap3A_29, %swap3A_30], %swap3A_33 {strides = array<i32>} : memref<2x2000x32xf32, #tpu.memory_space<vmem>>, vector<1x2000x32xf32>,
    return
  }
  func.func @transform_0(%arg0: i32) -> (i32, i32, i32) {
    %c0_i32 = arith.constant 0 : i32
    %c0_i32_0 = arith.constant 0 : i32
    %c0_i32_1 = arith.constant 0 : i32
    return %c0_i32, %arg0, %c0_i32_0 : i32, i32, i32
  }
  func.func @transform_1(%arg0: i32) -> (i32, i32) {
    %c0_i32 = arith.constant 0 : i32
    %c0_i32_0 = arith.constant 0 : i32
    return %arg0, %c0_i32 : i32, i32
  }
  func.func @transform_2(%arg0: i32) -> (i32, i32) {
    %c0_i32 = arith.constant 0 : i32
    %c0_i32_0 = arith.constant 0 : i32
    return %arg0, %c0_i32 : i32, i32
  }
  func.func @transform_3(%arg0: i32) -> (i32, i32, i32) {
    %c0_i32 = arith.constant 0 : i32
    %c0_i32_0 = arith.constant 0 : i32
    %c0_i32_1 = arith.constant 0 : i32
    return %c0_i32, %arg0, %c0_i32_0 : i32, i32, i32
  }
}

module attributes {stable_mosaic.version = 14 : i64} {
  func.func @_combine_body(%arg0: i32, %arg1: memref<2000x64xf32, #tpu.memory_space<vmem>>, %arg2: memref<2000x1xf32, #tpu.memory_space<vmem>>, %arg3: memref<2x2000x32xf32, #tpu.memory_space<vmem>>, %arg4: memref<2000x64xf32, #tpu.memory_space<vmem>>, %arg5: memref<2x2000x32xf32, #tpu.memory_space<vmem>>) attributes {dimension_semantics = [#tpu.dimension_semantics<arbitrary>], iteration_bounds = array<i64: 5>, scalar_prefetch = 0 : i64, scratch_operands = 0 : i64, tpu.core_type = #tpu.core_type<tc>, window_params = [{transform_indices = @transform_0, window_bounds = array<i64: 2000, 64>}, {transform_indices = @transform_1, window_bounds = array<i64: 2000, 1>}, {transform_indices = @transform_2, window_bounds = array<i64: 2, 2000, 32>}, {transform_indices = @transform_3, window_bounds = array<i64: 2000, 64>}, {transform_indices = @transform_4, window_bounds = array<i64: 2, 2000, 32>}]} {
    %get3A = arith.constant 0 : index
    %get3A_0 = arith.constant 0 : index
    %get3A_1 = vector.load %arg2[%get3A, %get3A_0] : memref<2000x1xf32, #tpu.memory_space<vmem>>, vector<2000x1xf32>
    %get3A_2 = arith.constant 0 : index
    %get3A_3 = arith.constant 0 : index
    %get3A_4 = arith.constant 0 : index
    %get3A_5 = vector.load %arg3[%get3A_2, %get3A_3, %get3A_4] : memref<2x2000x32xf32, #tpu.memory_space<vmem>>, vector<1x2000x32xf32>
    %get3A_6 = vector.shape_cast %get3A_5 : vector<1x2000x32xf32> to vector<2000x32xf32>
    %get3A_7 = arith.constant 1 : index
    %get3A_8 = arith.constant 0 : index
    %get3A_9 = arith.constant 0 : index
    %get3A_10 = vector.load %arg3[%get3A_7, %get3A_8, %get3A_9] : memref<2x2000x32xf32, #tpu.memory_space<vmem>>, vector<1x2000x32xf32>
    %get3A_11 = vector.shape_cast %get3A_10 : vector<1x2000x32xf32> to vector<2000x32xf32>
    %concatenate3A = tpu.concatenate %get3A_6, %get3A_11 in 1 : vector<2000x32xf32>, vector<2000x32xf32> -> vector<2000x64xf32>
    %mul3A = vector.broadcast %get3A_1 : vector<2000x1xf32> to vector<2000x64xf32>
    %mul3A_12 = arith.mulf %mul3A, %concatenate3A : vector<2000x64xf32>
    %get3A_13 = arith.constant 0 : index
    %get3A_14 = arith.constant 0 : index
    %get3A_15 = vector.load %arg1[%get3A_13, %get3A_14] : memref<2000x64xf32, #tpu.memory_space<vmem>>, vector<2000x64xf32>
    %mul3A_16 = arith.constant 5.000000e-01 : f32
    %mul3A_17 = vector.broadcast %mul3A_16 : f32 to vector<2000x64xf32>
    %mul3A_18 = arith.mulf %mul3A_17, %get3A_15 : vector<2000x64xf32>
    %mul3A_19 = arith.constant 5.000000e-01 : f32
    %mul3A_20 = vector.broadcast %mul3A_19 : f32 to vector<2000x64xf32>
    %mul3A_21 = arith.mulf %mul3A_20, %mul3A_12 : vector<2000x64xf32>
    %sub3A = arith.subf %mul3A_18, %mul3A_21 : vector<2000x64xf32>
    %swap3A = arith.constant 0 : index
    %swap3A_22 = arith.constant 0 : index
    %swap3A_23 = vector.load %arg4[%swap3A, %swap3A_22] : memref<2000x64xf32, #tpu.memory_space<vmem>>, vector<2000x64xf32>
    tpu.vector_store %arg4[%swap3A, %swap3A_22], %sub3A {strides = array<i32>} : memref<2000x64xf32, #tpu.memory_space<vmem>>, vector<2000x64xf32>,
    %get3A_24 = arith.constant 0 : index
    %get3A_25 = arith.constant 0 : index
    %get3A_26 = vector.load %arg2[%get3A_24, %get3A_25] : memref<2000x1xf32, #tpu.memory_space<vmem>>, vector<2000x1xf32>
    %mul3A_27 = vector.broadcast %get3A_26 : vector<2000x1xf32> to vector<2000x64xf32>
    %mul3A_28 = arith.mulf %mul3A_27, %sub3A : vector<2000x64xf32>
    %slice3A = vector.extract_strided_slice %mul3A_28 {offsets = [0, 0], sizes = [2000, 32], strides = [1, 1]} : vector<2000x64xf32> to vector<2000x32xf32>
    %swap3A_29 = arith.constant 0 : index
    %swap3A_30 = arith.constant 0 : index
    %swap3A_31 = arith.constant 0 : index
    %swap3A_32 = vector.load %arg5[%swap3A_29, %swap3A_30, %swap3A_31] : memref<2x2000x32xf32, #tpu.memory_space<vmem>>, vector<1x2000x32xf32>
    %swap3A_33 = vector.shape_cast %swap3A_32 : vector<1x2000x32xf32> to vector<2000x32xf32>
    %swap3A_34 = vector.shape_cast %slice3A : vector<2000x32xf32> to vector<1x2000x32xf32>
    tpu.vector_store %arg5[%swap3A_29, %swap3A_30, %swap3A_31], %swap3A_34 {strides = array<i32>} : memref<2x2000x32xf32, #tpu.memory_space<vmem>>, vector<1x2000x32xf32>,
    %slice3A_35 = vector.extract_strided_slice %mul3A_28 {offsets = [0, 32], sizes = [2000, 32], strides = [1, 1]} : vector<2000x64xf32> to vector<2000x32xf32>
    %swap3A_36 = arith.constant 1 : index
    %swap3A_37 = arith.constant 0 : index
    %swap3A_38 = arith.constant 0 : index
    %swap3A_39 = vector.load %arg5[%swap3A_36, %swap3A_37, %swap3A_38] : memref<2x2000x32xf32, #tpu.memory_space<vmem>>, vector<1x2000x32xf32>
    %swap3A_40 = vector.shape_cast %swap3A_39 : vector<1x2000x32xf32> to vector<2000x32xf32>
    %swap3A_41 = vector.shape_cast %slice3A_35 : vector<2000x32xf32> to vector<1x2000x32xf32>
    tpu.vector_store %arg5[%swap3A_36, %swap3A_37, %swap3A_38], %swap3A_41 {strides = array<i32>} : memref<2x2000x32xf32, #tpu.memory_space<vmem>>, vector<1x2000x32xf32>,
    return
  }
  func.func @transform_0(%arg0: i32) -> (i32, i32) {
    %c0_i32 = arith.constant 0 : i32
    %c0_i32_0 = arith.constant 0 : i32
    return %arg0, %c0_i32 : i32, i32
  }
  func.func @transform_1(%arg0: i32) -> (i32, i32) {
    %c0_i32 = arith.constant 0 : i32
    %c0_i32_0 = arith.constant 0 : i32
    return %arg0, %c0_i32 : i32, i32
  }
  func.func @transform_2(%arg0: i32) -> (i32, i32, i32) {
    %c0_i32 = arith.constant 0 : i32
    %c0_i32_0 = arith.constant 0 : i32
    %c0_i32_1 = arith.constant 0 : i32
    return %c0_i32, %arg0, %c0_i32_0 : i32, i32, i32
  }
  func.func @transform_3(%arg0: i32) -> (i32, i32) {
    %c0_i32 = arith.constant 0 : i32
    %c0_i32_0 = arith.constant 0 : i32
    return %arg0, %c0_i32 : i32, i32
  }
  func.func @transform_4(%arg0: i32) -> (i32, i32, i32) {
    %c0_i32 = arith.constant 0 : i32
    %c0_i32_0 = arith.constant 0 : i32
    %c0_i32_1 = arith.constant 0 : i32
    return %c0_i32, %arg0, %c0_i32_0 : i32, i32, i32
  }
}

module attributes {stable_mosaic.version = 14 : i64} {
  func.func @_fusion_body(%arg0: i32, %arg1: memref<2000x64xf32, #tpu.memory_space<vmem>>, %arg2: memref<2000x64xf32, #tpu.memory_space<vmem>>, %arg3: memref<2000x1xf32, #tpu.memory_space<vmem>>, %arg4: memref<2x2000x32xf32, #tpu.memory_space<vmem>>, %arg5: memref<64x64xf32, #tpu.memory_space<vmem>>, %arg6: memref<1x64xf32, #tpu.memory_space<vmem>>, %arg7: memref<64x64xf32, #tpu.memory_space<vmem>>, %arg8: memref<1x64xf32, #tpu.memory_space<vmem>>, %arg9: memref<5x3xf32, #tpu.memory_space<vmem>>, %arg10: memref<1x5xf32, #tpu.memory_space<vmem>>, %arg11: memref<2000x64xf32, #tpu.memory_space<vmem>>) attributes {dimension_semantics = [#tpu.dimension_semantics<arbitrary>], iteration_bounds = array<i64: 5>, scalar_prefetch = 0 : i64, scratch_operands = 0 : i64, tpu.core_type = #tpu.core_type<tc>, window_params = [{transform_indices = @transform_0, window_bounds = array<i64: 2000, 64>}, {transform_indices = @transform_1, window_bounds = array<i64: 2000, 64>}, {transform_indices = @transform_2, window_bounds = array<i64: 2000, 1>}, {transform_indices = @transform_3, window_bounds = array<i64: 2, 2000, 32>}, {pipeline_mode = #tpu.pipeline_mode<synchronous>, transform_indices = @transform_4, window_bounds = array<i64: 64, 64>}, {pipeline_mode = #tpu.pipeline_mode<synchronous>, transform_indices = @transform_5, window_bounds = array<i64: 1, 64>}, {pipeline_mode = #tpu.pipeline_mode<synchronous>, transform_indices = @transform_6, window_bounds = array<i64: 64, 64>}, {pipeline_mode = #tpu.pipeline_mode<synchronous>, transform_indices = @transform_7, window_bounds = array<i64: 1, 64>}, {pipeline_mode = #tpu.pipeline_mode<synchronous>, transform_indices = @transform_8, window_bounds = array<i64: 5, 3>}, {pipeline_mode = #tpu.pipeline_mode<synchronous>, transform_indices = @transform_9, window_bounds = array<i64: 1, 5>}, {transform_indices = @transform_10, window_bounds = array<i64: 2000, 64>}]} {
    %get3A = arith.constant 0 : index
    %get3A_0 = arith.constant 0 : index
    %get3A_1 = vector.load %arg1[%get3A, %get3A_0] : memref<2000x64xf32, #tpu.memory_space<vmem>>, vector<2000x64xf32>
    %get3A_2 = arith.constant 0 : index
    %get3A_3 = arith.constant 0 : index
    %get3A_4 = vector.load %arg2[%get3A_2, %get3A_3] : memref<2000x64xf32, #tpu.memory_space<vmem>>, vector<2000x64xf32>
    %mul3A = arith.constant 5.000000e-01 : f32
    %mul3A_5 = vector.broadcast %mul3A : f32 to vector<2000x64xf32>
    %mul3A_6 = arith.mulf %mul3A_5, %get3A_4 : vector<2000x64xf32>
    %get3A_7 = arith.constant 0 : index
    %get3A_8 = arith.constant 0 : index
    %get3A_9 = vector.load %arg3[%get3A_7, %get3A_8] : memref<2000x1xf32, #tpu.memory_space<vmem>>, vector<2000x1xf32>
    %mul3A_10 = arith.constant 5.000000e-01 : f32
    %mul3A_11 = vector.broadcast %mul3A_10 : f32 to vector<2000x1xf32>
    %mul3A_12 = arith.mulf %mul3A_11, %get3A_9 : vector<2000x1xf32>
    %get3A_13 = arith.constant 0 : index
    %get3A_14 = arith.constant 0 : index
    %get3A_15 = arith.constant 0 : index
    %get3A_16 = vector.load %arg4[%get3A_13, %get3A_14, %get3A_15] : memref<2x2000x32xf32, #tpu.memory_space<vmem>>, vector<1x2000x32xf32>
    %get3A_17 = vector.shape_cast %get3A_16 : vector<1x2000x32xf32> to vector<2000x32xf32>
    %get3A_18 = arith.constant 1 : index
    %get3A_19 = arith.constant 0 : index
    %get3A_20 = arith.constant 0 : index
    %get3A_21 = vector.load %arg4[%get3A_18, %get3A_19, %get3A_20] : memref<2x2000x32xf32, #tpu.memory_space<vmem>>, vector<1x2000x32xf32>
    %get3A_22 = vector.shape_cast %get3A_21 : vector<1x2000x32xf32> to vector<2000x32xf32>
    %concatenate3A = tpu.concatenate %get3A_17, %get3A_22 in 1 : vector<2000x32xf32>, vector<2000x32xf32> -> vector<2000x64xf32>
    %mul3A_23 = vector.broadcast %mul3A_12 : vector<2000x1xf32> to vector<2000x64xf32>
    %mul3A_24 = arith.mulf %mul3A_23, %concatenate3A : vector<2000x64xf32>
    %sub3A = arith.subf %mul3A_6, %mul3A_24 : vector<2000x64xf32>
    %get3A_25 = arith.constant 0 : index
    %get3A_26 = arith.constant 0 : index
    %get3A_27 = vector.load %arg9[%get3A_25, %get3A_26] : memref<5x3xf32, #tpu.memory_space<vmem>>, vector<5x3xf32>
    %logistic3A = arith.negf %get3A_27 : vector<5x3xf32>
    %logistic3A_28 = math.exp %logistic3A : vector<5x3xf32>
    %logistic3A_29 = arith.constant 1.000000e+00 : f32
    %logistic3A_30 = vector.broadcast %logistic3A_29 : f32 to vector<5x3xf32>
    %logistic3A_31 = arith.addf %logistic3A_30, %logistic3A_28 : vector<5x3xf32>
    %logistic3A_32 = arith.divf %logistic3A_30, %logistic3A_31 : vector<5x3xf32>
    %get3A_33 = arith.constant 0 : index
    %get3A_34 = arith.constant 0 : index
    %get3A_35 = vector.load %arg7[%get3A_33, %get3A_34] : memref<64x64xf32, #tpu.memory_space<vmem>>, vector<64x64xf32>
    %dot_general3A = arith.constant dense<0.000000e+00> : vector<2000x64xf32>
    %dot_general3A_36 = tpu.matmul %get3A_1, %get3A_35, %dot_general3A {dimension_numbers = #tpu.dot_dimension_numbers<[1], [0], [0], [1], [0, 0, 1, 1], [], []>, transpose_lhs_hint = false} : vector<2000x64xf32>, vector<64x64xf32>, vector<2000x64xf32> -> vector<2000x64xf32>
    %get3A_37 = arith.constant 0 : index
    %get3A_38 = arith.constant 0 : index
    %get3A_39 = vector.load %arg8[%get3A_37, %get3A_38] : memref<1x64xf32, #tpu.memory_space<vmem>>, vector<1x64xf32>
    %add3A = vector.broadcast %get3A_39 : vector<1x64xf32> to vector<2000x64xf32>
    %add3A_40 = arith.addf %dot_general3A_36, %add3A : vector<2000x64xf32>
    %tanh3A = math.tanh %add3A_40 : vector<2000x64xf32>
    %broadcast_in_dim3A = arith.constant 0.000000e+00 : f32
    %broadcast_in_dim3A_41 = vector.broadcast %broadcast_in_dim3A : f32 to vector<2000x64xf32>
    %broadcast_in_dim3A_42 = arith.constant 0.000000e+00 : f32
    %broadcast_in_dim3A_43 = vector.broadcast %broadcast_in_dim3A_42 : f32 to vector<1x1xf32>
    %slice3A = vector.extract_strided_slice %logistic3A_32 {offsets = [0, 0], sizes = [1, 1], strides = [1, 1]} : vector<5x3xf32> to vector<1x1xf32>
    %mul3A_44 = arith.constant 1.000000e+00 : f32
    %mul3A_45 = vector.broadcast %mul3A_44 : f32 to vector<1x1xf32>
    %mul3A_46 = arith.mulf %mul3A_45, %slice3A : vector<1x1xf32>
    %add3A_47 = arith.addf %broadcast_in_dim3A_43, %mul3A_46 : vector<1x1xf32>
    %mul3A_48 = vector.broadcast %add3A_47 : vector<1x1xf32> to vector<2000x64xf32>
    %mul3A_49 = arith.mulf %mul3A_48, %get3A_1 : vector<2000x64xf32>
    %add3A_50 = arith.addf %broadcast_in_dim3A_41, %mul3A_49 : vector<2000x64xf32>
    %broadcast_in_dim3A_51 = arith.constant 0.000000e+00 : f32
    %broadcast_in_dim3A_52 = vector.broadcast %broadcast_in_dim3A_51 : f32 to vector<1x1xf32>
    %slice3A_53 = vector.extract_strided_slice %logistic3A_32 {offsets = [0, 0], sizes = [1, 1], strides = [1, 1]} : vector<5x3xf32> to vector<1x1xf32>
    %mul3A_54 = arith.constant -2.000000e+00 : f32
    %mul3A_55 = vector.broadcast %mul3A_54 : f32 to vector<1x1xf32>
    %mul3A_56 = arith.mulf %mul3A_55, %slice3A_53 : vector<1x1xf32>
    %add3A_57 = arith.addf %broadcast_in_dim3A_52, %mul3A_56 : vector<1x1xf32>
    %slice3A_58 = vector.extract_strided_slice %logistic3A_32 {offsets = [0, 1], sizes = [1, 1], strides = [1, 1]} : vector<5x3xf32> to vector<1x1xf32>
    %mul3A_59 = arith.constant 2.000000e+00 : f32
    %mul3A_60 = vector.broadcast %mul3A_59 : f32 to vector<1x1xf32>
    %mul3A_61 = arith.mulf %mul3A_60, %slice3A_58 : vector<1x1xf32>
    %add3A_62 = arith.addf %add3A_57, %mul3A_61 : vector<1x1xf32>
    %mul3A_63 = vector.broadcast %add3A_62 : vector<1x1xf32> to vector<2000x64xf32>
    %mul3A_64 = arith.mulf %mul3A_63, %get3A_4 : vector<2000x64xf32>
    %add3A_65 = arith.addf %add3A_50, %mul3A_64 : vector<2000x64xf32>
    %broadcast_in_dim3A_66 = arith.constant 0.000000e+00 : f32
    %broadcast_in_dim3A_67 = vector.broadcast %broadcast_in_dim3A_66 : f32 to vector<1x1xf32>
    %slice3A_68 = vector.extract_strided_slice %logistic3A_32 {offsets = [0, 0], sizes = [1, 1], strides = [1, 1]} : vector<5x3xf32> to vector<1x1xf32>
    %mul3A_69 = arith.constant 1.000000e+00 : f32
    %mul3A_70 = vector.broadcast %mul3A_69 : f32 to vector<1x1xf32>
    %mul3A_71 = arith.mulf %mul3A_70, %slice3A_68 : vector<1x1xf32>
    %add3A_72 = arith.addf %broadcast_in_dim3A_67, %mul3A_71 : vector<1x1xf32>
    %slice3A_73 = vector.extract_strided_slice %logistic3A_32 {offsets = [0, 1], sizes = [1, 1], strides = [1, 1]} : vector<5x3xf32> to vector<1x1xf32>
    %mul3A_74 = arith.constant -2.000000e+00 : f32
    %mul3A_75 = vector.broadcast %mul3A_74 : f32 to vector<1x1xf32>
    %mul3A_76 = arith.mulf %mul3A_75, %slice3A_73 : vector<1x1xf32>
    %add3A_77 = arith.addf %add3A_72, %mul3A_76 : vector<1x1xf32>
    %slice3A_78 = vector.extract_strided_slice %logistic3A_32 {offsets = [0, 2], sizes = [1, 1], strides = [1, 1]} : vector<5x3xf32> to vector<1x1xf32>
    %mul3A_79 = arith.constant 1.000000e+00 : f32
    %mul3A_80 = vector.broadcast %mul3A_79 : f32 to vector<1x1xf32>
    %mul3A_81 = arith.mulf %mul3A_80, %slice3A_78 : vector<1x1xf32>
    %add3A_82 = arith.addf %add3A_77, %mul3A_81 : vector<1x1xf32>
    %mul3A_83 = vector.broadcast %add3A_82 : vector<1x1xf32> to vector<2000x64xf32>
    %mul3A_84 = arith.mulf %mul3A_83, %sub3A : vector<2000x64xf32>
    %add3A_85 = arith.addf %add3A_65, %mul3A_84 : vector<2000x64xf32>
    %get3A_86 = arith.constant 0 : index
    %get3A_87 = arith.constant 0 : index
    %get3A_88 = vector.load %arg5[%get3A_86, %get3A_87] : memref<64x64xf32, #tpu.memory_space<vmem>>, vector<64x64xf32>
    %dot_general3A_89 = arith.constant dense<0.000000e+00> : vector<2000x64xf32>
    %dot_general3A_90 = tpu.matmul %add3A_85, %get3A_88, %dot_general3A_89 {dimension_numbers = #tpu.dot_dimension_numbers<[1], [0], [0], [1], [0, 0, 1, 1], [], []>, transpose_lhs_hint = false} : vector<2000x64xf32>, vector<64x64xf32>, vector<2000x64xf32> -> vector<2000x64xf32>
    %get3A_91 = arith.constant 0 : index
    %get3A_92 = arith.constant 0 : index
    %get3A_93 = vector.load %arg6[%get3A_91, %get3A_92] : memref<1x64xf32, #tpu.memory_space<vmem>>, vector<1x64xf32>
    %add3A_94 = vector.broadcast %get3A_93 : vector<1x64xf32> to vector<2000x64xf32>
    %add3A_95 = arith.addf %dot_general3A_90, %add3A_94 : vector<2000x64xf32>
    %tanh3A_96 = math.tanh %add3A_95 : vector<2000x64xf32>
    %mul3A_97 = arith.mulf %tanh3A_96, %tanh3A : vector<2000x64xf32>
    %reduce_sum3A = arith.constant dense<0.000000e+00> : vector<2000xf32>
    %reduce_sum3A_98 = vector.multi_reduction <add>, %mul3A_97, %reduce_sum3A [1] : vector<2000x64xf32> to vector<2000xf32>
    %broadcast_in_dim3A_99 = vector.shape_cast %reduce_sum3A_98 : vector<2000xf32> to vector<2000x1xf32>
    %broadcast_in_dim3A_100 = arith.constant 0.000000e+00 : f32
    %broadcast_in_dim3A_101 = vector.broadcast %broadcast_in_dim3A_100 : f32 to vector<2000x64xf32>
    %broadcast_in_dim3A_102 = arith.constant 0.000000e+00 : f32
    %broadcast_in_dim3A_103 = vector.broadcast %broadcast_in_dim3A_102 : f32 to vector<1x1xf32>
    %slice3A_104 = vector.extract_strided_slice %logistic3A_32 {offsets = [1, 0], sizes = [1, 1], strides = [1, 1]} : vector<5x3xf32> to vector<1x1xf32>
    %mul3A_105 = arith.constant 1.000000e+00 : f32
    %mul3A_106 = vector.broadcast %mul3A_105 : f32 to vector<1x1xf32>
    %mul3A_107 = arith.mulf %mul3A_106, %slice3A_104 : vector<1x1xf32>
    %add3A_108 = arith.addf %broadcast_in_dim3A_103, %mul3A_107 : vector<1x1xf32>
    %mul3A_109 = vector.broadcast %add3A_108 : vector<1x1xf32> to vector<2000x64xf32>
    %mul3A_110 = arith.mulf %mul3A_109, %get3A_1 : vector<2000x64xf32>
    %add3A_111 = arith.addf %broadcast_in_dim3A_101, %mul3A_110 : vector<2000x64xf32>
    %broadcast_in_dim3A_112 = arith.constant 0.000000e+00 : f32
    %broadcast_in_dim3A_113 = vector.broadcast %broadcast_in_dim3A_112 : f32 to vector<1x1xf32>
    %slice3A_114 = vector.extract_strided_slice %logistic3A_32 {offsets = [1, 0], sizes = [1, 1], strides = [1, 1]} : vector<5x3xf32> to vector<1x1xf32>
    %mul3A_115 = arith.constant -2.000000e+00 : f32
    %mul3A_116 = vector.broadcast %mul3A_115 : f32 to vector<1x1xf32>
    %mul3A_117 = arith.mulf %mul3A_116, %slice3A_114 : vector<1x1xf32>
    %add3A_118 = arith.addf %broadcast_in_dim3A_113, %mul3A_117 : vector<1x1xf32>
    %slice3A_119 = vector.extract_strided_slice %logistic3A_32 {offsets = [1, 1], sizes = [1, 1], strides = [1, 1]} : vector<5x3xf32> to vector<1x1xf32>
    %mul3A_120 = arith.constant 2.000000e+00 : f32
    %mul3A_121 = vector.broadcast %mul3A_120 : f32 to vector<1x1xf32>
    %mul3A_122 = arith.mulf %mul3A_121, %slice3A_119 : vector<1x1xf32>
    %add3A_123 = arith.addf %add3A_118, %mul3A_122 : vector<1x1xf32>
    %mul3A_124 = vector.broadcast %add3A_123 : vector<1x1xf32> to vector<2000x64xf32>
    %mul3A_125 = arith.mulf %mul3A_124, %get3A_4 : vector<2000x64xf32>
    %add3A_126 = arith.addf %add3A_111, %mul3A_125 : vector<2000x64xf32>
    %broadcast_in_dim3A_127 = arith.constant 0.000000e+00 : f32
    %broadcast_in_dim3A_128 = vector.broadcast %broadcast_in_dim3A_127 : f32 to vector<1x1xf32>
    %slice3A_129 = vector.extract_strided_slice %logistic3A_32 {offsets = [1, 0], sizes = [1, 1], strides = [1, 1]} : vector<5x3xf32> to vector<1x1xf32>
    %mul3A_130 = arith.constant 1.000000e+00 : f32
    %mul3A_131 = vector.broadcast %mul3A_130 : f32 to vector<1x1xf32>
    %mul3A_132 = arith.mulf %mul3A_131, %slice3A_129 : vector<1x1xf32>
    %add3A_133 = arith.addf %broadcast_in_dim3A_128, %mul3A_132 : vector<1x1xf32>
    %slice3A_134 = vector.extract_strided_slice %logistic3A_32 {offsets = [1, 1], sizes = [1, 1], strides = [1, 1]} : vector<5x3xf32> to vector<1x1xf32>
    %mul3A_135 = arith.constant -2.000000e+00 : f32
    %mul3A_136 = vector.broadcast %mul3A_135 : f32 to vector<1x1xf32>
    %mul3A_137 = arith.mulf %mul3A_136, %slice3A_134 : vector<1x1xf32>
    %add3A_138 = arith.addf %add3A_133, %mul3A_137 : vector<1x1xf32>
    %slice3A_139 = vector.extract_strided_slice %logistic3A_32 {offsets = [1, 2], sizes = [1, 1], strides = [1, 1]} : vector<5x3xf32> to vector<1x1xf32>
    %mul3A_140 = arith.constant 1.000000e+00 : f32
    %mul3A_141 = vector.broadcast %mul3A_140 : f32 to vector<1x1xf32>
    %mul3A_142 = arith.mulf %mul3A_141, %slice3A_139 : vector<1x1xf32>
    %add3A_143 = arith.addf %add3A_138, %mul3A_142 : vector<1x1xf32>
    %mul3A_144 = vector.broadcast %add3A_143 : vector<1x1xf32> to vector<2000x64xf32>
    %mul3A_145 = arith.mulf %mul3A_144, %sub3A : vector<2000x64xf32>
    %add3A_146 = arith.addf %add3A_126, %mul3A_145 : vector<2000x64xf32>
    %get3A_147 = arith.constant 0 : index
    %get3A_148 = arith.constant 0 : index
    %get3A_149 = vector.load %arg5[%get3A_147, %get3A_148] : memref<64x64xf32, #tpu.memory_space<vmem>>, vector<64x64xf32>
    %dot_general3A_150 = arith.constant dense<0.000000e+00> : vector<2000x64xf32>
    %dot_general3A_151 = tpu.matmul %add3A_146, %get3A_149, %dot_general3A_150 {dimension_numbers = #tpu.dot_dimension_numbers<[1], [0], [0], [1], [0, 0, 1, 1], [], []>, transpose_lhs_hint = false} : vector<2000x64xf32>, vector<64x64xf32>, vector<2000x64xf32> -> vector<2000x64xf32>
    %get3A_152 = arith.constant 0 : index
    %get3A_153 = arith.constant 0 : index
    %get3A_154 = vector.load %arg6[%get3A_152, %get3A_153] : memref<1x64xf32, #tpu.memory_space<vmem>>, vector<1x64xf32>
    %add3A_155 = vector.broadcast %get3A_154 : vector<1x64xf32> to vector<2000x64xf32>
    %add3A_156 = arith.addf %dot_general3A_151, %add3A_155 : vector<2000x64xf32>
    %tanh3A_157 = math.tanh %add3A_156 : vector<2000x64xf32>
    %mul3A_158 = arith.mulf %tanh3A_157, %tanh3A : vector<2000x64xf32>
    %reduce_sum3A_159 = arith.constant dense<0.000000e+00> : vector<2000xf32>
    %reduce_sum3A_160 = vector.multi_reduction <add>, %mul3A_158, %reduce_sum3A_159 [1] : vector<2000x64xf32> to vector<2000xf32>
    %broadcast_in_dim3A_161 = vector.shape_cast %reduce_sum3A_160 : vector<2000xf32> to vector<2000x1xf32>
    %broadcast_in_dim3A_162 = arith.constant 0.000000e+00 : f32
    %broadcast_in_dim3A_163 = vector.broadcast %broadcast_in_dim3A_162 : f32 to vector<2000x64xf32>
    %broadcast_in_dim3A_164 = arith.constant 0.000000e+00 : f32
    %broadcast_in_dim3A_165 = vector.broadcast %broadcast_in_dim3A_164 : f32 to vector<1x1xf32>
    %slice3A_166 = vector.extract_strided_slice %logistic3A_32 {offsets = [2, 0], sizes = [1, 1], strides = [1, 1]} : vector<5x3xf32> to vector<1x1xf32>
    %mul3A_167 = arith.constant 1.000000e+00 : f32
    %mul3A_168 = vector.broadcast %mul3A_167 : f32 to vector<1x1xf32>
    %mul3A_169 = arith.mulf %mul3A_168, %slice3A_166 : vector<1x1xf32>
    %add3A_170 = arith.addf %broadcast_in_dim3A_165, %mul3A_169 : vector<1x1xf32>
    %mul3A_171 = vector.broadcast %add3A_170 : vector<1x1xf32> to vector<2000x64xf32>
    %mul3A_172 = arith.mulf %mul3A_171, %get3A_1 : vector<2000x64xf32>
    %add3A_173 = arith.addf %broadcast_in_dim3A_163, %mul3A_172 : vector<2000x64xf32>
    %broadcast_in_dim3A_174 = arith.constant 0.000000e+00 : f32
    %broadcast_in_dim3A_175 = vector.broadcast %broadcast_in_dim3A_174 : f32 to vector<1x1xf32>
    %slice3A_176 = vector.extract_strided_slice %logistic3A_32 {offsets = [2, 0], sizes = [1, 1], strides = [1, 1]} : vector<5x3xf32> to vector<1x1xf32>
    %mul3A_177 = arith.constant -2.000000e+00 : f32
    %mul3A_178 = vector.broadcast %mul3A_177 : f32 to vector<1x1xf32>
    %mul3A_179 = arith.mulf %mul3A_178, %slice3A_176 : vector<1x1xf32>
    %add3A_180 = arith.addf %broadcast_in_dim3A_175, %mul3A_179 : vector<1x1xf32>
    %slice3A_181 = vector.extract_strided_slice %logistic3A_32 {offsets = [2, 1], sizes = [1, 1], strides = [1, 1]} : vector<5x3xf32> to vector<1x1xf32>
    %mul3A_182 = arith.constant 2.000000e+00 : f32
    %mul3A_183 = vector.broadcast %mul3A_182 : f32 to vector<1x1xf32>
    %mul3A_184 = arith.mulf %mul3A_183, %slice3A_181 : vector<1x1xf32>
    %add3A_185 = arith.addf %add3A_180, %mul3A_184 : vector<1x1xf32>
    %mul3A_186 = vector.broadcast %add3A_185 : vector<1x1xf32> to vector<2000x64xf32>
    %mul3A_187 = arith.mulf %mul3A_186, %get3A_4 : vector<2000x64xf32>
    %add3A_188 = arith.addf %add3A_173, %mul3A_187 : vector<2000x64xf32>
    %broadcast_in_dim3A_189 = arith.constant 0.000000e+00 : f32
    %broadcast_in_dim3A_190 = vector.broadcast %broadcast_in_dim3A_189 : f32 to vector<1x1xf32>
    %slice3A_191 = vector.extract_strided_slice %logistic3A_32 {offsets = [2, 0], sizes = [1, 1], strides = [1, 1]} : vector<5x3xf32> to vector<1x1xf32>
    %mul3A_192 = arith.constant 1.000000e+00 : f32
    %mul3A_193 = vector.broadcast %mul3A_192 : f32 to vector<1x1xf32>
    %mul3A_194 = arith.mulf %mul3A_193, %slice3A_191 : vector<1x1xf32>
    %add3A_195 = arith.addf %broadcast_in_dim3A_190, %mul3A_194 : vector<1x1xf32>
    %slice3A_196 = vector.extract_strided_slice %logistic3A_32 {offsets = [2, 1], sizes = [1, 1], strides = [1, 1]} : vector<5x3xf32> to vector<1x1xf32>
    %mul3A_197 = arith.constant -2.000000e+00 : f32
    %mul3A_198 = vector.broadcast %mul3A_197 : f32 to vector<1x1xf32>
    %mul3A_199 = arith.mulf %mul3A_198, %slice3A_196 : vector<1x1xf32>
    %add3A_200 = arith.addf %add3A_195, %mul3A_199 : vector<1x1xf32>
    %slice3A_201 = vector.extract_strided_slice %logistic3A_32 {offsets = [2, 2], sizes = [1, 1], strides = [1, 1]} : vector<5x3xf32> to vector<1x1xf32>
    %mul3A_202 = arith.constant 1.000000e+00 : f32
    %mul3A_203 = vector.broadcast %mul3A_202 : f32 to vector<1x1xf32>
    %mul3A_204 = arith.mulf %mul3A_203, %slice3A_201 : vector<1x1xf32>
    %add3A_205 = arith.addf %add3A_200, %mul3A_204 : vector<1x1xf32>
    %mul3A_206 = vector.broadcast %add3A_205 : vector<1x1xf32> to vector<2000x64xf32>
    %mul3A_207 = arith.mulf %mul3A_206, %sub3A : vector<2000x64xf32>
    %add3A_208 = arith.addf %add3A_188, %mul3A_207 : vector<2000x64xf32>
    %get3A_209 = arith.constant 0 : index
    %get3A_210 = arith.constant 0 : index
    %get3A_211 = vector.load %arg5[%get3A_209, %get3A_210] : memref<64x64xf32, #tpu.memory_space<vmem>>, vector<64x64xf32>
    %dot_general3A_212 = arith.constant dense<0.000000e+00> : vector<2000x64xf32>
    %dot_general3A_213 = tpu.matmul %add3A_208, %get3A_211, %dot_general3A_212 {dimension_numbers = #tpu.dot_dimension_numbers<[1], [0], [0], [1], [0, 0, 1, 1], [], []>, transpose_lhs_hint = false} : vector<2000x64xf32>, vector<64x64xf32>, vector<2000x64xf32> -> vector<2000x64xf32>
    %get3A_214 = arith.constant 0 : index
    %get3A_215 = arith.constant 0 : index
    %get3A_216 = vector.load %arg6[%get3A_214, %get3A_215] : memref<1x64xf32, #tpu.memory_space<vmem>>, vector<1x64xf32>
    %add3A_217 = vector.broadcast %get3A_216 : vector<1x64xf32> to vector<2000x64xf32>
    %add3A_218 = arith.addf %dot_general3A_213, %add3A_217 : vector<2000x64xf32>
    %tanh3A_219 = math.tanh %add3A_218 : vector<2000x64xf32>
    %mul3A_220 = arith.mulf %tanh3A_219, %tanh3A : vector<2000x64xf32>
    %reduce_sum3A_221 = arith.constant dense<0.000000e+00> : vector<2000xf32>
    %reduce_sum3A_222 = vector.multi_reduction <add>, %mul3A_220, %reduce_sum3A_221 [1] : vector<2000x64xf32> to vector<2000xf32>
    %broadcast_in_dim3A_223 = vector.shape_cast %reduce_sum3A_222 : vector<2000xf32> to vector<2000x1xf32>
    %broadcast_in_dim3A_224 = arith.constant 0.000000e+00 : f32
    %broadcast_in_dim3A_225 = vector.broadcast %broadcast_in_dim3A_224 : f32 to vector<2000x64xf32>
    %broadcast_in_dim3A_226 = arith.constant 0.000000e+00 : f32
    %broadcast_in_dim3A_227 = vector.broadcast %broadcast_in_dim3A_226 : f32 to vector<1x1xf32>
    %slice3A_228 = vector.extract_strided_slice %logistic3A_32 {offsets = [3, 0], sizes = [1, 1], strides = [1, 1]} : vector<5x3xf32> to vector<1x1xf32>
    %mul3A_229 = arith.constant 1.000000e+00 : f32
    %mul3A_230 = vector.broadcast %mul3A_229 : f32 to vector<1x1xf32>
    %mul3A_231 = arith.mulf %mul3A_230, %slice3A_228 : vector<1x1xf32>
    %add3A_232 = arith.addf %broadcast_in_dim3A_227, %mul3A_231 : vector<1x1xf32>
    %mul3A_233 = vector.broadcast %add3A_232 : vector<1x1xf32> to vector<2000x64xf32>
    %mul3A_234 = arith.mulf %mul3A_233, %get3A_1 : vector<2000x64xf32>
    %add3A_235 = arith.addf %broadcast_in_dim3A_225, %mul3A_234 : vector<2000x64xf32>
    %broadcast_in_dim3A_236 = arith.constant 0.000000e+00 : f32
    %broadcast_in_dim3A_237 = vector.broadcast %broadcast_in_dim3A_236 : f32 to vector<1x1xf32>
    %slice3A_238 = vector.extract_strided_slice %logistic3A_32 {offsets = [3, 0], sizes = [1, 1], strides = [1, 1]} : vector<5x3xf32> to vector<1x1xf32>
    %mul3A_239 = arith.constant -2.000000e+00 : f32
    %mul3A_240 = vector.broadcast %mul3A_239 : f32 to vector<1x1xf32>
    %mul3A_241 = arith.mulf %mul3A_240, %slice3A_238 : vector<1x1xf32>
    %add3A_242 = arith.addf %broadcast_in_dim3A_237, %mul3A_241 : vector<1x1xf32>
    %slice3A_243 = vector.extract_strided_slice %logistic3A_32 {offsets = [3, 1], sizes = [1, 1], strides = [1, 1]} : vector<5x3xf32> to vector<1x1xf32>
    %mul3A_244 = arith.constant 2.000000e+00 : f32
    %mul3A_245 = vector.broadcast %mul3A_244 : f32 to vector<1x1xf32>
    %mul3A_246 = arith.mulf %mul3A_245, %slice3A_243 : vector<1x1xf32>
    %add3A_247 = arith.addf %add3A_242, %mul3A_246 : vector<1x1xf32>
    %mul3A_248 = vector.broadcast %add3A_247 : vector<1x1xf32> to vector<2000x64xf32>
    %mul3A_249 = arith.mulf %mul3A_248, %get3A_4 : vector<2000x64xf32>
    %add3A_250 = arith.addf %add3A_235, %mul3A_249 : vector<2000x64xf32>
    %broadcast_in_dim3A_251 = arith.constant 0.000000e+00 : f32
    %broadcast_in_dim3A_252 = vector.broadcast %broadcast_in_dim3A_251 : f32 to vector<1x1xf32>
    %slice3A_253 = vector.extract_strided_slice %logistic3A_32 {offsets = [3, 0], sizes = [1, 1], strides = [1, 1]} : vector<5x3xf32> to vector<1x1xf32>
    %mul3A_254 = arith.constant 1.000000e+00 : f32
    %mul3A_255 = vector.broadcast %mul3A_254 : f32 to vector<1x1xf32>
    %mul3A_256 = arith.mulf %mul3A_255, %slice3A_253 : vector<1x1xf32>
    %add3A_257 = arith.addf %broadcast_in_dim3A_252, %mul3A_256 : vector<1x1xf32>
    %slice3A_258 = vector.extract_strided_slice %logistic3A_32 {offsets = [3, 1], sizes = [1, 1], strides = [1, 1]} : vector<5x3xf32> to vector<1x1xf32>
    %mul3A_259 = arith.constant -2.000000e+00 : f32
    %mul3A_260 = vector.broadcast %mul3A_259 : f32 to vector<1x1xf32>
    %mul3A_261 = arith.mulf %mul3A_260, %slice3A_258 : vector<1x1xf32>
    %add3A_262 = arith.addf %add3A_257, %mul3A_261 : vector<1x1xf32>
    %slice3A_263 = vector.extract_strided_slice %logistic3A_32 {offsets = [3, 2], sizes = [1, 1], strides = [1, 1]} : vector<5x3xf32> to vector<1x1xf32>
    %mul3A_264 = arith.constant 1.000000e+00 : f32
    %mul3A_265 = vector.broadcast %mul3A_264 : f32 to vector<1x1xf32>
    %mul3A_266 = arith.mulf %mul3A_265, %slice3A_263 : vector<1x1xf32>
    %add3A_267 = arith.addf %add3A_262, %mul3A_266 : vector<1x1xf32>
    %mul3A_268 = vector.broadcast %add3A_267 : vector<1x1xf32> to vector<2000x64xf32>
    %mul3A_269 = arith.mulf %mul3A_268, %sub3A : vector<2000x64xf32>
    %add3A_270 = arith.addf %add3A_250, %mul3A_269 : vector<2000x64xf32>
    %get3A_271 = arith.constant 0 : index
    %get3A_272 = arith.constant 0 : index
    %get3A_273 = vector.load %arg5[%get3A_271, %get3A_272] : memref<64x64xf32, #tpu.memory_space<vmem>>, vector<64x64xf32>
    %dot_general3A_274 = arith.constant dense<0.000000e+00> : vector<2000x64xf32>
    %dot_general3A_275 = tpu.matmul %add3A_270, %get3A_273, %dot_general3A_274 {dimension_numbers = #tpu.dot_dimension_numbers<[1], [0], [0], [1], [0, 0, 1, 1], [], []>, transpose_lhs_hint = false} : vector<2000x64xf32>, vector<64x64xf32>, vector<2000x64xf32> -> vector<2000x64xf32>
    %get3A_276 = arith.constant 0 : index
    %get3A_277 = arith.constant 0 : index
    %get3A_278 = vector.load %arg6[%get3A_276, %get3A_277] : memref<1x64xf32, #tpu.memory_space<vmem>>, vector<1x64xf32>
    %add3A_279 = vector.broadcast %get3A_278 : vector<1x64xf32> to vector<2000x64xf32>
    %add3A_280 = arith.addf %dot_general3A_275, %add3A_279 : vector<2000x64xf32>
    %tanh3A_281 = math.tanh %add3A_280 : vector<2000x64xf32>
    %mul3A_282 = arith.mulf %tanh3A_281, %tanh3A : vector<2000x64xf32>
    %reduce_sum3A_283 = arith.constant dense<0.000000e+00> : vector<2000xf32>
    %reduce_sum3A_284 = vector.multi_reduction <add>, %mul3A_282, %reduce_sum3A_283 [1] : vector<2000x64xf32> to vector<2000xf32>
    %broadcast_in_dim3A_285 = vector.shape_cast %reduce_sum3A_284 : vector<2000xf32> to vector<2000x1xf32>
    %broadcast_in_dim3A_286 = arith.constant 0.000000e+00 : f32
    %broadcast_in_dim3A_287 = vector.broadcast %broadcast_in_dim3A_286 : f32 to vector<2000x64xf32>
    %broadcast_in_dim3A_288 = arith.constant 0.000000e+00 : f32
    %broadcast_in_dim3A_289 = vector.broadcast %broadcast_in_dim3A_288 : f32 to vector<1x1xf32>
    %slice3A_290 = vector.extract_strided_slice %logistic3A_32 {offsets = [4, 0], sizes = [1, 1], strides = [1, 1]} : vector<5x3xf32> to vector<1x1xf32>
    %mul3A_291 = arith.constant 1.000000e+00 : f32
    %mul3A_292 = vector.broadcast %mul3A_291 : f32 to vector<1x1xf32>
    %mul3A_293 = arith.mulf %mul3A_292, %slice3A_290 : vector<1x1xf32>
    %add3A_294 = arith.addf %broadcast_in_dim3A_289, %mul3A_293 : vector<1x1xf32>
    %mul3A_295 = vector.broadcast %add3A_294 : vector<1x1xf32> to vector<2000x64xf32>
    %mul3A_296 = arith.mulf %mul3A_295, %get3A_1 : vector<2000x64xf32>
    %add3A_297 = arith.addf %broadcast_in_dim3A_287, %mul3A_296 : vector<2000x64xf32>
    %broadcast_in_dim3A_298 = arith.constant 0.000000e+00 : f32
    %broadcast_in_dim3A_299 = vector.broadcast %broadcast_in_dim3A_298 : f32 to vector<1x1xf32>
    %slice3A_300 = vector.extract_strided_slice %logistic3A_32 {offsets = [4, 0], sizes = [1, 1], strides = [1, 1]} : vector<5x3xf32> to vector<1x1xf32>
    %mul3A_301 = arith.constant -2.000000e+00 : f32
    %mul3A_302 = vector.broadcast %mul3A_301 : f32 to vector<1x1xf32>
    %mul3A_303 = arith.mulf %mul3A_302, %slice3A_300 : vector<1x1xf32>
    %add3A_304 = arith.addf %broadcast_in_dim3A_299, %mul3A_303 : vector<1x1xf32>
    %slice3A_305 = vector.extract_strided_slice %logistic3A_32 {offsets = [4, 1], sizes = [1, 1], strides = [1, 1]} : vector<5x3xf32> to vector<1x1xf32>
    %mul3A_306 = arith.constant 2.000000e+00 : f32
    %mul3A_307 = vector.broadcast %mul3A_306 : f32 to vector<1x1xf32>
    %mul3A_308 = arith.mulf %mul3A_307, %slice3A_305 : vector<1x1xf32>
    %add3A_309 = arith.addf %add3A_304, %mul3A_308 : vector<1x1xf32>
    %mul3A_310 = vector.broadcast %add3A_309 : vector<1x1xf32> to vector<2000x64xf32>
    %mul3A_311 = arith.mulf %mul3A_310, %get3A_4 : vector<2000x64xf32>
    %add3A_312 = arith.addf %add3A_297, %mul3A_311 : vector<2000x64xf32>
    %broadcast_in_dim3A_313 = arith.constant 0.000000e+00 : f32
    %broadcast_in_dim3A_314 = vector.broadcast %broadcast_in_dim3A_313 : f32 to vector<1x1xf32>
    %slice3A_315 = vector.extract_strided_slice %logistic3A_32 {offsets = [4, 0], sizes = [1, 1], strides = [1, 1]} : vector<5x3xf32> to vector<1x1xf32>
    %mul3A_316 = arith.constant 1.000000e+00 : f32
    %mul3A_317 = vector.broadcast %mul3A_316 : f32 to vector<1x1xf32>
    %mul3A_318 = arith.mulf %mul3A_317, %slice3A_315 : vector<1x1xf32>
    %add3A_319 = arith.addf %broadcast_in_dim3A_314, %mul3A_318 : vector<1x1xf32>
    %slice3A_320 = vector.extract_strided_slice %logistic3A_32 {offsets = [4, 1], sizes = [1, 1], strides = [1, 1]} : vector<5x3xf32> to vector<1x1xf32>
    %mul3A_321 = arith.constant -2.000000e+00 : f32
    %mul3A_322 = vector.broadcast %mul3A_321 : f32 to vector<1x1xf32>
    %mul3A_323 = arith.mulf %mul3A_322, %slice3A_320 : vector<1x1xf32>
    %add3A_324 = arith.addf %add3A_319, %mul3A_323 : vector<1x1xf32>
    %slice3A_325 = vector.extract_strided_slice %logistic3A_32 {offsets = [4, 2], sizes = [1, 1], strides = [1, 1]} : vector<5x3xf32> to vector<1x1xf32>
    %mul3A_326 = arith.constant 1.000000e+00 : f32
    %mul3A_327 = vector.broadcast %mul3A_326 : f32 to vector<1x1xf32>
    %mul3A_328 = arith.mulf %mul3A_327, %slice3A_325 : vector<1x1xf32>
    %add3A_329 = arith.addf %add3A_324, %mul3A_328 : vector<1x1xf32>
    %mul3A_330 = vector.broadcast %add3A_329 : vector<1x1xf32> to vector<2000x64xf32>
    %mul3A_331 = arith.mulf %mul3A_330, %sub3A : vector<2000x64xf32>
    %add3A_332 = arith.addf %add3A_312, %mul3A_331 : vector<2000x64xf32>
    %get3A_333 = arith.constant 0 : index
    %get3A_334 = arith.constant 0 : index
    %get3A_335 = vector.load %arg5[%get3A_333, %get3A_334] : memref<64x64xf32, #tpu.memory_space<vmem>>, vector<64x64xf32>
    %dot_general3A_336 = arith.constant dense<0.000000e+00> : vector<2000x64xf32>
    %dot_general3A_337 = tpu.matmul %add3A_332, %get3A_335, %dot_general3A_336 {dimension_numbers = #tpu.dot_dimension_numbers<[1], [0], [0], [1], [0, 0, 1, 1], [], []>, transpose_lhs_hint = false} : vector<2000x64xf32>, vector<64x64xf32>, vector<2000x64xf32> -> vector<2000x64xf32>
    %get3A_338 = arith.constant 0 : index
    %get3A_339 = arith.constant 0 : index
    %get3A_340 = vector.load %arg6[%get3A_338, %get3A_339] : memref<1x64xf32, #tpu.memory_space<vmem>>, vector<1x64xf32>
    %add3A_341 = vector.broadcast %get3A_340 : vector<1x64xf32> to vector<2000x64xf32>
    %add3A_342 = arith.addf %dot_general3A_337, %add3A_341 : vector<2000x64xf32>
    %tanh3A_343 = math.tanh %add3A_342 : vector<2000x64xf32>
    %mul3A_344 = arith.mulf %tanh3A_343, %tanh3A : vector<2000x64xf32>
    %reduce_sum3A_345 = arith.constant dense<0.000000e+00> : vector<2000xf32>
    %reduce_sum3A_346 = vector.multi_reduction <add>, %mul3A_344, %reduce_sum3A_345 [1] : vector<2000x64xf32> to vector<2000xf32>
    %broadcast_in_dim3A_347 = vector.shape_cast %reduce_sum3A_346 : vector<2000xf32> to vector<2000x1xf32>
    %concatenate3A_348 = tpu.concatenate %broadcast_in_dim3A_99, %broadcast_in_dim3A_161, %broadcast_in_dim3A_223, %broadcast_in_dim3A_285, %broadcast_in_dim3A_347 in 1 : vector<2000x1xf32>, vector<2000x1xf32>, vector<2000x1xf32>, vector<2000x1xf32>, vector<2000x1xf32> -> vector<2000x5xf32>
    %reduce_max3A = arith.constant dense<0xFF800000> : vector<2000xf32>
    %reduce_max3A_349 = vector.multi_reduction <maximumf>, %concatenate3A_348, %reduce_max3A [1] : vector<2000x5xf32> to vector<2000xf32>
    %broadcast_in_dim3A_350 = vector.shape_cast %reduce_max3A_349 : vector<2000xf32> to vector<2000x1xf32>
    %sub3A_351 = vector.broadcast %broadcast_in_dim3A_350 : vector<2000x1xf32> to vector<2000x5xf32>
    %sub3A_352 = arith.subf %concatenate3A_348, %sub3A_351 : vector<2000x5xf32>
    %exp3A = math.exp %sub3A_352 : vector<2000x5xf32>
    %reduce_sum3A_353 = arith.constant dense<0.000000e+00> : vector<2000xf32>
    %reduce_sum3A_354 = vector.multi_reduction <add>, %exp3A, %reduce_sum3A_353 [1] : vector<2000x5xf32> to vector<2000xf32>
    %broadcast_in_dim3A_355 = vector.shape_cast %reduce_sum3A_354 : vector<2000xf32> to vector<2000x1xf32>
    %div3A = vector.broadcast %broadcast_in_dim3A_355 : vector<2000x1xf32> to vector<2000x5xf32>
    %div3A_356 = arith.divf %exp3A, %div3A : vector<2000x5xf32>
    %iota3A = tpu.iota {dimensions = array<i32: 1>} : vector<1x5xi32>
    %eq3A = arith.constant 0 : i32
    %eq3A_357 = vector.broadcast %eq3A : i32 to vector<1x5xi32>
    %eq3A_358 = arith.cmpi eq, %iota3A, %eq3A_357 : vector<1x5xi32>
    %get3A_359 = arith.constant 0 : index
    %get3A_360 = arith.constant 0 : index
    %get3A_361 = vector.load %arg10[%get3A_359, %get3A_360] : memref<1x5xf32, #tpu.memory_space<vmem>>, vector<1x5xf32>
    %logistic3A_362 = arith.negf %get3A_361 : vector<1x5xf32>
    %logistic3A_363 = math.exp %logistic3A_362 : vector<1x5xf32>
    %logistic3A_364 = arith.constant 1.000000e+00 : f32
    %logistic3A_365 = vector.broadcast %logistic3A_364 : f32 to vector<1x5xf32>
    %logistic3A_366 = arith.addf %logistic3A_365, %logistic3A_363 : vector<1x5xf32>
    %logistic3A_367 = arith.divf %logistic3A_365, %logistic3A_366 : vector<1x5xf32>
    %jit3A = arith.constant 1.000000e+00 : f32
    %broadcast_in_dim3A_368 = vector.broadcast %jit3A : f32 to vector<1x5xf32>
    %select_n3A = arith.select %eq3A_358, %broadcast_in_dim3A_368, %logistic3A_367 : vector<1x5xi1>, vector<1x5xf32>
    %broadcast_in_dim3A_369 = arith.constant 0.000000e+00 : f32
    %broadcast_in_dim3A_370 = vector.broadcast %broadcast_in_dim3A_369 : f32 to vector<2000x64xf32>
    %slice3A_371 = vector.extract_strided_slice %select_n3A {offsets = [0, 0], sizes = [1, 1], strides = [1, 1]} : vector<1x5xf32> to vector<1x1xf32>
    %slice3A_372 = vector.extract_strided_slice %div3A_356 {offsets = [0, 0], sizes = [2000, 1], strides = [1, 1]} : vector<2000x5xf32> to vector<2000x1xf32>
    %mul3A_373 = vector.broadcast %slice3A_371 : vector<1x1xf32> to vector<2000x1xf32>
    %mul3A_374 = arith.mulf %mul3A_373, %slice3A_372 : vector<2000x1xf32>
    %mul3A_375 = vector.broadcast %mul3A_374 : vector<2000x1xf32> to vector<2000x64xf32>
    %mul3A_376 = arith.mulf %mul3A_375, %add3A_85 : vector<2000x64xf32>
    %add3A_377 = arith.addf %broadcast_in_dim3A_370, %mul3A_376 : vector<2000x64xf32>
    %slice3A_378 = vector.extract_strided_slice %select_n3A {offsets = [0, 1], sizes = [1, 1], strides = [1, 1]} : vector<1x5xf32> to vector<1x1xf32>
    %slice3A_379 = vector.extract_strided_slice %div3A_356 {offsets = [0, 1], sizes = [2000, 1], strides = [1, 1]} : vector<2000x5xf32> to vector<2000x1xf32>
    %mul3A_380 = vector.broadcast %slice3A_378 : vector<1x1xf32> to vector<2000x1xf32>
    %mul3A_381 = arith.mulf %mul3A_380, %slice3A_379 : vector<2000x1xf32>
    %mul3A_382 = vector.broadcast %mul3A_381 : vector<2000x1xf32> to vector<2000x64xf32>
    %mul3A_383 = arith.mulf %mul3A_382, %add3A_146 : vector<2000x64xf32>
    %add3A_384 = arith.addf %add3A_377, %mul3A_383 : vector<2000x64xf32>
    %slice3A_385 = vector.extract_strided_slice %select_n3A {offsets = [0, 2], sizes = [1, 1], strides = [1, 1]} : vector<1x5xf32> to vector<1x1xf32>
    %slice3A_386 = vector.extract_strided_slice %div3A_356 {offsets = [0, 2], sizes = [2000, 1], strides = [1, 1]} : vector<2000x5xf32> to vector<2000x1xf32>
    %mul3A_387 = vector.broadcast %slice3A_385 : vector<1x1xf32> to vector<2000x1xf32>
    %mul3A_388 = arith.mulf %mul3A_387, %slice3A_386 : vector<2000x1xf32>
    %mul3A_389 = vector.broadcast %mul3A_388 : vector<2000x1xf32> to vector<2000x64xf32>
    %mul3A_390 = arith.mulf %mul3A_389, %add3A_208 : vector<2000x64xf32>
    %add3A_391 = arith.addf %add3A_384, %mul3A_390 : vector<2000x64xf32>
    %slice3A_392 = vector.extract_strided_slice %select_n3A {offsets = [0, 3], sizes = [1, 1], strides = [1, 1]} : vector<1x5xf32> to vector<1x1xf32>
    %slice3A_393 = vector.extract_strided_slice %div3A_356 {offsets = [0, 3], sizes = [2000, 1], strides = [1, 1]} : vector<2000x5xf32> to vector<2000x1xf32>
    %mul3A_394 = vector.broadcast %slice3A_392 : vector<1x1xf32> to vector<2000x1xf32>
    %mul3A_395 = arith.mulf %mul3A_394, %slice3A_393 : vector<2000x1xf32>
    %mul3A_396 = vector.broadcast %mul3A_395 : vector<2000x1xf32> to vector<2000x64xf32>
    %mul3A_397 = arith.mulf %mul3A_396, %add3A_270 : vector<2000x64xf32>
    %add3A_398 = arith.addf %add3A_391, %mul3A_397 : vector<2000x64xf32>
    %slice3A_399 = vector.extract_strided_slice %select_n3A {offsets = [0, 4], sizes = [1, 1], strides = [1, 1]} : vector<1x5xf32> to vector<1x1xf32>
    %slice3A_400 = vector.extract_strided_slice %div3A_356 {offsets = [0, 4], sizes = [2000, 1], strides = [1, 1]} : vector<2000x5xf32> to vector<2000x1xf32>
    %mul3A_401 = vector.broadcast %slice3A_399 : vector<1x1xf32> to vector<2000x1xf32>
    %mul3A_402 = arith.mulf %mul3A_401, %slice3A_400 : vector<2000x1xf32>
    %mul3A_403 = vector.broadcast %mul3A_402 : vector<2000x1xf32> to vector<2000x64xf32>
    %mul3A_404 = arith.mulf %mul3A_403, %add3A_332 : vector<2000x64xf32>
    %add3A_405 = arith.addf %add3A_398, %mul3A_404 : vector<2000x64xf32>
    %swap3A = arith.constant 0 : index
    %swap3A_406 = arith.constant 0 : index
    %swap3A_407 = vector.load %arg11[%swap3A, %swap3A_406] : memref<2000x64xf32, #tpu.memory_space<vmem>>, vector<2000x64xf32>
    tpu.vector_store %arg11[%swap3A, %swap3A_406], %add3A_405 {strides = array<i32>} : memref<2000x64xf32, #tpu.memory_space<vmem>>, vector<2000x64xf32>,
    return
  }
  func.func @transform_0(%arg0: i32) -> (i32, i32) {
    %c0_i32 = arith.constant 0 : i32
    %c0_i32_0 = arith.constant 0 : i32
    return %arg0, %c0_i32 : i32, i32
  }
  func.func @transform_1(%arg0: i32) -> (i32, i32) {
    %c0_i32 = arith.constant 0 : i32
    %c0_i32_0 = arith.constant 0 : i32
    return %arg0, %c0_i32 : i32, i32
  }
  func.func @transform_2(%arg0: i32) -> (i32, i32) {
    %c0_i32 = arith.constant 0 : i32
    %c0_i32_0 = arith.constant 0 : i32
    return %arg0, %c0_i32 : i32, i32
  }
  func.func @transform_3(%arg0: i32) -> (i32, i32, i32) {
    %c0_i32 = arith.constant 0 : i32
    %c0_i32_0 = arith.constant 0 : i32
    %c0_i32_1 = arith.constant 0 : i32
    return %c0_i32, %arg0, %c0_i32_0 : i32, i32, i32
  }
  func.func @transform_4(%arg0: i32) -> (i32, i32) {
    %c0_i32 = arith.constant 0 : i32
    %c0_i32_0 = arith.constant 0 : i32
    %c0_i32_1 = arith.constant 0 : i32
    return %c0_i32, %c0_i32_0 : i32, i32
  }
  func.func @transform_5(%arg0: i32) -> (i32, i32) {
    %c0_i32 = arith.constant 0 : i32
    %c0_i32_0 = arith.constant 0 : i32
    %c0_i32_1 = arith.constant 0 : i32
    return %c0_i32, %c0_i32_0 : i32, i32
  }
  func.func @transform_6(%arg0: i32) -> (i32, i32) {
    %c0_i32 = arith.constant 0 : i32
    %c0_i32_0 = arith.constant 0 : i32
    %c0_i32_1 = arith.constant 0 : i32
    return %c0_i32, %c0_i32_0 : i32, i32
  }
  func.func @transform_7(%arg0: i32) -> (i32, i32) {
    %c0_i32 = arith.constant 0 : i32
    %c0_i32_0 = arith.constant 0 : i32
    %c0_i32_1 = arith.constant 0 : i32
    return %c0_i32, %c0_i32_0 : i32, i32
  }
  func.func @transform_8(%arg0: i32) -> (i32, i32) {
    %c0_i32 = arith.constant 0 : i32
    %c0_i32_0 = arith.constant 0 : i32
    %c0_i32_1 = arith.constant 0 : i32
    return %c0_i32, %c0_i32_0 : i32, i32
  }
  func.func @transform_9(%arg0: i32) -> (i32, i32) {
    %c0_i32 = arith.constant 0 : i32
    %c0_i32_0 = arith.constant 0 : i32
    %c0_i32_1 = arith.constant 0 : i32
    return %c0_i32, %c0_i32_0 : i32, i32
  }
  func.func @transform_10(%arg0: i32) -> (i32, i32) {
    %c0_i32 = arith.constant 0 : i32
    %c0_i32_0 = arith.constant 0 : i32
    return %arg0, %c0_i32 : i32, i32
  }
}

module attributes {stable_mosaic.version = 14 : i64} {
  func.func @_gram_body(%arg0: i32, %arg1: memref<400x64xf32, #tpu.memory_space<vmem>>, %arg2: memref<10000x64xf32, #tpu.memory_space<vmem>>, %arg3: memref<400x10000xf32, #tpu.memory_space<vmem>>) attributes {dimension_semantics = [#tpu.dimension_semantics<arbitrary>], iteration_bounds = array<i64: 25>, scalar_prefetch = 0 : i64, scratch_operands = 0 : i64, tpu.core_type = #tpu.core_type<tc>, window_params = [{transform_indices = @transform_0, window_bounds = array<i64: 400, 64>}, {pipeline_mode = #tpu.pipeline_mode<synchronous>, transform_indices = @transform_1, window_bounds = array<i64: 10000, 64>}, {transform_indices = @transform_2, window_bounds = array<i64: 400, 10000>}]} {
    %get3A = arith.constant 0 : index
    %get3A_0 = arith.constant 0 : index
    %get3A_1 = vector.load %arg1[%get3A, %get3A_0] : memref<400x64xf32, #tpu.memory_space<vmem>>, vector<400x64xf32>
    %convert_element_type3A = arith.truncf %get3A_1 : vector<400x64xf32> to vector<400x64xbf16>
    %get3A_2 = arith.constant 0 : index
    %get3A_3 = arith.constant 0 : index
    %get3A_4 = vector.load %arg2[%get3A_2, %get3A_3] : memref<10000x64xf32, #tpu.memory_space<vmem>>, vector<10000x64xf32>
    %convert_element_type3A_5 = arith.truncf %get3A_4 : vector<10000x64xf32> to vector<10000x64xbf16>
    %dot_general3A = arith.constant dense<0.000000e+00> : vector<400x10000xf32>
    %dot_general3A_6 = tpu.matmul %convert_element_type3A, %convert_element_type3A_5, %dot_general3A {dimension_numbers = #tpu.dot_dimension_numbers<[1], [1], [0], [0], [0, 0, 1, 0], [], []>, transpose_lhs_hint = false} : vector<400x64xbf16>, vector<10000x64xbf16>, vector<400x10000xf32> -> vector<400x10000xf32>
    %tanh3A = math.tanh %dot_general3A_6 : vector<400x10000xf32>
    %swap3A = arith.constant 0 : index
    %swap3A_7 = arith.constant 0 : index
    %swap3A_8 = vector.load %arg3[%swap3A, %swap3A_7] : memref<400x10000xf32, #tpu.memory_space<vmem>>, vector<400x10000xf32>
    tpu.vector_store %arg3[%swap3A, %swap3A_7], %tanh3A {strides = array<i32>} : memref<400x10000xf32, #tpu.memory_space<vmem>>, vector<400x10000xf32>,
    return
  }
  func.func @transform_0(%arg0: i32) -> (i32, i32) {
    %c0_i32 = arith.constant 0 : i32
    %c0_i32_0 = arith.constant 0 : i32
    return %arg0, %c0_i32 : i32, i32
  }
  func.func @transform_1(%arg0: i32) -> (i32, i32) {
    %c0_i32 = arith.constant 0 : i32
    %c0_i32_0 = arith.constant 0 : i32
    %c0_i32_1 = arith.constant 0 : i32
    return %c0_i32, %c0_i32_0 : i32, i32
  }
  func.func @transform_2(%arg0: i32) -> (i32, i32) {
    %c0_i32 = arith.constant 0 : i32
    %c0_i32_0 = arith.constant 0 : i32
    return %arg0, %c0_i32 : i32, i32
  }
}

</mosaic_0001>

<sc_bundles>
// kernel: kernel.10.cloned.1.call-start
scs
__scs_entry_jumppad:
0x0: {  	(pc) =	sbr.rel $0x88, $3  }
0x1: {  	(tag) =	ssettag $0x0;
	lr =	simm.s32 $0x1  }
0x2: {  	[smem:$0x3F95] =	sst lr;
	_ =	strace $0xD0000000  }
0x3: {  	_ = 	snop  }
0x4: {  	_ = 	snop  }
0x5: {  	_ = 	snop  }
0x6: {  	_ = 	snop  }
0x7: {  	_ = 	snop  }
__scs_overlays_trampoline_lowered:
0x8: {  	[smem:$0x3FA4] =	sst s0  }
0x9: {  	[smem:$0x3FA5] =	sst s1  }
0xa: {  	[smem:$0x3FA6] =	sst s2  }
0xb: {  	[smem:$0x3FA7] =	sst s3  }
0xc: {  	[smem:$0x3FA8] =	sst s4  }
0xd: {  	[smem:$0x3FA9] =	sst s5  }
0xe: {  	[smem:$0x3FAA] =	sst s6  }
0xf: {  	[smem:$0x3FAB] =	sst s7  }
0x10: {  	[smem:$0x3FAC] =	sst s8  }
0x11: {  	[smem:$0x3FAD] =	sst s9;
	s0 =	simm.s32 @!p0 $0x0  }
0x12: {  	s1 =	sld [smem:$0x3F93];
	s0 =	simm.s32 @p0 $0x1  }
0x13: {  	[smem:$0x3FAE] =	sst s0;
	s0 =	simm.s32 @!p1 $0x0  }
0x14: {  	s2 =	sld [smem:$0x3F92];
	s0 =	simm.s32 @p1 $0x1  }
0x15: {  	[smem:$0x3FAF] =	sst s0;
	s0 =	simm.s32 @!p2 $0x0  }
0x16: {  	s3 =	sld [smem:$0x3FDB];
	s0 =	simm.s32 @p2 $0x1  }
0x17: {  	s4 =	simm.s32 $0x1BF5;
	[smem:$0x3FB1] =	sst s0  }
0x18: {  	s0 =	sld [smem:$0x3F94];
	_ =	swait.ge [sflag:s4], $0x0  }
0x19: {  	s7 =	sld [smem:$0x3F95]  }
0x1a: {  	s8 =	sadd.s32 $0xFFFFE003, lr  }
0x1b: {  	s9 =	sadd.s32 $0xFFFFFEF7, lr;
	s5 =	simm.s32 $0xFFFFFFFF;
	p2 =	slt.u32 s8, $0xFFFFF086  }
0x1c: {  	p1 =	slt.u32 s9, $0xF7A;
	s5 =	simm.s32 @!p2 $0x0  }
0x1d: {  	s5 =	simm.s32 @p1 $0x1;
	p0 =	seq.s32 s7, s2  }
0x1e: {  	s7 =	smul.u32 @!p0 $0xF7A, s2;
	p2 =	seq.s32 @!p0 s5, $0x0  }
0x1f: {  	s9 =	smul.u32 $0xF7A, s1;
	s8 =	simm.s32 @!p0 $0x1BF5;
	p2 =	por !p2, p0  }
0x20: {  	[sflag:s8] =	ssyncset.s32 @!p0 $0xFFFFF086;
	s6 =	sadd.s32 @!p0 s3, s7;
	s7 =	simm.s32 @!p0 $0x108  }
0x21: {  	s3 =	sadd.s32 s3, s9;
	s6 =	sadd.s32 @!p0 $0x88, s6;
	s7 =	simm.s32 @p2 $0x1082  }
0x22: {  	[simem:s7], [sflag:s8] =	dma.local @!p0 [hbm:s6], $0xF7A  }
0x23: {  	s9 =	sor.u32 $0xD0000000, s2;
	s6 =	simm.s32 $0x108;
	_ =	swait.ge @!p0 [sflag:s8], $0x0  }
0x24: {  	s3 =	sadd.s32 $0x88, s3;
	s6 =	simm.s32 @!p1 $0x1082;
	[sflag:s4] =	ssyncset.s32 $0xFFFFF086  }
0x25: {  	[simem:s6], [sflag:s4] =	dma.local [hbm:s3], $0xF7A  }
0x26: {  	[smem:$0x3F95] =	sst s1;
	(tag) =	ssettag s2;
	_ =	strace s9  }
0x27: {  	s1 =	sld [smem:$0x3FA5]  }
0x28: {  	s2 =	sld [smem:$0x3FA6]  }
0x29: {  	s4 =	sld [smem:$0x3FA8]  }
0x2a: {  	p0 =	seq.s32 s5, $0x0;
	s5 =	sld [smem:$0x3FA9]  }
0x2b: {  	s6 =	sld [smem:$0x3FAA]  }
0x2c: {  	s7 =	sld [smem:$0x3FAB]  }
0x2d: {  	s3 =	simm.s32 $0x108;
	s8 =	sld [smem:$0x3FAC]  }
0x2e: {  	s3 =	simm.s32 @!p0 $0x1082;
	s9 =	sld [smem:$0x3FAD]  }
0x2f: {  	lr =	sadd.s32 s0, s3;
	s0 =	sld [smem:$0x3FA4]  }
0x30: {  	s3 =	sld [smem:$0x3FA7]  }
0x31: {  	[smem:$0x3FB0] =	sst s10  }
0x32: {  	s10 =	sld [smem:$0x3FAE];
	_ =	sdelay $0x3  }
0x33: {  	p0 =	seq.s32 s10, $0x1;
	s10 =	sld [smem:$0x3FB0];
	_ =	sdelay $0x3  }
0x34: {  	[smem:$0x3FB0] =	sst s10  }
0x35: {  	s10 =	sld [smem:$0x3FAF];
	_ =	sdelay $0x3  }
0x36: {  	p1 =	seq.s32 s10, $0x1;
	s10 =	sld [smem:$0x3FB0];
	_ =	sdelay $0x3  }
0x37: {  	[smem:$0x3FB0] =	sst s10  }
0x38: {  	s10 =	sld [smem:$0x3FB1]  }
0x39: {  	_ = 	snop;
	(pc) =	sbr.ind lr, $3  }
0x3a: {  	_ = 	snop  }
0x3b: {  	_ = 	snop  }
0x3c: {  	p2 =	seq.s32 s10, $0x1;
	s10 =	sld [smem:$0x3FB0]  }
0x3d: {  	_ =	shalt  }
0x3e: {  	_ =	shalt  }
0x3f: {  	_ =	shalt  }
0x40: {  	_ =	shalt  }
0x41: {  	_ =	shalt  }
0x42: {  	_ =	shalt  }
0x43: {  	_ =	shalt  }
0x44: {  	_ =	shalt  }
0x45: {  	_ =	shalt  }
0x46: {  	_ =	shalt  }
0x47: {  	_ =	shalt  }
0x48: {  	_ =	shalt  }
0x49: {  	_ =	shalt  }
0x4a: {  	_ =	shalt  }
0x4b: {  	_ =	shalt  }
0x4c: {  	_ =	shalt  }
0x4d: {  	_ =	shalt  }
0x4e: {  	_ =	shalt  }
0x4f: {  	_ =	shalt  }
0x50: {  	_ =	shalt  }
0x51: {  	_ =	shalt  }
0x52: {  	_ =	shalt  }
0x53: {  	_ =	shalt  }
0x54: {  	_ =	shalt  }
0x55: {  	_ =	shalt  }
0x56: {  	_ =	shalt  }
0x57: {  	_ =	shalt  }
0x58: {  	_ =	shalt  }
0x59: {  	_ =	shalt  }
0x5a: {  	_ =	shalt  }
0x5b: {  	_ =	shalt  }
0x5c: {  	_ =	shalt  }
0x5d: {  	_ =	shalt  }
0x5e: {  	_ =	shalt  }
0x5f: {  	_ =	shalt  }
0x60: {  	_ =	shalt  }
0x61: {  	_ =	shalt  }
0x62: {  	_ =	shalt  }
0x63: {  	_ =	shalt  }
0x64: {  	_ =	shalt  }
0x65: {  	_ =	shalt  }
0x66: {  	_ =	shalt  }
0x67: {  	_ =	shalt  }
0x68: {  	_ =	shalt  }
0x69: {  	_ =	shalt  }
0x6a: {  	_ =	shalt  }
0x6b: {  	_ =	shalt  }
0x6c: {  	_ =	shalt  }
0x6d: {  	_ =	shalt  }
0x6e: {  	_ =	shalt  }
0x6f: {  	_ =	shalt  }
0x70: {  	_ =	shalt  }
0x71: {  	_ =	shalt  }
0x72: {  	_ =	shalt  }
0x73: {  	_ =	shalt  }
0x74: {  	_ =	shalt  }
0x75: {  	_ =	shalt  }
0x76: {  	_ =	shalt  }
0x77: {  	_ =	shalt  }
0x78: {  	_ =	shalt  }
0x79: {  	_ =	shalt  }
0x7a: {  	_ =	shalt  }
0x7b: {  	_ =	shalt  }
0x7c: {  	_ =	shalt  }
0x7d: {  	_ =	shalt  }
0x7e: {  	_ =	shalt  }
0x7f: {  	_ =	shalt  }
0x80: {  	_ =	shalt  }
0x81: {  	_ =	shalt  }
0x82: {  	_ =	shalt  }
0x83: {  	_ =	shalt  }
0x84: {  	_ =	shalt  }
0x85: {  	_ =	shalt  }
0x86: {  	_ =	shalt  }
0x87: {  	_ =	shalt  }
.Lfunc_end0:
.L_simem_size_0:
called_computation_lowered:
.L_overlay_start_0:
0x88: {  	s2 =	sld [smem:$0x3FD9]  }
0x89: {  	s3 =	sld [smem:$0x3FFE];
	_ =	sdelay $0x1  }
0x8a: {  	s1 =	srdreg.scid  }
0x8b: {  	s0 =	sand.u32 $0x1, s1  }
0x8c: {  	s17 =	sshll.u32 s0, $0xA;
	s2 =	sadd.s32 s3, s2  }
0x8d: {  	s2 =	sadd.s32 s2, s17  }
0x8e: {  	[smem:$0x3FBC] =	sst s2  }
0x8f: {  	_ = 	snop  }
0x90: {  	s2 =	sld [smem:$0x3FD0];
	(tm) =	ssettm $0x1  }
0x91: {  	s18 =	sld [smem:$0x3FFB];
	_ =	sdelay $0x3  }
0x92: {  	_ =	strace s18  }
0x93: {  	s3 =	sld [smem:$0x3FFC];
	_ =	sdelay $0x3  }
0x94: {  	_ =	strace s3  }
0x95: {  	s3 =	sld [smem:$0x3FFD];
	_ =	sdelay $0x3  }
0x96: {  	_ =	strace s3  }
0x97: {  	_ =	strace $0x8FFFFFFF  }
0x98: {  	s19 =	sld [smem:$0x3FDB];
	_ =	sdelay $0x1  }
0x99: {  	s4 =	simm.s32 $_scs_section_size  }
0x9a: {  	s5 =	simm.s32 $_size__tile_overlayer_lowered;
	s6 =	simm.s32 $_tile_overlayer_lowered  }
0x9b: {  	s22 =	simm.s32 $0x1BFF;
	s21 =	sshll.u32 s6, $0x1;
	s3 =	sadd.s32 s4, s19  }
0x9c: {  	s7 =	simm.s32 $0x0;
	s20 =	sshll.u32 s5, $0x1;
	s5 =	sadd.s32 s21, s3  }
0x9d: {  	[timem:s7], [sflag:s22] =	dma.local [hbm:s5], s20  }
0x9e: {  	_ =	swait.ge [sflag:s22], s20  }
0x9f: {  	s4 =	ssub.s32 $0x0, s20;
	[sflag:s22] =	ssyncset.done $0x0  }
0xa0: {  	[sflag:s22] =	ssyncadd.s32 s4;
	_ =	sdelay $0x1  }
0xa1: {  	s23 =	simm.s32 $0x1B8B  }
0xa2: {  	_ =	swait.ge [sflag:s23], $0x1  }
0xa3: {  	[sflag:s23] =	ssyncset.done $0x0  }
0xa4: {  	s25 =	simm.s32 $0x1B8E;
	s24 =	sld [smem:$0x3FFE];
	[sflag:s23] =	ssyncadd.s32 $0xFFFFFFFF  }
0xa5: {  	s26 =	simm.s32 $execute0_lowered;
	[smem:$0x3FD2] =	sst s25  }
0xa6: {  	s5 =	sshll.u32 s26, $0x1;
	_ =	strace $0x80000046;
	[dreg:$0x1] =	wrdreg $0xFFFFFFFF  }
0xa7: {  	s28 =	simm.s32 $_size_execute0_lowered;
	s3 =	sadd.s32 s3, s5;
	[dreg:$0x0] =	wrdreg $0x0  }
0xa8: {  	s5 =	sshll.u32 s28, $0x1;
	[dreg:$0x2] =	wrdreg s3  }
0xa9: {  	[dreg:$0x3] =	wrdreg s5  }
0xaa: {  	[dreg:$0x4] =	wrdreg $0xC0  }
0xab: {  	_ =	task [dreg:s7], $0x5FFFF  }
0xac: {  	[dreg:$0x1] =	wrdreg $0xFFFFFFFF  }
0xad: {  	[dreg:$0x0] =	wrdreg $0x60  }
0xae: {  	[dreg:$0x2] =	wrdreg s24  }
0xaf: {  	[dreg:$0x3] =	wrdreg s2  }
0xb0: {  	[dreg:$0x4] =	wrdreg $0x30000  }
0xb1: {  	[dreg:$0x5] =	wrdreg $0x9  }
0xb2: {  	_ =	task.clear_ibuf [dreg:s7], $0x6FFFF;
	_ =	strace $0x90000046  }
0xb3: {  	s29 =	simm.s32 $0x9;
	_ =	strace $0x80000048  }
0xb4: {  	_ =	swait.ge [sflag:s29], $0x1  }
0xb5: {  	[sflag:s29] =	ssyncadd.s32 $0xFFFFFFFF  }
0xb6: {  	_ =	strace $0x90000048  }
0xb7: {  	_ =	sfence  }
0xb8: {  	s30 =	sld [smem:$0x0];
	_ =	sdelay $0x2  }
0xb9: {  	s31 =	sshll.u32 s1, $0xD;
	s1 =	sshrl.u32 s1, $0x2  }
0xba: {  	s3 =	sand.u32 $0x4000, s31;
	s1 =	sadd.s32 s1, s30  }
0xbb: {  	s0 =	sor.u32 s3, s0;
	s1 =	sshll.u32 s1, $0x11  }
0xbc: {  	s0 =	sor.u32 s1, s0  }
0xbd: {  	s0 =	sadd.s32 $0x8F2B, s0  }
0xbe: {  	[sflag:s0] =	ssyncadd.remote.s32 $0x1  }
0xbf: {  	_ =	sfence.sel $0xFFFF  }
0xc0: {  	[dreg:$0x0] =	wrdreg $0xFFFFFFFF;
	(pc) =	sbr.abs _section_cstart, $3  }
0xc1: {  	[dreg:$0x1] =	wrdreg $0xFFFFFFFF  }
0xc2: {  	_ =	task.clear_ibuf [dreg:s7], $0x2FFFF;
	_ =	strace $0x9FFFFFFF  }
0xc3: {  	(tm) =	ssettm $0x7FFFFFFF  }
tec
execute0_lowered:
.L_overlay_start_1:
0x0: {  	(tag) =	ssettag $0x1  }
0x1: {  	s0 =	rddreg [dreg:$0x0]  }
0x2: {  	s1 =	rddreg [dreg:$0x1]  }
0x3: {  	s2 =	rddreg [dreg:$0x2]  }
0x4: {  	s3 =	srdreg.scid;
	s11 =	stileid.u32  }
0x5: {  	s9 =	simm.s32 $0x2;
	s13 =	simm.s32 $0x80;
	s14 =	simm.s32 $0x2800  }
0x6: {  	s17 =	simm.s32 $0x1;
	s22 =	simm.s32 $0xD00;
	s23 =	simm.s32 $0xD80  }
0x7: {  	s24 =	simm.s32 $0xE00;
	s28 =	simm.s32 $0xF80;
	s29 =	simm.s32 $0x1000  }
0x8: {  	s30 =	simm.s32 $0x1080;
	s31 =	simm.s32 $0x1100;
	s15 =	simm.s32 $0x1300  }
0x9: {  	s16 =	simm.s32 $0x1380;
	s18 =	simm.s32 $0x0;
	s4 =	sand.u32 $0x1, s3  }
0xa: {  	s6 =	smul.u32 $0x2780, s11;
	s3 =	simm.s32 $0x0;
	s5 =	sshll.u32 s11, $0x1  }
0xb: {  	s26 =	sshll.u32 s11, $0x6;
	s7 =	smul.u32 $0x27800, s4;
	[smem:$0x7FF] =	sst s3  }
0xc: {  	s5 =	sor.u32 s4, s5;
	s4 =	ssub.s32 $0x2, s4;
	s11 =	sor.u32 $0x1C02, s26  }
0xd: {  	s26 =	simm.s32 $0xF00;
	s5 =	smul.u32 $0x280, s5;
	_ =	strace $0x80000047  }
0xe: {  	s8 =	sshrl.u32 s4, $0x1;
	s25 =	sshrl.u32 s6, $0x3;
	s10 =	sadd.s32 s6, s2  }
0xf: {  	s7 =	sadd.s32 s6, s7;
	s8 =	ssub.s32 s4, s8;
	s6 =	sadd.s32 s1, s25  }
0x10: {  	s12 =	sshrl.u32 s10, $0x3;
	s25 =	simm.s32 $0xE80;
	s1 =	simm.s32 $0x1200  }
0x11: {  	s10 =	simm.s32 $0x1280;
	s7 =	sshrl.u32 s7, $0x3;
	s5 =	sadd.s32 s5, s0  }
0x12: {  	s8 =	smax.u32 s8, $0x1;
	s0 =	sadd.s32 s7, s0;
	s4 =	sadd.s32 $0x7400, s5  }
0x13: {  	v0 =	vimm.f32 $1.000000000e+00;
	s5 =	sadd.s32 $0x2400, s5;
	s7 =	sadd.s32 $0xC400, s0;
	s0 =	simm.s32 $0x1180  }
.LBB2_1:
0x14: {  	[tilespmem:s3], [sflag:$0x2] =	stream.linear.gather [hbm4b:s4+s3], $0x1400, $0x38;
	[tilespmem:$0x5780] =	vst v63  }
0x15: {  	_ =	swait.ge [sflag:s9], $0x1400  }
0x16: {  	[sflag:s9] =	ssyncset.done $0x0  }
0x17: {  	s19 =	simm.s32 $0x1400;
	[sflag:s9] =	ssyncadd.s32 $0xFFFFEC00  }
0x18: {  	[tilespmem:s19], [sflag:$0x2] =	stream.linear.gather [hbm4b:s5+s3], $0x1400, $0x38;
	[tilespmem:$0x5780] =	vst v63  }
0x19: {  	_ =	swait.ge [sflag:s9], $0x1400  }
0x1a: {  	[sflag:s9] =	ssyncset.done $0x0  }
0x1b: {  	s19 =	simm.s32 $0x0;
	[sflag:s9] =	ssyncadd.s32 $0xFFFFEC00  }
.LBB2_2:
0x1c: {  	p0 =	sne.s32 s19, $0x1FC0  }
.Ltmp0:
0x1d: {  	_ = 	snop;
	(pc) =	sbr.rel @p0 .LBB2_2-.Ltmp0, $3  }
0x1e: {  	_ =	sdelay $0x1  }
0x1f: {  	s20 =	sshra.s32 s19, $0x2  }
0x20: {  	s19 =	sadd.s32 $0x40, s19;
	[tilespmem:s20+$0x2800] =	vst v0  }
0x21: {  	s19 =	simm.s32 $0x0  }
0x22: {  	v7 =	vld [tilespmem:s19+$0x1400]  }
0x23: {  	v14 =	vld [tilespmem:s19+$0x1410]  }
0x24: {  	v6 =	vld [tilespmem:s19+$0x1420]  }
0x25: {  	v5 =	vld [tilespmem:s19+$0x1430]  }
0x26: {  	v4 =	vld [tilespmem:s19+$0x1440]  }
0x27: {  	v3 =	vld [tilespmem:s19+$0x1450]  }
0x28: {  	v2 =	vld [tilespmem:s19+$0x1460]  }
0x29: {  	v1 =	vld [tilespmem:s19+$0x1470]  }
0x2a: {  	v13 =	vld [tilespmem:s19+$0x0]  }
0x2b: {  	v12 =	vld [tilespmem:s19+$0x10]  }
0x2c: {  	v11 =	vld [tilespmem:s19+$0x20]  }
0x2d: {  	v10 =	vld [tilespmem:s19+$0x30]  }
0x2e: {  	v9 =	vld [tilespmem:s19+$0x40]  }
0x2f: {  	v8 =	vld [tilespmem:s19+$0x50];
	vm0 =	veq.s32 v13, v7  }
0x30: {  	s20 =	simm.s32 $0x200;
	v7 =	vld [tilespmem:s19+$0x60];
	v13 =	vsel vm0, $0x2710, v13;
	vm0 =	veq.s32 v12, v14  }
.LBB2_4:
0x31: {  	s21 =	sshra.s32 s20, $0x2;
	p0 =	sne.s32 s20, $0x4E00;
	[tilespmem:s19+$0x0] =	vst v13;
	v12 =	vsel vm0, $0x2710, v12;
	vm0 =	veq.s32 v11, v6;
	v13 =	vld [tilespmem:s19+$0x70]  }
0x32: {  	v14 =	vld [tilespmem:s21+$0x1400];
	[tilespmem:s19+$0x10] =	vst v12;
	v6 =	vsel vm0, $0x2710, v11;
	vm0 =	veq.s32 v10, v5  }
0x33: {  	v15 =	vld [tilespmem:s21+$0x1410];
	[tilespmem:s19+$0x20] =	vst v6;
	v5 =	vsel vm0, $0x2710, v10;
	vm0 =	veq.s32 v9, v4  }
0x34: {  	v6 =	vld [tilespmem:s21+$0x1420];
	[tilespmem:s19+$0x30] =	vst v5;
	v4 =	vsel vm0, $0x2710, v9;
	vm0 =	veq.s32 v8, v3  }
0x35: {  	v5 =	vld [tilespmem:s21+$0x1430];
	[tilespmem:s19+$0x40] =	vst v4;
	v3 =	vsel vm0, $0x2710, v8;
	vm0 =	veq.s32 v7, v2  }
0x36: {  	v4 =	vld [tilespmem:s21+$0x1440];
	[tilespmem:s19+$0x50] =	vst v3;
	v2 =	vsel vm0, $0x2710, v7;
	vm0 =	veq.s32 v13, v1  }
0x37: {  	v3 =	vld [tilespmem:s21+$0x1450];
	[tilespmem:s19+$0x60] =	vst v2;
	v1 =	vsel vm0, $0x2710, v13  }
0x38: {  	v2 =	vld [tilespmem:s21+$0x1460];
	[tilespmem:s19+$0x70] =	vst v1;
	s19 =	smov.u32 s21  }
0x39: {  	v1 =	vld [tilespmem:s19+$0x1470]  }
0x3a: {  	v7 =	vld [tilespmem:s19+$0x0]  }
0x3b: {  	v12 =	vld [tilespmem:s19+$0x10]  }
.Ltmp1:
0x3c: {  	v11 =	vld [tilespmem:s19+$0x20];
	(pc) =	sbr.rel @p0 .LBB2_4-.Ltmp1, $4  }
0x3d: {  	v10 =	vld [tilespmem:s19+$0x30]  }
0x3e: {  	v9 =	vld [tilespmem:s19+$0x40]  }
0x3f: {  	vm0 =	veq.s32 v7, v14;
	v8 =	vld [tilespmem:s19+$0x50]  }
0x40: {  	s20 =	sadd.s32 $0x200, s20;
	v13 =	vsel vm0, $0x2710, v7;
	vm0 =	veq.s32 v12, v15;
	v7 =	vld [tilespmem:s19+$0x60]  }
0x41: {  	[tilespmem:s19+$0x0] =	vst v13;
	v12 =	vsel vm0, $0x2710, v12;
	vm10 =	veq.s32 v11, v6;
	v63 =	vld [tilespmem:s19+$0x70]  }
0x42: {  	[tilespmem:s19+$0x10] =	vst v12;
	v11 =	vsel vm10, $0x2710, v11;
	vm11 =	veq.s32 v10, v5  }
0x43: {  	[tilespmem:s19+$0x20] =	vst v11;
	v5 =	vsel vm11, $0x2710, v10;
	vm12 =	veq.s32 v9, v4  }
0x44: {  	[tilespmem:s19+$0x30] =	vst v5;
	v4 =	vsel vm12, $0x2710, v9;
	vm13 =	veq.s32 v8, v3  }
0x45: {  	[tilespmem:s19+$0x40] =	vst v4;
	v3 =	vsel vm13, $0x2710, v8;
	vm14 =	veq.s32 v7, v2  }
0x46: {  	[tilespmem:s19+$0x50] =	vst v3;
	v2 =	vsel vm14, $0x2710, v7;
	vm15 =	veq.s32 v63, v1  }
0x47: {  	[tilespmem:s19+$0x60] =	vst v2;
	v1 =	vsel vm15, $0x2710, v63  }
0x48: {  	[tilespmem:s19+$0x70] =	vst v1  }
0x49: {  	[spmem:s12], [sflag:s11] =	dma.local [hbm:s6], $0x4F0  }
0x4a: {  	_ =	swait.ge [sflag:s9], $0x4F0  }
0x4b: {  	[sflag:s9] =	ssyncset.done $0x0  }
0x4c: {  	[sflag:s9] =	ssyncadd.s32 $0xFFFFFB10  }
0x4d: {  	[bflag:$0x0] =	sbarrier.arrive $0xFFFF  }
0x4e: {  	[spmem:s2] =	stream.indirect.scatter.add.f32 [tilespmem:s14], [sflag:$0x1], $0x10, s3, s13, $0xb8;
	[tilespmem:$0x5780] =	vst v63  }
0x4f: {  	_ = 	snop  }
0x50: {  	[spmem:s2] =	stream.indirect.scatter.add.f32 [tilespmem:s14], [sflag:$0x1], $0x10, s13, s13, $0xb8;
	[tilespmem:$0x5780] =	vst v63  }
0x51: {  	s20 =	simm.s32 $0x100  }
0x52: {  	[spmem:s2] =	stream.indirect.scatter.add.f32 [tilespmem:s14], [sflag:$0x1], $0x10, s20, s13, $0xb8;
	[tilespmem:$0x5780] =	vst v63  }
0x53: {  	s21 =	simm.s32 $0x180  }
0x54: {  	[spmem:s2] =	stream.indirect.scatter.add.f32 [tilespmem:s14], [sflag:$0x1], $0x10, s21, s13, $0xb8;
	[tilespmem:$0x5780] =	vst v63  }
0x55: {  	_ =	swait.ge [sflag:s17], $0x800  }
0x56: {  	[sflag:s17] =	ssyncset.done $0x0  }
0x57: {  	[sflag:s17] =	ssyncadd.s32 $0xFFFFF800  }
0x58: {  	_ =	swait.ge [sflag:s17], $0x800  }
0x59: {  	[sflag:s17] =	ssyncset.done $0x0  }
0x5a: {  	[sflag:s17] =	ssyncadd.s32 $0xFFFFF800  }
0x5b: {  	_ =	swait.ge [sflag:s17], $0x800  }
0x5c: {  	[sflag:s17] =	ssyncset.done $0x0  }
0x5d: {  	[sflag:s17] =	ssyncadd.s32 $0xFFFFF800  }
0x5e: {  	_ =	swait.ge [sflag:s17], $0x800  }
0x5f: {  	[sflag:s17] =	ssyncset.done $0x0  }
0x60: {  	s20 =	simm.s32 $0x200;
	[sflag:s17] =	ssyncadd.s32 $0xFFFFF800  }
0x61: {  	[spmem:s2] =	stream.indirect.scatter.add.f32 [tilespmem:s14], [sflag:$0x1], $0x10, s20, s13, $0xb8;
	[tilespmem:$0x5780] =	vst v63  }
0x62: {  	s21 =	simm.s32 $0x280  }
0x63: {  	[spmem:s2] =	stream.indirect.scatter.add.f32 [tilespmem:s14], [sflag:$0x1], $0x10, s21, s13, $0xb8;
	[tilespmem:$0x5780] =	vst v63  }
0x64: {  	s20 =	simm.s32 $0x300  }
0x65: {  	[spmem:s2] =	stream.indirect.scatter.add.f32 [tilespmem:s14], [sflag:$0x1], $0x10, s20, s13, $0xb8;
	[tilespmem:$0x5780] =	vst v63  }
0x66: {  	s21 =	simm.s32 $0x380  }
0x67: {  	[spmem:s2] =	stream.indirect.scatter.add.f32 [tilespmem:s14], [sflag:$0x1], $0x10, s21, s13, $0xb8;
	[tilespmem:$0x5780] =	vst v63  }
0x68: {  	_ =	swait.ge [sflag:s17], $0x800  }
0x69: {  	[sflag:s17] =	ssyncset.done $0x0  }
0x6a: {  	[sflag:s17] =	ssyncadd.s32 $0xFFFFF800  }
0x6b: {  	_ =	swait.ge [sflag:s17], $0x800  }
0x6c: {  	[sflag:s17] =	ssyncset.done $0x0  }
0x6d: {  	[sflag:s17] =	ssyncadd.s32 $0xFFFFF800  }
0x6e: {  	_ =	swait.ge [sflag:s17], $0x800  }
0x6f: {  	[sflag:s17] =	ssyncset.done $0x0  }
0x70: {  	[sflag:s17] =	ssyncadd.s32 $0xFFFFF800  }
0x71: {  	_ =	swait.ge [sflag:s17], $0x800  }
0x72: {  	[sflag:s17] =	ssyncset.done $0x0  }
0x73: {  	s20 =	simm.s32 $0x400;
	[sflag:s17] =	ssyncadd.s32 $0xFFFFF800  }
0x74: {  	[spmem:s2] =	stream.indirect.scatter.add.f32 [tilespmem:s14], [sflag:$0x1], $0x10, s20, s13, $0xb8;
	[tilespmem:$0x5780] =	vst v63  }
0x75: {  	s21 =	simm.s32 $0x480  }
0x76: {  	[spmem:s2] =	stream.indirect.scatter.add.f32 [tilespmem:s14], [sflag:$0x1], $0x10, s21, s13, $0xb8;
	[tilespmem:$0x5780] =	vst v63  }
0x77: {  	s20 =	simm.s32 $0x500  }
0x78: {  	[spmem:s2] =	stream.indirect.scatter.add.f32 [tilespmem:s14], [sflag:$0x1], $0x10, s20, s13, $0xb8;
	[tilespmem:$0x5780] =	vst v63  }
0x79: {  	s21 =	simm.s32 $0x580  }
0x7a: {  	[spmem:s2] =	stream.indirect.scatter.add.f32 [tilespmem:s14], [sflag:$0x1], $0x10, s21, s13, $0xb8;
	[tilespmem:$0x5780] =	vst v63  }
0x7b: {  	_ =	swait.ge [sflag:s17], $0x800  }
0x7c: {  	[sflag:s17] =	ssyncset.done $0x0  }
0x7d: {  	[sflag:s17] =	ssyncadd.s32 $0xFFFFF800  }
0x7e: {  	_ =	swait.ge [sflag:s17], $0x800  }
0x7f: {  	[sflag:s17] =	ssyncset.done $0x0  }
0x80: {  	[sflag:s17] =	ssyncadd.s32 $0xFFFFF800  }
0x81: {  	_ =	swait.ge [sflag:s17], $0x800  }
0x82: {  	[sflag:s17] =	ssyncset.done $0x0  }
0x83: {  	[sflag:s17] =	ssyncadd.s32 $0xFFFFF800  }
0x84: {  	_ =	swait.ge [sflag:s17], $0x800  }
0x85: {  	[sflag:s17] =	ssyncset.done $0x0  }
0x86: {  	s20 =	simm.s32 $0x600;
	[sflag:s17] =	ssyncadd.s32 $0xFFFFF800  }
0x87: {  	[spmem:s2] =	stream.indirect.scatter.add.f32 [tilespmem:s14], [sflag:$0x1], $0x10, s20, s13, $0xb8;
	[tilespmem:$0x5780] =	vst v63  }
0x88: {  	s21 =	simm.s32 $0x680  }
0x89: {  	[spmem:s2] =	stream.indirect.scatter.add.f32 [tilespmem:s14], [sflag:$0x1], $0x10, s21, s13, $0xb8;
	[tilespmem:$0x5780] =	vst v63  }
0x8a: {  	s20 =	simm.s32 $0x700  }
0x8b: {  	[spmem:s2] =	stream.indirect.scatter.add.f32 [tilespmem:s14], [sflag:$0x1], $0x10, s20, s13, $0xb8;
	[tilespmem:$0x5780] =	vst v63  }
0x8c: {  	s21 =	simm.s32 $0x780  }
0x8d: {  	[spmem:s2] =	stream.indirect.scatter.add.f32 [tilespmem:s14], [sflag:$0x1], $0x10, s21, s13, $0xb8;
	[tilespmem:$0x5780] =	vst v63  }
0x8e: {  	_ =	swait.ge [sflag:s17], $0x800  }
0x8f: {  	[sflag:s17] =	ssyncset.done $0x0  }
0x90: {  	[sflag:s17] =	ssyncadd.s32 $0xFFFFF800  }
0x91: {  	_ =	swait.ge [sflag:s17], $0x800  }
0x92: {  	[sflag:s17] =	ssyncset.done $0x0  }
0x93: {  	[sflag:s17] =	ssyncadd.s32 $0xFFFFF800  }
0x94: {  	_ =	swait.ge [sflag:s17], $0x800  }
0x95: {  	[sflag:s17] =	ssyncset.done $0x0  }
0x96: {  	[sflag:s17] =	ssyncadd.s32 $0xFFFFF800  }
0x97: {  	_ =	swait.ge [sflag:s17], $0x800  }
0x98: {  	[sflag:s17] =	ssyncset.done $0x0  }
0x99: {  	s20 =	simm.s32 $0x800;
	[sflag:s17] =	ssyncadd.s32 $0xFFFFF800  }
0x9a: {  	[spmem:s2] =	stream.indirect.scatter.add.f32 [tilespmem:s14], [sflag:$0x1], $0x10, s20, s13, $0xb8;
	[tilespmem:$0x5780] =	vst v63  }
0x9b: {  	s21 =	simm.s32 $0x880  }
0x9c: {  	[spmem:s2] =	stream.indirect.scatter.add.f32 [tilespmem:s14], [sflag:$0x1], $0x10, s21, s13, $0xb8;
	[tilespmem:$0x5780] =	vst v63  }
0x9d: {  	s20 =	simm.s32 $0x900  }
0x9e: {  	[spmem:s2] =	stream.indirect.scatter.add.f32 [tilespmem:s14], [sflag:$0x1], $0x10, s20, s13, $0xb8;
	[tilespmem:$0x5780] =	vst v63  }
0x9f: {  	s21 =	simm.s32 $0x980  }
0xa0: {  	[spmem:s2] =	stream.indirect.scatter.add.f32 [tilespmem:s14], [sflag:$0x1], $0x10, s21, s13, $0xb8;
	[tilespmem:$0x5780] =	vst v63  }
0xa1: {  	_ =	swait.ge [sflag:s17], $0x800  }
0xa2: {  	[sflag:s17] =	ssyncset.done $0x0  }
0xa3: {  	[sflag:s17] =	ssyncadd.s32 $0xFFFFF800  }
0xa4: {  	_ =	swait.ge [sflag:s17], $0x800  }
0xa5: {  	[sflag:s17] =	ssyncset.done $0x0  }
0xa6: {  	[sflag:s17] =	ssyncadd.s32 $0xFFFFF800  }
0xa7: {  	_ =	swait.ge [sflag:s17], $0x800  }
0xa8: {  	[sflag:s17] =	ssyncset.done $0x0  }
0xa9: {  	[sflag:s17] =	ssyncadd.s32 $0xFFFFF800  }
0xaa: {  	_ =	swait.ge [sflag:s17], $0x800  }
0xab: {  	[sflag:s17] =	ssyncset.done $0x0  }
0xac: {  	s20 =	simm.s32 $0xA00;
	[sflag:s17] =	ssyncadd.s32 $0xFFFFF800  }
0xad: {  	[spmem:s2] =	stream.indirect.scatter.add.f32 [tilespmem:s14], [sflag:$0x1], $0x10, s20, s13, $0xb8;
	[tilespmem:$0x5780] =	vst v63  }
0xae: {  	s21 =	simm.s32 $0xA80  }
0xaf: {  	[spmem:s2] =	stream.indirect.scatter.add.f32 [tilespmem:s14], [sflag:$0x1], $0x10, s21, s13, $0xb8;
	[tilespmem:$0x5780] =	vst v63  }
0xb0: {  	s20 =	simm.s32 $0xB00  }
0xb1: {  	[spmem:s2] =	stream.indirect.scatter.add.f32 [tilespmem:s14], [sflag:$0x1], $0x10, s20, s13, $0xb8;
	[tilespmem:$0x5780] =	vst v63  }
0xb2: {  	s21 =	simm.s32 $0xB80  }
0xb3: {  	[spmem:s2] =	stream.indirect.scatter.add.f32 [tilespmem:s14], [sflag:$0x1], $0x10, s21, s13, $0xb8;
	[tilespmem:$0x5780] =	vst v63  }
0xb4: {  	_ =	swait.ge [sflag:s17], $0x800  }
0xb5: {  	[sflag:s17] =	ssyncset.done $0x0  }
0xb6: {  	[sflag:s17] =	ssyncadd.s32 $0xFFFFF800  }
0xb7: {  	_ =	swait.ge [sflag:s17], $0x800  }
0xb8: {  	[sflag:s17] =	ssyncset.done $0x0  }
0xb9: {  	[sflag:s17] =	ssyncadd.s32 $0xFFFFF800  }
0xba: {  	_ =	swait.ge [sflag:s17], $0x800  }
0xbb: {  	[sflag:s17] =	ssyncset.done $0x0  }
0xbc: {  	[sflag:s17] =	ssyncadd.s32 $0xFFFFF800  }
0xbd: {  	_ =	swait.ge [sflag:s17], $0x800  }
0xbe: {  	[sflag:s17] =	ssyncset.done $0x0  }
0xbf: {  	s20 =	simm.s32 $0xC00;
	[sflag:s17] =	ssyncadd.s32 $0xFFFFF800  }
0xc0: {  	[spmem:s2] =	stream.indirect.scatter.add.f32 [tilespmem:s14], [sflag:$0x1], $0x10, s20, s13, $0xb8;
	[tilespmem:$0x5780] =	vst v63  }
0xc1: {  	s21 =	simm.s32 $0xC80  }
0xc2: {  	[spmem:s2] =	stream.indirect.scatter.add.f32 [tilespmem:s14], [sflag:$0x1], $0x10, s21, s13, $0xb8;
	[tilespmem:$0x5780] =	vst v63  }
0xc3: {  	_ = 	snop  }
0xc4: {  	[spmem:s2] =	stream.indirect.scatter.add.f32 [tilespmem:s14], [sflag:$0x1], $0x10, s22, s13, $0xb8;
	[tilespmem:$0x5780] =	vst v63  }
0xc5: {  	_ = 	snop  }
0xc6: {  	[spmem:s2] =	stream.indirect.scatter.add.f32 [tilespmem:s14], [sflag:$0x1], $0x10, s23, s13, $0xb8;
	[tilespmem:$0x5780] =	vst v63  }
0xc7: {  	_ =	swait.ge [sflag:s17], $0x800  }
0xc8: {  	[sflag:s17] =	ssyncset.done $0x0  }
0xc9: {  	[sflag:s17] =	ssyncadd.s32 $0xFFFFF800  }
0xca: {  	_ =	swait.ge [sflag:s17], $0x800  }
0xcb: {  	[sflag:s17] =	ssyncset.done $0x0  }
0xcc: {  	[sflag:s17] =	ssyncadd.s32 $0xFFFFF800  }
0xcd: {  	_ =	swait.ge [sflag:s17], $0x800  }
0xce: {  	[sflag:s17] =	ssyncset.done $0x0  }
0xcf: {  	[sflag:s17] =	ssyncadd.s32 $0xFFFFF800  }
0xd0: {  	_ =	swait.ge [sflag:s17], $0x800  }
0xd1: {  	[sflag:s17] =	ssyncset.done $0x0  }
0xd2: {  	[sflag:s17] =	ssyncadd.s32 $0xFFFFF800  }
0xd3: {  	[spmem:s2] =	stream.indirect.scatter.add.f32 [tilespmem:s14], [sflag:$0x1], $0x10, s24, s13, $0xb8;
	[tilespmem:$0x5780] =	vst v63  }
0xd4: {  	_ = 	snop  }
0xd5: {  	[spmem:s2] =	stream.indirect.scatter.add.f32 [tilespmem:s14], [sflag:$0x1], $0x10, s25, s13, $0xb8;
	[tilespmem:$0x5780] =	vst v63  }
0xd6: {  	_ = 	snop  }
0xd7: {  	[spmem:s2] =	stream.indirect.scatter.add.f32 [tilespmem:s14], [sflag:$0x1], $0x10, s26, s13, $0xb8;
	[tilespmem:$0x5780] =	vst v63  }
0xd8: {  	_ = 	snop  }
0xd9: {  	[spmem:s2] =	stream.indirect.scatter.add.f32 [tilespmem:s14], [sflag:$0x1], $0x10, s28, s13, $0xb8;
	[tilespmem:$0x5780] =	vst v63  }
0xda: {  	_ =	swait.ge [sflag:s17], $0x800  }
0xdb: {  	[sflag:s17] =	ssyncset.done $0x0  }
0xdc: {  	[sflag:s17] =	ssyncadd.s32 $0xFFFFF800  }
0xdd: {  	_ =	swait.ge [sflag:s17], $0x800  }
0xde: {  	[sflag:s17] =	ssyncset.done $0x0  }
0xdf: {  	[sflag:s17] =	ssyncadd.s32 $0xFFFFF800  }
0xe0: {  	_ =	swait.ge [sflag:s17], $0x800  }
0xe1: {  	[sflag:s17] =	ssyncset.done $0x0  }
0xe2: {  	[sflag:s17] =	ssyncadd.s32 $0xFFFFF800  }
0xe3: {  	_ =	swait.ge [sflag:s17], $0x800  }
0xe4: {  	[sflag:s17] =	ssyncset.done $0x0  }
0xe5: {  	[sflag:s17] =	ssyncadd.s32 $0xFFFFF800  }
0xe6: {  	[spmem:s2] =	stream.indirect.scatter.add.f32 [tilespmem:s14], [sflag:$0x1], $0x10, s29, s13, $0xb8;
	[tilespmem:$0x5780] =	vst v63  }
0xe7: {  	_ = 	snop  }
0xe8: {  	[spmem:s2] =	stream.indirect.scatter.add.f32 [tilespmem:s14], [sflag:$0x1], $0x10, s30, s13, $0xb8;
	[tilespmem:$0x5780] =	vst v63  }
0xe9: {  	_ = 	snop  }
0xea: {  	[spmem:s2] =	stream.indirect.scatter.add.f32 [tilespmem:s14], [sflag:$0x1], $0x10, s31, s13, $0xb8;
	[tilespmem:$0x5780] =	vst v63  }
0xeb: {  	_ = 	snop  }
0xec: {  	[spmem:s2] =	stream.indirect.scatter.add.f32 [tilespmem:s14], [sflag:$0x1], $0x10, s0, s13, $0xb8;
	[tilespmem:$0x5780] =	vst v63  }
0xed: {  	_ =	swait.ge [sflag:s17], $0x800  }
0xee: {  	[sflag:s17] =	ssyncset.done $0x0  }
0xef: {  	[sflag:s17] =	ssyncadd.s32 $0xFFFFF800  }
0xf0: {  	_ =	swait.ge [sflag:s17], $0x800  }
0xf1: {  	[sflag:s17] =	ssyncset.done $0x0  }
0xf2: {  	[sflag:s17] =	ssyncadd.s32 $0xFFFFF800  }
0xf3: {  	_ =	swait.ge [sflag:s17], $0x800  }
0xf4: {  	[sflag:s17] =	ssyncset.done $0x0  }
0xf5: {  	[sflag:s17] =	ssyncadd.s32 $0xFFFFF800  }
0xf6: {  	_ =	swait.ge [sflag:s17], $0x800  }
0xf7: {  	[sflag:s17] =	ssyncset.done $0x0  }
0xf8: {  	[sflag:s17] =	ssyncadd.s32 $0xFFFFF800  }
0xf9: {  	[spmem:s2] =	stream.indirect.scatter.add.f32 [tilespmem:s14], [sflag:$0x1], $0x10, s1, s13, $0xb8;
	[tilespmem:$0x5780] =	vst v63  }
0xfa: {  	_ = 	snop  }
0xfb: {  	[spmem:s2] =	stream.indirect.scatter.add.f32 [tilespmem:s14], [sflag:$0x1], $0x10, s10, s13, $0xb8;
	[tilespmem:$0x5780] =	vst v63  }
0xfc: {  	_ = 	snop  }
0xfd: {  	[spmem:s2] =	stream.indirect.scatter.add.f32 [tilespmem:s14], [sflag:$0x1], $0x10, s15, s13, $0xb8;
	[tilespmem:$0x5780] =	vst v63  }
0xfe: {  	_ = 	snop  }
0xff: {  	[spmem:s2] =	stream.indirect.scatter.add.f32 [tilespmem:s14], [sflag:$0x1], $0x10, s16, s13, $0xb8;
	[tilespmem:$0x5780] =	vst v63  }
0x100: {  	_ =	swait.ge [sflag:s17], $0x800  }
0x101: {  	[sflag:s17] =	ssyncset.done $0x0  }
0x102: {  	[sflag:s17] =	ssyncadd.s32 $0xFFFFF800  }
0x103: {  	_ =	swait.ge [sflag:s17], $0x800  }
0x104: {  	[sflag:s17] =	ssyncset.done $0x0  }
0x105: {  	[sflag:s17] =	ssyncadd.s32 $0xFFFFF800  }
0x106: {  	_ =	swait.ge [sflag:s17], $0x800  }
0x107: {  	[sflag:s17] =	ssyncset.done $0x0  }
0x108: {  	[sflag:s17] =	ssyncadd.s32 $0xFFFFF800  }
0x109: {  	_ =	swait.ge [sflag:s17], $0x800  }
0x10a: {  	s18 =	sadd.s32 $0x1, s18;
	[sflag:s17] =	ssyncset.done $0x0  }
0x10b: {  	p0 =	sne.s32 s18, s8;
	[sflag:s17] =	ssyncadd.s32 $0xFFFFF800  }
.Ltmp2:
0x10c: {  	[bflag:$0x0] =	sbarrier.arrive $0xFFFF;
	(pc) =	sbr.rel @p0 .LBB2_1-.Ltmp2, $4  }
0x10d: {  	[hbm:s7], [sflag:s11] =	dma.local [spmem:s12], $0x4F0  }
0x10e: {  	_ =	swait.ge [sflag:s9], $0x4F0  }
0x10f: {  	[sflag:s9] =	ssyncset.done $0x0  }
0x110: {  	[sflag:s9] =	ssyncadd.s32 $0xFFFFFB10  }
0x111: {  	_ =	sfence.sel $0x180000  }
0x112: {  	[bflag:$0x0] =	sbarrier.arrive $0xFFFF  }
0x113: {  	_ =	strace $0x90000047  }
0x114: {  	s0 =	stileid.u32;
	[bflag:$0x2] =	sbarrier.arrive $0xFFFF  }
0x115: {  	p0 =	sne.s32 s0, $0x0;
	s0 =	rddreg [dreg:$0x3]  }
0x116: {  	s0 =	sadd.s32 @!p0 $0x100000, s0  }
0x117: {  	[sflag:s0] =	ssyncadd.tile.s32 @!p0 $0x1;
	_ =	shalt  }
.Lfunc_end2:
_tile_overlayer_lowered:
.L_overlay_start_2:
0x118: {  	(tag) =	ssettag $0x2  }
0x119: {  	s0 =	rddreg [dreg:$0x0];
	s2 =	stileid.u32  }
0x11a: {  	s1 =	rddreg [dreg:$0x1];
	p0 =	sne.s32 s2, $0x0  }
0x11b: {  	s3 =	rddreg [dreg:$0x2];
	[bflag:$0x3] =	sbarrier.arrive $0xFFFF;
	s2 =	simm.s32 @!p0 $0x1C02  }
0x11c: {  	[timem:s3], [sflag:s2] =	dma.local @!p0 [hbm:s0], s1  }
0x11d: {  	s0 =	simm.s32 @!p0 $0x2  }
0x11e: {  	_ =	swait.ge @!p0 [sflag:s0], s1  }
0x11f: {  	s1 =	ssub.s32 @!p0 $0x0, s1;
	[sflag:s0] =	ssyncset.done @!p0 $0x0  }
0x120: {  	[sflag:s0] =	ssyncadd.s32 @!p0 s1  }
0x121: {  	[bflag:$0x3] =	sbarrier.arrive $0xFFFF  }
0x122: {  	_ =	shalt  }

// kernel: kernel.13.cloned.1.call-start
scs
__scs_entry_jumppad:
0x0: {  	(pc) =	sbr.rel $0x88, $3  }
0x1: {  	(tag) =	ssettag $0x0;
	lr =	simm.s32 $0x1  }
0x2: {  	[smem:$0x3F95] =	sst lr;
	_ =	strace $0xD0000000  }
0x3: {  	_ = 	snop  }
0x4: {  	_ = 	snop  }
0x5: {  	_ = 	snop  }
0x6: {  	_ = 	snop  }
0x7: {  	_ = 	snop  }
__scs_overlays_trampoline_lowered:
0x8: {  	[smem:$0x3FA4] =	sst s0  }
0x9: {  	[smem:$0x3FA5] =	sst s1  }
0xa: {  	[smem:$0x3FA6] =	sst s2  }
0xb: {  	[smem:$0x3FA7] =	sst s3  }
0xc: {  	[smem:$0x3FA8] =	sst s4  }
0xd: {  	[smem:$0x3FA9] =	sst s5  }
0xe: {  	[smem:$0x3FAA] =	sst s6  }
0xf: {  	[smem:$0x3FAB] =	sst s7  }
0x10: {  	[smem:$0x3FAC] =	sst s8  }
0x11: {  	[smem:$0x3FAD] =	sst s9;
	s0 =	simm.s32 @!p0 $0x0  }
0x12: {  	s1 =	sld [smem:$0x3F93];
	s0 =	simm.s32 @p0 $0x1  }
0x13: {  	[smem:$0x3FAE] =	sst s0;
	s0 =	simm.s32 @!p1 $0x0  }
0x14: {  	s2 =	sld [smem:$0x3F92];
	s0 =	simm.s32 @p1 $0x1  }
0x15: {  	[smem:$0x3FAF] =	sst s0;
	s0 =	simm.s32 @!p2 $0x0  }
0x16: {  	s3 =	sld [smem:$0x3FDB];
	s0 =	simm.s32 @p2 $0x1  }
0x17: {  	s4 =	simm.s32 $0x1BF5;
	[smem:$0x3FB1] =	sst s0  }
0x18: {  	s0 =	sld [smem:$0x3F94];
	_ =	swait.ge [sflag:s4], $0x0  }
0x19: {  	s7 =	sld [smem:$0x3F95]  }
0x1a: {  	s8 =	sadd.s32 $0xFFFFE003, lr  }
0x1b: {  	s9 =	sadd.s32 $0xFFFFFEF7, lr;
	s5 =	simm.s32 $0xFFFFFFFF;
	p2 =	slt.u32 s8, $0xFFFFF086  }
0x1c: {  	p1 =	slt.u32 s9, $0xF7A;
	s5 =	simm.s32 @!p2 $0x0  }
0x1d: {  	s5 =	simm.s32 @p1 $0x1;
	p0 =	seq.s32 s7, s2  }
0x1e: {  	s7 =	smul.u32 @!p0 $0xF7A, s2;
	p2 =	seq.s32 @!p0 s5, $0x0  }
0x1f: {  	s9 =	smul.u32 $0xF7A, s1;
	s8 =	simm.s32 @!p0 $0x1BF5;
	p2 =	por !p2, p0  }
0x20: {  	[sflag:s8] =	ssyncset.s32 @!p0 $0xFFFFF086;
	s6 =	sadd.s32 @!p0 s3, s7;
	s7 =	simm.s32 @!p0 $0x108  }
0x21: {  	s3 =	sadd.s32 s3, s9;
	s6 =	sadd.s32 @!p0 $0x88, s6;
	s7 =	simm.s32 @p2 $0x1082  }
0x22: {  	[simem:s7], [sflag:s8] =	dma.local @!p0 [hbm:s6], $0xF7A  }
0x23: {  	s9 =	sor.u32 $0xD0000000, s2;
	s6 =	simm.s32 $0x108;
	_ =	swait.ge @!p0 [sflag:s8], $0x0  }
0x24: {  	s3 =	sadd.s32 $0x88, s3;
	s6 =	simm.s32 @!p1 $0x1082;
	[sflag:s4] =	ssyncset.s32 $0xFFFFF086  }
0x25: {  	[simem:s6], [sflag:s4] =	dma.local [hbm:s3], $0xF7A  }
0x26: {  	[smem:$0x3F95] =	sst s1;
	(tag) =	ssettag s2;
	_ =	strace s9  }
0x27: {  	s1 =	sld [smem:$0x3FA5]  }
0x28: {  	s2 =	sld [smem:$0x3FA6]  }
0x29: {  	s4 =	sld [smem:$0x3FA8]  }
0x2a: {  	p0 =	seq.s32 s5, $0x0;
	s5 =	sld [smem:$0x3FA9]  }
0x2b: {  	s6 =	sld [smem:$0x3FAA]  }
0x2c: {  	s7 =	sld [smem:$0x3FAB]  }
0x2d: {  	s3 =	simm.s32 $0x108;
	s8 =	sld [smem:$0x3FAC]  }
0x2e: {  	s3 =	simm.s32 @!p0 $0x1082;
	s9 =	sld [smem:$0x3FAD]  }
0x2f: {  	lr =	sadd.s32 s0, s3;
	s0 =	sld [smem:$0x3FA4]  }
0x30: {  	s3 =	sld [smem:$0x3FA7]  }
0x31: {  	[smem:$0x3FB0] =	sst s10  }
0x32: {  	s10 =	sld [smem:$0x3FAE];
	_ =	sdelay $0x3  }
0x33: {  	p0 =	seq.s32 s10, $0x1;
	s10 =	sld [smem:$0x3FB0];
	_ =	sdelay $0x3  }
0x34: {  	[smem:$0x3FB0] =	sst s10  }
0x35: {  	s10 =	sld [smem:$0x3FAF];
	_ =	sdelay $0x3  }
0x36: {  	p1 =	seq.s32 s10, $0x1;
	s10 =	sld [smem:$0x3FB0];
	_ =	sdelay $0x3  }
0x37: {  	[smem:$0x3FB0] =	sst s10  }
0x38: {  	s10 =	sld [smem:$0x3FB1]  }
0x39: {  	_ = 	snop;
	(pc) =	sbr.ind lr, $3  }
0x3a: {  	_ = 	snop  }
0x3b: {  	_ = 	snop  }
0x3c: {  	p2 =	seq.s32 s10, $0x1;
	s10 =	sld [smem:$0x3FB0]  }
0x3d: {  	_ =	shalt  }
0x3e: {  	_ =	shalt  }
0x3f: {  	_ =	shalt  }
0x40: {  	_ =	shalt  }
0x41: {  	_ =	shalt  }
0x42: {  	_ =	shalt  }
0x43: {  	_ =	shalt  }
0x44: {  	_ =	shalt  }
0x45: {  	_ =	shalt  }
0x46: {  	_ =	shalt  }
0x47: {  	_ =	shalt  }
0x48: {  	_ =	shalt  }
0x49: {  	_ =	shalt  }
0x4a: {  	_ =	shalt  }
0x4b: {  	_ =	shalt  }
0x4c: {  	_ =	shalt  }
0x4d: {  	_ =	shalt  }
0x4e: {  	_ =	shalt  }
0x4f: {  	_ =	shalt  }
0x50: {  	_ =	shalt  }
0x51: {  	_ =	shalt  }
0x52: {  	_ =	shalt  }
0x53: {  	_ =	shalt  }
0x54: {  	_ =	shalt  }
0x55: {  	_ =	shalt  }
0x56: {  	_ =	shalt  }
0x57: {  	_ =	shalt  }
0x58: {  	_ =	shalt  }
0x59: {  	_ =	shalt  }
0x5a: {  	_ =	shalt  }
0x5b: {  	_ =	shalt  }
0x5c: {  	_ =	shalt  }
0x5d: {  	_ =	shalt  }
0x5e: {  	_ =	shalt  }
0x5f: {  	_ =	shalt  }
0x60: {  	_ =	shalt  }
0x61: {  	_ =	shalt  }
0x62: {  	_ =	shalt  }
0x63: {  	_ =	shalt  }
0x64: {  	_ =	shalt  }
0x65: {  	_ =	shalt  }
0x66: {  	_ =	shalt  }
0x67: {  	_ =	shalt  }
0x68: {  	_ =	shalt  }
0x69: {  	_ =	shalt  }
0x6a: {  	_ =	shalt  }
0x6b: {  	_ =	shalt  }
0x6c: {  	_ =	shalt  }
0x6d: {  	_ =	shalt  }
0x6e: {  	_ =	shalt  }
0x6f: {  	_ =	shalt  }
0x70: {  	_ =	shalt  }
0x71: {  	_ =	shalt  }
0x72: {  	_ =	shalt  }
0x73: {  	_ =	shalt  }
0x74: {  	_ =	shalt  }
0x75: {  	_ =	shalt  }
0x76: {  	_ =	shalt  }
0x77: {  	_ =	shalt  }
0x78: {  	_ =	shalt  }
0x79: {  	_ =	shalt  }
0x7a: {  	_ =	shalt  }
0x7b: {  	_ =	shalt  }
0x7c: {  	_ =	shalt  }
0x7d: {  	_ =	shalt  }
0x7e: {  	_ =	shalt  }
0x7f: {  	_ =	shalt  }
0x80: {  	_ =	shalt  }
0x81: {  	_ =	shalt  }
0x82: {  	_ =	shalt  }
0x83: {  	_ =	shalt  }
0x84: {  	_ =	shalt  }
0x85: {  	_ =	shalt  }
0x86: {  	_ =	shalt  }
0x87: {  	_ =	shalt  }
.Lfunc_end0:
.L_simem_size_0:
called_computation.1_lowered:
.L_overlay_start_0:
0x88: {  	s2 =	sld [smem:$0x3FD9]  }
0x89: {  	s3 =	sld [smem:$0x3FFE];
	_ =	sdelay $0x1  }
0x8a: {  	s1 =	srdreg.scid  }
0x8b: {  	s0 =	sand.u32 $0x1, s1  }
0x8c: {  	s17 =	sshll.u32 s0, $0xA;
	s2 =	sadd.s32 s3, s2  }
0x8d: {  	s2 =	sadd.s32 s2, s17  }
0x8e: {  	[smem:$0x3FBC] =	sst s2  }
0x8f: {  	_ = 	snop  }
0x90: {  	s2 =	sld [smem:$0x3FD0];
	(tm) =	ssettm $0x1  }
0x91: {  	s18 =	sld [smem:$0x3FFB];
	_ =	sdelay $0x3  }
0x92: {  	_ =	strace s18  }
0x93: {  	s3 =	sld [smem:$0x3FFC];
	_ =	sdelay $0x3  }
0x94: {  	_ =	strace s3  }
0x95: {  	s3 =	sld [smem:$0x3FFD];
	_ =	sdelay $0x3  }
0x96: {  	_ =	strace s3  }
0x97: {  	_ =	strace $0x8FFFFFFF  }
0x98: {  	s19 =	sld [smem:$0x3FDB];
	_ =	sdelay $0x1  }
0x99: {  	s4 =	simm.s32 $_scs_section_size  }
0x9a: {  	s5 =	simm.s32 $_size__tile_overlayer_lowered;
	s6 =	simm.s32 $_tile_overlayer_lowered  }
0x9b: {  	s22 =	simm.s32 $0x1BFF;
	s21 =	sshll.u32 s6, $0x1;
	s3 =	sadd.s32 s4, s19  }
0x9c: {  	s7 =	simm.s32 $0x0;
	s20 =	sshll.u32 s5, $0x1;
	s5 =	sadd.s32 s21, s3  }
0x9d: {  	[timem:s7], [sflag:s22] =	dma.local [hbm:s5], s20  }
0x9e: {  	_ =	swait.ge [sflag:s22], s20  }
0x9f: {  	s4 =	ssub.s32 $0x0, s20;
	[sflag:s22] =	ssyncset.done $0x0  }
0xa0: {  	[sflag:s22] =	ssyncadd.s32 s4;
	_ =	sdelay $0x1  }
0xa1: {  	s23 =	simm.s32 $0x1B8B  }
0xa2: {  	_ =	swait.ge [sflag:s23], $0x1  }
0xa3: {  	[sflag:s23] =	ssyncset.done $0x0  }
0xa4: {  	s25 =	simm.s32 $0x1B8E;
	s24 =	sld [smem:$0x3FFE];
	[sflag:s23] =	ssyncadd.s32 $0xFFFFFFFF  }
0xa5: {  	s26 =	simm.s32 $execute0_lowered;
	[smem:$0x3FD2] =	sst s25  }
0xa6: {  	s5 =	sshll.u32 s26, $0x1;
	_ =	strace $0x80000049;
	[dreg:$0x1] =	wrdreg $0xFFFFFFFF  }
0xa7: {  	s28 =	simm.s32 $_size_execute0_lowered;
	s3 =	sadd.s32 s3, s5;
	[dreg:$0x0] =	wrdreg $0x0  }
0xa8: {  	s5 =	sshll.u32 s28, $0x1;
	[dreg:$0x2] =	wrdreg s3  }
0xa9: {  	[dreg:$0x3] =	wrdreg s5  }
0xaa: {  	[dreg:$0x4] =	wrdreg $0xC0  }
0xab: {  	_ =	task [dreg:s7], $0x5FFFF  }
0xac: {  	[dreg:$0x1] =	wrdreg $0xFFFFFFFF  }
0xad: {  	[dreg:$0x0] =	wrdreg $0x60  }
0xae: {  	[dreg:$0x2] =	wrdreg s24  }
0xaf: {  	[dreg:$0x3] =	wrdreg s2  }
0xb0: {  	[dreg:$0x4] =	wrdreg $0xE3C00  }
0xb1: {  	[dreg:$0x5] =	wrdreg $0x131E00  }
0xb2: {  	[dreg:$0x6] =	wrdreg $0x9  }
0xb3: {  	_ =	task.clear_ibuf [dreg:s7], $0x7FFFF;
	_ =	strace $0x90000049  }
0xb4: {  	s29 =	simm.s32 $0x9;
	_ =	strace $0x8000004B  }
0xb5: {  	_ =	swait.ge [sflag:s29], $0x1  }
0xb6: {  	[sflag:s29] =	ssyncadd.s32 $0xFFFFFFFF  }
0xb7: {  	_ =	strace $0x9000004B  }
0xb8: {  	_ =	sfence  }
0xb9: {  	s30 =	sld [smem:$0x0];
	_ =	sdelay $0x2  }
0xba: {  	s31 =	sshll.u32 s1, $0xD;
	s1 =	sshrl.u32 s1, $0x2  }
0xbb: {  	s3 =	sand.u32 $0x4000, s31;
	s1 =	sadd.s32 s1, s30  }
0xbc: {  	s0 =	sor.u32 s3, s0;
	s1 =	sshll.u32 s1, $0x11  }
0xbd: {  	s0 =	sor.u32 s1, s0  }
0xbe: {  	s0 =	sadd.s32 $0x8F2B, s0  }
0xbf: {  	[sflag:s0] =	ssyncadd.remote.s32 $0x1  }
0xc0: {  	_ =	sfence.sel $0xFFFF  }
0xc1: {  	[dreg:$0x0] =	wrdreg $0xFFFFFFFF;
	(pc) =	sbr.abs _section_cstart, $3  }
0xc2: {  	[dreg:$0x1] =	wrdreg $0xFFFFFFFF  }
0xc3: {  	_ =	task.clear_ibuf [dreg:s7], $0x2FFFF;
	_ =	strace $0x9FFFFFFF  }
0xc4: {  	(tm) =	ssettm $0x7FFFFFFF  }
0xc5: {  	_ =	shalt  }
tec
execute0_lowered:
.L_overlay_start_1:
0x0: {  	(tag) =	ssettag $0x1  }
0x1: {  	s0 =	rddreg [dreg:$0x0]  }
0x2: {  	s2 =	rddreg [dreg:$0x1]  }
0x3: {  	s1 =	rddreg [dreg:$0x2];
	s11 =	stileid.u32  }
0x4: {  	s5 =	srdreg.scid;
	s3 =	rddreg [dreg:$0x3]  }
0x5: {  	s7 =	simm.s32 $0x0;
	s16 =	simm.s32 $0x4;
	s4 =	smul.u32 $0x500, s11  }
0x6: {  	s18 =	simm.s32 $0xD000;
	s28 =	simm.s32 $0xA000;
	s9 =	smul.u32 $0x4F00, s11  }
0x7: {  	s29 =	simm.s32 $0xB000;
	s30 =	simm.s32 $0xC000;
	s8 =	smul.u32 $0x4E20, s11  }
0x8: {  	s31 =	simm.s32 $0x1;
	s5 =	sand.u32 $0x1, s5;
	s10 =	smul.u32 $0x13C00, s11  }
0x9: {  	s17 =	simm.s32 $0x0;
	[smem:$0x7FF] =	sst s7;
	s6 =	smul.u32 $0x4F000, s5  }
0xa: {  	s22 =	sshll.u32 s11, $0x6;
	s19 =	smul.u32 $0x4E200, s5;
	s5 =	ssub.s32 $0x2, s5  }
0xb: {  	_ =	strace $0x8000004A;
	s4 =	sadd.s32 s4, s0;
	s20 =	sshrl.u32 s5, $0x1  }
0xc: {  	s15 =	sadd.s32 s8, s1;
	s24 =	sshrl.u32 s10, $0x2;
	s6 =	sadd.s32 s9, s6  }
0xd: {  	s7 =	sadd.s32 s8, s19;
	s5 =	ssub.s32 s5, s20;
	s23 =	sadd.s32 $0x7400, s4  }
0xe: {  	s4 =	sadd.s32 $0x2400, s4;
	s9 =	sadd.s32 s9, s3;
	s15 =	sshrl.u32 s15, $0x3  }
0xf: {  	s19 =	simm.s32 $0x80;
	s20 =	simm.s32 $0x5000;
	[dreg:$0x6] =	wrdreg s23  }
0x10: {  	s6 =	sshrl.u32 s6, $0x3;
	s21 =	sshrl.u32 s7, $0x3;
	[dreg:$0x7] =	wrdreg s4  }
0x11: {  	s14 =	smax.u32 s5, $0x1;
	s23 =	simm.s32 $0x7000;
	s0 =	sadd.s32 s6, s0  }
0x12: {  	s2 =	sadd.s32 s2, s21;
	s6 =	sor.u32 $0x1C04, s22;
	s21 =	simm.s32 $0x6000  }
0x13: {  	[dreg:$0x5] =	wrdreg s2;
	s2 =	sadd.s32 s24, s3;
	s13 =	sadd.s32 $0xC400, s0  }
0x14: {  	s0 =	simm.s32 $0x2;
	s25 =	sadd.s32 $0x13C0, s2;
	s26 =	sadd.s32 $0x2780, s2  }
0x15: {  	s12 =	sadd.s32 $0x3B40, s2;
	s2 =	simm.s32 $0x3;
	[dreg:$0x8] =	wrdreg s25  }
0x16: {  	v0 =	vimm.f32 $0.0e+00;
	[dreg:$0x9] =	wrdreg s26;
	s25 =	simm.s32 $0x8000;
	s26 =	simm.s32 $0x9000  }
.LBB2_1:
0x17: {  	s4 =	rddreg [dreg:$0x5]  }
0x18: {  	[spmem:s15], [sflag:s6] =	dma.local [hbm:s4], $0x9C4  }
0x19: {  	_ =	swait.ge [sflag:s16], $0x9C4  }
0x1a: {  	[sflag:s16] =	ssyncset.done $0x0  }
0x1b: {  	s22 =	simm.s32 $0x0;
	s5 =	rddreg [dreg:$0x6];
	[sflag:s16] =	ssyncadd.s32 $0xFFFFF63C  }
0x1c: {  	[tilespmem:s22], [sflag:$0x4] =	stream.linear.gather [hbm4b:s5+s22], $0x2800, $0x38;
	[tilespmem:$0x180E0] =	vst v63  }
0x1d: {  	_ =	swait.ge [sflag:s16], $0x2800  }
0x1e: {  	[sflag:s16] =	ssyncset.done $0x0  }
0x1f: {  	s7 =	simm.s32 $0x2800;
	s24 =	rddreg [dreg:$0x7];
	[sflag:s16] =	ssyncadd.s32 $0xFFFFD800  }
0x20: {  	[tilespmem:s7], [sflag:$0x4] =	stream.linear.gather [hbm4b:s24+s22], $0x2800, $0x38;
	[tilespmem:$0x180E0] =	vst v63  }
0x21: {  	_ =	swait.ge [sflag:s16], $0x2800  }
0x22: {  	[sflag:s16] =	ssyncset.done $0x0  }
0x23: {  	s4 =	simm.s32 $0x0;
	[sflag:s16] =	ssyncadd.s32 $0xFFFFD800  }
0x24: {  	v7 =	vld [tilespmem:s4+$0x0]  }
0x25: {  	v14 =	vld [tilespmem:s4+$0x10]  }
0x26: {  	v6 =	vld [tilespmem:s4+$0x20]  }
0x27: {  	v5 =	vld [tilespmem:s4+$0x30]  }
0x28: {  	v4 =	vld [tilespmem:s4+$0x40]  }
0x29: {  	v3 =	vld [tilespmem:s4+$0x50]  }
0x2a: {  	v2 =	vld [tilespmem:s4+$0x60]  }
0x2b: {  	v1 =	vld [tilespmem:s4+$0x70]  }
0x2c: {  	v13 =	vld [tilespmem:s4+$0x2800]  }
0x2d: {  	v12 =	vld [tilespmem:s4+$0x2810]  }
0x2e: {  	v11 =	vld [tilespmem:s4+$0x2820]  }
0x2f: {  	v10 =	vld [tilespmem:s4+$0x2830]  }
0x30: {  	v9 =	vld [tilespmem:s4+$0x2840]  }
0x31: {  	v8 =	vld [tilespmem:s4+$0x2850];
	vm0 =	veq.s32 v7, v13  }
0x32: {  	s5 =	simm.s32 $0x200;
	v7 =	vld [tilespmem:s4+$0x2860];
	v13 =	vsel vm0, $0x2710, v13;
	vm0 =	veq.s32 v14, v12  }
.LBB2_2:
0x33: {  	s22 =	sshra.s32 s5, $0x2;
	p0 =	sne.s32 s5, $0x9E00;
	[tilespmem:s4+$0x2800] =	vst v13;
	v12 =	vsel vm0, $0x2710, v12;
	vm0 =	veq.s32 v6, v11;
	v13 =	vld [tilespmem:s4+$0x2870]  }
0x34: {  	v14 =	vld [tilespmem:s22+$0x0];
	[tilespmem:s4+$0x2810] =	vst v12;
	v6 =	vsel vm0, $0x2710, v11;
	vm0 =	veq.s32 v5, v10  }
0x35: {  	v15 =	vld [tilespmem:s22+$0x10];
	[tilespmem:s4+$0x2820] =	vst v6;
	v5 =	vsel vm0, $0x2710, v10;
	vm0 =	veq.s32 v4, v9  }
0x36: {  	v6 =	vld [tilespmem:s22+$0x20];
	[tilespmem:s4+$0x2830] =	vst v5;
	v4 =	vsel vm0, $0x2710, v9;
	vm0 =	veq.s32 v3, v8  }
0x37: {  	v5 =	vld [tilespmem:s22+$0x30];
	[tilespmem:s4+$0x2840] =	vst v4;
	v3 =	vsel vm0, $0x2710, v8;
	vm0 =	veq.s32 v2, v7  }
0x38: {  	v4 =	vld [tilespmem:s22+$0x40];
	[tilespmem:s4+$0x2850] =	vst v3;
	v2 =	vsel vm0, $0x2710, v7;
	vm0 =	veq.s32 v1, v13  }
0x39: {  	v3 =	vld [tilespmem:s22+$0x50];
	[tilespmem:s4+$0x2860] =	vst v2;
	v1 =	vsel vm0, $0x2710, v13  }
0x3a: {  	v2 =	vld [tilespmem:s22+$0x60];
	[tilespmem:s4+$0x2870] =	vst v1;
	s4 =	smov.u32 s22  }
0x3b: {  	v1 =	vld [tilespmem:s4+$0x70]  }
0x3c: {  	v7 =	vld [tilespmem:s4+$0x2800]  }
0x3d: {  	v12 =	vld [tilespmem:s4+$0x2810]  }
.Ltmp0:
0x3e: {  	v11 =	vld [tilespmem:s4+$0x2820];
	(pc) =	sbr.rel @p0 .LBB2_2-.Ltmp0, $4  }
0x3f: {  	v10 =	vld [tilespmem:s4+$0x2830]  }
0x40: {  	v9 =	vld [tilespmem:s4+$0x2840]  }
0x41: {  	vm0 =	veq.s32 v14, v7;
	v8 =	vld [tilespmem:s4+$0x2850]  }
0x42: {  	s5 =	sadd.s32 $0x200, s5;
	v13 =	vsel vm0, $0x2710, v7;
	vm0 =	veq.s32 v15, v12;
	v7 =	vld [tilespmem:s4+$0x2860]  }
0x43: {  	[tilespmem:s4+$0x2800] =	vst v13;
	v12 =	vsel vm0, $0x2710, v12;
	vm10 =	veq.s32 v6, v11;
	v63 =	vld [tilespmem:s4+$0x2870]  }
0x44: {  	[tilespmem:s4+$0x2810] =	vst v12;
	v11 =	vsel vm10, $0x2710, v11;
	vm11 =	veq.s32 v5, v10  }
0x45: {  	[tilespmem:s4+$0x2820] =	vst v11;
	v5 =	vsel vm11, $0x2710, v10;
	vm12 =	veq.s32 v4, v9  }
0x46: {  	[tilespmem:s4+$0x2830] =	vst v5;
	v4 =	vsel vm12, $0x2710, v9;
	vm13 =	veq.s32 v3, v8  }
0x47: {  	[tilespmem:s4+$0x2840] =	vst v4;
	v3 =	vsel vm13, $0x2710, v8;
	vm14 =	veq.s32 v2, v7  }
0x48: {  	[tilespmem:s4+$0x2850] =	vst v3;
	v2 =	vsel vm14, $0x2710, v7;
	vm15 =	veq.s32 v1, v63  }
0x49: {  	[tilespmem:s4+$0x2860] =	vst v2;
	v1 =	vsel vm15, $0x2710, v63  }
0x4a: {  	s5 =	simm.s32 $0x0;
	[tilespmem:s4+$0x2870] =	vst v1;
	s4 =	simm.s32 $0x80  }
.LBB2_4:
0x4b: {  	p0 =	sne.s32 s4, $0x4E80;
	[tilespmem:s5+$0xD000] =	vst v0;
	s22 =	smov.u32 s4;
	s4 =	sadd.s32 $0x80, s4  }
.Ltmp1:
0x4c: {  	[tilespmem:s5+$0xD010] =	vst v0;
	(pc) =	sbr.rel @p0 .LBB2_4-.Ltmp1, $2  }
0x4d: {  	_ =	sdelay $0x2  }
0x4e: {  	s5 =	sshra.s32 s22, $0x2  }
0x4f: {  	[tilespmem:s5+$0xD000] =	vst v0  }
0x50: {  	[tilespmem:s5+$0xD010] =	vst v0  }
0x51: {  	[spmem:s9] =	stream.linear.scatter [tilespmem:s18], [sflag:$0x4], $0x13C0, $0x38;
	[tilespmem:$0x180E0] =	vst v63  }
0x52: {  	_ =	swait.ge [sflag:s16], $0x13C0  }
0x53: {  	[sflag:s16] =	ssyncset.done $0x0  }
0x54: {  	s4 =	rddreg [dreg:$0x8];
	[sflag:s16] =	ssyncadd.s32 $0xFFFFEC40  }
0x55: {  	[spmem:s4] =	stream.linear.scatter [tilespmem:s18], [sflag:$0x4], $0x13C0, $0x38;
	[tilespmem:$0x180E0] =	vst v63  }
0x56: {  	_ =	swait.ge [sflag:s16], $0x13C0  }
0x57: {  	[sflag:s16] =	ssyncset.done $0x0  }
0x58: {  	s22 =	rddreg [dreg:$0x9];
	[sflag:s16] =	ssyncadd.s32 $0xFFFFEC40  }
0x59: {  	[spmem:s22] =	stream.linear.scatter [tilespmem:s18], [sflag:$0x4], $0x13C0, $0x38;
	[tilespmem:$0x180E0] =	vst v63  }
0x5a: {  	_ =	swait.ge [sflag:s16], $0x13C0  }
0x5b: {  	[sflag:s16] =	ssyncset.done $0x0  }
0x5c: {  	[sflag:s16] =	ssyncadd.s32 $0xFFFFEC40  }
0x5d: {  	[spmem:s12] =	stream.linear.scatter [tilespmem:s18], [sflag:$0x4], $0x13C0, $0x38;
	[tilespmem:$0x180E0] =	vst v63  }
0x5e: {  	_ =	swait.ge [sflag:s16], $0x13C0  }
0x5f: {  	[sflag:s16] =	ssyncset.done $0x0  }
0x60: {  	[sflag:s16] =	ssyncadd.s32 $0xFFFFEC40  }
0x61: {  	s24 =	simm.s32 $0x0;
	[bflag:$0x0] =	sbarrier.arrive $0xFFFF  }
0x62: {  	[tilespmem:s20], [sflag:$0x1] =	stream.indirect.gather [spmem:s1], $0x20, s24, s19, $0xb8;
	[tilespmem:$0x180E0] =	vst v63  }
0x63: {  	_ = 	snop  }
0x64: {  	[tilespmem:s21], [sflag:$0x1] =	stream.indirect.gather [spmem:s1], $0x20, s19, s19, $0xb8;
	[tilespmem:$0x180E0] =	vst v63  }
0x65: {  	s5 =	simm.s32 $0x100  }
0x66: {  	[tilespmem:s23], [sflag:$0x1] =	stream.indirect.gather [spmem:s1], $0x20, s5, s19, $0xb8;
	[tilespmem:$0x180E0] =	vst v63  }
0x67: {  	s7 =	simm.s32 $0x180  }
0x68: {  	[tilespmem:s25], [sflag:$0x1] =	stream.indirect.gather [spmem:s1], $0x20, s7, s19, $0xb8;
	[tilespmem:$0x180E0] =	vst v63  }
0x69: {  	s8 =	simm.s32 $0x200  }
0x6a: {  	[tilespmem:s26], [sflag:$0x2] =	stream.indirect.gather [spmem:s1], $0x20, s8, s19, $0xb8;
	[tilespmem:$0x180E0] =	vst v63  }
0x6b: {  	s10 =	simm.s32 $0x280  }
0x6c: {  	[tilespmem:s28], [sflag:$0x2] =	stream.indirect.gather [spmem:s1], $0x20, s10, s19, $0xb8;
	[tilespmem:$0x180E0] =	vst v63  }
0x6d: {  	s11 =	simm.s32 $0x300  }
0x6e: {  	[tilespmem:s29], [sflag:$0x2] =	stream.indirect.gather [spmem:s1], $0x20, s11, s19, $0xb8;
	[tilespmem:$0x180E0] =	vst v63  }
0x6f: {  	s22 =	simm.s32 $0x380  }
0x70: {  	[tilespmem:s30], [sflag:$0x2] =	stream.indirect.gather [spmem:s1], $0x20, s22, s19, $0xb8;
	[tilespmem:$0x180E0] =	vst v63  }
0x71: {  	_ =	swait.ge [sflag:s31], $0x1000  }
0x72: {  	[sflag:s31] =	ssyncset.done $0x0  }
0x73: {  	s24 =	simm.s32 $0x2800;
	[sflag:s31] =	ssyncadd.s32 $0xFFFFF000  }
0x74: {  	[spmem:s3] =	stream.indirect.scatter.add.f32 [tilespmem:s20], [sflag:$0x3], $0x20, s24, s19, $0xb8;
	[tilespmem:$0x180E0] =	vst v63  }
0x75: {  	_ =	swait.ge [sflag:s31], $0x1000  }
0x76: {  	[sflag:s31] =	ssyncset.done $0x0  }
0x77: {  	s5 =	simm.s32 $0x2880;
	[sflag:s31] =	ssyncadd.s32 $0xFFFFF000  }
0x78: {  	[spmem:s3] =	stream.indirect.scatter.add.f32 [tilespmem:s21], [sflag:$0x3], $0x20, s5, s19, $0xb8;
	[tilespmem:$0x180E0] =	vst v63  }
0x79: {  	_ =	swait.ge [sflag:s31], $0x1000  }
0x7a: {  	[sflag:s31] =	ssyncset.done $0x0  }
0x7b: {  	s7 =	simm.s32 $0x2900;
	[sflag:s31] =	ssyncadd.s32 $0xFFFFF000  }
0x7c: {  	[spmem:s3] =	stream.indirect.scatter.add.f32 [tilespmem:s23], [sflag:$0x3], $0x20, s7, s19, $0xb8;
	[tilespmem:$0x180E0] =	vst v63  }
0x7d: {  	_ =	swait.ge [sflag:s31], $0x1000  }
0x7e: {  	[sflag:s31] =	ssyncset.done $0x0  }
0x7f: {  	s8 =	simm.s32 $0x2980;
	[sflag:s31] =	ssyncadd.s32 $0xFFFFF000  }
0x80: {  	[spmem:s3] =	stream.indirect.scatter.add.f32 [tilespmem:s25], [sflag:$0x3], $0x20, s8, s19, $0xb8;
	[tilespmem:$0x180E0] =	vst v63  }
0x81: {  	_ =	swait.ge [sflag:s2], $0x1000  }
0x82: {  	[sflag:s2] =	ssyncset.done $0x0  }
0x83: {  	[sflag:s2] =	ssyncadd.s32 $0xFFFFF000  }
0x84: {  	_ =	swait.ge [sflag:s2], $0x1000  }
0x85: {  	[sflag:s2] =	ssyncset.done $0x0  }
0x86: {  	[sflag:s2] =	ssyncadd.s32 $0xFFFFF000  }
0x87: {  	_ =	swait.ge [sflag:s2], $0x1000  }
0x88: {  	[sflag:s2] =	ssyncset.done $0x0  }
0x89: {  	[sflag:s2] =	ssyncadd.s32 $0xFFFFF000  }
0x8a: {  	p0 =	por $0x0, $0x0;
	_ =	swait.ge [sflag:s2], $0x1000  }
0x8b: {  	s4 =	simm.s32 @!p0 $0x5000;
	[sflag:s2] =	ssyncset.done $0x0  }
0x8c: {  	s22 =	simm.s32 @!p0 $0x80;
	s5 =	simm.s32 @!p0 $0x400;
	[sflag:s2] =	ssyncadd.s32 $0xFFFFF000  }
0x8d: {  	[tilespmem:s4], [sflag:$0x1] =	stream.indirect.gather @!p0 [spmem:s1], $0x20, s5, s22, $0xb8;
	[tilespmem:$0x180E0] =	vst v63  }
0x8e: {  	s4 =	simm.s32 @!p0 $0x480;
	s5 =	simm.s32 @!p0 $0x6000  }
0x8f: {  	[tilespmem:s5], [sflag:$0x1] =	stream.indirect.gather @!p0 [spmem:s1], $0x20, s4, s22, $0xb8;
	[tilespmem:$0x180E0] =	vst v63  }
0x90: {  	s4 =	simm.s32 @!p0 $0x500;
	s5 =	simm.s32 @!p0 $0x7000  }
0x91: {  	[tilespmem:s5], [sflag:$0x1] =	stream.indirect.gather @!p0 [spmem:s1], $0x20, s4, s22, $0xb8;
	[tilespmem:$0x180E0] =	vst v63  }
0x92: {  	s4 =	simm.s32 @!p0 $0x580;
	s5 =	simm.s32 @!p0 $0x8000  }
0x93: {  	[tilespmem:s5], [sflag:$0x1] =	stream.indirect.gather @!p0 [spmem:s1], $0x20, s4, s22, $0xb8;
	[tilespmem:$0x180E0] =	vst v63  }
0x94: {  	_ =	swait.ge [sflag:s0], $0x1000  }
0x95: {  	[sflag:s0] =	ssyncset.done $0x0  }
0x96: {  	s10 =	simm.s32 $0x2A00;
	[sflag:s0] =	ssyncadd.s32 $0xFFFFF000  }
0x97: {  	[spmem:s3] =	stream.indirect.scatter.add.f32 [tilespmem:s26], [sflag:$0x3], $0x20, s10, s19, $0xb8;
	[tilespmem:$0x180E0] =	vst v63  }
0x98: {  	_ =	swait.ge [sflag:s0], $0x1000  }
0x99: {  	[sflag:s0] =	ssyncset.done $0x0  }
0x9a: {  	s11 =	simm.s32 $0x2A80;
	[sflag:s0] =	ssyncadd.s32 $0xFFFFF000  }
0x9b: {  	[spmem:s3] =	stream.indirect.scatter.add.f32 [tilespmem:s28], [sflag:$0x3], $0x20, s11, s19, $0xb8;
	[tilespmem:$0x180E0] =	vst v63  }
0x9c: {  	_ =	swait.ge [sflag:s0], $0x1000  }
0x9d: {  	[sflag:s0] =	ssyncset.done $0x0  }
0x9e: {  	s22 =	simm.s32 $0x2B00;
	[sflag:s0] =	ssyncadd.s32 $0xFFFFF000  }
0x9f: {  	[spmem:s3] =	stream.indirect.scatter.add.f32 [tilespmem:s29], [sflag:$0x3], $0x20, s22, s19, $0xb8;
	[tilespmem:$0x180E0] =	vst v63  }
0xa0: {  	_ =	swait.ge [sflag:s0], $0x1000  }
0xa1: {  	[sflag:s0] =	ssyncset.done $0x0  }
0xa2: {  	s24 =	simm.s32 $0x2B80;
	[sflag:s0] =	ssyncadd.s32 $0xFFFFF000  }
0xa3: {  	[spmem:s3] =	stream.indirect.scatter.add.f32 [tilespmem:s30], [sflag:$0x3], $0x20, s24, s19, $0xb8;
	[tilespmem:$0x180E0] =	vst v63  }
0xa4: {  	_ =	swait.ge [sflag:s2], $0x1000  }
0xa5: {  	[sflag:s2] =	ssyncset.done $0x0  }
0xa6: {  	[sflag:s2] =	ssyncadd.s32 $0xFFFFF000  }
0xa7: {  	_ =	swait.ge [sflag:s2], $0x1000  }
0xa8: {  	[sflag:s2] =	ssyncset.done $0x0  }
0xa9: {  	[sflag:s2] =	ssyncadd.s32 $0xFFFFF000  }
0xaa: {  	_ =	swait.ge [sflag:s2], $0x1000  }
0xab: {  	[sflag:s2] =	ssyncset.done $0x0  }
0xac: {  	[sflag:s2] =	ssyncadd.s32 $0xFFFFF000  }
0xad: {  	s4 =	simm.s32 $0x2000;
	_ =	swait.ge [sflag:s2], $0x1000  }
0xae: {  	s22 =	simm.s32 $0x400;
	s24 =	simm.s32 $0x1000;
	[sflag:s2] =	ssyncset.done $0x0  }
.LBB2_6:
0xaf: {  	s7 =	sadd.s32 $0x200, s22  }
0xb0: {  	[sflag:s2] =	ssyncadd.s32 $0xFFFFF000;
	s5 =	smov.u32 s4;
	s4 =	sadd.s32 $0x1000, s4  }
0xb1: {  	[tilespmem:s26], [sflag:$0x2] =	stream.indirect.gather [spmem:s1], $0x20, s7, s19, $0xb8;
	[tilespmem:$0x180E0] =	vst v63  }
0xb2: {  	p0 =	sne.s32 s4, $0xA000;
	s7 =	sadd.s32 $0x280, s22  }
0xb3: {  	[tilespmem:s28], [sflag:$0x2] =	stream.indirect.gather [spmem:s1], $0x20, s7, s19, $0xb8;
	[tilespmem:$0x180E0] =	vst v63  }
0xb4: {  	s7 =	sadd.s32 $0x300, s22  }
0xb5: {  	[tilespmem:s29], [sflag:$0x2] =	stream.indirect.gather [spmem:s1], $0x20, s7, s19, $0xb8;
	[tilespmem:$0x180E0] =	vst v63  }
0xb6: {  	s7 =	sadd.s32 $0x380, s22  }
0xb7: {  	[tilespmem:s30], [sflag:$0x2] =	stream.indirect.gather [spmem:s1], $0x20, s7, s19, $0xb8;
	[tilespmem:$0x180E0] =	vst v63  }
0xb8: {  	_ =	swait.ge [sflag:s31], $0x1000  }
0xb9: {  	[sflag:s31] =	ssyncset.done $0x0  }
0xba: {  	s7 =	sadd.s32 $0x2800, s22;
	[sflag:s31] =	ssyncadd.s32 $0xFFFFF000  }
0xbb: {  	[spmem:s3] =	stream.indirect.scatter.add.f32 [tilespmem:s20], [sflag:$0x3], $0x20, s7, s19, $0xb8;
	[tilespmem:$0x180E0] =	vst v63  }
0xbc: {  	_ =	swait.ge [sflag:s31], $0x1000  }
0xbd: {  	[sflag:s31] =	ssyncset.done $0x0  }
0xbe: {  	s7 =	sadd.s32 $0x2880, s22;
	[sflag:s31] =	ssyncadd.s32 $0xFFFFF000  }
0xbf: {  	[spmem:s3] =	stream.indirect.scatter.add.f32 [tilespmem:s21], [sflag:$0x3], $0x20, s7, s19, $0xb8;
	[tilespmem:$0x180E0] =	vst v63  }
0xc0: {  	_ =	swait.ge [sflag:s31], $0x1000  }
0xc1: {  	[sflag:s31] =	ssyncset.done $0x0  }
0xc2: {  	s7 =	sadd.s32 $0x2900, s22;
	[sflag:s31] =	ssyncadd.s32 $0xFFFFF000  }
0xc3: {  	[spmem:s3] =	stream.indirect.scatter.add.f32 [tilespmem:s23], [sflag:$0x3], $0x20, s7, s19, $0xb8;
	[tilespmem:$0x180E0] =	vst v63  }
0xc4: {  	_ =	swait.ge [sflag:s31], $0x1000  }
0xc5: {  	[sflag:s31] =	ssyncset.done $0x0  }
0xc6: {  	s7 =	sadd.s32 $0x2980, s22;
	[sflag:s31] =	ssyncadd.s32 $0xFFFFF000  }
0xc7: {  	[spmem:s3] =	stream.indirect.scatter.add.f32 [tilespmem:s25], [sflag:$0x3], $0x20, s7, s19, $0xb8;
	[tilespmem:$0x180E0] =	vst v63  }
0xc8: {  	_ =	swait.ge [sflag:s2], $0x1000  }
0xc9: {  	[sflag:s2] =	ssyncset.done $0x0  }
0xca: {  	[sflag:s2] =	ssyncadd.s32 $0xFFFFF000  }
0xcb: {  	_ =	swait.ge [sflag:s2], $0x1000  }
0xcc: {  	[sflag:s2] =	ssyncset.done $0x0  }
0xcd: {  	[sflag:s2] =	ssyncadd.s32 $0xFFFFF000  }
0xce: {  	_ =	swait.ge [sflag:s2], $0x1000  }
0xcf: {  	[sflag:s2] =	ssyncset.done $0x0  }
0xd0: {  	[sflag:s2] =	ssyncadd.s32 $0xFFFFF000  }
0xd1: {  	p1 =	seq.s32 s24, $0x9000;
	_ =	swait.ge [sflag:s2], $0x1000  }
0xd2: {  	s7 =	sshra.s32 @!p1 s24, $0x2;
	s24 =	simm.s32 @!p1 $0x5000;
	[sflag:s2] =	ssyncset.done $0x0  }
0xd3: {  	s10 =	simm.s32 @!p1 $0x80;
	s8 =	sadd.s32 @!p1 $0x400, s7;
	[sflag:s2] =	ssyncadd.s32 $0xFFFFF000  }
0xd4: {  	[tilespmem:s24], [sflag:$0x1] =	stream.indirect.gather @!p1 [spmem:s1], $0x20, s8, s10, $0xb8;
	[tilespmem:$0x180E0] =	vst v63  }
0xd5: {  	s11 =	sadd.s32 @!p1 $0x500, s7;
	s8 =	sadd.s32 @!p1 $0x480, s7;
	s24 =	simm.s32 @!p1 $0x6000  }
0xd6: {  	[tilespmem:s24], [sflag:$0x1] =	stream.indirect.gather @!p1 [spmem:s1], $0x20, s8, s10, $0xb8;
	[tilespmem:$0x180E0] =	vst v63  }
0xd7: {  	s7 =	sadd.s32 @!p1 $0x580, s7;
	s8 =	simm.s32 @!p1 $0x7000;
	s24 =	smov.u32 s5  }
0xd8: {  	[tilespmem:s8], [sflag:$0x1] =	stream.indirect.gather @!p1 [spmem:s1], $0x20, s11, s10, $0xb8;
	[tilespmem:$0x180E0] =	vst v63  }
0xd9: {  	s5 =	simm.s32 @!p1 $0x8000  }
0xda: {  	[tilespmem:s5], [sflag:$0x1] =	stream.indirect.gather @!p1 [spmem:s1], $0x20, s7, s10, $0xb8;
	[tilespmem:$0x180E0] =	vst v63  }
0xdb: {  	_ =	swait.ge [sflag:s0], $0x1000  }
0xdc: {  	[sflag:s0] =	ssyncset.done $0x0  }
0xdd: {  	s5 =	sadd.s32 $0x2A00, s22;
	[sflag:s0] =	ssyncadd.s32 $0xFFFFF000  }
0xde: {  	[spmem:s3] =	stream.indirect.scatter.add.f32 [tilespmem:s26], [sflag:$0x3], $0x20, s5, s19, $0xb8;
	[tilespmem:$0x180E0] =	vst v63  }
0xdf: {  	_ =	swait.ge [sflag:s0], $0x1000  }
0xe0: {  	[sflag:s0] =	ssyncset.done $0x0  }
0xe1: {  	s5 =	sadd.s32 $0x2A80, s22;
	[sflag:s0] =	ssyncadd.s32 $0xFFFFF000  }
0xe2: {  	[spmem:s3] =	stream.indirect.scatter.add.f32 [tilespmem:s28], [sflag:$0x3], $0x20, s5, s19, $0xb8;
	[tilespmem:$0x180E0] =	vst v63  }
0xe3: {  	_ =	swait.ge [sflag:s0], $0x1000  }
0xe4: {  	[sflag:s0] =	ssyncset.done $0x0  }
0xe5: {  	s5 =	sadd.s32 $0x2B00, s22;
	[sflag:s0] =	ssyncadd.s32 $0xFFFFF000  }
0xe6: {  	[spmem:s3] =	stream.indirect.scatter.add.f32 [tilespmem:s29], [sflag:$0x3], $0x20, s5, s19, $0xb8;
	[tilespmem:$0x180E0] =	vst v63  }
0xe7: {  	_ =	swait.ge [sflag:s0], $0x1000  }
0xe8: {  	[sflag:s0] =	ssyncset.done $0x0  }
0xe9: {  	s5 =	sadd.s32 $0x2B80, s22;
	[sflag:s0] =	ssyncadd.s32 $0xFFFFF000  }
0xea: {  	[spmem:s3] =	stream.indirect.scatter.add.f32 [tilespmem:s30], [sflag:$0x3], $0x20, s5, s19, $0xb8;
	[tilespmem:$0x180E0] =	vst v63  }
0xeb: {  	_ =	swait.ge [sflag:s2], $0x1000  }
0xec: {  	[sflag:s2] =	ssyncset.done $0x0  }
0xed: {  	[sflag:s2] =	ssyncadd.s32 $0xFFFFF000  }
0xee: {  	_ =	swait.ge [sflag:s2], $0x1000  }
0xef: {  	[sflag:s2] =	ssyncset.done $0x0  }
0xf0: {  	[sflag:s2] =	ssyncadd.s32 $0xFFFFF000  }
.Ltmp2:
0xf1: {  	_ =	swait.ge [sflag:s2], $0x1000;
	(pc) =	sbr.rel @p0 .LBB2_6-.Ltmp2, $4  }
0xf2: {  	[sflag:s2] =	ssyncset.done $0x0  }
0xf3: {  	[sflag:s2] =	ssyncadd.s32 $0xFFFFF000  }
0xf4: {  	_ =	swait.ge [sflag:s2], $0x1000  }
0xf5: {  	s22 =	sshra.s32 s24, $0x2;
	[sflag:s2] =	ssyncset.done $0x0  }
0xf6: {  	s4 =	sadd.s32 $0x200, s22;
	[sflag:s2] =	ssyncadd.s32 $0xFFFFF000  }
0xf7: {  	[tilespmem:s26], [sflag:$0x2] =	stream.indirect.gather [spmem:s1], $0x20, s4, s19, $0xb8;
	[tilespmem:$0x180E0] =	vst v63  }
0xf8: {  	s5 =	sadd.s32 $0x280, s22  }
0xf9: {  	[tilespmem:s28], [sflag:$0x2] =	stream.indirect.gather [spmem:s1], $0x20, s5, s19, $0xb8;
	[tilespmem:$0x180E0] =	vst v63  }
0xfa: {  	s7 =	sadd.s32 $0x300, s22  }
0xfb: {  	[tilespmem:s29], [sflag:$0x2] =	stream.indirect.gather [spmem:s1], $0x20, s7, s19, $0xb8;
	[tilespmem:$0x180E0] =	vst v63  }
0xfc: {  	s8 =	sadd.s32 $0x380, s22  }
0xfd: {  	[tilespmem:s30], [sflag:$0x2] =	stream.indirect.gather [spmem:s1], $0x20, s8, s19, $0xb8;
	[tilespmem:$0x180E0] =	vst v63  }
0xfe: {  	_ =	swait.ge [sflag:s31], $0x1000  }
0xff: {  	[sflag:s31] =	ssyncset.done $0x0  }
0x100: {  	s10 =	sadd.s32 $0x2800, s22;
	[sflag:s31] =	ssyncadd.s32 $0xFFFFF000  }
0x101: {  	[spmem:s3] =	stream.indirect.scatter.add.f32 [tilespmem:s20], [sflag:$0x3], $0x20, s10, s19, $0xb8;
	[tilespmem:$0x180E0] =	vst v63  }
0x102: {  	_ =	swait.ge [sflag:s31], $0x1000  }
0x103: {  	[sflag:s31] =	ssyncset.done $0x0  }
0x104: {  	s11 =	sadd.s32 $0x2880, s22;
	[sflag:s31] =	ssyncadd.s32 $0xFFFFF000  }
0x105: {  	[spmem:s3] =	stream.indirect.scatter.add.f32 [tilespmem:s21], [sflag:$0x3], $0x20, s11, s19, $0xb8;
	[tilespmem:$0x180E0] =	vst v63  }
0x106: {  	_ =	swait.ge [sflag:s31], $0x1000  }
0x107: {  	[sflag:s31] =	ssyncset.done $0x0  }
0x108: {  	s5 =	sadd.s32 $0x2900, s22;
	[sflag:s31] =	ssyncadd.s32 $0xFFFFF000  }
0x109: {  	[spmem:s3] =	stream.indirect.scatter.add.f32 [tilespmem:s23], [sflag:$0x3], $0x20, s5, s19, $0xb8;
	[tilespmem:$0x180E0] =	vst v63  }
0x10a: {  	_ =	swait.ge [sflag:s31], $0x1000  }
0x10b: {  	[sflag:s31] =	ssyncset.done $0x0  }
0x10c: {  	s7 =	sadd.s32 $0x2980, s22;
	[sflag:s31] =	ssyncadd.s32 $0xFFFFF000  }
0x10d: {  	[spmem:s3] =	stream.indirect.scatter.add.f32 [tilespmem:s25], [sflag:$0x3], $0x20, s7, s19, $0xb8;
	[tilespmem:$0x180E0] =	vst v63  }
0x10e: {  	_ =	swait.ge [sflag:s2], $0x1000  }
0x10f: {  	[sflag:s2] =	ssyncset.done $0x0  }
0x110: {  	[sflag:s2] =	ssyncadd.s32 $0xFFFFF000  }
0x111: {  	_ =	swait.ge [sflag:s2], $0x1000  }
0x112: {  	[sflag:s2] =	ssyncset.done $0x0  }
0x113: {  	[sflag:s2] =	ssyncadd.s32 $0xFFFFF000  }
0x114: {  	_ =	swait.ge [sflag:s2], $0x1000  }
0x115: {  	[sflag:s2] =	ssyncset.done $0x0  }
0x116: {  	[sflag:s2] =	ssyncadd.s32 $0xFFFFF000  }
0x117: {  	p0 =	seq.s32 s24, $0x9000;
	_ =	swait.ge [sflag:s2], $0x1000  }
0x118: {  	s4 =	sshra.s32 @!p0 s24, $0x2;
	s8 =	simm.s32 @!p0 $0x80;
	[sflag:s2] =	ssyncset.done $0x0  }
0x119: {  	s5 =	simm.s32 @!p0 $0x5000;
	s7 =	sadd.s32 @!p0 $0x400, s4;
	[sflag:s2] =	ssyncadd.s32 $0xFFFFF000  }
0x11a: {  	[tilespmem:s5], [sflag:$0x1] =	stream.indirect.gather @!p0 [spmem:s1], $0x20, s7, s8, $0xb8;
	[tilespmem:$0x180E0] =	vst v63  }
0x11b: {  	s5 =	sadd.s32 @!p0 $0x480, s4;
	s7 =	simm.s32 @!p0 $0x6000  }
0x11c: {  	[tilespmem:s7], [sflag:$0x1] =	stream.indirect.gather @!p0 [spmem:s1], $0x20, s5, s8, $0xb8;
	[tilespmem:$0x180E0] =	vst v63  }
0x11d: {  	s5 =	sadd.s32 @!p0 $0x500, s4;
	s7 =	simm.s32 @!p0 $0x7000  }
0x11e: {  	[tilespmem:s7], [sflag:$0x1] =	stream.indirect.gather @!p0 [spmem:s1], $0x20, s5, s8, $0xb8;
	[tilespmem:$0x180E0] =	vst v63  }
0x11f: {  	s4 =	sadd.s32 @!p0 $0x580, s4;
	s5 =	simm.s32 @!p0 $0x8000  }
0x120: {  	[tilespmem:s5], [sflag:$0x1] =	stream.indirect.gather @!p0 [spmem:s1], $0x20, s4, s8, $0xb8;
	[tilespmem:$0x180E0] =	vst v63  }
0x121: {  	_ =	swait.ge [sflag:s0], $0x1000  }
0x122: {  	[sflag:s0] =	ssyncset.done $0x0  }
0x123: {  	s8 =	sadd.s32 $0x2A00, s22;
	[sflag:s0] =	ssyncadd.s32 $0xFFFFF000  }
0x124: {  	[spmem:s3] =	stream.indirect.scatter.add.f32 [tilespmem:s26], [sflag:$0x3], $0x20, s8, s19, $0xb8;
	[tilespmem:$0x180E0] =	vst v63  }
0x125: {  	_ =	swait.ge [sflag:s0], $0x1000  }
0x126: {  	[sflag:s0] =	ssyncset.done $0x0  }
0x127: {  	s10 =	sadd.s32 $0x2A80, s22;
	[sflag:s0] =	ssyncadd.s32 $0xFFFFF000  }
0x128: {  	[spmem:s3] =	stream.indirect.scatter.add.f32 [tilespmem:s28], [sflag:$0x3], $0x20, s10, s19, $0xb8;
	[tilespmem:$0x180E0] =	vst v63  }
0x129: {  	_ =	swait.ge [sflag:s0], $0x1000  }
0x12a: {  	[sflag:s0] =	ssyncset.done $0x0  }
0x12b: {  	s11 =	sadd.s32 $0x2B00, s22;
	[sflag:s0] =	ssyncadd.s32 $0xFFFFF000  }
0x12c: {  	[spmem:s3] =	stream.indirect.scatter.add.f32 [tilespmem:s29], [sflag:$0x3], $0x20, s11, s19, $0xb8;
	[tilespmem:$0x180E0] =	vst v63  }
0x12d: {  	_ =	swait.ge [sflag:s0], $0x1000  }
0x12e: {  	[sflag:s0] =	ssyncset.done $0x0  }
0x12f: {  	s22 =	sadd.s32 $0x2B80, s22;
	[sflag:s0] =	ssyncadd.s32 $0xFFFFF000  }
0x130: {  	[spmem:s3] =	stream.indirect.scatter.add.f32 [tilespmem:s30], [sflag:$0x3], $0x20, s22, s19, $0xb8;
	[tilespmem:$0x180E0] =	vst v63  }
0x131: {  	_ =	swait.ge [sflag:s2], $0x1000  }
0x132: {  	[sflag:s2] =	ssyncset.done $0x0  }
0x133: {  	[sflag:s2] =	ssyncadd.s32 $0xFFFFF000  }
0x134: {  	_ =	swait.ge [sflag:s2], $0x1000  }
0x135: {  	[sflag:s2] =	ssyncset.done $0x0  }
0x136: {  	[sflag:s2] =	ssyncadd.s32 $0xFFFFF000  }
0x137: {  	_ =	swait.ge [sflag:s2], $0x1000  }
0x138: {  	[sflag:s2] =	ssyncset.done $0x0  }
0x139: {  	[sflag:s2] =	ssyncadd.s32 $0xFFFFF000  }
0x13a: {  	_ =	swait.ge [sflag:s2], $0x1000  }
0x13b: {  	s17 =	sadd.s32 $0x1, s17;
	[sflag:s2] =	ssyncset.done $0x0  }
0x13c: {  	p0 =	sne.s32 s17, s14;
	[sflag:s2] =	ssyncadd.s32 $0xFFFFF000  }
.Ltmp3:
0x13d: {  	s24 =	sshrl.u32 s9, $0x3;
	[bflag:$0x0] =	sbarrier.arrive $0xFFFF;
	(pc) =	sbr.rel @p0 .LBB2_1-.Ltmp3, $4  }
0x13e: {  	[hbm:s13], [sflag:s6] =	dma.local [spmem:s24], $0x9E0  }
0x13f: {  	_ =	swait.ge [sflag:s16], $0x9E0  }
0x140: {  	[sflag:s16] =	ssyncset.done $0x0  }
0x141: {  	[sflag:s16] =	ssyncadd.s32 $0xFFFFF620  }
0x142: {  	_ =	sfence.sel $0x180000  }
0x143: {  	[bflag:$0x0] =	sbarrier.arrive $0xFFFF  }
0x144: {  	_ =	strace $0x9000004A  }
0x145: {  	s0 =	stileid.u32;
	[bflag:$0x2] =	sbarrier.arrive $0xFFFF  }
0x146: {  	p0 =	sne.s32 s0, $0x0;
	s0 =	rddreg [dreg:$0x4]  }
0x147: {  	s0 =	sadd.s32 @!p0 $0x100000, s0  }
0x148: {  	[sflag:s0] =	ssyncadd.tile.s32 @!p0 $0x1;
	_ =	shalt  }
.Lfunc_end2:
_tile_overlayer_lowered:
.L_overlay_start_2:
0x149: {  	(tag) =	ssettag $0x2  }
0x14a: {  	s0 =	rddreg [dreg:$0x0];
	s2 =	stileid.u32  }
0x14b: {  	s1 =	rddreg [dreg:$0x1];
	p0 =	sne.s32 s2, $0x0  }
0x14c: {  	s3 =	rddreg [dreg:$0x2];
	[bflag:$0x3] =	sbarrier.arrive $0xFFFF;
	s2 =	simm.s32 @!p0 $0x1C04  }
0x14d: {  	[timem:s3], [sflag:s2] =	dma.local @!p0 [hbm:s0], s1  }
0x14e: {  	s0 =	simm.s32 @!p0 $0x4  }
0x14f: {  	_ =	swait.ge @!p0 [sflag:s0], s1  }
0x150: {  	s1 =	ssub.s32 @!p0 $0x0, s1;
	[sflag:s0] =	ssyncset.done @!p0 $0x0  }
0x151: {  	[sflag:s0] =	ssyncadd.s32 @!p0 s1  }
0x152: {  	[bflag:$0x3] =	sbarrier.arrive $0xFFFF  }
0x153: {  	_ =	shalt  }

// kernel: kernel.16.cloned.1.call-start
scs
__scs_entry_jumppad:
0x0: {  	(pc) =	sbr.rel $0x88, $3  }
0x1: {  	(tag) =	ssettag $0x0;
	lr =	simm.s32 $0x1  }
0x2: {  	[smem:$0x3F95] =	sst lr;
	_ =	strace $0xD0000000  }
0x3: {  	_ = 	snop  }
0x4: {  	_ = 	snop  }
0x5: {  	_ = 	snop  }
0x6: {  	_ = 	snop  }
0x7: {  	_ = 	snop  }
__scs_overlays_trampoline_lowered:
0x8: {  	[smem:$0x3FA4] =	sst s0  }
0x9: {  	[smem:$0x3FA5] =	sst s1  }
0xa: {  	[smem:$0x3FA6] =	sst s2  }
0xb: {  	[smem:$0x3FA7] =	sst s3  }
0xc: {  	[smem:$0x3FA8] =	sst s4  }
0xd: {  	[smem:$0x3FA9] =	sst s5  }
0xe: {  	[smem:$0x3FAA] =	sst s6  }
0xf: {  	[smem:$0x3FAB] =	sst s7  }
0x10: {  	[smem:$0x3FAC] =	sst s8  }
0x11: {  	[smem:$0x3FAD] =	sst s9;
	s0 =	simm.s32 @!p0 $0x0  }
0x12: {  	s1 =	sld [smem:$0x3F93];
	s0 =	simm.s32 @p0 $0x1  }
0x13: {  	[smem:$0x3FAE] =	sst s0;
	s0 =	simm.s32 @!p1 $0x0  }
0x14: {  	s2 =	sld [smem:$0x3F92];
	s0 =	simm.s32 @p1 $0x1  }
0x15: {  	[smem:$0x3FAF] =	sst s0;
	s0 =	simm.s32 @!p2 $0x0  }
0x16: {  	s3 =	sld [smem:$0x3FDB];
	s0 =	simm.s32 @p2 $0x1  }
0x17: {  	s4 =	simm.s32 $0x1BF5;
	[smem:$0x3FB1] =	sst s0  }
0x18: {  	s0 =	sld [smem:$0x3F94];
	_ =	swait.ge [sflag:s4], $0x0  }
0x19: {  	s7 =	sld [smem:$0x3F95]  }
0x1a: {  	s8 =	sadd.s32 $0xFFFFE003, lr  }
0x1b: {  	s9 =	sadd.s32 $0xFFFFFEF7, lr;
	s5 =	simm.s32 $0xFFFFFFFF;
	p2 =	slt.u32 s8, $0xFFFFF086  }
0x1c: {  	p1 =	slt.u32 s9, $0xF7A;
	s5 =	simm.s32 @!p2 $0x0  }
0x1d: {  	s5 =	simm.s32 @p1 $0x1;
	p0 =	seq.s32 s7, s2  }
0x1e: {  	s7 =	smul.u32 @!p0 $0xF7A, s2;
	p2 =	seq.s32 @!p0 s5, $0x0  }
0x1f: {  	s9 =	smul.u32 $0xF7A, s1;
	s8 =	simm.s32 @!p0 $0x1BF5;
	p2 =	por !p2, p0  }
0x20: {  	[sflag:s8] =	ssyncset.s32 @!p0 $0xFFFFF086;
	s6 =	sadd.s32 @!p0 s3, s7;
	s7 =	simm.s32 @!p0 $0x108  }
0x21: {  	s3 =	sadd.s32 s3, s9;
	s6 =	sadd.s32 @!p0 $0x88, s6;
	s7 =	simm.s32 @p2 $0x1082  }
0x22: {  	[simem:s7], [sflag:s8] =	dma.local @!p0 [hbm:s6], $0xF7A  }
0x23: {  	s9 =	sor.u32 $0xD0000000, s2;
	s6 =	simm.s32 $0x108;
	_ =	swait.ge @!p0 [sflag:s8], $0x0  }
0x24: {  	s3 =	sadd.s32 $0x88, s3;
	s6 =	simm.s32 @!p1 $0x1082;
	[sflag:s4] =	ssyncset.s32 $0xFFFFF086  }
0x25: {  	[simem:s6], [sflag:s4] =	dma.local [hbm:s3], $0xF7A  }
0x26: {  	[smem:$0x3F95] =	sst s1;
	(tag) =	ssettag s2;
	_ =	strace s9  }
0x27: {  	s1 =	sld [smem:$0x3FA5]  }
0x28: {  	s2 =	sld [smem:$0x3FA6]  }
0x29: {  	s4 =	sld [smem:$0x3FA8]  }
0x2a: {  	p0 =	seq.s32 s5, $0x0;
	s5 =	sld [smem:$0x3FA9]  }
0x2b: {  	s6 =	sld [smem:$0x3FAA]  }
0x2c: {  	s7 =	sld [smem:$0x3FAB]  }
0x2d: {  	s3 =	simm.s32 $0x108;
	s8 =	sld [smem:$0x3FAC]  }
0x2e: {  	s3 =	simm.s32 @!p0 $0x1082;
	s9 =	sld [smem:$0x3FAD]  }
0x2f: {  	lr =	sadd.s32 s0, s3;
	s0 =	sld [smem:$0x3FA4]  }
0x30: {  	s3 =	sld [smem:$0x3FA7]  }
0x31: {  	[smem:$0x3FB0] =	sst s10  }
0x32: {  	s10 =	sld [smem:$0x3FAE];
	_ =	sdelay $0x3  }
0x33: {  	p0 =	seq.s32 s10, $0x1;
	s10 =	sld [smem:$0x3FB0];
	_ =	sdelay $0x3  }
0x34: {  	[smem:$0x3FB0] =	sst s10  }
0x35: {  	s10 =	sld [smem:$0x3FAF];
	_ =	sdelay $0x3  }
0x36: {  	p1 =	seq.s32 s10, $0x1;
	s10 =	sld [smem:$0x3FB0];
	_ =	sdelay $0x3  }
0x37: {  	[smem:$0x3FB0] =	sst s10  }
0x38: {  	s10 =	sld [smem:$0x3FB1]  }
0x39: {  	_ = 	snop;
	(pc) =	sbr.ind lr, $3  }
0x3a: {  	_ = 	snop  }
0x3b: {  	_ = 	snop  }
0x3c: {  	p2 =	seq.s32 s10, $0x1;
	s10 =	sld [smem:$0x3FB0]  }
0x3d: {  	_ =	shalt  }
0x3e: {  	_ =	shalt  }
0x3f: {  	_ =	shalt  }
0x40: {  	_ =	shalt  }
0x41: {  	_ =	shalt  }
0x42: {  	_ =	shalt  }
0x43: {  	_ =	shalt  }
0x44: {  	_ =	shalt  }
0x45: {  	_ =	shalt  }
0x46: {  	_ =	shalt  }
0x47: {  	_ =	shalt  }
0x48: {  	_ =	shalt  }
0x49: {  	_ =	shalt  }
0x4a: {  	_ =	shalt  }
0x4b: {  	_ =	shalt  }
0x4c: {  	_ =	shalt  }
0x4d: {  	_ =	shalt  }
0x4e: {  	_ =	shalt  }
0x4f: {  	_ =	shalt  }
0x50: {  	_ =	shalt  }
0x51: {  	_ =	shalt  }
0x52: {  	_ =	shalt  }
0x53: {  	_ =	shalt  }
0x54: {  	_ =	shalt  }
0x55: {  	_ =	shalt  }
0x56: {  	_ =	shalt  }
0x57: {  	_ =	shalt  }
0x58: {  	_ =	shalt  }
0x59: {  	_ =	shalt  }
0x5a: {  	_ =	shalt  }
0x5b: {  	_ =	shalt  }
0x5c: {  	_ =	shalt  }
0x5d: {  	_ =	shalt  }
0x5e: {  	_ =	shalt  }
0x5f: {  	_ =	shalt  }
0x60: {  	_ =	shalt  }
0x61: {  	_ =	shalt  }
0x62: {  	_ =	shalt  }
0x63: {  	_ =	shalt  }
0x64: {  	_ =	shalt  }
0x65: {  	_ =	shalt  }
0x66: {  	_ =	shalt  }
0x67: {  	_ =	shalt  }
0x68: {  	_ =	shalt  }
0x69: {  	_ =	shalt  }
0x6a: {  	_ =	shalt  }
0x6b: {  	_ =	shalt  }
0x6c: {  	_ =	shalt  }
0x6d: {  	_ =	shalt  }
0x6e: {  	_ =	shalt  }
0x6f: {  	_ =	shalt  }
0x70: {  	_ =	shalt  }
0x71: {  	_ =	shalt  }
0x72: {  	_ =	shalt  }
0x73: {  	_ =	shalt  }
0x74: {  	_ =	shalt  }
0x75: {  	_ =	shalt  }
0x76: {  	_ =	shalt  }
0x77: {  	_ =	shalt  }
0x78: {  	_ =	shalt  }
0x79: {  	_ =	shalt  }
0x7a: {  	_ =	shalt  }
0x7b: {  	_ =	shalt  }
0x7c: {  	_ =	shalt  }
0x7d: {  	_ =	shalt  }
0x7e: {  	_ =	shalt  }
0x7f: {  	_ =	shalt  }
0x80: {  	_ =	shalt  }
0x81: {  	_ =	shalt  }
0x82: {  	_ =	shalt  }
0x83: {  	_ =	shalt  }
0x84: {  	_ =	shalt  }
0x85: {  	_ =	shalt  }
0x86: {  	_ =	shalt  }
0x87: {  	_ =	shalt  }
.Lfunc_end0:
.L_simem_size_0:
called_computation.2_lowered:
.L_overlay_start_0:
0x88: {  	s2 =	sld [smem:$0x3FD9]  }
0x89: {  	s3 =	sld [smem:$0x3FFE];
	_ =	sdelay $0x1  }
0x8a: {  	s1 =	srdreg.scid  }
0x8b: {  	s0 =	sand.u32 $0x1, s1  }
0x8c: {  	s17 =	sshll.u32 s0, $0xA;
	s2 =	sadd.s32 s3, s2  }
0x8d: {  	s2 =	sadd.s32 s2, s17  }
0x8e: {  	[smem:$0x3FBC] =	sst s2  }
0x8f: {  	_ = 	snop  }
0x90: {  	s2 =	sld [smem:$0x3FD0];
	(tm) =	ssettm $0x1  }
0x91: {  	s18 =	sld [smem:$0x3FFB];
	_ =	sdelay $0x3  }
0x92: {  	_ =	strace s18  }
0x93: {  	s3 =	sld [smem:$0x3FFC];
	_ =	sdelay $0x3  }
0x94: {  	_ =	strace s3  }
0x95: {  	s3 =	sld [smem:$0x3FFD];
	_ =	sdelay $0x3  }
0x96: {  	_ =	strace s3  }
0x97: {  	_ =	strace $0x8FFFFFFF  }
0x98: {  	s19 =	sld [smem:$0x3FDB];
	_ =	sdelay $0x1  }
0x99: {  	s4 =	simm.s32 $_scs_section_size  }
0x9a: {  	s5 =	simm.s32 $_size__tile_overlayer_lowered;
	s6 =	simm.s32 $_tile_overlayer_lowered  }
0x9b: {  	s22 =	simm.s32 $0x1BFF;
	s21 =	sshll.u32 s6, $0x1;
	s3 =	sadd.s32 s4, s19  }
0x9c: {  	s7 =	simm.s32 $0x0;
	s20 =	sshll.u32 s5, $0x1;
	s5 =	sadd.s32 s21, s3  }
0x9d: {  	[timem:s7], [sflag:s22] =	dma.local [hbm:s5], s20  }
0x9e: {  	_ =	swait.ge [sflag:s22], s20  }
0x9f: {  	s4 =	ssub.s32 $0x0, s20;
	[sflag:s22] =	ssyncset.done $0x0  }
0xa0: {  	[sflag:s22] =	ssyncadd.s32 s4;
	_ =	sdelay $0x1  }
0xa1: {  	s23 =	simm.s32 $0x1B8B  }
0xa2: {  	_ =	swait.ge [sflag:s23], $0x1  }
0xa3: {  	[sflag:s23] =	ssyncset.done $0x0  }
0xa4: {  	s25 =	simm.s32 $0x1B8E;
	s24 =	sld [smem:$0x3FFE];
	[sflag:s23] =	ssyncadd.s32 $0xFFFFFFFF  }
0xa5: {  	s26 =	simm.s32 $execute0_lowered;
	[smem:$0x3FD2] =	sst s25  }
0xa6: {  	s5 =	sshll.u32 s26, $0x1;
	_ =	strace $0x8000004C;
	[dreg:$0x1] =	wrdreg $0xFFFFFFFF  }
0xa7: {  	s28 =	simm.s32 $_size_execute0_lowered;
	s3 =	sadd.s32 s3, s5;
	[dreg:$0x0] =	wrdreg $0x0  }
0xa8: {  	s5 =	sshll.u32 s28, $0x1;
	[dreg:$0x2] =	wrdreg s3  }
0xa9: {  	[dreg:$0x3] =	wrdreg s5  }
0xaa: {  	[dreg:$0x4] =	wrdreg $0xC0  }
0xab: {  	_ =	task [dreg:s7], $0x5FFFF  }
0xac: {  	[dreg:$0x1] =	wrdreg $0xFFFFFFFF  }
0xad: {  	[dreg:$0x0] =	wrdreg $0x60  }
0xae: {  	[dreg:$0x2] =	wrdreg s24  }
0xaf: {  	[dreg:$0x3] =	wrdreg s2  }
0xb0: {  	[dreg:$0x4] =	wrdreg $0xE3C00  }
0xb1: {  	[dreg:$0x5] =	wrdreg $0x131E00  }
0xb2: {  	[dreg:$0x6] =	wrdreg $0x9  }
0xb3: {  	_ =	task.clear_ibuf [dreg:s7], $0x7FFFF;
	_ =	strace $0x9000004C  }
0xb4: {  	s29 =	simm.s32 $0x9;
	_ =	strace $0x8000004E  }
0xb5: {  	_ =	swait.ge [sflag:s29], $0x1  }
0xb6: {  	[sflag:s29] =	ssyncadd.s32 $0xFFFFFFFF  }
0xb7: {  	_ =	strace $0x9000004E  }
0xb8: {  	_ =	sfence  }
0xb9: {  	s30 =	sld [smem:$0x0];
	_ =	sdelay $0x2  }
0xba: {  	s31 =	sshll.u32 s1, $0xD;
	s1 =	sshrl.u32 s1, $0x2  }
0xbb: {  	s3 =	sand.u32 $0x4000, s31;
	s1 =	sadd.s32 s1, s30  }
0xbc: {  	s0 =	sor.u32 s3, s0;
	s1 =	sshll.u32 s1, $0x11  }
0xbd: {  	s0 =	sor.u32 s1, s0  }
0xbe: {  	s0 =	sadd.s32 $0x8F2B, s0  }
0xbf: {  	[sflag:s0] =	ssyncadd.remote.s32 $0x1  }
0xc0: {  	_ =	sfence.sel $0xFFFF  }
0xc1: {  	[dreg:$0x0] =	wrdreg $0xFFFFFFFF;
	(pc) =	sbr.abs _section_cstart, $3  }
0xc2: {  	[dreg:$0x1] =	wrdreg $0xFFFFFFFF  }
0xc3: {  	_ =	task.clear_ibuf [dreg:s7], $0x2FFFF;
	_ =	strace $0x9FFFFFFF  }
0xc4: {  	(tm) =	ssettm $0x7FFFFFFF  }
0xc5: {  	_ =	shalt  }
tec
execute0_lowered:
.L_overlay_start_1:
0x0: {  	(tag) =	ssettag $0x1  }
0x1: {  	s0 =	rddreg [dreg:$0x0]  }
0x2: {  	s2 =	rddreg [dreg:$0x1]  }
0x3: {  	s1 =	rddreg [dreg:$0x2];
	s11 =	stileid.u32  }
0x4: {  	s5 =	srdreg.scid;
	s3 =	rddreg [dreg:$0x3]  }
0x5: {  	s7 =	simm.s32 $0x0;
	s16 =	simm.s32 $0x4;
	s4 =	smul.u32 $0x500, s11  }
0x6: {  	s18 =	simm.s32 $0xD000;
	s28 =	simm.s32 $0xA000;
	s9 =	smul.u32 $0x4F00, s11  }
0x7: {  	s29 =	simm.s32 $0xB000;
	s30 =	simm.s32 $0xC000;
	s8 =	smul.u32 $0x4E20, s11  }
0x8: {  	s31 =	simm.s32 $0x1;
	s5 =	sand.u32 $0x1, s5;
	s10 =	smul.u32 $0x13C00, s11  }
0x9: {  	s17 =	simm.s32 $0x0;
	[smem:$0x7FF] =	sst s7;
	s6 =	smul.u32 $0x4F000, s5  }
0xa: {  	s22 =	sshll.u32 s11, $0x6;
	s19 =	smul.u32 $0x4E200, s5;
	s5 =	ssub.s32 $0x2, s5  }
0xb: {  	_ =	strace $0x8000004D;
	s4 =	sadd.s32 s4, s0;
	s20 =	sshrl.u32 s5, $0x1  }
0xc: {  	s15 =	sadd.s32 s8, s1;
	s24 =	sshrl.u32 s10, $0x2;
	s6 =	sadd.s32 s9, s6  }
0xd: {  	s7 =	sadd.s32 s8, s19;
	s5 =	ssub.s32 s5, s20;
	s23 =	sadd.s32 $0x7400, s4  }
0xe: {  	s4 =	sadd.s32 $0x2400, s4;
	s9 =	sadd.s32 s9, s3;
	s15 =	sshrl.u32 s15, $0x3  }
0xf: {  	s19 =	simm.s32 $0x80;
	s20 =	simm.s32 $0x5000;
	[dreg:$0x6] =	wrdreg s23  }
0x10: {  	s6 =	sshrl.u32 s6, $0x3;
	s21 =	sshrl.u32 s7, $0x3;
	[dreg:$0x7] =	wrdreg s4  }
0x11: {  	s14 =	smax.u32 s5, $0x1;
	s23 =	simm.s32 $0x7000;
	s0 =	sadd.s32 s6, s0  }
0x12: {  	s2 =	sadd.s32 s2, s21;
	s6 =	sor.u32 $0x1C04, s22;
	s21 =	simm.s32 $0x6000  }
0x13: {  	[dreg:$0x5] =	wrdreg s2;
	s2 =	sadd.s32 s24, s3;
	s13 =	sadd.s32 $0xC400, s0  }
0x14: {  	s0 =	simm.s32 $0x2;
	s25 =	sadd.s32 $0x13C0, s2;
	s26 =	sadd.s32 $0x2780, s2  }
0x15: {  	s12 =	sadd.s32 $0x3B40, s2;
	s2 =	simm.s32 $0x3;
	[dreg:$0x8] =	wrdreg s25  }
0x16: {  	v0 =	vimm.f32 $0.0e+00;
	[dreg:$0x9] =	wrdreg s26;
	s25 =	simm.s32 $0x8000;
	s26 =	simm.s32 $0x9000  }
.LBB2_1:
0x17: {  	s4 =	rddreg [dreg:$0x5]  }
0x18: {  	[spmem:s15], [sflag:s6] =	dma.local [hbm:s4], $0x9C4  }
0x19: {  	_ =	swait.ge [sflag:s16], $0x9C4  }
0x1a: {  	[sflag:s16] =	ssyncset.done $0x0  }
0x1b: {  	s22 =	simm.s32 $0x0;
	s5 =	rddreg [dreg:$0x6];
	[sflag:s16] =	ssyncadd.s32 $0xFFFFF63C  }
0x1c: {  	[tilespmem:s22], [sflag:$0x4] =	stream.linear.gather [hbm4b:s5+s22], $0x2800, $0x38;
	[tilespmem:$0x180E0] =	vst v63  }
0x1d: {  	_ =	swait.ge [sflag:s16], $0x2800  }
0x1e: {  	[sflag:s16] =	ssyncset.done $0x0  }
0x1f: {  	s7 =	simm.s32 $0x2800;
	s24 =	rddreg [dreg:$0x7];
	[sflag:s16] =	ssyncadd.s32 $0xFFFFD800  }
0x20: {  	[tilespmem:s7], [sflag:$0x4] =	stream.linear.gather [hbm4b:s24+s22], $0x2800, $0x38;
	[tilespmem:$0x180E0] =	vst v63  }
0x21: {  	_ =	swait.ge [sflag:s16], $0x2800  }
0x22: {  	[sflag:s16] =	ssyncset.done $0x0  }
0x23: {  	s4 =	simm.s32 $0x0;
	[sflag:s16] =	ssyncadd.s32 $0xFFFFD800  }
0x24: {  	v7 =	vld [tilespmem:s4+$0x0]  }
0x25: {  	v14 =	vld [tilespmem:s4+$0x10]  }
0x26: {  	v6 =	vld [tilespmem:s4+$0x20]  }
0x27: {  	v5 =	vld [tilespmem:s4+$0x30]  }
0x28: {  	v4 =	vld [tilespmem:s4+$0x40]  }
0x29: {  	v3 =	vld [tilespmem:s4+$0x50]  }
0x2a: {  	v2 =	vld [tilespmem:s4+$0x60]  }
0x2b: {  	v1 =	vld [tilespmem:s4+$0x70]  }
0x2c: {  	v13 =	vld [tilespmem:s4+$0x2800]  }
0x2d: {  	v12 =	vld [tilespmem:s4+$0x2810]  }
0x2e: {  	v11 =	vld [tilespmem:s4+$0x2820]  }
0x2f: {  	v10 =	vld [tilespmem:s4+$0x2830]  }
0x30: {  	v9 =	vld [tilespmem:s4+$0x2840]  }
0x31: {  	v8 =	vld [tilespmem:s4+$0x2850];
	vm0 =	veq.s32 v7, v13  }
0x32: {  	s5 =	simm.s32 $0x200;
	v7 =	vld [tilespmem:s4+$0x2860];
	v13 =	vsel vm0, $0x2710, v13;
	vm0 =	veq.s32 v14, v12  }
.LBB2_2:
0x33: {  	s22 =	sshra.s32 s5, $0x2;
	p0 =	sne.s32 s5, $0x9E00;
	[tilespmem:s4+$0x2800] =	vst v13;
	v12 =	vsel vm0, $0x2710, v12;
	vm0 =	veq.s32 v6, v11;
	v13 =	vld [tilespmem:s4+$0x2870]  }
0x34: {  	v14 =	vld [tilespmem:s22+$0x0];
	[tilespmem:s4+$0x2810] =	vst v12;
	v6 =	vsel vm0, $0x2710, v11;
	vm0 =	veq.s32 v5, v10  }
0x35: {  	v15 =	vld [tilespmem:s22+$0x10];
	[tilespmem:s4+$0x2820] =	vst v6;
	v5 =	vsel vm0, $0x2710, v10;
	vm0 =	veq.s32 v4, v9  }
0x36: {  	v6 =	vld [tilespmem:s22+$0x20];
	[tilespmem:s4+$0x2830] =	vst v5;
	v4 =	vsel vm0, $0x2710, v9;
	vm0 =	veq.s32 v3, v8  }
0x37: {  	v5 =	vld [tilespmem:s22+$0x30];
	[tilespmem:s4+$0x2840] =	vst v4;
	v3 =	vsel vm0, $0x2710, v8;
	vm0 =	veq.s32 v2, v7  }
0x38: {  	v4 =	vld [tilespmem:s22+$0x40];
	[tilespmem:s4+$0x2850] =	vst v3;
	v2 =	vsel vm0, $0x2710, v7;
	vm0 =	veq.s32 v1, v13  }
0x39: {  	v3 =	vld [tilespmem:s22+$0x50];
	[tilespmem:s4+$0x2860] =	vst v2;
	v1 =	vsel vm0, $0x2710, v13  }
0x3a: {  	v2 =	vld [tilespmem:s22+$0x60];
	[tilespmem:s4+$0x2870] =	vst v1;
	s4 =	smov.u32 s22  }
0x3b: {  	v1 =	vld [tilespmem:s4+$0x70]  }
0x3c: {  	v7 =	vld [tilespmem:s4+$0x2800]  }
0x3d: {  	v12 =	vld [tilespmem:s4+$0x2810]  }
.Ltmp0:
0x3e: {  	v11 =	vld [tilespmem:s4+$0x2820];
	(pc) =	sbr.rel @p0 .LBB2_2-.Ltmp0, $4  }
0x3f: {  	v10 =	vld [tilespmem:s4+$0x2830]  }
0x40: {  	v9 =	vld [tilespmem:s4+$0x2840]  }
0x41: {  	vm0 =	veq.s32 v14, v7;
	v8 =	vld [tilespmem:s4+$0x2850]  }
0x42: {  	s5 =	sadd.s32 $0x200, s5;
	v13 =	vsel vm0, $0x2710, v7;
	vm0 =	veq.s32 v15, v12;
	v7 =	vld [tilespmem:s4+$0x2860]  }
0x43: {  	[tilespmem:s4+$0x2800] =	vst v13;
	v12 =	vsel vm0, $0x2710, v12;
	vm10 =	veq.s32 v6, v11;
	v63 =	vld [tilespmem:s4+$0x2870]  }
0x44: {  	[tilespmem:s4+$0x2810] =	vst v12;
	v11 =	vsel vm10, $0x2710, v11;
	vm11 =	veq.s32 v5, v10  }
0x45: {  	[tilespmem:s4+$0x2820] =	vst v11;
	v5 =	vsel vm11, $0x2710, v10;
	vm12 =	veq.s32 v4, v9  }
0x46: {  	[tilespmem:s4+$0x2830] =	vst v5;
	v4 =	vsel vm12, $0x2710, v9;
	vm13 =	veq.s32 v3, v8  }
0x47: {  	[tilespmem:s4+$0x2840] =	vst v4;
	v3 =	vsel vm13, $0x2710, v8;
	vm14 =	veq.s32 v2, v7  }
0x48: {  	[tilespmem:s4+$0x2850] =	vst v3;
	v2 =	vsel vm14, $0x2710, v7;
	vm15 =	veq.s32 v1, v63  }
0x49: {  	[tilespmem:s4+$0x2860] =	vst v2;
	v1 =	vsel vm15, $0x2710, v63  }
0x4a: {  	s5 =	simm.s32 $0x0;
	[tilespmem:s4+$0x2870] =	vst v1;
	s4 =	simm.s32 $0x80  }
.LBB2_4:
0x4b: {  	p0 =	sne.s32 s4, $0x4E80;
	[tilespmem:s5+$0xD000] =	vst v0;
	s22 =	smov.u32 s4;
	s4 =	sadd.s32 $0x80, s4  }
.Ltmp1:
0x4c: {  	[tilespmem:s5+$0xD010] =	vst v0;
	(pc) =	sbr.rel @p0 .LBB2_4-.Ltmp1, $2  }
0x4d: {  	_ =	sdelay $0x2  }
0x4e: {  	s5 =	sshra.s32 s22, $0x2  }
0x4f: {  	[tilespmem:s5+$0xD000] =	vst v0  }
0x50: {  	[tilespmem:s5+$0xD010] =	vst v0  }
0x51: {  	[spmem:s9] =	stream.linear.scatter [tilespmem:s18], [sflag:$0x4], $0x13C0, $0x38;
	[tilespmem:$0x180E0] =	vst v63  }
0x52: {  	_ =	swait.ge [sflag:s16], $0x13C0  }
0x53: {  	[sflag:s16] =	ssyncset.done $0x0  }
0x54: {  	s4 =	rddreg [dreg:$0x8];
	[sflag:s16] =	ssyncadd.s32 $0xFFFFEC40  }
0x55: {  	[spmem:s4] =	stream.linear.scatter [tilespmem:s18], [sflag:$0x4], $0x13C0, $0x38;
	[tilespmem:$0x180E0] =	vst v63  }
0x56: {  	_ =	swait.ge [sflag:s16], $0x13C0  }
0x57: {  	[sflag:s16] =	ssyncset.done $0x0  }
0x58: {  	s22 =	rddreg [dreg:$0x9];
	[sflag:s16] =	ssyncadd.s32 $0xFFFFEC40  }
0x59: {  	[spmem:s22] =	stream.linear.scatter [tilespmem:s18], [sflag:$0x4], $0x13C0, $0x38;
	[tilespmem:$0x180E0] =	vst v63  }
0x5a: {  	_ =	swait.ge [sflag:s16], $0x13C0  }
0x5b: {  	[sflag:s16] =	ssyncset.done $0x0  }
0x5c: {  	[sflag:s16] =	ssyncadd.s32 $0xFFFFEC40  }
0x5d: {  	[spmem:s12] =	stream.linear.scatter [tilespmem:s18], [sflag:$0x4], $0x13C0, $0x38;
	[tilespmem:$0x180E0] =	vst v63  }
0x5e: {  	_ =	swait.ge [sflag:s16], $0x13C0  }
0x5f: {  	[sflag:s16] =	ssyncset.done $0x0  }
0x60: {  	[sflag:s16] =	ssyncadd.s32 $0xFFFFEC40  }
0x61: {  	s24 =	simm.s32 $0x0;
	[bflag:$0x0] =	sbarrier.arrive $0xFFFF  }
0x62: {  	[tilespmem:s20], [sflag:$0x1] =	stream.indirect.gather [spmem:s1], $0x20, s24, s19, $0xb8;
	[tilespmem:$0x180E0] =	vst v63  }
0x63: {  	_ = 	snop  }
0x64: {  	[tilespmem:s21], [sflag:$0x1] =	stream.indirect.gather [spmem:s1], $0x20, s19, s19, $0xb8;
	[tilespmem:$0x180E0] =	vst v63  }
0x65: {  	s5 =	simm.s32 $0x100  }
0x66: {  	[tilespmem:s23], [sflag:$0x1] =	stream.indirect.gather [spmem:s1], $0x20, s5, s19, $0xb8;
	[tilespmem:$0x180E0] =	vst v63  }
0x67: {  	s7 =	simm.s32 $0x180  }
0x68: {  	[tilespmem:s25], [sflag:$0x1] =	stream.indirect.gather [spmem:s1], $0x20, s7, s19, $0xb8;
	[tilespmem:$0x180E0] =	vst v63  }
0x69: {  	s8 =	simm.s32 $0x200  }
0x6a: {  	[tilespmem:s26], [sflag:$0x2] =	stream.indirect.gather [spmem:s1], $0x20, s8, s19, $0xb8;
	[tilespmem:$0x180E0] =	vst v63  }
0x6b: {  	s10 =	simm.s32 $0x280  }
0x6c: {  	[tilespmem:s28], [sflag:$0x2] =	stream.indirect.gather [spmem:s1], $0x20, s10, s19, $0xb8;
	[tilespmem:$0x180E0] =	vst v63  }
0x6d: {  	s11 =	simm.s32 $0x300  }
0x6e: {  	[tilespmem:s29], [sflag:$0x2] =	stream.indirect.gather [spmem:s1], $0x20, s11, s19, $0xb8;
	[tilespmem:$0x180E0] =	vst v63  }
0x6f: {  	s22 =	simm.s32 $0x380  }
0x70: {  	[tilespmem:s30], [sflag:$0x2] =	stream.indirect.gather [spmem:s1], $0x20, s22, s19, $0xb8;
	[tilespmem:$0x180E0] =	vst v63  }
0x71: {  	_ =	swait.ge [sflag:s31], $0x1000  }
0x72: {  	[sflag:s31] =	ssyncset.done $0x0  }
0x73: {  	s24 =	simm.s32 $0x2800;
	[sflag:s31] =	ssyncadd.s32 $0xFFFFF000  }
0x74: {  	[spmem:s3] =	stream.indirect.scatter.add.f32 [tilespmem:s20], [sflag:$0x3], $0x20, s24, s19, $0xb8;
	[tilespmem:$0x180E0] =	vst v63  }
0x75: {  	_ =	swait.ge [sflag:s31], $0x1000  }
0x76: {  	[sflag:s31] =	ssyncset.done $0x0  }
0x77: {  	s5 =	simm.s32 $0x2880;
	[sflag:s31] =	ssyncadd.s32 $0xFFFFF000  }
0x78: {  	[spmem:s3] =	stream.indirect.scatter.add.f32 [tilespmem:s21], [sflag:$0x3], $0x20, s5, s19, $0xb8;
	[tilespmem:$0x180E0] =	vst v63  }
0x79: {  	_ =	swait.ge [sflag:s31], $0x1000  }
0x7a: {  	[sflag:s31] =	ssyncset.done $0x0  }
0x7b: {  	s7 =	simm.s32 $0x2900;
	[sflag:s31] =	ssyncadd.s32 $0xFFFFF000  }
0x7c: {  	[spmem:s3] =	stream.indirect.scatter.add.f32 [tilespmem:s23], [sflag:$0x3], $0x20, s7, s19, $0xb8;
	[tilespmem:$0x180E0] =	vst v63  }
0x7d: {  	_ =	swait.ge [sflag:s31], $0x1000  }
0x7e: {  	[sflag:s31] =	ssyncset.done $0x0  }
0x7f: {  	s8 =	simm.s32 $0x2980;
	[sflag:s31] =	ssyncadd.s32 $0xFFFFF000  }
0x80: {  	[spmem:s3] =	stream.indirect.scatter.add.f32 [tilespmem:s25], [sflag:$0x3], $0x20, s8, s19, $0xb8;
	[tilespmem:$0x180E0] =	vst v63  }
0x81: {  	_ =	swait.ge [sflag:s2], $0x1000  }
0x82: {  	[sflag:s2] =	ssyncset.done $0x0  }
0x83: {  	[sflag:s2] =	ssyncadd.s32 $0xFFFFF000  }
0x84: {  	_ =	swait.ge [sflag:s2], $0x1000  }
0x85: {  	[sflag:s2] =	ssyncset.done $0x0  }
0x86: {  	[sflag:s2] =	ssyncadd.s32 $0xFFFFF000  }
0x87: {  	_ =	swait.ge [sflag:s2], $0x1000  }
0x88: {  	[sflag:s2] =	ssyncset.done $0x0  }
0x89: {  	[sflag:s2] =	ssyncadd.s32 $0xFFFFF000  }
0x8a: {  	p0 =	por $0x0, $0x0;
	_ =	swait.ge [sflag:s2], $0x1000  }
0x8b: {  	s4 =	simm.s32 @!p0 $0x5000;
	[sflag:s2] =	ssyncset.done $0x0  }
0x8c: {  	s22 =	simm.s32 @!p0 $0x80;
	s5 =	simm.s32 @!p0 $0x400;
	[sflag:s2] =	ssyncadd.s32 $0xFFFFF000  }
0x8d: {  	[tilespmem:s4], [sflag:$0x1] =	stream.indirect.gather @!p0 [spmem:s1], $0x20, s5, s22, $0xb8;
	[tilespmem:$0x180E0] =	vst v63  }
0x8e: {  	s4 =	simm.s32 @!p0 $0x480;
	s5 =	simm.s32 @!p0 $0x6000  }
0x8f: {  	[tilespmem:s5], [sflag:$0x1] =	stream.indirect.gather @!p0 [spmem:s1], $0x20, s4, s22, $0xb8;
	[tilespmem:$0x180E0] =	vst v63  }
0x90: {  	s4 =	simm.s32 @!p0 $0x500;
	s5 =	simm.s32 @!p0 $0x7000  }
0x91: {  	[tilespmem:s5], [sflag:$0x1] =	stream.indirect.gather @!p0 [spmem:s1], $0x20, s4, s22, $0xb8;
	[tilespmem:$0x180E0] =	vst v63  }
0x92: {  	s4 =	simm.s32 @!p0 $0x580;
	s5 =	simm.s32 @!p0 $0x8000  }
0x93: {  	[tilespmem:s5], [sflag:$0x1] =	stream.indirect.gather @!p0 [spmem:s1], $0x20, s4, s22, $0xb8;
	[tilespmem:$0x180E0] =	vst v63  }
0x94: {  	_ =	swait.ge [sflag:s0], $0x1000  }
0x95: {  	[sflag:s0] =	ssyncset.done $0x0  }
0x96: {  	s10 =	simm.s32 $0x2A00;
	[sflag:s0] =	ssyncadd.s32 $0xFFFFF000  }
0x97: {  	[spmem:s3] =	stream.indirect.scatter.add.f32 [tilespmem:s26], [sflag:$0x3], $0x20, s10, s19, $0xb8;
	[tilespmem:$0x180E0] =	vst v63  }
0x98: {  	_ =	swait.ge [sflag:s0], $0x1000  }
0x99: {  	[sflag:s0] =	ssyncset.done $0x0  }
0x9a: {  	s11 =	simm.s32 $0x2A80;
	[sflag:s0] =	ssyncadd.s32 $0xFFFFF000  }
0x9b: {  	[spmem:s3] =	stream.indirect.scatter.add.f32 [tilespmem:s28], [sflag:$0x3], $0x20, s11, s19, $0xb8;
	[tilespmem:$0x180E0] =	vst v63  }
0x9c: {  	_ =	swait.ge [sflag:s0], $0x1000  }
0x9d: {  	[sflag:s0] =	ssyncset.done $0x0  }
0x9e: {  	s22 =	simm.s32 $0x2B00;
	[sflag:s0] =	ssyncadd.s32 $0xFFFFF000  }
0x9f: {  	[spmem:s3] =	stream.indirect.scatter.add.f32 [tilespmem:s29], [sflag:$0x3], $0x20, s22, s19, $0xb8;
	[tilespmem:$0x180E0] =	vst v63  }
0xa0: {  	_ =	swait.ge [sflag:s0], $0x1000  }
0xa1: {  	[sflag:s0] =	ssyncset.done $0x0  }
0xa2: {  	s24 =	simm.s32 $0x2B80;
	[sflag:s0] =	ssyncadd.s32 $0xFFFFF000  }
0xa3: {  	[spmem:s3] =	stream.indirect.scatter.add.f32 [tilespmem:s30], [sflag:$0x3], $0x20, s24, s19, $0xb8;
	[tilespmem:$0x180E0] =	vst v63  }
0xa4: {  	_ =	swait.ge [sflag:s2], $0x1000  }
0xa5: {  	[sflag:s2] =	ssyncset.done $0x0  }
0xa6: {  	[sflag:s2] =	ssyncadd.s32 $0xFFFFF000  }
0xa7: {  	_ =	swait.ge [sflag:s2], $0x1000  }
0xa8: {  	[sflag:s2] =	ssyncset.done $0x0  }
0xa9: {  	[sflag:s2] =	ssyncadd.s32 $0xFFFFF000  }
0xaa: {  	_ =	swait.ge [sflag:s2], $0x1000  }
0xab: {  	[sflag:s2] =	ssyncset.done $0x0  }
0xac: {  	[sflag:s2] =	ssyncadd.s32 $0xFFFFF000  }
0xad: {  	s4 =	simm.s32 $0x2000;
	_ =	swait.ge [sflag:s2], $0x1000  }
0xae: {  	s22 =	simm.s32 $0x400;
	s24 =	simm.s32 $0x1000;
	[sflag:s2] =	ssyncset.done $0x0  }
.LBB2_6:
0xaf: {  	s7 =	sadd.s32 $0x200, s22  }
0xb0: {  	[sflag:s2] =	ssyncadd.s32 $0xFFFFF000;
	s5 =	smov.u32 s4;
	s4 =	sadd.s32 $0x1000, s4  }
0xb1: {  	[tilespmem:s26], [sflag:$0x2] =	stream.indirect.gather [spmem:s1], $0x20, s7, s19, $0xb8;
	[tilespmem:$0x180E0] =	vst v63  }
0xb2: {  	p0 =	sne.s32 s4, $0xA000;
	s7 =	sadd.s32 $0x280, s22  }
0xb3: {  	[tilespmem:s28], [sflag:$0x2] =	stream.indirect.gather [spmem:s1], $0x20, s7, s19, $0xb8;
	[tilespmem:$0x180E0] =	vst v63  }
0xb4: {  	s7 =	sadd.s32 $0x300, s22  }
0xb5: {  	[tilespmem:s29], [sflag:$0x2] =	stream.indirect.gather [spmem:s1], $0x20, s7, s19, $0xb8;
	[tilespmem:$0x180E0] =	vst v63  }
0xb6: {  	s7 =	sadd.s32 $0x380, s22  }
0xb7: {  	[tilespmem:s30], [sflag:$0x2] =	stream.indirect.gather [spmem:s1], $0x20, s7, s19, $0xb8;
	[tilespmem:$0x180E0] =	vst v63  }
0xb8: {  	_ =	swait.ge [sflag:s31], $0x1000  }
0xb9: {  	[sflag:s31] =	ssyncset.done $0x0  }
0xba: {  	s7 =	sadd.s32 $0x2800, s22;
	[sflag:s31] =	ssyncadd.s32 $0xFFFFF000  }
0xbb: {  	[spmem:s3] =	stream.indirect.scatter.add.f32 [tilespmem:s20], [sflag:$0x3], $0x20, s7, s19, $0xb8;
	[tilespmem:$0x180E0] =	vst v63  }
0xbc: {  	_ =	swait.ge [sflag:s31], $0x1000  }
0xbd: {  	[sflag:s31] =	ssyncset.done $0x0  }
0xbe: {  	s7 =	sadd.s32 $0x2880, s22;
	[sflag:s31] =	ssyncadd.s32 $0xFFFFF000  }
0xbf: {  	[spmem:s3] =	stream.indirect.scatter.add.f32 [tilespmem:s21], [sflag:$0x3], $0x20, s7, s19, $0xb8;
	[tilespmem:$0x180E0] =	vst v63  }
0xc0: {  	_ =	swait.ge [sflag:s31], $0x1000  }
0xc1: {  	[sflag:s31] =	ssyncset.done $0x0  }
0xc2: {  	s7 =	sadd.s32 $0x2900, s22;
	[sflag:s31] =	ssyncadd.s32 $0xFFFFF000  }
0xc3: {  	[spmem:s3] =	stream.indirect.scatter.add.f32 [tilespmem:s23], [sflag:$0x3], $0x20, s7, s19, $0xb8;
	[tilespmem:$0x180E0] =	vst v63  }
0xc4: {  	_ =	swait.ge [sflag:s31], $0x1000  }
0xc5: {  	[sflag:s31] =	ssyncset.done $0x0  }
0xc6: {  	s7 =	sadd.s32 $0x2980, s22;
	[sflag:s31] =	ssyncadd.s32 $0xFFFFF000  }
0xc7: {  	[spmem:s3] =	stream.indirect.scatter.add.f32 [tilespmem:s25], [sflag:$0x3], $0x20, s7, s19, $0xb8;
	[tilespmem:$0x180E0] =	vst v63  }
0xc8: {  	_ =	swait.ge [sflag:s2], $0x1000  }
0xc9: {  	[sflag:s2] =	ssyncset.done $0x0  }
0xca: {  	[sflag:s2] =	ssyncadd.s32 $0xFFFFF000  }
0xcb: {  	_ =	swait.ge [sflag:s2], $0x1000  }
0xcc: {  	[sflag:s2] =	ssyncset.done $0x0  }
0xcd: {  	[sflag:s2] =	ssyncadd.s32 $0xFFFFF000  }
0xce: {  	_ =	swait.ge [sflag:s2], $0x1000  }
0xcf: {  	[sflag:s2] =	ssyncset.done $0x0  }
0xd0: {  	[sflag:s2] =	ssyncadd.s32 $0xFFFFF000  }
0xd1: {  	p1 =	seq.s32 s24, $0x9000;
	_ =	swait.ge [sflag:s2], $0x1000  }
0xd2: {  	s7 =	sshra.s32 @!p1 s24, $0x2;
	s24 =	simm.s32 @!p1 $0x5000;
	[sflag:s2] =	ssyncset.done $0x0  }
0xd3: {  	s10 =	simm.s32 @!p1 $0x80;
	s8 =	sadd.s32 @!p1 $0x400, s7;
	[sflag:s2] =	ssyncadd.s32 $0xFFFFF000  }
0xd4: {  	[tilespmem:s24], [sflag:$0x1] =	stream.indirect.gather @!p1 [spmem:s1], $0x20, s8, s10, $0xb8;
	[tilespmem:$0x180E0] =	vst v63  }
0xd5: {  	s11 =	sadd.s32 @!p1 $0x500, s7;
	s8 =	sadd.s32 @!p1 $0x480, s7;
	s24 =	simm.s32 @!p1 $0x6000  }
0xd6: {  	[tilespmem:s24], [sflag:$0x1] =	stream.indirect.gather @!p1 [spmem:s1], $0x20, s8, s10, $0xb8;
	[tilespmem:$0x180E0] =	vst v63  }
0xd7: {  	s7 =	sadd.s32 @!p1 $0x580, s7;
	s8 =	simm.s32 @!p1 $0x7000;
	s24 =	smov.u32 s5  }
0xd8: {  	[tilespmem:s8], [sflag:$0x1] =	stream.indirect.gather @!p1 [spmem:s1], $0x20, s11, s10, $0xb8;
	[tilespmem:$0x180E0] =	vst v63  }
0xd9: {  	s5 =	simm.s32 @!p1 $0x8000  }
0xda: {  	[tilespmem:s5], [sflag:$0x1] =	stream.indirect.gather @!p1 [spmem:s1], $0x20, s7, s10, $0xb8;
	[tilespmem:$0x180E0] =	vst v63  }
0xdb: {  	_ =	swait.ge [sflag:s0], $0x1000  }
0xdc: {  	[sflag:s0] =	ssyncset.done $0x0  }
0xdd: {  	s5 =	sadd.s32 $0x2A00, s22;
	[sflag:s0] =	ssyncadd.s32 $0xFFFFF000  }
0xde: {  	[spmem:s3] =	stream.indirect.scatter.add.f32 [tilespmem:s26], [sflag:$0x3], $0x20, s5, s19, $0xb8;
	[tilespmem:$0x180E0] =	vst v63  }
0xdf: {  	_ =	swait.ge [sflag:s0], $0x1000  }
0xe0: {  	[sflag:s0] =	ssyncset.done $0x0  }
0xe1: {  	s5 =	sadd.s32 $0x2A80, s22;
	[sflag:s0] =	ssyncadd.s32 $0xFFFFF000  }
0xe2: {  	[spmem:s3] =	stream.indirect.scatter.add.f32 [tilespmem:s28], [sflag:$0x3], $0x20, s5, s19, $0xb8;
	[tilespmem:$0x180E0] =	vst v63  }
0xe3: {  	_ =	swait.ge [sflag:s0], $0x1000  }
0xe4: {  	[sflag:s0] =	ssyncset.done $0x0  }
0xe5: {  	s5 =	sadd.s32 $0x2B00, s22;
	[sflag:s0] =	ssyncadd.s32 $0xFFFFF000  }
0xe6: {  	[spmem:s3] =	stream.indirect.scatter.add.f32 [tilespmem:s29], [sflag:$0x3], $0x20, s5, s19, $0xb8;
	[tilespmem:$0x180E0] =	vst v63  }
0xe7: {  	_ =	swait.ge [sflag:s0], $0x1000  }
0xe8: {  	[sflag:s0] =	ssyncset.done $0x0  }
0xe9: {  	s5 =	sadd.s32 $0x2B80, s22;
	[sflag:s0] =	ssyncadd.s32 $0xFFFFF000  }
0xea: {  	[spmem:s3] =	stream.indirect.scatter.add.f32 [tilespmem:s30], [sflag:$0x3], $0x20, s5, s19, $0xb8;
	[tilespmem:$0x180E0] =	vst v63  }
0xeb: {  	_ =	swait.ge [sflag:s2], $0x1000  }
0xec: {  	[sflag:s2] =	ssyncset.done $0x0  }
0xed: {  	[sflag:s2] =	ssyncadd.s32 $0xFFFFF000  }
0xee: {  	_ =	swait.ge [sflag:s2], $0x1000  }
0xef: {  	[sflag:s2] =	ssyncset.done $0x0  }
0xf0: {  	[sflag:s2] =	ssyncadd.s32 $0xFFFFF000  }
.Ltmp2:
0xf1: {  	_ =	swait.ge [sflag:s2], $0x1000;
	(pc) =	sbr.rel @p0 .LBB2_6-.Ltmp2, $4  }
0xf2: {  	[sflag:s2] =	ssyncset.done $0x0  }
0xf3: {  	[sflag:s2] =	ssyncadd.s32 $0xFFFFF000  }
0xf4: {  	_ =	swait.ge [sflag:s2], $0x1000  }
0xf5: {  	s22 =	sshra.s32 s24, $0x2;
	[sflag:s2] =	ssyncset.done $0x0  }
0xf6: {  	s4 =	sadd.s32 $0x200, s22;
	[sflag:s2] =	ssyncadd.s32 $0xFFFFF000  }
0xf7: {  	[tilespmem:s26], [sflag:$0x2] =	stream.indirect.gather [spmem:s1], $0x20, s4, s19, $0xb8;
	[tilespmem:$0x180E0] =	vst v63  }
0xf8: {  	s5 =	sadd.s32 $0x280, s22  }
0xf9: {  	[tilespmem:s28], [sflag:$0x2] =	stream.indirect.gather [spmem:s1], $0x20, s5, s19, $0xb8;
	[tilespmem:$0x180E0] =	vst v63  }
0xfa: {  	s7 =	sadd.s32 $0x300, s22  }
0xfb: {  	[tilespmem:s29], [sflag:$0x2] =	stream.indirect.gather [spmem:s1], $0x20, s7, s19, $0xb8;
	[tilespmem:$0x180E0] =	vst v63  }
0xfc: {  	s8 =	sadd.s32 $0x380, s22  }
0xfd: {  	[tilespmem:s30], [sflag:$0x2] =	stream.indirect.gather [spmem:s1], $0x20, s8, s19, $0xb8;
	[tilespmem:$0x180E0] =	vst v63  }
0xfe: {  	_ =	swait.ge [sflag:s31], $0x1000  }
0xff: {  	[sflag:s31] =	ssyncset.done $0x0  }
0x100: {  	s10 =	sadd.s32 $0x2800, s22;
	[sflag:s31] =	ssyncadd.s32 $0xFFFFF000  }
0x101: {  	[spmem:s3] =	stream.indirect.scatter.add.f32 [tilespmem:s20], [sflag:$0x3], $0x20, s10, s19, $0xb8;
	[tilespmem:$0x180E0] =	vst v63  }
0x102: {  	_ =	swait.ge [sflag:s31], $0x1000  }
0x103: {  	[sflag:s31] =	ssyncset.done $0x0  }
0x104: {  	s11 =	sadd.s32 $0x2880, s22;
	[sflag:s31] =	ssyncadd.s32 $0xFFFFF000  }
0x105: {  	[spmem:s3] =	stream.indirect.scatter.add.f32 [tilespmem:s21], [sflag:$0x3], $0x20, s11, s19, $0xb8;
	[tilespmem:$0x180E0] =	vst v63  }
0x106: {  	_ =	swait.ge [sflag:s31], $0x1000  }
0x107: {  	[sflag:s31] =	ssyncset.done $0x0  }
0x108: {  	s5 =	sadd.s32 $0x2900, s22;
	[sflag:s31] =	ssyncadd.s32 $0xFFFFF000  }
0x109: {  	[spmem:s3] =	stream.indirect.scatter.add.f32 [tilespmem:s23], [sflag:$0x3], $0x20, s5, s19, $0xb8;
	[tilespmem:$0x180E0] =	vst v63  }
0x10a: {  	_ =	swait.ge [sflag:s31], $0x1000  }
0x10b: {  	[sflag:s31] =	ssyncset.done $0x0  }
0x10c: {  	s7 =	sadd.s32 $0x2980, s22;
	[sflag:s31] =	ssyncadd.s32 $0xFFFFF000  }
0x10d: {  	[spmem:s3] =	stream.indirect.scatter.add.f32 [tilespmem:s25], [sflag:$0x3], $0x20, s7, s19, $0xb8;
	[tilespmem:$0x180E0] =	vst v63  }
0x10e: {  	_ =	swait.ge [sflag:s2], $0x1000  }
0x10f: {  	[sflag:s2] =	ssyncset.done $0x0  }
0x110: {  	[sflag:s2] =	ssyncadd.s32 $0xFFFFF000  }
0x111: {  	_ =	swait.ge [sflag:s2], $0x1000  }
0x112: {  	[sflag:s2] =	ssyncset.done $0x0  }
0x113: {  	[sflag:s2] =	ssyncadd.s32 $0xFFFFF000  }
0x114: {  	_ =	swait.ge [sflag:s2], $0x1000  }
0x115: {  	[sflag:s2] =	ssyncset.done $0x0  }
0x116: {  	[sflag:s2] =	ssyncadd.s32 $0xFFFFF000  }
0x117: {  	p0 =	seq.s32 s24, $0x9000;
	_ =	swait.ge [sflag:s2], $0x1000  }
0x118: {  	s4 =	sshra.s32 @!p0 s24, $0x2;
	s8 =	simm.s32 @!p0 $0x80;
	[sflag:s2] =	ssyncset.done $0x0  }
0x119: {  	s5 =	simm.s32 @!p0 $0x5000;
	s7 =	sadd.s32 @!p0 $0x400, s4;
	[sflag:s2] =	ssyncadd.s32 $0xFFFFF000  }
0x11a: {  	[tilespmem:s5], [sflag:$0x1] =	stream.indirect.gather @!p0 [spmem:s1], $0x20, s7, s8, $0xb8;
	[tilespmem:$0x180E0] =	vst v63  }
0x11b: {  	s5 =	sadd.s32 @!p0 $0x480, s4;
	s7 =	simm.s32 @!p0 $0x6000  }
0x11c: {  	[tilespmem:s7], [sflag:$0x1] =	stream.indirect.gather @!p0 [spmem:s1], $0x20, s5, s8, $0xb8;
	[tilespmem:$0x180E0] =	vst v63  }
0x11d: {  	s5 =	sadd.s32 @!p0 $0x500, s4;
	s7 =	simm.s32 @!p0 $0x7000  }
0x11e: {  	[tilespmem:s7], [sflag:$0x1] =	stream.indirect.gather @!p0 [spmem:s1], $0x20, s5, s8, $0xb8;
	[tilespmem:$0x180E0] =	vst v63  }
0x11f: {  	s4 =	sadd.s32 @!p0 $0x580, s4;
	s5 =	simm.s32 @!p0 $0x8000  }
0x120: {  	[tilespmem:s5], [sflag:$0x1] =	stream.indirect.gather @!p0 [spmem:s1], $0x20, s4, s8, $0xb8;
	[tilespmem:$0x180E0] =	vst v63  }
0x121: {  	_ =	swait.ge [sflag:s0], $0x1000  }
0x122: {  	[sflag:s0] =	ssyncset.done $0x0  }
0x123: {  	s8 =	sadd.s32 $0x2A00, s22;
	[sflag:s0] =	ssyncadd.s32 $0xFFFFF000  }
0x124: {  	[spmem:s3] =	stream.indirect.scatter.add.f32 [tilespmem:s26], [sflag:$0x3], $0x20, s8, s19, $0xb8;
	[tilespmem:$0x180E0] =	vst v63  }
0x125: {  	_ =	swait.ge [sflag:s0], $0x1000  }
0x126: {  	[sflag:s0] =	ssyncset.done $0x0  }
0x127: {  	s10 =	sadd.s32 $0x2A80, s22;
	[sflag:s0] =	ssyncadd.s32 $0xFFFFF000  }
0x128: {  	[spmem:s3] =	stream.indirect.scatter.add.f32 [tilespmem:s28], [sflag:$0x3], $0x20, s10, s19, $0xb8;
	[tilespmem:$0x180E0] =	vst v63  }
0x129: {  	_ =	swait.ge [sflag:s0], $0x1000  }
0x12a: {  	[sflag:s0] =	ssyncset.done $0x0  }
0x12b: {  	s11 =	sadd.s32 $0x2B00, s22;
	[sflag:s0] =	ssyncadd.s32 $0xFFFFF000  }
0x12c: {  	[spmem:s3] =	stream.indirect.scatter.add.f32 [tilespmem:s29], [sflag:$0x3], $0x20, s11, s19, $0xb8;
	[tilespmem:$0x180E0] =	vst v63  }
0x12d: {  	_ =	swait.ge [sflag:s0], $0x1000  }
0x12e: {  	[sflag:s0] =	ssyncset.done $0x0  }
0x12f: {  	s22 =	sadd.s32 $0x2B80, s22;
	[sflag:s0] =	ssyncadd.s32 $0xFFFFF000  }
0x130: {  	[spmem:s3] =	stream.indirect.scatter.add.f32 [tilespmem:s30], [sflag:$0x3], $0x20, s22, s19, $0xb8;
	[tilespmem:$0x180E0] =	vst v63  }
0x131: {  	_ =	swait.ge [sflag:s2], $0x1000  }
0x132: {  	[sflag:s2] =	ssyncset.done $0x0  }
0x133: {  	[sflag:s2] =	ssyncadd.s32 $0xFFFFF000  }
0x134: {  	_ =	swait.ge [sflag:s2], $0x1000  }
0x135: {  	[sflag:s2] =	ssyncset.done $0x0  }
0x136: {  	[sflag:s2] =	ssyncadd.s32 $0xFFFFF000  }
0x137: {  	_ =	swait.ge [sflag:s2], $0x1000  }
0x138: {  	[sflag:s2] =	ssyncset.done $0x0  }
0x139: {  	[sflag:s2] =	ssyncadd.s32 $0xFFFFF000  }
0x13a: {  	_ =	swait.ge [sflag:s2], $0x1000  }
0x13b: {  	s17 =	sadd.s32 $0x1, s17;
	[sflag:s2] =	ssyncset.done $0x0  }
0x13c: {  	p0 =	sne.s32 s17, s14;
	[sflag:s2] =	ssyncadd.s32 $0xFFFFF000  }
.Ltmp3:
0x13d: {  	s24 =	sshrl.u32 s9, $0x3;
	[bflag:$0x0] =	sbarrier.arrive $0xFFFF;
	(pc) =	sbr.rel @p0 .LBB2_1-.Ltmp3, $4  }
0x13e: {  	[hbm:s13], [sflag:s6] =	dma.local [spmem:s24], $0x9E0  }
0x13f: {  	_ =	swait.ge [sflag:s16], $0x9E0  }
0x140: {  	[sflag:s16] =	ssyncset.done $0x0  }
0x141: {  	[sflag:s16] =	ssyncadd.s32 $0xFFFFF620  }
0x142: {  	_ =	sfence.sel $0x180000  }
0x143: {  	[bflag:$0x0] =	sbarrier.arrive $0xFFFF  }
0x144: {  	_ =	strace $0x9000004D  }
0x145: {  	s0 =	stileid.u32;
	[bflag:$0x2] =	sbarrier.arrive $0xFFFF  }
0x146: {  	p0 =	sne.s32 s0, $0x0;
	s0 =	rddreg [dreg:$0x4]  }
0x147: {  	s0 =	sadd.s32 @!p0 $0x100000, s0  }
0x148: {  	[sflag:s0] =	ssyncadd.tile.s32 @!p0 $0x1;
	_ =	shalt  }
.Lfunc_end2:
_tile_overlayer_lowered:
.L_overlay_start_2:
0x149: {  	(tag) =	ssettag $0x2  }
0x14a: {  	s0 =	rddreg [dreg:$0x0];
	s2 =	stileid.u32  }
0x14b: {  	s1 =	rddreg [dreg:$0x1];
	p0 =	sne.s32 s2, $0x0  }
0x14c: {  	s3 =	rddreg [dreg:$0x2];
	[bflag:$0x3] =	sbarrier.arrive $0xFFFF;
	s2 =	simm.s32 @!p0 $0x1C04  }
0x14d: {  	[timem:s3], [sflag:s2] =	dma.local @!p0 [hbm:s0], s1  }
0x14e: {  	s0 =	simm.s32 @!p0 $0x4  }
0x14f: {  	_ =	swait.ge @!p0 [sflag:s0], s1  }
0x150: {  	s1 =	ssub.s32 @!p0 $0x0, s1;
	[sflag:s0] =	ssyncset.done @!p0 $0x0  }
0x151: {  	[sflag:s0] =	ssyncadd.s32 @!p0 s1  }
0x152: {  	[bflag:$0x3] =	sbarrier.arrive $0xFFFF  }
0x153: {  	_ =	shalt  }

</sc_bundles>
